<compile_context>
chip_gen: v7x
topology: tpu7x:2x2x1
jax: 0.10.2.dev20260603
libtpu: 0.0.44.dev20260713+nightly
codegen_flags: <defaults>
</compile_context>

<pallas_src>
import functools

import jax
import jax.numpy as jnp
from jax import lax
from jax.experimental import pallas as pl
from jax.experimental.pallas import tpu as pltpu
from jax.experimental.pallas import tpu_sc as plsc

_N_EMBEDS = 1024
_EMBED_DIM = 64
_BETA = 0.25

_B = 32
_T = 1024
_LANES = 128
_SUB = 8
_NC = 2
_NS = 16
_NW = _NC * _NS
_BPB = 4


def _tc_body(xt_ref, embt_ref, idx_ref, loss_ref):
    pid = pl.program_id(0)
    nblocks = pl.num_programs(0)

    embt = embt_ref[...]
    e2 = jnp.sum(embt * embt, axis=1, keepdims=True)
    for j in range(_BPB):
        xb = xt_ref[j]
        sim = jnp.dot(embt, xb, preferred_element_type=jnp.float32)
        x2 = jnp.sum(xb * xb, axis=0, keepdims=True)
        dists = x2 + e2 - 2.0 * sim

        minv = jnp.min(dists, axis=0, keepdims=True)
        idx = jnp.argmin(dists, axis=0).astype(jnp.int32)
        idx_ref[pl.ds(j * (_T // _LANES), _T // _LANES)] = idx.reshape(
            _T // _LANES, _LANES)
        if j == 0:
            msum = jnp.sum(minv)
        else:
            msum = msum + jnp.sum(minv)

    @pl.when(pid == 0)
    def _init():
        loss_ref[0, 0] = 0.0

    loss_ref[0, 0] += msum

    @pl.when(pid == nblocks - 1)
    def _finish():
        total = jnp.float32(_B * _T * _EMBED_DIM)
        loss_ref[0, 0] = loss_ref[0, 0] * ((1.0 + _BETA) / total)


def _tc_stage(xt, embt):
    idx_rows_blk = _BPB * (_T // _LANES)
    return pl.pallas_call(
        _tc_body,
        grid=(_B // _BPB,),
        in_specs=[
            pl.BlockSpec((_BPB, _EMBED_DIM, _T), lambda i: (i, 0, 0)),
            pl.BlockSpec((_N_EMBEDS, _EMBED_DIM), lambda i: (0, 0)),
        ],
        out_specs=[
            pl.BlockSpec((idx_rows_blk, _LANES), lambda i: (i, 0)),
            pl.BlockSpec(memory_space=pltpu.SMEM, block_shape=(1, 1),
                         index_map=lambda i: (0, 0)),
        ],
        out_shape=[
            jax.ShapeDtypeStruct((_B * (_T // _LANES), _LANES), jnp.int32),
            jax.ShapeDtypeStruct((1, 1), jnp.float32),
        ],
    )(xt, embt)


def _make_sc_gather():
    tchunks = _T // _LANES
    _PITCH = _EMBED_DIM + 1
    mesh = plsc.VectorSubcoreMesh(core_axis_name="c", subcore_axis_name="s")

    @functools.partial(
        pl.kernel,
        mesh=mesh,
        out_type=jax.ShapeDtypeStruct(
            (_B, _SUB, tchunks, _SUB, _LANES), jnp.float32),
        scratch_types=[
            pltpu.VMEM((_N_EMBEDS, _PITCH), jnp.float32),
            pltpu.VMEM((tchunks, _LANES), jnp.int32),
            pltpu.VMEM((_EMBED_DIM, _LANES), jnp.float32),
            pltpu.VMEM((_EMBED_DIM, _LANES), jnp.float32),
            pltpu.SemaphoreType.DMA,
            pltpu.SemaphoreType.DMA,
            pltpu.SemaphoreType.DMA,
        ],
        compiler_params=pltpu.CompilerParams(use_tc_tiling_on_sc=False,
                                             needs_layout_passes=False),
    )
    def _sc_gather(table_hbm, idx_hbm, out_hbm, table_v, idx_v, buf0, buf1,
                   tsem, wsem0, wsem1):
        b = lax.axis_index("s") * _NC + lax.axis_index("c")
        c1 = pltpu.async_copy(idx_hbm.at[pl.ds(b * tchunks, tchunks)], idx_v,
                              tsem)
        c2 = pltpu.async_copy(table_hbm, table_v, tsem)
        c1.wait()
        c2.wait()

        def assemble(tc, buf):
            for g in range(_LANES // 16):
                rows = idx_v[tc, pl.ds(g * 16, 16)]

                @plsc.parallel_loop(0, _EMBED_DIM, unroll=16)
                def _(e):
                    col = jnp.full((16,), 0, jnp.int32) + e
                    buf[e, pl.ds(g * 16, 16)] = plsc.load_gather(
                        table_v, [rows, col])

        def fire(tc, buf, wsem):
            for ts in range(_SUB):
                pltpu.async_copy(buf.at[pl.ds(ts * _SUB, _SUB)],
                                 out_hbm.at[b, ts, tc], wsem)

        def drain(tc, buf, wsem):
            for ts in range(_SUB):
                pltpu.make_async_copy(buf.at[pl.ds(ts * _SUB, _SUB)],
                                      out_hbm.at[b, ts, tc], wsem).wait()

        def body(i, carry):
            tc0 = 2 * i
            tc1 = tc0 + 1

            @pl.when(i > 0)
            def _():
                drain(tc0 - 2, buf0, wsem0)

            assemble(tc0, buf0)
            fire(tc0, buf0, wsem0)

            @pl.when(i > 0)
            def _():
                drain(tc1 - 2, buf1, wsem1)

            assemble(tc1, buf1)
            fire(tc1, buf1, wsem1)
            return carry

        lax.fori_loop(0, tchunks // 2, body, 0)
        drain(tchunks - 2, buf0, wsem0)
        drain(tchunks - 1, buf1, wsem1)

    return _sc_gather


def kernel(x, embeddings):
    xt = jnp.swapaxes(x, 1, 2)
    embt = embeddings.T
    idx, loss = _tc_stage(xt, embt)

    embt_pad = jnp.pad(embt, ((0, 0), (0, 1)))
    out5 = _make_sc_gather()(embt_pad, idx)
    qtised = out5.transpose(0, 2, 4, 1, 3).reshape(_B, _T, _EMBED_DIM)
    return (qtised, loss.reshape(()))

# --- scband reference (transcript-rebuilt; emitter-appended) ---
"""Pipeline reference for scband-vector-quantizer-59665685676278 (READ-ONLY COPY).

The authoritative reference and input builder live on the scoring server;
editing this copy changes nothing except your own understanding.
"""

import jax, jax.numpy as jnp
import numpy as np

N_EMBEDS = 1024
EMBED_DIM = 64
BETA = 0.25

def setup_inputs(seed: int = 0):
    key = jax.random.key(seed)
    k1, k2 = jax.random.split(key)
    x = jax.random.normal(k1, (32, 1024, EMBED_DIM), dtype=jnp.float32)
    embeddings = jax.random.uniform(k2, (EMBED_DIM, N_EMBEDS), dtype=jnp.float32)
    return {"x": x, "embeddings": embeddings}

def reference(x, embeddings):
    in_shape = x.shape
    flat = x.reshape(-1, EMBED_DIM)
    sim = jnp.matmul(flat, embeddings)
    dists = jnp.sum(flat ** 2, axis=1, keepdims=True) + jnp.sum(embeddings ** 2, axis=0) - 2.0 * sim
    enc_ind = jnp.argmin(dists, axis=1)
    enc = jax.nn.one_hot(enc_ind, N_EMBEDS, dtype=jnp.float32)
    qtised = jnp.matmul(enc, embeddings.T)
    qtised = qtised.reshape(in_shape)
    commit = BETA * jnp.mean((jax.lax.stop_gradient(qtised) - x) ** 2)
    codebook = jnp.mean((qtised - jax.lax.stop_gradient(x)) ** 2)
    loss = codebook + commit
    return (qtised, loss)

if __name__ == "__main__":
    import jax
    _d = setup_inputs()
    print(jax.jit(kernel)(*tuple(_d.values())))

</pallas_src>

<mosaic_0001>
#map = affine_map<(d0, d1) -> (0, 0)>
#map1 = affine_map<(d0, d1) -> (0, 0, 0, 0, 0)>
module attributes {stable_mosaic.version = 14 : i64} {
  func.func @_sc_gather(%arg0: i32, %arg1: i32, %arg2: memref<1024x65xf32, #tpu.memory_space<hbm>>, %arg3: memref<256x128xi32, #tpu.memory_space<hbm>>, %arg4: memref<32x8x8x8x128xf32, #tpu.memory_space<hbm>>, %arg5: memref<1024x65xf32, #tpu.memory_space<vmem>>, %arg6: memref<8x128xi32, #tpu.memory_space<vmem>>, %arg7: memref<64x128xf32, #tpu.memory_space<vmem>>, %arg8: memref<64x128xf32, #tpu.memory_space<vmem>>, %arg9: memref<!tpu.dma_semaphore, #tpu.memory_space<semaphore_mem>>, %arg10: memref<!tpu.dma_semaphore, #tpu.memory_space<semaphore_mem>>, %arg11: memref<!tpu.dma_semaphore, #tpu.memory_space<semaphore_mem>>) attributes {dimension_semantics = [#tpu.dimension_semantics<core_parallel>, #tpu.dimension_semantics<subcore_parallel>], iteration_bounds = array<i64: 2, 16>, scalar_prefetch = 0 : i64, scratch_operands = 7 : i64, tpu.core_type = #tpu.core_type<sc_vector_subcore>, window_params = [{transform_indices = #map}, {transform_indices = #map}, {transform_indices = #map1}]} {
    %mul3A = arith.constant 2 : i32
    %mul3A_0 = arith.muli %arg1, %mul3A : i32
    %add3A = arith.addi %mul3A_0, %arg0 : i32
    %mul3A_1 = arith.constant 8 : i32
    %mul3A_2 = arith.muli %add3A, %mul3A_1 : i32
    %dma_start3A = arith.constant 0 : i32
    %dma_start3A_3 = tpu.memref_slice %arg3[%mul3A_2, %dma_start3A] : memref<256x128xi32, #tpu.memory_space<hbm>> -> memref<8x128xi32, #tpu.memory_space<hbm>>
    %dma_start3A_4 = arith.constant 0 : i32
    %dma_start3A_5 = tpu.memref_slice %arg3[%mul3A_2, %dma_start3A_4] : memref<256x128xi32, #tpu.memory_space<hbm>> -> memref<8x128xi32, #tpu.memory_space<hbm>>
    tpu.enqueue_dma source(%dma_start3A_5 : memref<8x128xi32, #tpu.memory_space<hbm>>) target(%arg6 : memref<8x128xi32, #tpu.memory_space<vmem>>) target_semaphore(%arg9 : memref<!tpu.dma_semaphore, #tpu.memory_space<semaphore_mem>>)
    tpu.enqueue_dma source(%arg2 : memref<1024x65xf32, #tpu.memory_space<hbm>>) target(%arg5 : memref<1024x65xf32, #tpu.memory_space<vmem>>) target_semaphore(%arg9 : memref<!tpu.dma_semaphore, #tpu.memory_space<semaphore_mem>>)
    %dma_wait3A = arith.constant 0 : i32
    %dma_wait3A_6 = tpu.memref_slice %arg3[%mul3A_2, %dma_wait3A] : memref<256x128xi32, #tpu.memory_space<hbm>> -> memref<8x128xi32, #tpu.memory_space<hbm>>
    %dma_wait3A_7 = arith.constant 0 : i32
    %dma_wait3A_8 = tpu.memref_slice %arg3[%mul3A_2, %dma_wait3A_7] : memref<256x128xi32, #tpu.memory_space<hbm>> -> memref<8x128xi32, #tpu.memory_space<hbm>>
    tpu.wait_dma2 semaphore(%arg9 : memref<!tpu.dma_semaphore, #tpu.memory_space<semaphore_mem>>) src(%dma_wait3A_8 : memref<8x128xi32, #tpu.memory_space<hbm>>) dst(%arg6 : memref<8x128xi32, #tpu.memory_space<vmem>>)
    tpu.wait_dma2 semaphore(%arg9 : memref<!tpu.dma_semaphore, #tpu.memory_space<semaphore_mem>>) src(%arg2 : memref<1024x65xf32, #tpu.memory_space<hbm>>) dst(%arg5 : memref<1024x65xf32, #tpu.memory_space<vmem>>)
    %scan3A = arith.constant 0 : i32
    %scan3A_9 = arith.constant 0 : i32
    %scan3A_10 = arith.constant 4 : i32
    %scan3A_11 = arith.addi %scan3A_9, %scan3A_10 : i32
    %scan3A_12 = arith.constant 1 : i32
    scf.for %scan3A_270 = %scan3A_9 to %scan3A_11 step %scan3A_12  : i32 {
      %mul3A_271 = arith.constant 2 : i32
      %mul3A_272 = arith.muli %mul3A_271, %scan3A_270 : i32
      %add3A_273 = arith.constant 1 : i32
      %add3A_274 = arith.addi %mul3A_272, %add3A_273 : i32
      %gt3A = arith.constant 0 : i32
      %gt3A_275 = arith.cmpi sgt, %scan3A_270, %gt3A : i32
      %convert_element_type3A = arith.extui %gt3A_275 : i1 to i32
      %cond3A = arith.constant 0 : i32
      %cond3A_276 = arith.cmpi ne, %convert_element_type3A, %cond3A : i32
      scf.if %cond3A_276 {
        %sub3A = arith.constant 2 : i32
        %sub3A_616 = arith.subi %mul3A_272, %sub3A : i32
        %dma_wait3A_617 = arith.constant 0 : i32
        %dma_wait3A_618 = arith.constant 0 : i32
        %dma_wait3A_619 = arith.constant 0 : i32
        %dma_wait3A_620 = tpu.memref_slice %arg7[%dma_wait3A_618, %dma_wait3A_619] : memref<64x128xf32, #tpu.memory_space<vmem>> -> memref<8x128xf32, #tpu.memory_space<vmem>>
        %dma_wait3A_621 = arith.constant 0 : i32
        %dma_wait3A_622 = arith.constant 0 : i32
        %dma_wait3A_623 = tpu.memref_slice %arg4[%add3A, %dma_wait3A_617, %sub3A_616, %dma_wait3A_621, %dma_wait3A_622] : memref<32x8x8x8x128xf32, #tpu.memory_space<hbm>> -> memref<1x1x1x8x128xf32, #tpu.memory_space<hbm>>
        %dma_wait3A_624 = tpu.memref_squeeze %dma_wait3A_623 : memref<1x1x1x8x128xf32, #tpu.memory_space<hbm>> -> memref<8x128xf32, #tpu.memory_space<hbm>>
        %dma_wait3A_625 = arith.constant 0 : i32
        %dma_wait3A_626 = arith.constant 0 : i32
        %dma_wait3A_627 = tpu.memref_slice %arg4[%add3A, %dma_wait3A_617, %sub3A_616, %dma_wait3A_625, %dma_wait3A_626] : memref<32x8x8x8x128xf32, #tpu.memory_space<hbm>> -> memref<1x1x1x8x128xf32, #tpu.memory_space<hbm>>
        %dma_wait3A_628 = tpu.memref_squeeze %dma_wait3A_627 : memref<1x1x1x8x128xf32, #tpu.memory_space<hbm>> -> memref<8x128xf32, #tpu.memory_space<hbm>>
        %dma_wait3A_629 = arith.constant 0 : i32
        %dma_wait3A_630 = arith.constant 0 : i32
        %dma_wait3A_631 = tpu.memref_slice %arg7[%dma_wait3A_629, %dma_wait3A_630] : memref<64x128xf32, #tpu.memory_space<vmem>> -> memref<8x128xf32, #tpu.memory_space<vmem>>
        tpu.wait_dma2 semaphore(%arg10 : memref<!tpu.dma_semaphore, #tpu.memory_space<semaphore_mem>>) src(%dma_wait3A_631 : memref<8x128xf32, #tpu.memory_space<vmem>>) dst(%dma_wait3A_628 : memref<8x128xf32, #tpu.memory_space<hbm>>)
        %dma_wait3A_632 = arith.constant 1 : i32
        %dma_wait3A_633 = arith.constant 8 : i32
        %dma_wait3A_634 = arith.constant 0 : i32
        %dma_wait3A_635 = tpu.memref_slice %arg7[%dma_wait3A_633, %dma_wait3A_634] : memref<64x128xf32, #tpu.memory_space<vmem>> -> memref<8x128xf32, #tpu.memory_space<vmem>>
        %dma_wait3A_636 = arith.constant 0 : i32
        %dma_wait3A_637 = arith.constant 0 : i32
        %dma_wait3A_638 = tpu.memref_slice %arg4[%add3A, %dma_wait3A_632, %sub3A_616, %dma_wait3A_636, %dma_wait3A_637] : memref<32x8x8x8x128xf32, #tpu.memory_space<hbm>> -> memref<1x1x1x8x128xf32, #tpu.memory_space<hbm>>
        %dma_wait3A_639 = tpu.memref_squeeze %dma_wait3A_638 : memref<1x1x1x8x128xf32, #tpu.memory_space<hbm>> -> memref<8x128xf32, #tpu.memory_space<hbm>>
        %dma_wait3A_640 = arith.constant 0 : i32
        %dma_wait3A_641 = arith.constant 0 : i32
        %dma_wait3A_642 = tpu.memref_slice %arg4[%add3A, %dma_wait3A_632, %sub3A_616, %dma_wait3A_640, %dma_wait3A_641] : memref<32x8x8x8x128xf32, #tpu.memory_space<hbm>> -> memref<1x1x1x8x128xf32, #tpu.memory_space<hbm>>
        %dma_wait3A_643 = tpu.memref_squeeze %dma_wait3A_642 : memref<1x1x1x8x128xf32, #tpu.memory_space<hbm>> -> memref<8x128xf32, #tpu.memory_space<hbm>>
        %dma_wait3A_644 = arith.constant 8 : i32
        %dma_wait3A_645 = arith.constant 0 : i32
        %dma_wait3A_646 = tpu.memref_slice %arg7[%dma_wait3A_644, %dma_wait3A_645] : memref<64x128xf32, #tpu.memory_space<vmem>> -> memref<8x128xf32, #tpu.memory_space<vmem>>
        tpu.wait_dma2 semaphore(%arg10 : memref<!tpu.dma_semaphore, #tpu.memory_space<semaphore_mem>>) src(%dma_wait3A_646 : memref<8x128xf32, #tpu.memory_space<vmem>>) dst(%dma_wait3A_643 : memref<8x128xf32, #tpu.memory_space<hbm>>)
        %dma_wait3A_647 = arith.constant 2 : i32
        %dma_wait3A_648 = arith.constant 16 : i32
        %dma_wait3A_649 = arith.constant 0 : i32
        %dma_wait3A_650 = tpu.memref_slice %arg7[%dma_wait3A_648, %dma_wait3A_649] : memref<64x128xf32, #tpu.memory_space<vmem>> -> memref<8x128xf32, #tpu.memory_space<vmem>>
        %dma_wait3A_651 = arith.constant 0 : i32
        %dma_wait3A_652 = arith.constant 0 : i32
        %dma_wait3A_653 = tpu.memref_slice %arg4[%add3A, %dma_wait3A_647, %sub3A_616, %dma_wait3A_651, %dma_wait3A_652] : memref<32x8x8x8x128xf32, #tpu.memory_space<hbm>> -> memref<1x1x1x8x128xf32, #tpu.memory_space<hbm>>
        %dma_wait3A_654 = tpu.memref_squeeze %dma_wait3A_653 : memref<1x1x1x8x128xf32, #tpu.memory_space<hbm>> -> memref<8x128xf32, #tpu.memory_space<hbm>>
        %dma_wait3A_655 = arith.constant 0 : i32
        %dma_wait3A_656 = arith.constant 0 : i32
        %dma_wait3A_657 = tpu.memref_slice %arg4[%add3A, %dma_wait3A_647, %sub3A_616, %dma_wait3A_655, %dma_wait3A_656] : memref<32x8x8x8x128xf32, #tpu.memory_space<hbm>> -> memref<1x1x1x8x128xf32, #tpu.memory_space<hbm>>
        %dma_wait3A_658 = tpu.memref_squeeze %dma_wait3A_657 : memref<1x1x1x8x128xf32, #tpu.memory_space<hbm>> -> memref<8x128xf32, #tpu.memory_space<hbm>>
        %dma_wait3A_659 = arith.constant 16 : i32
        %dma_wait3A_660 = arith.constant 0 : i32
        %dma_wait3A_661 = tpu.memref_slice %arg7[%dma_wait3A_659, %dma_wait3A_660] : memref<64x128xf32, #tpu.memory_space<vmem>> -> memref<8x128xf32, #tpu.memory_space<vmem>>
        tpu.wait_dma2 semaphore(%arg10 : memref<!tpu.dma_semaphore, #tpu.memory_space<semaphore_mem>>) src(%dma_wait3A_661 : memref<8x128xf32, #tpu.memory_space<vmem>>) dst(%dma_wait3A_658 : memref<8x128xf32, #tpu.memory_space<hbm>>)
        %dma_wait3A_662 = arith.constant 3 : i32
        %dma_wait3A_663 = arith.constant 24 : i32
        %dma_wait3A_664 = arith.constant 0 : i32
        %dma_wait3A_665 = tpu.memref_slice %arg7[%dma_wait3A_663, %dma_wait3A_664] : memref<64x128xf32, #tpu.memory_space<vmem>> -> memref<8x128xf32, #tpu.memory_space<vmem>>
        %dma_wait3A_666 = arith.constant 0 : i32
        %dma_wait3A_667 = arith.constant 0 : i32
        %dma_wait3A_668 = tpu.memref_slice %arg4[%add3A, %dma_wait3A_662, %sub3A_616, %dma_wait3A_666, %dma_wait3A_667] : memref<32x8x8x8x128xf32, #tpu.memory_space<hbm>> -> memref<1x1x1x8x128xf32, #tpu.memory_space<hbm>>
        %dma_wait3A_669 = tpu.memref_squeeze %dma_wait3A_668 : memref<1x1x1x8x128xf32, #tpu.memory_space<hbm>> -> memref<8x128xf32, #tpu.memory_space<hbm>>
        %dma_wait3A_670 = arith.constant 0 : i32
        %dma_wait3A_671 = arith.constant 0 : i32
        %dma_wait3A_672 = tpu.memref_slice %arg4[%add3A, %dma_wait3A_662, %sub3A_616, %dma_wait3A_670, %dma_wait3A_671] : memref<32x8x8x8x128xf32, #tpu.memory_space<hbm>> -> memref<1x1x1x8x128xf32, #tpu.memory_space<hbm>>
        %dma_wait3A_673 = tpu.memref_squeeze %dma_wait3A_672 : memref<1x1x1x8x128xf32, #tpu.memory_space<hbm>> -> memref<8x128xf32, #tpu.memory_space<hbm>>
        %dma_wait3A_674 = arith.constant 24 : i32
        %dma_wait3A_675 = arith.constant 0 : i32
        %dma_wait3A_676 = tpu.memref_slice %arg7[%dma_wait3A_674, %dma_wait3A_675] : memref<64x128xf32, #tpu.memory_space<vmem>> -> memref<8x128xf32, #tpu.memory_space<vmem>>
        tpu.wait_dma2 semaphore(%arg10 : memref<!tpu.dma_semaphore, #tpu.memory_space<semaphore_mem>>) src(%dma_wait3A_676 : memref<8x128xf32, #tpu.memory_space<vmem>>) dst(%dma_wait3A_673 : memref<8x128xf32, #tpu.memory_space<hbm>>)
        %dma_wait3A_677 = arith.constant 4 : i32
        %dma_wait3A_678 = arith.constant 32 : i32
        %dma_wait3A_679 = arith.constant 0 : i32
        %dma_wait3A_680 = tpu.memref_slice %arg7[%dma_wait3A_678, %dma_wait3A_679] : memref<64x128xf32, #tpu.memory_space<vmem>> -> memref<8x128xf32, #tpu.memory_space<vmem>>
        %dma_wait3A_681 = arith.constant 0 : i32
        %dma_wait3A_682 = arith.constant 0 : i32
        %dma_wait3A_683 = tpu.memref_slice %arg4[%add3A, %dma_wait3A_677, %sub3A_616, %dma_wait3A_681, %dma_wait3A_682] : memref<32x8x8x8x128xf32, #tpu.memory_space<hbm>> -> memref<1x1x1x8x128xf32, #tpu.memory_space<hbm>>
        %dma_wait3A_684 = tpu.memref_squeeze %dma_wait3A_683 : memref<1x1x1x8x128xf32, #tpu.memory_space<hbm>> -> memref<8x128xf32, #tpu.memory_space<hbm>>
        %dma_wait3A_685 = arith.constant 0 : i32
        %dma_wait3A_686 = arith.constant 0 : i32
        %dma_wait3A_687 = tpu.memref_slice %arg4[%add3A, %dma_wait3A_677, %sub3A_616, %dma_wait3A_685, %dma_wait3A_686] : memref<32x8x8x8x128xf32, #tpu.memory_space<hbm>> -> memref<1x1x1x8x128xf32, #tpu.memory_space<hbm>>
        %dma_wait3A_688 = tpu.memref_squeeze %dma_wait3A_687 : memref<1x1x1x8x128xf32, #tpu.memory_space<hbm>> -> memref<8x128xf32, #tpu.memory_space<hbm>>
        %dma_wait3A_689 = arith.constant 32 : i32
        %dma_wait3A_690 = arith.constant 0 : i32
        %dma_wait3A_691 = tpu.memref_slice %arg7[%dma_wait3A_689, %dma_wait3A_690] : memref<64x128xf32, #tpu.memory_space<vmem>> -> memref<8x128xf32, #tpu.memory_space<vmem>>
        tpu.wait_dma2 semaphore(%arg10 : memref<!tpu.dma_semaphore, #tpu.memory_space<semaphore_mem>>) src(%dma_wait3A_691 : memref<8x128xf32, #tpu.memory_space<vmem>>) dst(%dma_wait3A_688 : memref<8x128xf32, #tpu.memory_space<hbm>>)
        %dma_wait3A_692 = arith.constant 5 : i32
        %dma_wait3A_693 = arith.constant 40 : i32
        %dma_wait3A_694 = arith.constant 0 : i32
        %dma_wait3A_695 = tpu.memref_slice %arg7[%dma_wait3A_693, %dma_wait3A_694] : memref<64x128xf32, #tpu.memory_space<vmem>> -> memref<8x128xf32, #tpu.memory_space<vmem>>
        %dma_wait3A_696 = arith.constant 0 : i32
        %dma_wait3A_697 = arith.constant 0 : i32
        %dma_wait3A_698 = tpu.memref_slice %arg4[%add3A, %dma_wait3A_692, %sub3A_616, %dma_wait3A_696, %dma_wait3A_697] : memref<32x8x8x8x128xf32, #tpu.memory_space<hbm>> -> memref<1x1x1x8x128xf32, #tpu.memory_space<hbm>>
        %dma_wait3A_699 = tpu.memref_squeeze %dma_wait3A_698 : memref<1x1x1x8x128xf32, #tpu.memory_space<hbm>> -> memref<8x128xf32, #tpu.memory_space<hbm>>
        %dma_wait3A_700 = arith.constant 0 : i32
        %dma_wait3A_701 = arith.constant 0 : i32
        %dma_wait3A_702 = tpu.memref_slice %arg4[%add3A, %dma_wait3A_692, %sub3A_616, %dma_wait3A_700, %dma_wait3A_701] : memref<32x8x8x8x128xf32, #tpu.memory_space<hbm>> -> memref<1x1x1x8x128xf32, #tpu.memory_space<hbm>>
        %dma_wait3A_703 = tpu.memref_squeeze %dma_wait3A_702 : memref<1x1x1x8x128xf32, #tpu.memory_space<hbm>> -> memref<8x128xf32, #tpu.memory_space<hbm>>
        %dma_wait3A_704 = arith.constant 40 : i32
        %dma_wait3A_705 = arith.constant 0 : i32
        %dma_wait3A_706 = tpu.memref_slice %arg7[%dma_wait3A_704, %dma_wait3A_705] : memref<64x128xf32, #tpu.memory_space<vmem>> -> memref<8x128xf32, #tpu.memory_space<vmem>>
        tpu.wait_dma2 semaphore(%arg10 : memref<!tpu.dma_semaphore, #tpu.memory_space<semaphore_mem>>) src(%dma_wait3A_706 : memref<8x128xf32, #tpu.memory_space<vmem>>) dst(%dma_wait3A_703 : memref<8x128xf32, #tpu.memory_space<hbm>>)
        %dma_wait3A_707 = arith.constant 6 : i32
        %dma_wait3A_708 = arith.constant 48 : i32
        %dma_wait3A_709 = arith.constant 0 : i32
        %dma_wait3A_710 = tpu.memref_slice %arg7[%dma_wait3A_708, %dma_wait3A_709] : memref<64x128xf32, #tpu.memory_space<vmem>> -> memref<8x128xf32, #tpu.memory_space<vmem>>
        %dma_wait3A_711 = arith.constant 0 : i32
        %dma_wait3A_712 = arith.constant 0 : i32
        %dma_wait3A_713 = tpu.memref_slice %arg4[%add3A, %dma_wait3A_707, %sub3A_616, %dma_wait3A_711, %dma_wait3A_712] : memref<32x8x8x8x128xf32, #tpu.memory_space<hbm>> -> memref<1x1x1x8x128xf32, #tpu.memory_space<hbm>>
        %dma_wait3A_714 = tpu.memref_squeeze %dma_wait3A_713 : memref<1x1x1x8x128xf32, #tpu.memory_space<hbm>> -> memref<8x128xf32, #tpu.memory_space<hbm>>
        %dma_wait3A_715 = arith.constant 0 : i32
        %dma_wait3A_716 = arith.constant 0 : i32
        %dma_wait3A_717 = tpu.memref_slice %arg4[%add3A, %dma_wait3A_707, %sub3A_616, %dma_wait3A_715, %dma_wait3A_716] : memref<32x8x8x8x128xf32, #tpu.memory_space<hbm>> -> memref<1x1x1x8x128xf32, #tpu.memory_space<hbm>>
        %dma_wait3A_718 = tpu.memref_squeeze %dma_wait3A_717 : memref<1x1x1x8x128xf32, #tpu.memory_space<hbm>> -> memref<8x128xf32, #tpu.memory_space<hbm>>
        %dma_wait3A_719 = arith.constant 48 : i32
        %dma_wait3A_720 = arith.constant 0 : i32
        %dma_wait3A_721 = tpu.memref_slice %arg7[%dma_wait3A_719, %dma_wait3A_720] : memref<64x128xf32, #tpu.memory_space<vmem>> -> memref<8x128xf32, #tpu.memory_space<vmem>>
        tpu.wait_dma2 semaphore(%arg10 : memref<!tpu.dma_semaphore, #tpu.memory_space<semaphore_mem>>) src(%dma_wait3A_721 : memref<8x128xf32, #tpu.memory_space<vmem>>) dst(%dma_wait3A_718 : memref<8x128xf32, #tpu.memory_space<hbm>>)
        %dma_wait3A_722 = arith.constant 7 : i32
        %dma_wait3A_723 = arith.constant 56 : i32
        %dma_wait3A_724 = arith.constant 0 : i32
        %dma_wait3A_725 = tpu.memref_slice %arg7[%dma_wait3A_723, %dma_wait3A_724] : memref<64x128xf32, #tpu.memory_space<vmem>> -> memref<8x128xf32, #tpu.memory_space<vmem>>
        %dma_wait3A_726 = arith.constant 0 : i32
        %dma_wait3A_727 = arith.constant 0 : i32
        %dma_wait3A_728 = tpu.memref_slice %arg4[%add3A, %dma_wait3A_722, %sub3A_616, %dma_wait3A_726, %dma_wait3A_727] : memref<32x8x8x8x128xf32, #tpu.memory_space<hbm>> -> memref<1x1x1x8x128xf32, #tpu.memory_space<hbm>>
        %dma_wait3A_729 = tpu.memref_squeeze %dma_wait3A_728 : memref<1x1x1x8x128xf32, #tpu.memory_space<hbm>> -> memref<8x128xf32, #tpu.memory_space<hbm>>
        %dma_wait3A_730 = arith.constant 0 : i32
        %dma_wait3A_731 = arith.constant 0 : i32
        %dma_wait3A_732 = tpu.memref_slice %arg4[%add3A, %dma_wait3A_722, %sub3A_616, %dma_wait3A_730, %dma_wait3A_731] : memref<32x8x8x8x128xf32, #tpu.memory_space<hbm>> -> memref<1x1x1x8x128xf32, #tpu.memory_space<hbm>>
        %dma_wait3A_733 = tpu.memref_squeeze %dma_wait3A_732 : memref<1x1x1x8x128xf32, #tpu.memory_space<hbm>> -> memref<8x128xf32, #tpu.memory_space<hbm>>
        %dma_wait3A_734 = arith.constant 56 : i32
        %dma_wait3A_735 = arith.constant 0 : i32
        %dma_wait3A_736 = tpu.memref_slice %arg7[%dma_wait3A_734, %dma_wait3A_735] : memref<64x128xf32, #tpu.memory_space<vmem>> -> memref<8x128xf32, #tpu.memory_space<vmem>>
        tpu.wait_dma2 semaphore(%arg10 : memref<!tpu.dma_semaphore, #tpu.memory_space<semaphore_mem>>) src(%dma_wait3A_736 : memref<8x128xf32, #tpu.memory_space<vmem>>) dst(%dma_wait3A_733 : memref<8x128xf32, #tpu.memory_space<hbm>>)
      } else {
      }
      %get3A = arith.index_cast %mul3A_272 : i32 to index
      %get3A_277 = arith.constant 0 : index
      %get3A_278 = tpu.vector_load %arg6[%get3A, %get3A_277] {strides = array<i32>} : memref<8x128xi32, #tpu.memory_space<vmem>>, vector<16xi32>,
      %parallel_loop3A = arith.constant 0 : i32
      %parallel_loop3A_279 = arith.constant 64 : i32
      %parallel_loop3A_280 = arith.constant 1 : i32
      scf.for %parallel_loop3A_616 = %parallel_loop3A to %parallel_loop3A_279 step %parallel_loop3A_280  : i32 {
        %parallel_loop3A_617 = arith.constant 0 : i32
        %parallel_loop3A_618 = vector.broadcast %parallel_loop3A_617 : i32 to vector<16xi32>
        %parallel_loop3A_619 = vector.broadcast %parallel_loop3A_616 : i32 to vector<16xi32>
        %parallel_loop3A_620 = arith.addi %parallel_loop3A_618, %parallel_loop3A_619 : vector<16xi32>
        %parallel_loop3A_621 = tpu.vector_load_idx %arg5[%get3A_278, %parallel_loop3A_620] : memref<1024x65xf32, #tpu.memory_space<vmem>>[vector<16xi32>, vector<16xi32>], vector<16xf32>,
        %parallel_loop3A_622 = arith.index_cast %parallel_loop3A_616 : i32 to index
        %parallel_loop3A_623 = arith.constant 0 : index
        %parallel_loop3A_624 = tpu.vector_load %arg7[%parallel_loop3A_622, %parallel_loop3A_623] {strides = array<i32>} : memref<64x128xf32, #tpu.memory_space<vmem>>, vector<16xf32>,
        tpu.vector_store %arg7[%parallel_loop3A_622, %parallel_loop3A_623], %parallel_loop3A_621 {strides = array<i32>} : memref<64x128xf32, #tpu.memory_space<vmem>>, vector<16xf32>,
      } {sc.loop_unroll_factor = 16 : i64, sc.parallel_access}
      %get3A_281 = arith.index_cast %mul3A_272 : i32 to index
      %get3A_282 = arith.constant 16 : index
      %get3A_283 = tpu.vector_load %arg6[%get3A_281, %get3A_282] {strides = array<i32>} : memref<8x128xi32, #tpu.memory_space<vmem>>, vector<16xi32>,
      %parallel_loop3A_284 = arith.constant 0 : i32
      %parallel_loop3A_285 = arith.constant 64 : i32
      %parallel_loop3A_286 = arith.constant 1 : i32
      scf.for %parallel_loop3A_616 = %parallel_loop3A_284 to %parallel_loop3A_285 step %parallel_loop3A_286  : i32 {
        %parallel_loop3A_617 = arith.constant 0 : i32
        %parallel_loop3A_618 = vector.broadcast %parallel_loop3A_617 : i32 to vector<16xi32>
        %parallel_loop3A_619 = vector.broadcast %parallel_loop3A_616 : i32 to vector<16xi32>
        %parallel_loop3A_620 = arith.addi %parallel_loop3A_618, %parallel_loop3A_619 : vector<16xi32>
        %parallel_loop3A_621 = tpu.vector_load_idx %arg5[%get3A_283, %parallel_loop3A_620] : memref<1024x65xf32, #tpu.memory_space<vmem>>[vector<16xi32>, vector<16xi32>], vector<16xf32>,
        %parallel_loop3A_622 = arith.index_cast %parallel_loop3A_616 : i32 to index
        %parallel_loop3A_623 = arith.constant 16 : index
        %parallel_loop3A_624 = tpu.vector_load %arg7[%parallel_loop3A_622, %parallel_loop3A_623] {strides = array<i32>} : memref<64x128xf32, #tpu.memory_space<vmem>>, vector<16xf32>,
        tpu.vector_store %arg7[%parallel_loop3A_622, %parallel_loop3A_623], %parallel_loop3A_621 {strides = array<i32>} : memref<64x128xf32, #tpu.memory_space<vmem>>, vector<16xf32>,
      } {sc.loop_unroll_factor = 16 : i64, sc.parallel_access}
      %get3A_287 = arith.index_cast %mul3A_272 : i32 to index
      %get3A_288 = arith.constant 32 : index
      %get3A_289 = tpu.vector_load %arg6[%get3A_287, %get3A_288] {strides = array<i32>} : memref<8x128xi32, #tpu.memory_space<vmem>>, vector<16xi32>,
      %parallel_loop3A_290 = arith.constant 0 : i32
      %parallel_loop3A_291 = arith.constant 64 : i32
      %parallel_loop3A_292 = arith.constant 1 : i32
      scf.for %parallel_loop3A_616 = %parallel_loop3A_290 to %parallel_loop3A_291 step %parallel_loop3A_292  : i32 {
        %parallel_loop3A_617 = arith.constant 0 : i32
        %parallel_loop3A_618 = vector.broadcast %parallel_loop3A_617 : i32 to vector<16xi32>
        %parallel_loop3A_619 = vector.broadcast %parallel_loop3A_616 : i32 to vector<16xi32>
        %parallel_loop3A_620 = arith.addi %parallel_loop3A_618, %parallel_loop3A_619 : vector<16xi32>
        %parallel_loop3A_621 = tpu.vector_load_idx %arg5[%get3A_289, %parallel_loop3A_620] : memref<1024x65xf32, #tpu.memory_space<vmem>>[vector<16xi32>, vector<16xi32>], vector<16xf32>,
        %parallel_loop3A_622 = arith.index_cast %parallel_loop3A_616 : i32 to index
        %parallel_loop3A_623 = arith.constant 32 : index
        %parallel_loop3A_624 = tpu.vector_load %arg7[%parallel_loop3A_622, %parallel_loop3A_623] {strides = array<i32>} : memref<64x128xf32, #tpu.memory_space<vmem>>, vector<16xf32>,
        tpu.vector_store %arg7[%parallel_loop3A_622, %parallel_loop3A_623], %parallel_loop3A_621 {strides = array<i32>} : memref<64x128xf32, #tpu.memory_space<vmem>>, vector<16xf32>,
      } {sc.loop_unroll_factor = 16 : i64, sc.parallel_access}
      %get3A_293 = arith.index_cast %mul3A_272 : i32 to index
      %get3A_294 = arith.constant 48 : index
      %get3A_295 = tpu.vector_load %arg6[%get3A_293, %get3A_294] {strides = array<i32>} : memref<8x128xi32, #tpu.memory_space<vmem>>, vector<16xi32>,
      %parallel_loop3A_296 = arith.constant 0 : i32
      %parallel_loop3A_297 = arith.constant 64 : i32
      %parallel_loop3A_298 = arith.constant 1 : i32
      scf.for %parallel_loop3A_616 = %parallel_loop3A_296 to %parallel_loop3A_297 step %parallel_loop3A_298  : i32 {
        %parallel_loop3A_617 = arith.constant 0 : i32
        %parallel_loop3A_618 = vector.broadcast %parallel_loop3A_617 : i32 to vector<16xi32>
        %parallel_loop3A_619 = vector.broadcast %parallel_loop3A_616 : i32 to vector<16xi32>
        %parallel_loop3A_620 = arith.addi %parallel_loop3A_618, %parallel_loop3A_619 : vector<16xi32>
        %parallel_loop3A_621 = tpu.vector_load_idx %arg5[%get3A_295, %parallel_loop3A_620] : memref<1024x65xf32, #tpu.memory_space<vmem>>[vector<16xi32>, vector<16xi32>], vector<16xf32>,
        %parallel_loop3A_622 = arith.index_cast %parallel_loop3A_616 : i32 to index
        %parallel_loop3A_623 = arith.constant 48 : index
        %parallel_loop3A_624 = tpu.vector_load %arg7[%parallel_loop3A_622, %parallel_loop3A_623] {strides = array<i32>} : memref<64x128xf32, #tpu.memory_space<vmem>>, vector<16xf32>,
        tpu.vector_store %arg7[%parallel_loop3A_622, %parallel_loop3A_623], %parallel_loop3A_621 {strides = array<i32>} : memref<64x128xf32, #tpu.memory_space<vmem>>, vector<16xf32>,
      } {sc.loop_unroll_factor = 16 : i64, sc.parallel_access}
      %get3A_299 = arith.index_cast %mul3A_272 : i32 to index
      %get3A_300 = arith.constant 64 : index
      %get3A_301 = tpu.vector_load %arg6[%get3A_299, %get3A_300] {strides = array<i32>} : memref<8x128xi32, #tpu.memory_space<vmem>>, vector<16xi32>,
      %parallel_loop3A_302 = arith.constant 0 : i32
      %parallel_loop3A_303 = arith.constant 64 : i32
      %parallel_loop3A_304 = arith.constant 1 : i32
      scf.for %parallel_loop3A_616 = %parallel_loop3A_302 to %parallel_loop3A_303 step %parallel_loop3A_304  : i32 {
        %parallel_loop3A_617 = arith.constant 0 : i32
        %parallel_loop3A_618 = vector.broadcast %parallel_loop3A_617 : i32 to vector<16xi32>
        %parallel_loop3A_619 = vector.broadcast %parallel_loop3A_616 : i32 to vector<16xi32>
        %parallel_loop3A_620 = arith.addi %parallel_loop3A_618, %parallel_loop3A_619 : vector<16xi32>
        %parallel_loop3A_621 = tpu.vector_load_idx %arg5[%get3A_301, %parallel_loop3A_620] : memref<1024x65xf32, #tpu.memory_space<vmem>>[vector<16xi32>, vector<16xi32>], vector<16xf32>,
        %parallel_loop3A_622 = arith.index_cast %parallel_loop3A_616 : i32 to index
        %parallel_loop3A_623 = arith.constant 64 : index
        %parallel_loop3A_624 = tpu.vector_load %arg7[%parallel_loop3A_622, %parallel_loop3A_623] {strides = array<i32>} : memref<64x128xf32, #tpu.memory_space<vmem>>, vector<16xf32>,
        tpu.vector_store %arg7[%parallel_loop3A_622, %parallel_loop3A_623], %parallel_loop3A_621 {strides = array<i32>} : memref<64x128xf32, #tpu.memory_space<vmem>>, vector<16xf32>,
      } {sc.loop_unroll_factor = 16 : i64, sc.parallel_access}
      %get3A_305 = arith.index_cast %mul3A_272 : i32 to index
      %get3A_306 = arith.constant 80 : index
      %get3A_307 = tpu.vector_load %arg6[%get3A_305, %get3A_306] {strides = array<i32>} : memref<8x128xi32, #tpu.memory_space<vmem>>, vector<16xi32>,
      %parallel_loop3A_308 = arith.constant 0 : i32
      %parallel_loop3A_309 = arith.constant 64 : i32
      %parallel_loop3A_310 = arith.constant 1 : i32
      scf.for %parallel_loop3A_616 = %parallel_loop3A_308 to %parallel_loop3A_309 step %parallel_loop3A_310  : i32 {
        %parallel_loop3A_617 = arith.constant 0 : i32
        %parallel_loop3A_618 = vector.broadcast %parallel_loop3A_617 : i32 to vector<16xi32>
        %parallel_loop3A_619 = vector.broadcast %parallel_loop3A_616 : i32 to vector<16xi32>
        %parallel_loop3A_620 = arith.addi %parallel_loop3A_618, %parallel_loop3A_619 : vector<16xi32>
        %parallel_loop3A_621 = tpu.vector_load_idx %arg5[%get3A_307, %parallel_loop3A_620] : memref<1024x65xf32, #tpu.memory_space<vmem>>[vector<16xi32>, vector<16xi32>], vector<16xf32>,
        %parallel_loop3A_622 = arith.index_cast %parallel_loop3A_616 : i32 to index
        %parallel_loop3A_623 = arith.constant 80 : index
        %parallel_loop3A_624 = tpu.vector_load %arg7[%parallel_loop3A_622, %parallel_loop3A_623] {strides = array<i32>} : memref<64x128xf32, #tpu.memory_space<vmem>>, vector<16xf32>,
        tpu.vector_store %arg7[%parallel_loop3A_622, %parallel_loop3A_623], %parallel_loop3A_621 {strides = array<i32>} : memref<64x128xf32, #tpu.memory_space<vmem>>, vector<16xf32>,
      } {sc.loop_unroll_factor = 16 : i64, sc.parallel_access}
      %get3A_311 = arith.index_cast %mul3A_272 : i32 to index
      %get3A_312 = arith.constant 96 : index
      %get3A_313 = tpu.vector_load %arg6[%get3A_311, %get3A_312] {strides = array<i32>} : memref<8x128xi32, #tpu.memory_space<vmem>>, vector<16xi32>,
      %parallel_loop3A_314 = arith.constant 0 : i32
      %parallel_loop3A_315 = arith.constant 64 : i32
      %parallel_loop3A_316 = arith.constant 1 : i32
      scf.for %parallel_loop3A_616 = %parallel_loop3A_314 to %parallel_loop3A_315 step %parallel_loop3A_316  : i32 {
        %parallel_loop3A_617 = arith.constant 0 : i32
        %parallel_loop3A_618 = vector.broadcast %parallel_loop3A_617 : i32 to vector<16xi32>
        %parallel_loop3A_619 = vector.broadcast %parallel_loop3A_616 : i32 to vector<16xi32>
        %parallel_loop3A_620 = arith.addi %parallel_loop3A_618, %parallel_loop3A_619 : vector<16xi32>
        %parallel_loop3A_621 = tpu.vector_load_idx %arg5[%get3A_313, %parallel_loop3A_620] : memref<1024x65xf32, #tpu.memory_space<vmem>>[vector<16xi32>, vector<16xi32>], vector<16xf32>,
        %parallel_loop3A_622 = arith.index_cast %parallel_loop3A_616 : i32 to index
        %parallel_loop3A_623 = arith.constant 96 : index
        %parallel_loop3A_624 = tpu.vector_load %arg7[%parallel_loop3A_622, %parallel_loop3A_623] {strides = array<i32>} : memref<64x128xf32, #tpu.memory_space<vmem>>, vector<16xf32>,
        tpu.vector_store %arg7[%parallel_loop3A_622, %parallel_loop3A_623], %parallel_loop3A_621 {strides = array<i32>} : memref<64x128xf32, #tpu.memory_space<vmem>>, vector<16xf32>,
      } {sc.loop_unroll_factor = 16 : i64, sc.parallel_access}
      %get3A_317 = arith.index_cast %mul3A_272 : i32 to index
      %get3A_318 = arith.constant 112 : index
      %get3A_319 = tpu.vector_load %arg6[%get3A_317, %get3A_318] {strides = array<i32>} : memref<8x128xi32, #tpu.memory_space<vmem>>, vector<16xi32>,
      %parallel_loop3A_320 = arith.constant 0 : i32
      %parallel_loop3A_321 = arith.constant 64 : i32
      %parallel_loop3A_322 = arith.constant 1 : i32
      scf.for %parallel_loop3A_616 = %parallel_loop3A_320 to %parallel_loop3A_321 step %parallel_loop3A_322  : i32 {
        %parallel_loop3A_617 = arith.constant 0 : i32
        %parallel_loop3A_618 = vector.broadcast %parallel_loop3A_617 : i32 to vector<16xi32>
        %parallel_loop3A_619 = vector.broadcast %parallel_loop3A_616 : i32 to vector<16xi32>
        %parallel_loop3A_620 = arith.addi %parallel_loop3A_618, %parallel_loop3A_619 : vector<16xi32>
        %parallel_loop3A_621 = tpu.vector_load_idx %arg5[%get3A_319, %parallel_loop3A_620] : memref<1024x65xf32, #tpu.memory_space<vmem>>[vector<16xi32>, vector<16xi32>], vector<16xf32>,
        %parallel_loop3A_622 = arith.index_cast %parallel_loop3A_616 : i32 to index
        %parallel_loop3A_623 = arith.constant 112 : index
        %parallel_loop3A_624 = tpu.vector_load %arg7[%parallel_loop3A_622, %parallel_loop3A_623] {strides = array<i32>} : memref<64x128xf32, #tpu.memory_space<vmem>>, vector<16xf32>,
        tpu.vector_store %arg7[%parallel_loop3A_622, %parallel_loop3A_623], %parallel_loop3A_621 {strides = array<i32>} : memref<64x128xf32, #tpu.memory_space<vmem>>, vector<16xf32>,
      } {sc.loop_unroll_factor = 16 : i64, sc.parallel_access}
      %dma_start3A_323 = arith.constant 0 : i32
      %dma_start3A_324 = arith.constant 0 : i32
      %dma_start3A_325 = arith.constant 0 : i32
      %dma_start3A_326 = tpu.memref_slice %arg7[%dma_start3A_324, %dma_start3A_325] : memref<64x128xf32, #tpu.memory_space<vmem>> -> memref<8x128xf32, #tpu.memory_space<vmem>>
      %dma_start3A_327 = arith.constant 0 : i32
      %dma_start3A_328 = arith.constant 0 : i32
      %dma_start3A_329 = tpu.memref_slice %arg4[%add3A, %dma_start3A_323, %mul3A_272, %dma_start3A_327, %dma_start3A_328] : memref<32x8x8x8x128xf32, #tpu.memory_space<hbm>> -> memref<1x1x1x8x128xf32, #tpu.memory_space<hbm>>
      %dma_start3A_330 = tpu.memref_squeeze %dma_start3A_329 : memref<1x1x1x8x128xf32, #tpu.memory_space<hbm>> -> memref<8x128xf32, #tpu.memory_space<hbm>>
      %dma_start3A_331 = arith.constant 0 : i32
      %dma_start3A_332 = arith.constant 0 : i32
      %dma_start3A_333 = tpu.memref_slice %arg4[%add3A, %dma_start3A_323, %mul3A_272, %dma_start3A_331, %dma_start3A_332] : memref<32x8x8x8x128xf32, #tpu.memory_space<hbm>> -> memref<1x1x1x8x128xf32, #tpu.memory_space<hbm>>
      %dma_start3A_334 = tpu.memref_squeeze %dma_start3A_333 : memref<1x1x1x8x128xf32, #tpu.memory_space<hbm>> -> memref<8x128xf32, #tpu.memory_space<hbm>>
      %dma_start3A_335 = arith.constant 0 : i32
      %dma_start3A_336 = arith.constant 0 : i32
      %dma_start3A_337 = tpu.memref_slice %arg7[%dma_start3A_335, %dma_start3A_336] : memref<64x128xf32, #tpu.memory_space<vmem>> -> memref<8x128xf32, #tpu.memory_space<vmem>>
      tpu.enqueue_dma source(%dma_start3A_337 : memref<8x128xf32, #tpu.memory_space<vmem>>) target(%dma_start3A_334 : memref<8x128xf32, #tpu.memory_space<hbm>>) target_semaphore(%arg10 : memref<!tpu.dma_semaphore, #tpu.memory_space<semaphore_mem>>)
      %dma_start3A_338 = arith.constant 1 : i32
      %dma_start3A_339 = arith.constant 8 : i32
      %dma_start3A_340 = arith.constant 0 : i32
      %dma_start3A_341 = tpu.memref_slice %arg7[%dma_start3A_339, %dma_start3A_340] : memref<64x128xf32, #tpu.memory_space<vmem>> -> memref<8x128xf32, #tpu.memory_space<vmem>>
      %dma_start3A_342 = arith.constant 0 : i32
      %dma_start3A_343 = arith.constant 0 : i32
      %dma_start3A_344 = tpu.memref_slice %arg4[%add3A, %dma_start3A_338, %mul3A_272, %dma_start3A_342, %dma_start3A_343] : memref<32x8x8x8x128xf32, #tpu.memory_space<hbm>> -> memref<1x1x1x8x128xf32, #tpu.memory_space<hbm>>
      %dma_start3A_345 = tpu.memref_squeeze %dma_start3A_344 : memref<1x1x1x8x128xf32, #tpu.memory_space<hbm>> -> memref<8x128xf32, #tpu.memory_space<hbm>>
      %dma_start3A_346 = arith.constant 0 : i32
      %dma_start3A_347 = arith.constant 0 : i32
      %dma_start3A_348 = tpu.memref_slice %arg4[%add3A, %dma_start3A_338, %mul3A_272, %dma_start3A_346, %dma_start3A_347] : memref<32x8x8x8x128xf32, #tpu.memory_space<hbm>> -> memref<1x1x1x8x128xf32, #tpu.memory_space<hbm>>
      %dma_start3A_349 = tpu.memref_squeeze %dma_start3A_348 : memref<1x1x1x8x128xf32, #tpu.memory_space<hbm>> -> memref<8x128xf32, #tpu.memory_space<hbm>>
      %dma_start3A_350 = arith.constant 8 : i32
      %dma_start3A_351 = arith.constant 0 : i32
      %dma_start3A_352 = tpu.memref_slice %arg7[%dma_start3A_350, %dma_start3A_351] : memref<64x128xf32, #tpu.memory_space<vmem>> -> memref<8x128xf32, #tpu.memory_space<vmem>>
      tpu.enqueue_dma source(%dma_start3A_352 : memref<8x128xf32, #tpu.memory_space<vmem>>) target(%dma_start3A_349 : memref<8x128xf32, #tpu.memory_space<hbm>>) target_semaphore(%arg10 : memref<!tpu.dma_semaphore, #tpu.memory_space<semaphore_mem>>)
      %dma_start3A_353 = arith.constant 2 : i32
      %dma_start3A_354 = arith.constant 16 : i32
      %dma_start3A_355 = arith.constant 0 : i32
      %dma_start3A_356 = tpu.memref_slice %arg7[%dma_start3A_354, %dma_start3A_355] : memref<64x128xf32, #tpu.memory_space<vmem>> -> memref<8x128xf32, #tpu.memory_space<vmem>>
      %dma_start3A_357 = arith.constant 0 : i32
      %dma_start3A_358 = arith.constant 0 : i32
      %dma_start3A_359 = tpu.memref_slice %arg4[%add3A, %dma_start3A_353, %mul3A_272, %dma_start3A_357, %dma_start3A_358] : memref<32x8x8x8x128xf32, #tpu.memory_space<hbm>> -> memref<1x1x1x8x128xf32, #tpu.memory_space<hbm>>
      %dma_start3A_360 = tpu.memref_squeeze %dma_start3A_359 : memref<1x1x1x8x128xf32, #tpu.memory_space<hbm>> -> memref<8x128xf32, #tpu.memory_space<hbm>>
      %dma_start3A_361 = arith.constant 0 : i32
      %dma_start3A_362 = arith.constant 0 : i32
      %dma_start3A_363 = tpu.memref_slice %arg4[%add3A, %dma_start3A_353, %mul3A_272, %dma_start3A_361, %dma_start3A_362] : memref<32x8x8x8x128xf32, #tpu.memory_space<hbm>> -> memref<1x1x1x8x128xf32, #tpu.memory_space<hbm>>
      %dma_start3A_364 = tpu.memref_squeeze %dma_start3A_363 : memref<1x1x1x8x128xf32, #tpu.memory_space<hbm>> -> memref<8x128xf32, #tpu.memory_space<hbm>>
      %dma_start3A_365 = arith.constant 16 : i32
      %dma_start3A_366 = arith.constant 0 : i32
      %dma_start3A_367 = tpu.memref_slice %arg7[%dma_start3A_365, %dma_start3A_366] : memref<64x128xf32, #tpu.memory_space<vmem>> -> memref<8x128xf32, #tpu.memory_space<vmem>>
      tpu.enqueue_dma source(%dma_start3A_367 : memref<8x128xf32, #tpu.memory_space<vmem>>) target(%dma_start3A_364 : memref<8x128xf32, #tpu.memory_space<hbm>>) target_semaphore(%arg10 : memref<!tpu.dma_semaphore, #tpu.memory_space<semaphore_mem>>)
      %dma_start3A_368 = arith.constant 3 : i32
      %dma_start3A_369 = arith.constant 24 : i32
      %dma_start3A_370 = arith.constant 0 : i32
      %dma_start3A_371 = tpu.memref_slice %arg7[%dma_start3A_369, %dma_start3A_370] : memref<64x128xf32, #tpu.memory_space<vmem>> -> memref<8x128xf32, #tpu.memory_space<vmem>>
      %dma_start3A_372 = arith.constant 0 : i32
      %dma_start3A_373 = arith.constant 0 : i32
      %dma_start3A_374 = tpu.memref_slice %arg4[%add3A, %dma_start3A_368, %mul3A_272, %dma_start3A_372, %dma_start3A_373] : memref<32x8x8x8x128xf32, #tpu.memory_space<hbm>> -> memref<1x1x1x8x128xf32, #tpu.memory_space<hbm>>
      %dma_start3A_375 = tpu.memref_squeeze %dma_start3A_374 : memref<1x1x1x8x128xf32, #tpu.memory_space<hbm>> -> memref<8x128xf32, #tpu.memory_space<hbm>>
      %dma_start3A_376 = arith.constant 0 : i32
      %dma_start3A_377 = arith.constant 0 : i32
      %dma_start3A_378 = tpu.memref_slice %arg4[%add3A, %dma_start3A_368, %mul3A_272, %dma_start3A_376, %dma_start3A_377] : memref<32x8x8x8x128xf32, #tpu.memory_space<hbm>> -> memref<1x1x1x8x128xf32, #tpu.memory_space<hbm>>
      %dma_start3A_379 = tpu.memref_squeeze %dma_start3A_378 : memref<1x1x1x8x128xf32, #tpu.memory_space<hbm>> -> memref<8x128xf32, #tpu.memory_space<hbm>>
      %dma_start3A_380 = arith.constant 24 : i32
      %dma_start3A_381 = arith.constant 0 : i32
      %dma_start3A_382 = tpu.memref_slice %arg7[%dma_start3A_380, %dma_start3A_381] : memref<64x128xf32, #tpu.memory_space<vmem>> -> memref<8x128xf32, #tpu.memory_space<vmem>>
      tpu.enqueue_dma source(%dma_start3A_382 : memref<8x128xf32, #tpu.memory_space<vmem>>) target(%dma_start3A_379 : memref<8x128xf32, #tpu.memory_space<hbm>>) target_semaphore(%arg10 : memref<!tpu.dma_semaphore, #tpu.memory_space<semaphore_mem>>)
      %dma_start3A_383 = arith.constant 4 : i32
      %dma_start3A_384 = arith.constant 32 : i32
      %dma_start3A_385 = arith.constant 0 : i32
      %dma_start3A_386 = tpu.memref_slice %arg7[%dma_start3A_384, %dma_start3A_385] : memref<64x128xf32, #tpu.memory_space<vmem>> -> memref<8x128xf32, #tpu.memory_space<vmem>>
      %dma_start3A_387 = arith.constant 0 : i32
      %dma_start3A_388 = arith.constant 0 : i32
      %dma_start3A_389 = tpu.memref_slice %arg4[%add3A, %dma_start3A_383, %mul3A_272, %dma_start3A_387, %dma_start3A_388] : memref<32x8x8x8x128xf32, #tpu.memory_space<hbm>> -> memref<1x1x1x8x128xf32, #tpu.memory_space<hbm>>
      %dma_start3A_390 = tpu.memref_squeeze %dma_start3A_389 : memref<1x1x1x8x128xf32, #tpu.memory_space<hbm>> -> memref<8x128xf32, #tpu.memory_space<hbm>>
      %dma_start3A_391 = arith.constant 0 : i32
      %dma_start3A_392 = arith.constant 0 : i32
      %dma_start3A_393 = tpu.memref_slice %arg4[%add3A, %dma_start3A_383, %mul3A_272, %dma_start3A_391, %dma_start3A_392] : memref<32x8x8x8x128xf32, #tpu.memory_space<hbm>> -> memref<1x1x1x8x128xf32, #tpu.memory_space<hbm>>
      %dma_start3A_394 = tpu.memref_squeeze %dma_start3A_393 : memref<1x1x1x8x128xf32, #tpu.memory_space<hbm>> -> memref<8x128xf32, #tpu.memory_space<hbm>>
      %dma_start3A_395 = arith.constant 32 : i32
      %dma_start3A_396 = arith.constant 0 : i32
      %dma_start3A_397 = tpu.memref_slice %arg7[%dma_start3A_395, %dma_start3A_396] : memref<64x128xf32, #tpu.memory_space<vmem>> -> memref<8x128xf32, #tpu.memory_space<vmem>>
      tpu.enqueue_dma source(%dma_start3A_397 : memref<8x128xf32, #tpu.memory_space<vmem>>) target(%dma_start3A_394 : memref<8x128xf32, #tpu.memory_space<hbm>>) target_semaphore(%arg10 : memref<!tpu.dma_semaphore, #tpu.memory_space<semaphore_mem>>)
      %dma_start3A_398 = arith.constant 5 : i32
      %dma_start3A_399 = arith.constant 40 : i32
      %dma_start3A_400 = arith.constant 0 : i32
      %dma_start3A_401 = tpu.memref_slice %arg7[%dma_start3A_399, %dma_start3A_400] : memref<64x128xf32, #tpu.memory_space<vmem>> -> memref<8x128xf32, #tpu.memory_space<vmem>>
      %dma_start3A_402 = arith.constant 0 : i32
      %dma_start3A_403 = arith.constant 0 : i32
      %dma_start3A_404 = tpu.memref_slice %arg4[%add3A, %dma_start3A_398, %mul3A_272, %dma_start3A_402, %dma_start3A_403] : memref<32x8x8x8x128xf32, #tpu.memory_space<hbm>> -> memref<1x1x1x8x128xf32, #tpu.memory_space<hbm>>
      %dma_start3A_405 = tpu.memref_squeeze %dma_start3A_404 : memref<1x1x1x8x128xf32, #tpu.memory_space<hbm>> -> memref<8x128xf32, #tpu.memory_space<hbm>>
      %dma_start3A_406 = arith.constant 0 : i32
      %dma_start3A_407 = arith.constant 0 : i32
      %dma_start3A_408 = tpu.memref_slice %arg4[%add3A, %dma_start3A_398, %mul3A_272, %dma_start3A_406, %dma_start3A_407] : memref<32x8x8x8x128xf32, #tpu.memory_space<hbm>> -> memref<1x1x1x8x128xf32, #tpu.memory_space<hbm>>
      %dma_start3A_409 = tpu.memref_squeeze %dma_start3A_408 : memref<1x1x1x8x128xf32, #tpu.memory_space<hbm>> -> memref<8x128xf32, #tpu.memory_space<hbm>>
      %dma_start3A_410 = arith.constant 40 : i32
      %dma_start3A_411 = arith.constant 0 : i32
      %dma_start3A_412 = tpu.memref_slice %arg7[%dma_start3A_410, %dma_start3A_411] : memref<64x128xf32, #tpu.memory_space<vmem>> -> memref<8x128xf32, #tpu.memory_space<vmem>>
      tpu.enqueue_dma source(%dma_start3A_412 : memref<8x128xf32, #tpu.memory_space<vmem>>) target(%dma_start3A_409 : memref<8x128xf32, #tpu.memory_space<hbm>>) target_semaphore(%arg10 : memref<!tpu.dma_semaphore, #tpu.memory_space<semaphore_mem>>)
      %dma_start3A_413 = arith.constant 6 : i32
      %dma_start3A_414 = arith.constant 48 : i32
      %dma_start3A_415 = arith.constant 0 : i32
      %dma_start3A_416 = tpu.memref_slice %arg7[%dma_start3A_414, %dma_start3A_415] : memref<64x128xf32, #tpu.memory_space<vmem>> -> memref<8x128xf32, #tpu.memory_space<vmem>>
      %dma_start3A_417 = arith.constant 0 : i32
      %dma_start3A_418 = arith.constant 0 : i32
      %dma_start3A_419 = tpu.memref_slice %arg4[%add3A, %dma_start3A_413, %mul3A_272, %dma_start3A_417, %dma_start3A_418] : memref<32x8x8x8x128xf32, #tpu.memory_space<hbm>> -> memref<1x1x1x8x128xf32, #tpu.memory_space<hbm>>
      %dma_start3A_420 = tpu.memref_squeeze %dma_start3A_419 : memref<1x1x1x8x128xf32, #tpu.memory_space<hbm>> -> memref<8x128xf32, #tpu.memory_space<hbm>>
      %dma_start3A_421 = arith.constant 0 : i32
      %dma_start3A_422 = arith.constant 0 : i32
      %dma_start3A_423 = tpu.memref_slice %arg4[%add3A, %dma_start3A_413, %mul3A_272, %dma_start3A_421, %dma_start3A_422] : memref<32x8x8x8x128xf32, #tpu.memory_space<hbm>> -> memref<1x1x1x8x128xf32, #tpu.memory_space<hbm>>
      %dma_start3A_424 = tpu.memref_squeeze %dma_start3A_423 : memref<1x1x1x8x128xf32, #tpu.memory_space<hbm>> -> memref<8x128xf32, #tpu.memory_space<hbm>>
      %dma_start3A_425 = arith.constant 48 : i32
      %dma_start3A_426 = arith.constant 0 : i32
      %dma_start3A_427 = tpu.memref_slice %arg7[%dma_start3A_425, %dma_start3A_426] : memref<64x128xf32, #tpu.memory_space<vmem>> -> memref<8x128xf32, #tpu.memory_space<vmem>>
      tpu.enqueue_dma source(%dma_start3A_427 : memref<8x128xf32, #tpu.memory_space<vmem>>) target(%dma_start3A_424 : memref<8x128xf32, #tpu.memory_space<hbm>>) target_semaphore(%arg10 : memref<!tpu.dma_semaphore, #tpu.memory_space<semaphore_mem>>)
      %dma_start3A_428 = arith.constant 7 : i32
      %dma_start3A_429 = arith.constant 56 : i32
      %dma_start3A_430 = arith.constant 0 : i32
      %dma_start3A_431 = tpu.memref_slice %arg7[%dma_start3A_429, %dma_start3A_430] : memref<64x128xf32, #tpu.memory_space<vmem>> -> memref<8x128xf32, #tpu.memory_space<vmem>>
      %dma_start3A_432 = arith.constant 0 : i32
      %dma_start3A_433 = arith.constant 0 : i32
      %dma_start3A_434 = tpu.memref_slice %arg4[%add3A, %dma_start3A_428, %mul3A_272, %dma_start3A_432, %dma_start3A_433] : memref<32x8x8x8x128xf32, #tpu.memory_space<hbm>> -> memref<1x1x1x8x128xf32, #tpu.memory_space<hbm>>
      %dma_start3A_435 = tpu.memref_squeeze %dma_start3A_434 : memref<1x1x1x8x128xf32, #tpu.memory_space<hbm>> -> memref<8x128xf32, #tpu.memory_space<hbm>>
      %dma_start3A_436 = arith.constant 0 : i32
      %dma_start3A_437 = arith.constant 0 : i32
      %dma_start3A_438 = tpu.memref_slice %arg4[%add3A, %dma_start3A_428, %mul3A_272, %dma_start3A_436, %dma_start3A_437] : memref<32x8x8x8x128xf32, #tpu.memory_space<hbm>> -> memref<1x1x1x8x128xf32, #tpu.memory_space<hbm>>
      %dma_start3A_439 = tpu.memref_squeeze %dma_start3A_438 : memref<1x1x1x8x128xf32, #tpu.memory_space<hbm>> -> memref<8x128xf32, #tpu.memory_space<hbm>>
      %dma_start3A_440 = arith.constant 56 : i32
      %dma_start3A_441 = arith.constant 0 : i32
      %dma_start3A_442 = tpu.memref_slice %arg7[%dma_start3A_440, %dma_start3A_441] : memref<64x128xf32, #tpu.memory_space<vmem>> -> memref<8x128xf32, #tpu.memory_space<vmem>>
      tpu.enqueue_dma source(%dma_start3A_442 : memref<8x128xf32, #tpu.memory_space<vmem>>) target(%dma_start3A_439 : memref<8x128xf32, #tpu.memory_space<hbm>>) target_semaphore(%arg10 : memref<!tpu.dma_semaphore, #tpu.memory_space<semaphore_mem>>)
      %gt3A_443 = arith.constant 0 : i32
      %gt3A_444 = arith.cmpi sgt, %scan3A_270, %gt3A_443 : i32
      %convert_element_type3A_445 = arith.extui %gt3A_444 : i1 to i32
      %cond3A_446 = arith.constant 0 : i32
      %cond3A_447 = arith.cmpi ne, %convert_element_type3A_445, %cond3A_446 : i32
      scf.if %cond3A_447 {
        %sub3A = arith.constant 2 : i32
        %sub3A_616 = arith.subi %add3A_274, %sub3A : i32
        %dma_wait3A_617 = arith.constant 0 : i32
        %dma_wait3A_618 = arith.constant 0 : i32
        %dma_wait3A_619 = arith.constant 0 : i32
        %dma_wait3A_620 = tpu.memref_slice %arg8[%dma_wait3A_618, %dma_wait3A_619] : memref<64x128xf32, #tpu.memory_space<vmem>> -> memref<8x128xf32, #tpu.memory_space<vmem>>
        %dma_wait3A_621 = arith.constant 0 : i32
        %dma_wait3A_622 = arith.constant 0 : i32
        %dma_wait3A_623 = tpu.memref_slice %arg4[%add3A, %dma_wait3A_617, %sub3A_616, %dma_wait3A_621, %dma_wait3A_622] : memref<32x8x8x8x128xf32, #tpu.memory_space<hbm>> -> memref<1x1x1x8x128xf32, #tpu.memory_space<hbm>>
        %dma_wait3A_624 = tpu.memref_squeeze %dma_wait3A_623 : memref<1x1x1x8x128xf32, #tpu.memory_space<hbm>> -> memref<8x128xf32, #tpu.memory_space<hbm>>
        %dma_wait3A_625 = arith.constant 0 : i32
        %dma_wait3A_626 = arith.constant 0 : i32
        %dma_wait3A_627 = tpu.memref_slice %arg4[%add3A, %dma_wait3A_617, %sub3A_616, %dma_wait3A_625, %dma_wait3A_626] : memref<32x8x8x8x128xf32, #tpu.memory_space<hbm>> -> memref<1x1x1x8x128xf32, #tpu.memory_space<hbm>>
        %dma_wait3A_628 = tpu.memref_squeeze %dma_wait3A_627 : memref<1x1x1x8x128xf32, #tpu.memory_space<hbm>> -> memref<8x128xf32, #tpu.memory_space<hbm>>
        %dma_wait3A_629 = arith.constant 0 : i32
        %dma_wait3A_630 = arith.constant 0 : i32
        %dma_wait3A_631 = tpu.memref_slice %arg8[%dma_wait3A_629, %dma_wait3A_630] : memref<64x128xf32, #tpu.memory_space<vmem>> -> memref<8x128xf32, #tpu.memory_space<vmem>>
        tpu.wait_dma2 semaphore(%arg11 : memref<!tpu.dma_semaphore, #tpu.memory_space<semaphore_mem>>) src(%dma_wait3A_631 : memref<8x128xf32, #tpu.memory_space<vmem>>) dst(%dma_wait3A_628 : memref<8x128xf32, #tpu.memory_space<hbm>>)
        %dma_wait3A_632 = arith.constant 1 : i32
        %dma_wait3A_633 = arith.constant 8 : i32
        %dma_wait3A_634 = arith.constant 0 : i32
        %dma_wait3A_635 = tpu.memref_slice %arg8[%dma_wait3A_633, %dma_wait3A_634] : memref<64x128xf32, #tpu.memory_space<vmem>> -> memref<8x128xf32, #tpu.memory_space<vmem>>
        %dma_wait3A_636 = arith.constant 0 : i32
        %dma_wait3A_637 = arith.constant 0 : i32
        %dma_wait3A_638 = tpu.memref_slice %arg4[%add3A, %dma_wait3A_632, %sub3A_616, %dma_wait3A_636, %dma_wait3A_637] : memref<32x8x8x8x128xf32, #tpu.memory_space<hbm>> -> memref<1x1x1x8x128xf32, #tpu.memory_space<hbm>>
        %dma_wait3A_639 = tpu.memref_squeeze %dma_wait3A_638 : memref<1x1x1x8x128xf32, #tpu.memory_space<hbm>> -> memref<8x128xf32, #tpu.memory_space<hbm>>
        %dma_wait3A_640 = arith.constant 0 : i32
        %dma_wait3A_641 = arith.constant 0 : i32
        %dma_wait3A_642 = tpu.memref_slice %arg4[%add3A, %dma_wait3A_632, %sub3A_616, %dma_wait3A_640, %dma_wait3A_641] : memref<32x8x8x8x128xf32, #tpu.memory_space<hbm>> -> memref<1x1x1x8x128xf32, #tpu.memory_space<hbm>>
        %dma_wait3A_643 = tpu.memref_squeeze %dma_wait3A_642 : memref<1x1x1x8x128xf32, #tpu.memory_space<hbm>> -> memref<8x128xf32, #tpu.memory_space<hbm>>
        %dma_wait3A_644 = arith.constant 8 : i32
        %dma_wait3A_645 = arith.constant 0 : i32
        %dma_wait3A_646 = tpu.memref_slice %arg8[%dma_wait3A_644, %dma_wait3A_645] : memref<64x128xf32, #tpu.memory_space<vmem>> -> memref<8x128xf32, #tpu.memory_space<vmem>>
        tpu.wait_dma2 semaphore(%arg11 : memref<!tpu.dma_semaphore, #tpu.memory_space<semaphore_mem>>) src(%dma_wait3A_646 : memref<8x128xf32, #tpu.memory_space<vmem>>) dst(%dma_wait3A_643 : memref<8x128xf32, #tpu.memory_space<hbm>>)
        %dma_wait3A_647 = arith.constant 2 : i32
        %dma_wait3A_648 = arith.constant 16 : i32
        %dma_wait3A_649 = arith.constant 0 : i32
        %dma_wait3A_650 = tpu.memref_slice %arg8[%dma_wait3A_648, %dma_wait3A_649] : memref<64x128xf32, #tpu.memory_space<vmem>> -> memref<8x128xf32, #tpu.memory_space<vmem>>
        %dma_wait3A_651 = arith.constant 0 : i32
        %dma_wait3A_652 = arith.constant 0 : i32
        %dma_wait3A_653 = tpu.memref_slice %arg4[%add3A, %dma_wait3A_647, %sub3A_616, %dma_wait3A_651, %dma_wait3A_652] : memref<32x8x8x8x128xf32, #tpu.memory_space<hbm>> -> memref<1x1x1x8x128xf32, #tpu.memory_space<hbm>>
        %dma_wait3A_654 = tpu.memref_squeeze %dma_wait3A_653 : memref<1x1x1x8x128xf32, #tpu.memory_space<hbm>> -> memref<8x128xf32, #tpu.memory_space<hbm>>
        %dma_wait3A_655 = arith.constant 0 : i32
        %dma_wait3A_656 = arith.constant 0 : i32
        %dma_wait3A_657 = tpu.memref_slice %arg4[%add3A, %dma_wait3A_647, %sub3A_616, %dma_wait3A_655, %dma_wait3A_656] : memref<32x8x8x8x128xf32, #tpu.memory_space<hbm>> -> memref<1x1x1x8x128xf32, #tpu.memory_space<hbm>>
        %dma_wait3A_658 = tpu.memref_squeeze %dma_wait3A_657 : memref<1x1x1x8x128xf32, #tpu.memory_space<hbm>> -> memref<8x128xf32, #tpu.memory_space<hbm>>
        %dma_wait3A_659 = arith.constant 16 : i32
        %dma_wait3A_660 = arith.constant 0 : i32
        %dma_wait3A_661 = tpu.memref_slice %arg8[%dma_wait3A_659, %dma_wait3A_660] : memref<64x128xf32, #tpu.memory_space<vmem>> -> memref<8x128xf32, #tpu.memory_space<vmem>>
        tpu.wait_dma2 semaphore(%arg11 : memref<!tpu.dma_semaphore, #tpu.memory_space<semaphore_mem>>) src(%dma_wait3A_661 : memref<8x128xf32, #tpu.memory_space<vmem>>) dst(%dma_wait3A_658 : memref<8x128xf32, #tpu.memory_space<hbm>>)
        %dma_wait3A_662 = arith.constant 3 : i32
        %dma_wait3A_663 = arith.constant 24 : i32
        %dma_wait3A_664 = arith.constant 0 : i32
        %dma_wait3A_665 = tpu.memref_slice %arg8[%dma_wait3A_663, %dma_wait3A_664] : memref<64x128xf32, #tpu.memory_space<vmem>> -> memref<8x128xf32, #tpu.memory_space<vmem>>
        %dma_wait3A_666 = arith.constant 0 : i32
        %dma_wait3A_667 = arith.constant 0 : i32
        %dma_wait3A_668 = tpu.memref_slice %arg4[%add3A, %dma_wait3A_662, %sub3A_616, %dma_wait3A_666, %dma_wait3A_667] : memref<32x8x8x8x128xf32, #tpu.memory_space<hbm>> -> memref<1x1x1x8x128xf32, #tpu.memory_space<hbm>>
        %dma_wait3A_669 = tpu.memref_squeeze %dma_wait3A_668 : memref<1x1x1x8x128xf32, #tpu.memory_space<hbm>> -> memref<8x128xf32, #tpu.memory_space<hbm>>
        %dma_wait3A_670 = arith.constant 0 : i32
        %dma_wait3A_671 = arith.constant 0 : i32
        %dma_wait3A_672 = tpu.memref_slice %arg4[%add3A, %dma_wait3A_662, %sub3A_616, %dma_wait3A_670, %dma_wait3A_671] : memref<32x8x8x8x128xf32, #tpu.memory_space<hbm>> -> memref<1x1x1x8x128xf32, #tpu.memory_space<hbm>>
        %dma_wait3A_673 = tpu.memref_squeeze %dma_wait3A_672 : memref<1x1x1x8x128xf32, #tpu.memory_space<hbm>> -> memref<8x128xf32, #tpu.memory_space<hbm>>
        %dma_wait3A_674 = arith.constant 24 : i32
        %dma_wait3A_675 = arith.constant 0 : i32
        %dma_wait3A_676 = tpu.memref_slice %arg8[%dma_wait3A_674, %dma_wait3A_675] : memref<64x128xf32, #tpu.memory_space<vmem>> -> memref<8x128xf32, #tpu.memory_space<vmem>>
        tpu.wait_dma2 semaphore(%arg11 : memref<!tpu.dma_semaphore, #tpu.memory_space<semaphore_mem>>) src(%dma_wait3A_676 : memref<8x128xf32, #tpu.memory_space<vmem>>) dst(%dma_wait3A_673 : memref<8x128xf32, #tpu.memory_space<hbm>>)
        %dma_wait3A_677 = arith.constant 4 : i32
        %dma_wait3A_678 = arith.constant 32 : i32
        %dma_wait3A_679 = arith.constant 0 : i32
        %dma_wait3A_680 = tpu.memref_slice %arg8[%dma_wait3A_678, %dma_wait3A_679] : memref<64x128xf32, #tpu.memory_space<vmem>> -> memref<8x128xf32, #tpu.memory_space<vmem>>
        %dma_wait3A_681 = arith.constant 0 : i32
        %dma_wait3A_682 = arith.constant 0 : i32
        %dma_wait3A_683 = tpu.memref_slice %arg4[%add3A, %dma_wait3A_677, %sub3A_616, %dma_wait3A_681, %dma_wait3A_682] : memref<32x8x8x8x128xf32, #tpu.memory_space<hbm>> -> memref<1x1x1x8x128xf32, #tpu.memory_space<hbm>>
        %dma_wait3A_684 = tpu.memref_squeeze %dma_wait3A_683 : memref<1x1x1x8x128xf32, #tpu.memory_space<hbm>> -> memref<8x128xf32, #tpu.memory_space<hbm>>
        %dma_wait3A_685 = arith.constant 0 : i32
        %dma_wait3A_686 = arith.constant 0 : i32
        %dma_wait3A_687 = tpu.memref_slice %arg4[%add3A, %dma_wait3A_677, %sub3A_616, %dma_wait3A_685, %dma_wait3A_686] : memref<32x8x8x8x128xf32, #tpu.memory_space<hbm>> -> memref<1x1x1x8x128xf32, #tpu.memory_space<hbm>>
        %dma_wait3A_688 = tpu.memref_squeeze %dma_wait3A_687 : memref<1x1x1x8x128xf32, #tpu.memory_space<hbm>> -> memref<8x128xf32, #tpu.memory_space<hbm>>
        %dma_wait3A_689 = arith.constant 32 : i32
        %dma_wait3A_690 = arith.constant 0 : i32
        %dma_wait3A_691 = tpu.memref_slice %arg8[%dma_wait3A_689, %dma_wait3A_690] : memref<64x128xf32, #tpu.memory_space<vmem>> -> memref<8x128xf32, #tpu.memory_space<vmem>>
        tpu.wait_dma2 semaphore(%arg11 : memref<!tpu.dma_semaphore, #tpu.memory_space<semaphore_mem>>) src(%dma_wait3A_691 : memref<8x128xf32, #tpu.memory_space<vmem>>) dst(%dma_wait3A_688 : memref<8x128xf32, #tpu.memory_space<hbm>>)
        %dma_wait3A_692 = arith.constant 5 : i32
        %dma_wait3A_693 = arith.constant 40 : i32
        %dma_wait3A_694 = arith.constant 0 : i32
        %dma_wait3A_695 = tpu.memref_slice %arg8[%dma_wait3A_693, %dma_wait3A_694] : memref<64x128xf32, #tpu.memory_space<vmem>> -> memref<8x128xf32, #tpu.memory_space<vmem>>
        %dma_wait3A_696 = arith.constant 0 : i32
        %dma_wait3A_697 = arith.constant 0 : i32
        %dma_wait3A_698 = tpu.memref_slice %arg4[%add3A, %dma_wait3A_692, %sub3A_616, %dma_wait3A_696, %dma_wait3A_697] : memref<32x8x8x8x128xf32, #tpu.memory_space<hbm>> -> memref<1x1x1x8x128xf32, #tpu.memory_space<hbm>>
        %dma_wait3A_699 = tpu.memref_squeeze %dma_wait3A_698 : memref<1x1x1x8x128xf32, #tpu.memory_space<hbm>> -> memref<8x128xf32, #tpu.memory_space<hbm>>
        %dma_wait3A_700 = arith.constant 0 : i32
        %dma_wait3A_701 = arith.constant 0 : i32
        %dma_wait3A_702 = tpu.memref_slice %arg4[%add3A, %dma_wait3A_692, %sub3A_616, %dma_wait3A_700, %dma_wait3A_701] : memref<32x8x8x8x128xf32, #tpu.memory_space<hbm>> -> memref<1x1x1x8x128xf32, #tpu.memory_space<hbm>>
        %dma_wait3A_703 = tpu.memref_squeeze %dma_wait3A_702 : memref<1x1x1x8x128xf32, #tpu.memory_space<hbm>> -> memref<8x128xf32, #tpu.memory_space<hbm>>
        %dma_wait3A_704 = arith.constant 40 : i32
        %dma_wait3A_705 = arith.constant 0 : i32
        %dma_wait3A_706 = tpu.memref_slice %arg8[%dma_wait3A_704, %dma_wait3A_705] : memref<64x128xf32, #tpu.memory_space<vmem>> -> memref<8x128xf32, #tpu.memory_space<vmem>>
        tpu.wait_dma2 semaphore(%arg11 : memref<!tpu.dma_semaphore, #tpu.memory_space<semaphore_mem>>) src(%dma_wait3A_706 : memref<8x128xf32, #tpu.memory_space<vmem>>) dst(%dma_wait3A_703 : memref<8x128xf32, #tpu.memory_space<hbm>>)
        %dma_wait3A_707 = arith.constant 6 : i32
        %dma_wait3A_708 = arith.constant 48 : i32
        %dma_wait3A_709 = arith.constant 0 : i32
        %dma_wait3A_710 = tpu.memref_slice %arg8[%dma_wait3A_708, %dma_wait3A_709] : memref<64x128xf32, #tpu.memory_space<vmem>> -> memref<8x128xf32, #tpu.memory_space<vmem>>
        %dma_wait3A_711 = arith.constant 0 : i32
        %dma_wait3A_712 = arith.constant 0 : i32
        %dma_wait3A_713 = tpu.memref_slice %arg4[%add3A, %dma_wait3A_707, %sub3A_616, %dma_wait3A_711, %dma_wait3A_712] : memref<32x8x8x8x128xf32, #tpu.memory_space<hbm>> -> memref<1x1x1x8x128xf32, #tpu.memory_space<hbm>>
        %dma_wait3A_714 = tpu.memref_squeeze %dma_wait3A_713 : memref<1x1x1x8x128xf32, #tpu.memory_space<hbm>> -> memref<8x128xf32, #tpu.memory_space<hbm>>
        %dma_wait3A_715 = arith.constant 0 : i32
        %dma_wait3A_716 = arith.constant 0 : i32
        %dma_wait3A_717 = tpu.memref_slice %arg4[%add3A, %dma_wait3A_707, %sub3A_616, %dma_wait3A_715, %dma_wait3A_716] : memref<32x8x8x8x128xf32, #tpu.memory_space<hbm>> -> memref<1x1x1x8x128xf32, #tpu.memory_space<hbm>>
        %dma_wait3A_718 = tpu.memref_squeeze %dma_wait3A_717 : memref<1x1x1x8x128xf32, #tpu.memory_space<hbm>> -> memref<8x128xf32, #tpu.memory_space<hbm>>
        %dma_wait3A_719 = arith.constant 48 : i32
        %dma_wait3A_720 = arith.constant 0 : i32
        %dma_wait3A_721 = tpu.memref_slice %arg8[%dma_wait3A_719, %dma_wait3A_720] : memref<64x128xf32, #tpu.memory_space<vmem>> -> memref<8x128xf32, #tpu.memory_space<vmem>>
        tpu.wait_dma2 semaphore(%arg11 : memref<!tpu.dma_semaphore, #tpu.memory_space<semaphore_mem>>) src(%dma_wait3A_721 : memref<8x128xf32, #tpu.memory_space<vmem>>) dst(%dma_wait3A_718 : memref<8x128xf32, #tpu.memory_space<hbm>>)
        %dma_wait3A_722 = arith.constant 7 : i32
        %dma_wait3A_723 = arith.constant 56 : i32
        %dma_wait3A_724 = arith.constant 0 : i32
        %dma_wait3A_725 = tpu.memref_slice %arg8[%dma_wait3A_723, %dma_wait3A_724] : memref<64x128xf32, #tpu.memory_space<vmem>> -> memref<8x128xf32, #tpu.memory_space<vmem>>
        %dma_wait3A_726 = arith.constant 0 : i32
        %dma_wait3A_727 = arith.constant 0 : i32
        %dma_wait3A_728 = tpu.memref_slice %arg4[%add3A, %dma_wait3A_722, %sub3A_616, %dma_wait3A_726, %dma_wait3A_727] : memref<32x8x8x8x128xf32, #tpu.memory_space<hbm>> -> memref<1x1x1x8x128xf32, #tpu.memory_space<hbm>>
        %dma_wait3A_729 = tpu.memref_squeeze %dma_wait3A_728 : memref<1x1x1x8x128xf32, #tpu.memory_space<hbm>> -> memref<8x128xf32, #tpu.memory_space<hbm>>
        %dma_wait3A_730 = arith.constant 0 : i32
        %dma_wait3A_731 = arith.constant 0 : i32
        %dma_wait3A_732 = tpu.memref_slice %arg4[%add3A, %dma_wait3A_722, %sub3A_616, %dma_wait3A_730, %dma_wait3A_731] : memref<32x8x8x8x128xf32, #tpu.memory_space<hbm>> -> memref<1x1x1x8x128xf32, #tpu.memory_space<hbm>>
        %dma_wait3A_733 = tpu.memref_squeeze %dma_wait3A_732 : memref<1x1x1x8x128xf32, #tpu.memory_space<hbm>> -> memref<8x128xf32, #tpu.memory_space<hbm>>
        %dma_wait3A_734 = arith.constant 56 : i32
        %dma_wait3A_735 = arith.constant 0 : i32
        %dma_wait3A_736 = tpu.memref_slice %arg8[%dma_wait3A_734, %dma_wait3A_735] : memref<64x128xf32, #tpu.memory_space<vmem>> -> memref<8x128xf32, #tpu.memory_space<vmem>>
        tpu.wait_dma2 semaphore(%arg11 : memref<!tpu.dma_semaphore, #tpu.memory_space<semaphore_mem>>) src(%dma_wait3A_736 : memref<8x128xf32, #tpu.memory_space<vmem>>) dst(%dma_wait3A_733 : memref<8x128xf32, #tpu.memory_space<hbm>>)
      } else {
      }
      %get3A_448 = arith.index_cast %add3A_274 : i32 to index
      %get3A_449 = arith.constant 0 : index
      %get3A_450 = tpu.vector_load %arg6[%get3A_448, %get3A_449] {strides = array<i32>} : memref<8x128xi32, #tpu.memory_space<vmem>>, vector<16xi32>,
      %parallel_loop3A_451 = arith.constant 0 : i32
      %parallel_loop3A_452 = arith.constant 64 : i32
      %parallel_loop3A_453 = arith.constant 1 : i32
      scf.for %parallel_loop3A_616 = %parallel_loop3A_451 to %parallel_loop3A_452 step %parallel_loop3A_453  : i32 {
        %parallel_loop3A_617 = arith.constant 0 : i32
        %parallel_loop3A_618 = vector.broadcast %parallel_loop3A_617 : i32 to vector<16xi32>
        %parallel_loop3A_619 = vector.broadcast %parallel_loop3A_616 : i32 to vector<16xi32>
        %parallel_loop3A_620 = arith.addi %parallel_loop3A_618, %parallel_loop3A_619 : vector<16xi32>
        %parallel_loop3A_621 = tpu.vector_load_idx %arg5[%get3A_450, %parallel_loop3A_620] : memref<1024x65xf32, #tpu.memory_space<vmem>>[vector<16xi32>, vector<16xi32>], vector<16xf32>,
        %parallel_loop3A_622 = arith.index_cast %parallel_loop3A_616 : i32 to index
        %parallel_loop3A_623 = arith.constant 0 : index
        %parallel_loop3A_624 = tpu.vector_load %arg8[%parallel_loop3A_622, %parallel_loop3A_623] {strides = array<i32>} : memref<64x128xf32, #tpu.memory_space<vmem>>, vector<16xf32>,
        tpu.vector_store %arg8[%parallel_loop3A_622, %parallel_loop3A_623], %parallel_loop3A_621 {strides = array<i32>} : memref<64x128xf32, #tpu.memory_space<vmem>>, vector<16xf32>,
      } {sc.loop_unroll_factor = 16 : i64, sc.parallel_access}
      %get3A_454 = arith.index_cast %add3A_274 : i32 to index
      %get3A_455 = arith.constant 16 : index
      %get3A_456 = tpu.vector_load %arg6[%get3A_454, %get3A_455] {strides = array<i32>} : memref<8x128xi32, #tpu.memory_space<vmem>>, vector<16xi32>,
      %parallel_loop3A_457 = arith.constant 0 : i32
      %parallel_loop3A_458 = arith.constant 64 : i32
      %parallel_loop3A_459 = arith.constant 1 : i32
      scf.for %parallel_loop3A_616 = %parallel_loop3A_457 to %parallel_loop3A_458 step %parallel_loop3A_459  : i32 {
        %parallel_loop3A_617 = arith.constant 0 : i32
        %parallel_loop3A_618 = vector.broadcast %parallel_loop3A_617 : i32 to vector<16xi32>
        %parallel_loop3A_619 = vector.broadcast %parallel_loop3A_616 : i32 to vector<16xi32>
        %parallel_loop3A_620 = arith.addi %parallel_loop3A_618, %parallel_loop3A_619 : vector<16xi32>
        %parallel_loop3A_621 = tpu.vector_load_idx %arg5[%get3A_456, %parallel_loop3A_620] : memref<1024x65xf32, #tpu.memory_space<vmem>>[vector<16xi32>, vector<16xi32>], vector<16xf32>,
        %parallel_loop3A_622 = arith.index_cast %parallel_loop3A_616 : i32 to index
        %parallel_loop3A_623 = arith.constant 16 : index
        %parallel_loop3A_624 = tpu.vector_load %arg8[%parallel_loop3A_622, %parallel_loop3A_623] {strides = array<i32>} : memref<64x128xf32, #tpu.memory_space<vmem>>, vector<16xf32>,
        tpu.vector_store %arg8[%parallel_loop3A_622, %parallel_loop3A_623], %parallel_loop3A_621 {strides = array<i32>} : memref<64x128xf32, #tpu.memory_space<vmem>>, vector<16xf32>,
      } {sc.loop_unroll_factor = 16 : i64, sc.parallel_access}
      %get3A_460 = arith.index_cast %add3A_274 : i32 to index
      %get3A_461 = arith.constant 32 : index
      %get3A_462 = tpu.vector_load %arg6[%get3A_460, %get3A_461] {strides = array<i32>} : memref<8x128xi32, #tpu.memory_space<vmem>>, vector<16xi32>,
      %parallel_loop3A_463 = arith.constant 0 : i32
      %parallel_loop3A_464 = arith.constant 64 : i32
      %parallel_loop3A_465 = arith.constant 1 : i32
      scf.for %parallel_loop3A_616 = %parallel_loop3A_463 to %parallel_loop3A_464 step %parallel_loop3A_465  : i32 {
        %parallel_loop3A_617 = arith.constant 0 : i32
        %parallel_loop3A_618 = vector.broadcast %parallel_loop3A_617 : i32 to vector<16xi32>
        %parallel_loop3A_619 = vector.broadcast %parallel_loop3A_616 : i32 to vector<16xi32>
        %parallel_loop3A_620 = arith.addi %parallel_loop3A_618, %parallel_loop3A_619 : vector<16xi32>
        %parallel_loop3A_621 = tpu.vector_load_idx %arg5[%get3A_462, %parallel_loop3A_620] : memref<1024x65xf32, #tpu.memory_space<vmem>>[vector<16xi32>, vector<16xi32>], vector<16xf32>,
        %parallel_loop3A_622 = arith.index_cast %parallel_loop3A_616 : i32 to index
        %parallel_loop3A_623 = arith.constant 32 : index
        %parallel_loop3A_624 = tpu.vector_load %arg8[%parallel_loop3A_622, %parallel_loop3A_623] {strides = array<i32>} : memref<64x128xf32, #tpu.memory_space<vmem>>, vector<16xf32>,
        tpu.vector_store %arg8[%parallel_loop3A_622, %parallel_loop3A_623], %parallel_loop3A_621 {strides = array<i32>} : memref<64x128xf32, #tpu.memory_space<vmem>>, vector<16xf32>,
      } {sc.loop_unroll_factor = 16 : i64, sc.parallel_access}
      %get3A_466 = arith.index_cast %add3A_274 : i32 to index
      %get3A_467 = arith.constant 48 : index
      %get3A_468 = tpu.vector_load %arg6[%get3A_466, %get3A_467] {strides = array<i32>} : memref<8x128xi32, #tpu.memory_space<vmem>>, vector<16xi32>,
      %parallel_loop3A_469 = arith.constant 0 : i32
      %parallel_loop3A_470 = arith.constant 64 : i32
      %parallel_loop3A_471 = arith.constant 1 : i32
      scf.for %parallel_loop3A_616 = %parallel_loop3A_469 to %parallel_loop3A_470 step %parallel_loop3A_471  : i32 {
        %parallel_loop3A_617 = arith.constant 0 : i32
        %parallel_loop3A_618 = vector.broadcast %parallel_loop3A_617 : i32 to vector<16xi32>
        %parallel_loop3A_619 = vector.broadcast %parallel_loop3A_616 : i32 to vector<16xi32>
        %parallel_loop3A_620 = arith.addi %parallel_loop3A_618, %parallel_loop3A_619 : vector<16xi32>
        %parallel_loop3A_621 = tpu.vector_load_idx %arg5[%get3A_468, %parallel_loop3A_620] : memref<1024x65xf32, #tpu.memory_space<vmem>>[vector<16xi32>, vector<16xi32>], vector<16xf32>,
        %parallel_loop3A_622 = arith.index_cast %parallel_loop3A_616 : i32 to index
        %parallel_loop3A_623 = arith.constant 48 : index
        %parallel_loop3A_624 = tpu.vector_load %arg8[%parallel_loop3A_622, %parallel_loop3A_623] {strides = array<i32>} : memref<64x128xf32, #tpu.memory_space<vmem>>, vector<16xf32>,
        tpu.vector_store %arg8[%parallel_loop3A_622, %parallel_loop3A_623], %parallel_loop3A_621 {strides = array<i32>} : memref<64x128xf32, #tpu.memory_space<vmem>>, vector<16xf32>,
      } {sc.loop_unroll_factor = 16 : i64, sc.parallel_access}
      %get3A_472 = arith.index_cast %add3A_274 : i32 to index
      %get3A_473 = arith.constant 64 : index
      %get3A_474 = tpu.vector_load %arg6[%get3A_472, %get3A_473] {strides = array<i32>} : memref<8x128xi32, #tpu.memory_space<vmem>>, vector<16xi32>,
      %parallel_loop3A_475 = arith.constant 0 : i32
      %parallel_loop3A_476 = arith.constant 64 : i32
      %parallel_loop3A_477 = arith.constant 1 : i32
      scf.for %parallel_loop3A_616 = %parallel_loop3A_475 to %parallel_loop3A_476 step %parallel_loop3A_477  : i32 {
        %parallel_loop3A_617 = arith.constant 0 : i32
        %parallel_loop3A_618 = vector.broadcast %parallel_loop3A_617 : i32 to vector<16xi32>
        %parallel_loop3A_619 = vector.broadcast %parallel_loop3A_616 : i32 to vector<16xi32>
        %parallel_loop3A_620 = arith.addi %parallel_loop3A_618, %parallel_loop3A_619 : vector<16xi32>
        %parallel_loop3A_621 = tpu.vector_load_idx %arg5[%get3A_474, %parallel_loop3A_620] : memref<1024x65xf32, #tpu.memory_space<vmem>>[vector<16xi32>, vector<16xi32>], vector<16xf32>,
        %parallel_loop3A_622 = arith.index_cast %parallel_loop3A_616 : i32 to index
        %parallel_loop3A_623 = arith.constant 64 : index
        %parallel_loop3A_624 = tpu.vector_load %arg8[%parallel_loop3A_622, %parallel_loop3A_623] {strides = array<i32>} : memref<64x128xf32, #tpu.memory_space<vmem>>, vector<16xf32>,
        tpu.vector_store %arg8[%parallel_loop3A_622, %parallel_loop3A_623], %parallel_loop3A_621 {strides = array<i32>} : memref<64x128xf32, #tpu.memory_space<vmem>>, vector<16xf32>,
      } {sc.loop_unroll_factor = 16 : i64, sc.parallel_access}
      %get3A_478 = arith.index_cast %add3A_274 : i32 to index
      %get3A_479 = arith.constant 80 : index
      %get3A_480 = tpu.vector_load %arg6[%get3A_478, %get3A_479] {strides = array<i32>} : memref<8x128xi32, #tpu.memory_space<vmem>>, vector<16xi32>,
      %parallel_loop3A_481 = arith.constant 0 : i32
      %parallel_loop3A_482 = arith.constant 64 : i32
      %parallel_loop3A_483 = arith.constant 1 : i32
      scf.for %parallel_loop3A_616 = %parallel_loop3A_481 to %parallel_loop3A_482 step %parallel_loop3A_483  : i32 {
        %parallel_loop3A_617 = arith.constant 0 : i32
        %parallel_loop3A_618 = vector.broadcast %parallel_loop3A_617 : i32 to vector<16xi32>
        %parallel_loop3A_619 = vector.broadcast %parallel_loop3A_616 : i32 to vector<16xi32>
        %parallel_loop3A_620 = arith.addi %parallel_loop3A_618, %parallel_loop3A_619 : vector<16xi32>
        %parallel_loop3A_621 = tpu.vector_load_idx %arg5[%get3A_480, %parallel_loop3A_620] : memref<1024x65xf32, #tpu.memory_space<vmem>>[vector<16xi32>, vector<16xi32>], vector<16xf32>,
        %parallel_loop3A_622 = arith.index_cast %parallel_loop3A_616 : i32 to index
        %parallel_loop3A_623 = arith.constant 80 : index
        %parallel_loop3A_624 = tpu.vector_load %arg8[%parallel_loop3A_622, %parallel_loop3A_623] {strides = array<i32>} : memref<64x128xf32, #tpu.memory_space<vmem>>, vector<16xf32>,
        tpu.vector_store %arg8[%parallel_loop3A_622, %parallel_loop3A_623], %parallel_loop3A_621 {strides = array<i32>} : memref<64x128xf32, #tpu.memory_space<vmem>>, vector<16xf32>,
      } {sc.loop_unroll_factor = 16 : i64, sc.parallel_access}
      %get3A_484 = arith.index_cast %add3A_274 : i32 to index
      %get3A_485 = arith.constant 96 : index
      %get3A_486 = tpu.vector_load %arg6[%get3A_484, %get3A_485] {strides = array<i32>} : memref<8x128xi32, #tpu.memory_space<vmem>>, vector<16xi32>,
      %parallel_loop3A_487 = arith.constant 0 : i32
      %parallel_loop3A_488 = arith.constant 64 : i32
      %parallel_loop3A_489 = arith.constant 1 : i32
      scf.for %parallel_loop3A_616 = %parallel_loop3A_487 to %parallel_loop3A_488 step %parallel_loop3A_489  : i32 {
        %parallel_loop3A_617 = arith.constant 0 : i32
        %parallel_loop3A_618 = vector.broadcast %parallel_loop3A_617 : i32 to vector<16xi32>
        %parallel_loop3A_619 = vector.broadcast %parallel_loop3A_616 : i32 to vector<16xi32>
        %parallel_loop3A_620 = arith.addi %parallel_loop3A_618, %parallel_loop3A_619 : vector<16xi32>
        %parallel_loop3A_621 = tpu.vector_load_idx %arg5[%get3A_486, %parallel_loop3A_620] : memref<1024x65xf32, #tpu.memory_space<vmem>>[vector<16xi32>, vector<16xi32>], vector<16xf32>,
        %parallel_loop3A_622 = arith.index_cast %parallel_loop3A_616 : i32 to index
        %parallel_loop3A_623 = arith.constant 96 : index
        %parallel_loop3A_624 = tpu.vector_load %arg8[%parallel_loop3A_622, %parallel_loop3A_623] {strides = array<i32>} : memref<64x128xf32, #tpu.memory_space<vmem>>, vector<16xf32>,
        tpu.vector_store %arg8[%parallel_loop3A_622, %parallel_loop3A_623], %parallel_loop3A_621 {strides = array<i32>} : memref<64x128xf32, #tpu.memory_space<vmem>>, vector<16xf32>,
      } {sc.loop_unroll_factor = 16 : i64, sc.parallel_access}
      %get3A_490 = arith.index_cast %add3A_274 : i32 to index
      %get3A_491 = arith.constant 112 : index
      %get3A_492 = tpu.vector_load %arg6[%get3A_490, %get3A_491] {strides = array<i32>} : memref<8x128xi32, #tpu.memory_space<vmem>>, vector<16xi32>,
      %parallel_loop3A_493 = arith.constant 0 : i32
      %parallel_loop3A_494 = arith.constant 64 : i32
      %parallel_loop3A_495 = arith.constant 1 : i32
      scf.for %parallel_loop3A_616 = %parallel_loop3A_493 to %parallel_loop3A_494 step %parallel_loop3A_495  : i32 {
        %parallel_loop3A_617 = arith.constant 0 : i32
        %parallel_loop3A_618 = vector.broadcast %parallel_loop3A_617 : i32 to vector<16xi32>
        %parallel_loop3A_619 = vector.broadcast %parallel_loop3A_616 : i32 to vector<16xi32>
        %parallel_loop3A_620 = arith.addi %parallel_loop3A_618, %parallel_loop3A_619 : vector<16xi32>
        %parallel_loop3A_621 = tpu.vector_load_idx %arg5[%get3A_492, %parallel_loop3A_620] : memref<1024x65xf32, #tpu.memory_space<vmem>>[vector<16xi32>, vector<16xi32>], vector<16xf32>,
        %parallel_loop3A_622 = arith.index_cast %parallel_loop3A_616 : i32 to index
        %parallel_loop3A_623 = arith.constant 112 : index
        %parallel_loop3A_624 = tpu.vector_load %arg8[%parallel_loop3A_622, %parallel_loop3A_623] {strides = array<i32>} : memref<64x128xf32, #tpu.memory_space<vmem>>, vector<16xf32>,
        tpu.vector_store %arg8[%parallel_loop3A_622, %parallel_loop3A_623], %parallel_loop3A_621 {strides = array<i32>} : memref<64x128xf32, #tpu.memory_space<vmem>>, vector<16xf32>,
      } {sc.loop_unroll_factor = 16 : i64, sc.parallel_access}
      %dma_start3A_496 = arith.constant 0 : i32
      %dma_start3A_497 = arith.constant 0 : i32
      %dma_start3A_498 = arith.constant 0 : i32
      %dma_start3A_499 = tpu.memref_slice %arg8[%dma_start3A_497, %dma_start3A_498] : memref<64x128xf32, #tpu.memory_space<vmem>> -> memref<8x128xf32, #tpu.memory_space<vmem>>
      %dma_start3A_500 = arith.constant 0 : i32
      %dma_start3A_501 = arith.constant 0 : i32
      %dma_start3A_502 = tpu.memref_slice %arg4[%add3A, %dma_start3A_496, %add3A_274, %dma_start3A_500, %dma_start3A_501] : memref<32x8x8x8x128xf32, #tpu.memory_space<hbm>> -> memref<1x1x1x8x128xf32, #tpu.memory_space<hbm>>
      %dma_start3A_503 = tpu.memref_squeeze %dma_start3A_502 : memref<1x1x1x8x128xf32, #tpu.memory_space<hbm>> -> memref<8x128xf32, #tpu.memory_space<hbm>>
      %dma_start3A_504 = arith.constant 0 : i32
      %dma_start3A_505 = arith.constant 0 : i32
      %dma_start3A_506 = tpu.memref_slice %arg4[%add3A, %dma_start3A_496, %add3A_274, %dma_start3A_504, %dma_start3A_505] : memref<32x8x8x8x128xf32, #tpu.memory_space<hbm>> -> memref<1x1x1x8x128xf32, #tpu.memory_space<hbm>>
      %dma_start3A_507 = tpu.memref_squeeze %dma_start3A_506 : memref<1x1x1x8x128xf32, #tpu.memory_space<hbm>> -> memref<8x128xf32, #tpu.memory_space<hbm>>
      %dma_start3A_508 = arith.constant 0 : i32
      %dma_start3A_509 = arith.constant 0 : i32
      %dma_start3A_510 = tpu.memref_slice %arg8[%dma_start3A_508, %dma_start3A_509] : memref<64x128xf32, #tpu.memory_space<vmem>> -> memref<8x128xf32, #tpu.memory_space<vmem>>
      tpu.enqueue_dma source(%dma_start3A_510 : memref<8x128xf32, #tpu.memory_space<vmem>>) target(%dma_start3A_507 : memref<8x128xf32, #tpu.memory_space<hbm>>) target_semaphore(%arg11 : memref<!tpu.dma_semaphore, #tpu.memory_space<semaphore_mem>>)
      %dma_start3A_511 = arith.constant 1 : i32
      %dma_start3A_512 = arith.constant 8 : i32
      %dma_start3A_513 = arith.constant 0 : i32
      %dma_start3A_514 = tpu.memref_slice %arg8[%dma_start3A_512, %dma_start3A_513] : memref<64x128xf32, #tpu.memory_space<vmem>> -> memref<8x128xf32, #tpu.memory_space<vmem>>
      %dma_start3A_515 = arith.constant 0 : i32
      %dma_start3A_516 = arith.constant 0 : i32
      %dma_start3A_517 = tpu.memref_slice %arg4[%add3A, %dma_start3A_511, %add3A_274, %dma_start3A_515, %dma_start3A_516] : memref<32x8x8x8x128xf32, #tpu.memory_space<hbm>> -> memref<1x1x1x8x128xf32, #tpu.memory_space<hbm>>
      %dma_start3A_518 = tpu.memref_squeeze %dma_start3A_517 : memref<1x1x1x8x128xf32, #tpu.memory_space<hbm>> -> memref<8x128xf32, #tpu.memory_space<hbm>>
      %dma_start3A_519 = arith.constant 0 : i32
      %dma_start3A_520 = arith.constant 0 : i32
      %dma_start3A_521 = tpu.memref_slice %arg4[%add3A, %dma_start3A_511, %add3A_274, %dma_start3A_519, %dma_start3A_520] : memref<32x8x8x8x128xf32, #tpu.memory_space<hbm>> -> memref<1x1x1x8x128xf32, #tpu.memory_space<hbm>>
      %dma_start3A_522 = tpu.memref_squeeze %dma_start3A_521 : memref<1x1x1x8x128xf32, #tpu.memory_space<hbm>> -> memref<8x128xf32, #tpu.memory_space<hbm>>
      %dma_start3A_523 = arith.constant 8 : i32
      %dma_start3A_524 = arith.constant 0 : i32
      %dma_start3A_525 = tpu.memref_slice %arg8[%dma_start3A_523, %dma_start3A_524] : memref<64x128xf32, #tpu.memory_space<vmem>> -> memref<8x128xf32, #tpu.memory_space<vmem>>
      tpu.enqueue_dma source(%dma_start3A_525 : memref<8x128xf32, #tpu.memory_space<vmem>>) target(%dma_start3A_522 : memref<8x128xf32, #tpu.memory_space<hbm>>) target_semaphore(%arg11 : memref<!tpu.dma_semaphore, #tpu.memory_space<semaphore_mem>>)
      %dma_start3A_526 = arith.constant 2 : i32
      %dma_start3A_527 = arith.constant 16 : i32
      %dma_start3A_528 = arith.constant 0 : i32
      %dma_start3A_529 = tpu.memref_slice %arg8[%dma_start3A_527, %dma_start3A_528] : memref<64x128xf32, #tpu.memory_space<vmem>> -> memref<8x128xf32, #tpu.memory_space<vmem>>
      %dma_start3A_530 = arith.constant 0 : i32
      %dma_start3A_531 = arith.constant 0 : i32
      %dma_start3A_532 = tpu.memref_slice %arg4[%add3A, %dma_start3A_526, %add3A_274, %dma_start3A_530, %dma_start3A_531] : memref<32x8x8x8x128xf32, #tpu.memory_space<hbm>> -> memref<1x1x1x8x128xf32, #tpu.memory_space<hbm>>
      %dma_start3A_533 = tpu.memref_squeeze %dma_start3A_532 : memref<1x1x1x8x128xf32, #tpu.memory_space<hbm>> -> memref<8x128xf32, #tpu.memory_space<hbm>>
      %dma_start3A_534 = arith.constant 0 : i32
      %dma_start3A_535 = arith.constant 0 : i32
      %dma_start3A_536 = tpu.memref_slice %arg4[%add3A, %dma_start3A_526, %add3A_274, %dma_start3A_534, %dma_start3A_535] : memref<32x8x8x8x128xf32, #tpu.memory_space<hbm>> -> memref<1x1x1x8x128xf32, #tpu.memory_space<hbm>>
      %dma_start3A_537 = tpu.memref_squeeze %dma_start3A_536 : memref<1x1x1x8x128xf32, #tpu.memory_space<hbm>> -> memref<8x128xf32, #tpu.memory_space<hbm>>
      %dma_start3A_538 = arith.constant 16 : i32
      %dma_start3A_539 = arith.constant 0 : i32
      %dma_start3A_540 = tpu.memref_slice %arg8[%dma_start3A_538, %dma_start3A_539] : memref<64x128xf32, #tpu.memory_space<vmem>> -> memref<8x128xf32, #tpu.memory_space<vmem>>
      tpu.enqueue_dma source(%dma_start3A_540 : memref<8x128xf32, #tpu.memory_space<vmem>>) target(%dma_start3A_537 : memref<8x128xf32, #tpu.memory_space<hbm>>) target_semaphore(%arg11 : memref<!tpu.dma_semaphore, #tpu.memory_space<semaphore_mem>>)
      %dma_start3A_541 = arith.constant 3 : i32
      %dma_start3A_542 = arith.constant 24 : i32
      %dma_start3A_543 = arith.constant 0 : i32
      %dma_start3A_544 = tpu.memref_slice %arg8[%dma_start3A_542, %dma_start3A_543] : memref<64x128xf32, #tpu.memory_space<vmem>> -> memref<8x128xf32, #tpu.memory_space<vmem>>
      %dma_start3A_545 = arith.constant 0 : i32
      %dma_start3A_546 = arith.constant 0 : i32
      %dma_start3A_547 = tpu.memref_slice %arg4[%add3A, %dma_start3A_541, %add3A_274, %dma_start3A_545, %dma_start3A_546] : memref<32x8x8x8x128xf32, #tpu.memory_space<hbm>> -> memref<1x1x1x8x128xf32, #tpu.memory_space<hbm>>
      %dma_start3A_548 = tpu.memref_squeeze %dma_start3A_547 : memref<1x1x1x8x128xf32, #tpu.memory_space<hbm>> -> memref<8x128xf32, #tpu.memory_space<hbm>>
      %dma_start3A_549 = arith.constant 0 : i32
      %dma_start3A_550 = arith.constant 0 : i32
      %dma_start3A_551 = tpu.memref_slice %arg4[%add3A, %dma_start3A_541, %add3A_274, %dma_start3A_549, %dma_start3A_550] : memref<32x8x8x8x128xf32, #tpu.memory_space<hbm>> -> memref<1x1x1x8x128xf32, #tpu.memory_space<hbm>>
      %dma_start3A_552 = tpu.memref_squeeze %dma_start3A_551 : memref<1x1x1x8x128xf32, #tpu.memory_space<hbm>> -> memref<8x128xf32, #tpu.memory_space<hbm>>
      %dma_start3A_553 = arith.constant 24 : i32
      %dma_start3A_554 = arith.constant 0 : i32
      %dma_start3A_555 = tpu.memref_slice %arg8[%dma_start3A_553, %dma_start3A_554] : memref<64x128xf32, #tpu.memory_space<vmem>> -> memref<8x128xf32, #tpu.memory_space<vmem>>
      tpu.enqueue_dma source(%dma_start3A_555 : memref<8x128xf32, #tpu.memory_space<vmem>>) target(%dma_start3A_552 : memref<8x128xf32, #tpu.memory_space<hbm>>) target_semaphore(%arg11 : memref<!tpu.dma_semaphore, #tpu.memory_space<semaphore_mem>>)
      %dma_start3A_556 = arith.constant 4 : i32
      %dma_start3A_557 = arith.constant 32 : i32
      %dma_start3A_558 = arith.constant 0 : i32
      %dma_start3A_559 = tpu.memref_slice %arg8[%dma_start3A_557, %dma_start3A_558] : memref<64x128xf32, #tpu.memory_space<vmem>> -> memref<8x128xf32, #tpu.memory_space<vmem>>
      %dma_start3A_560 = arith.constant 0 : i32
      %dma_start3A_561 = arith.constant 0 : i32
      %dma_start3A_562 = tpu.memref_slice %arg4[%add3A, %dma_start3A_556, %add3A_274, %dma_start3A_560, %dma_start3A_561] : memref<32x8x8x8x128xf32, #tpu.memory_space<hbm>> -> memref<1x1x1x8x128xf32, #tpu.memory_space<hbm>>
      %dma_start3A_563 = tpu.memref_squeeze %dma_start3A_562 : memref<1x1x1x8x128xf32, #tpu.memory_space<hbm>> -> memref<8x128xf32, #tpu.memory_space<hbm>>
      %dma_start3A_564 = arith.constant 0 : i32
      %dma_start3A_565 = arith.constant 0 : i32
      %dma_start3A_566 = tpu.memref_slice %arg4[%add3A, %dma_start3A_556, %add3A_274, %dma_start3A_564, %dma_start3A_565] : memref<32x8x8x8x128xf32, #tpu.memory_space<hbm>> -> memref<1x1x1x8x128xf32, #tpu.memory_space<hbm>>
      %dma_start3A_567 = tpu.memref_squeeze %dma_start3A_566 : memref<1x1x1x8x128xf32, #tpu.memory_space<hbm>> -> memref<8x128xf32, #tpu.memory_space<hbm>>
      %dma_start3A_568 = arith.constant 32 : i32
      %dma_start3A_569 = arith.constant 0 : i32
      %dma_start3A_570 = tpu.memref_slice %arg8[%dma_start3A_568, %dma_start3A_569] : memref<64x128xf32, #tpu.memory_space<vmem>> -> memref<8x128xf32, #tpu.memory_space<vmem>>
      tpu.enqueue_dma source(%dma_start3A_570 : memref<8x128xf32, #tpu.memory_space<vmem>>) target(%dma_start3A_567 : memref<8x128xf32, #tpu.memory_space<hbm>>) target_semaphore(%arg11 : memref<!tpu.dma_semaphore, #tpu.memory_space<semaphore_mem>>)
      %dma_start3A_571 = arith.constant 5 : i32
      %dma_start3A_572 = arith.constant 40 : i32
      %dma_start3A_573 = arith.constant 0 : i32
      %dma_start3A_574 = tpu.memref_slice %arg8[%dma_start3A_572, %dma_start3A_573] : memref<64x128xf32, #tpu.memory_space<vmem>> -> memref<8x128xf32, #tpu.memory_space<vmem>>
      %dma_start3A_575 = arith.constant 0 : i32
      %dma_start3A_576 = arith.constant 0 : i32
      %dma_start3A_577 = tpu.memref_slice %arg4[%add3A, %dma_start3A_571, %add3A_274, %dma_start3A_575, %dma_start3A_576] : memref<32x8x8x8x128xf32, #tpu.memory_space<hbm>> -> memref<1x1x1x8x128xf32, #tpu.memory_space<hbm>>
      %dma_start3A_578 = tpu.memref_squeeze %dma_start3A_577 : memref<1x1x1x8x128xf32, #tpu.memory_space<hbm>> -> memref<8x128xf32, #tpu.memory_space<hbm>>
      %dma_start3A_579 = arith.constant 0 : i32
      %dma_start3A_580 = arith.constant 0 : i32
      %dma_start3A_581 = tpu.memref_slice %arg4[%add3A, %dma_start3A_571, %add3A_274, %dma_start3A_579, %dma_start3A_580] : memref<32x8x8x8x128xf32, #tpu.memory_space<hbm>> -> memref<1x1x1x8x128xf32, #tpu.memory_space<hbm>>
      %dma_start3A_582 = tpu.memref_squeeze %dma_start3A_581 : memref<1x1x1x8x128xf32, #tpu.memory_space<hbm>> -> memref<8x128xf32, #tpu.memory_space<hbm>>
      %dma_start3A_583 = arith.constant 40 : i32
      %dma_start3A_584 = arith.constant 0 : i32
      %dma_start3A_585 = tpu.memref_slice %arg8[%dma_start3A_583, %dma_start3A_584] : memref<64x128xf32, #tpu.memory_space<vmem>> -> memref<8x128xf32, #tpu.memory_space<vmem>>
      tpu.enqueue_dma source(%dma_start3A_585 : memref<8x128xf32, #tpu.memory_space<vmem>>) target(%dma_start3A_582 : memref<8x128xf32, #tpu.memory_space<hbm>>) target_semaphore(%arg11 : memref<!tpu.dma_semaphore, #tpu.memory_space<semaphore_mem>>)
      %dma_start3A_586 = arith.constant 6 : i32
      %dma_start3A_587 = arith.constant 48 : i32
      %dma_start3A_588 = arith.constant 0 : i32
      %dma_start3A_589 = tpu.memref_slice %arg8[%dma_start3A_587, %dma_start3A_588] : memref<64x128xf32, #tpu.memory_space<vmem>> -> memref<8x128xf32, #tpu.memory_space<vmem>>
      %dma_start3A_590 = arith.constant 0 : i32
      %dma_start3A_591 = arith.constant 0 : i32
      %dma_start3A_592 = tpu.memref_slice %arg4[%add3A, %dma_start3A_586, %add3A_274, %dma_start3A_590, %dma_start3A_591] : memref<32x8x8x8x128xf32, #tpu.memory_space<hbm>> -> memref<1x1x1x8x128xf32, #tpu.memory_space<hbm>>
      %dma_start3A_593 = tpu.memref_squeeze %dma_start3A_592 : memref<1x1x1x8x128xf32, #tpu.memory_space<hbm>> -> memref<8x128xf32, #tpu.memory_space<hbm>>
      %dma_start3A_594 = arith.constant 0 : i32
      %dma_start3A_595 = arith.constant 0 : i32
      %dma_start3A_596 = tpu.memref_slice %arg4[%add3A, %dma_start3A_586, %add3A_274, %dma_start3A_594, %dma_start3A_595] : memref<32x8x8x8x128xf32, #tpu.memory_space<hbm>> -> memref<1x1x1x8x128xf32, #tpu.memory_space<hbm>>
      %dma_start3A_597 = tpu.memref_squeeze %dma_start3A_596 : memref<1x1x1x8x128xf32, #tpu.memory_space<hbm>> -> memref<8x128xf32, #tpu.memory_space<hbm>>
      %dma_start3A_598 = arith.constant 48 : i32
      %dma_start3A_599 = arith.constant 0 : i32
      %dma_start3A_600 = tpu.memref_slice %arg8[%dma_start3A_598, %dma_start3A_599] : memref<64x128xf32, #tpu.memory_space<vmem>> -> memref<8x128xf32, #tpu.memory_space<vmem>>
      tpu.enqueue_dma source(%dma_start3A_600 : memref<8x128xf32, #tpu.memory_space<vmem>>) target(%dma_start3A_597 : memref<8x128xf32, #tpu.memory_space<hbm>>) target_semaphore(%arg11 : memref<!tpu.dma_semaphore, #tpu.memory_space<semaphore_mem>>)
      %dma_start3A_601 = arith.constant 7 : i32
      %dma_start3A_602 = arith.constant 56 : i32
      %dma_start3A_603 = arith.constant 0 : i32
      %dma_start3A_604 = tpu.memref_slice %arg8[%dma_start3A_602, %dma_start3A_603] : memref<64x128xf32, #tpu.memory_space<vmem>> -> memref<8x128xf32, #tpu.memory_space<vmem>>
      %dma_start3A_605 = arith.constant 0 : i32
      %dma_start3A_606 = arith.constant 0 : i32
      %dma_start3A_607 = tpu.memref_slice %arg4[%add3A, %dma_start3A_601, %add3A_274, %dma_start3A_605, %dma_start3A_606] : memref<32x8x8x8x128xf32, #tpu.memory_space<hbm>> -> memref<1x1x1x8x128xf32, #tpu.memory_space<hbm>>
      %dma_start3A_608 = tpu.memref_squeeze %dma_start3A_607 : memref<1x1x1x8x128xf32, #tpu.memory_space<hbm>> -> memref<8x128xf32, #tpu.memory_space<hbm>>
      %dma_start3A_609 = arith.constant 0 : i32
      %dma_start3A_610 = arith.constant 0 : i32
      %dma_start3A_611 = tpu.memref_slice %arg4[%add3A, %dma_start3A_601, %add3A_274, %dma_start3A_609, %dma_start3A_610] : memref<32x8x8x8x128xf32, #tpu.memory_space<hbm>> -> memref<1x1x1x8x128xf32, #tpu.memory_space<hbm>>
      %dma_start3A_612 = tpu.memref_squeeze %dma_start3A_611 : memref<1x1x1x8x128xf32, #tpu.memory_space<hbm>> -> memref<8x128xf32, #tpu.memory_space<hbm>>
      %dma_start3A_613 = arith.constant 56 : i32
      %dma_start3A_614 = arith.constant 0 : i32
      %dma_start3A_615 = tpu.memref_slice %arg8[%dma_start3A_613, %dma_start3A_614] : memref<64x128xf32, #tpu.memory_space<vmem>> -> memref<8x128xf32, #tpu.memory_space<vmem>>
      tpu.enqueue_dma source(%dma_start3A_615 : memref<8x128xf32, #tpu.memory_space<vmem>>) target(%dma_start3A_612 : memref<8x128xf32, #tpu.memory_space<hbm>>) target_semaphore(%arg11 : memref<!tpu.dma_semaphore, #tpu.memory_space<semaphore_mem>>)
    }
    %scan3A_13 = arith.constant 4 : i32
    %dma_wait3A_14 = arith.constant 0 : i32
    %dma_wait3A_15 = arith.constant 6 : i32
    %dma_wait3A_16 = arith.constant 0 : i32
    %dma_wait3A_17 = arith.constant 0 : i32
    %dma_wait3A_18 = tpu.memref_slice %arg7[%dma_wait3A_16, %dma_wait3A_17] : memref<64x128xf32, #tpu.memory_space<vmem>> -> memref<8x128xf32, #tpu.memory_space<vmem>>
    %dma_wait3A_19 = arith.constant 0 : i32
    %dma_wait3A_20 = arith.constant 0 : i32
    %dma_wait3A_21 = tpu.memref_slice %arg4[%add3A, %dma_wait3A_14, %dma_wait3A_15, %dma_wait3A_19, %dma_wait3A_20] : memref<32x8x8x8x128xf32, #tpu.memory_space<hbm>> -> memref<1x1x1x8x128xf32, #tpu.memory_space<hbm>>
    %dma_wait3A_22 = tpu.memref_squeeze %dma_wait3A_21 : memref<1x1x1x8x128xf32, #tpu.memory_space<hbm>> -> memref<8x128xf32, #tpu.memory_space<hbm>>
    %dma_wait3A_23 = arith.constant 0 : i32
    %dma_wait3A_24 = arith.constant 0 : i32
    %dma_wait3A_25 = tpu.memref_slice %arg4[%add3A, %dma_wait3A_14, %dma_wait3A_15, %dma_wait3A_23, %dma_wait3A_24] : memref<32x8x8x8x128xf32, #tpu.memory_space<hbm>> -> memref<1x1x1x8x128xf32, #tpu.memory_space<hbm>>
    %dma_wait3A_26 = tpu.memref_squeeze %dma_wait3A_25 : memref<1x1x1x8x128xf32, #tpu.memory_space<hbm>> -> memref<8x128xf32, #tpu.memory_space<hbm>>
    %dma_wait3A_27 = arith.constant 0 : i32
    %dma_wait3A_28 = arith.constant 0 : i32
    %dma_wait3A_29 = tpu.memref_slice %arg7[%dma_wait3A_27, %dma_wait3A_28] : memref<64x128xf32, #tpu.memory_space<vmem>> -> memref<8x128xf32, #tpu.memory_space<vmem>>
    tpu.wait_dma2 semaphore(%arg10 : memref<!tpu.dma_semaphore, #tpu.memory_space<semaphore_mem>>) src(%dma_wait3A_29 : memref<8x128xf32, #tpu.memory_space<vmem>>) dst(%dma_wait3A_26 : memref<8x128xf32, #tpu.memory_space<hbm>>)
    %dma_wait3A_30 = arith.constant 1 : i32
    %dma_wait3A_31 = arith.constant 6 : i32
    %dma_wait3A_32 = arith.constant 8 : i32
    %dma_wait3A_33 = arith.constant 0 : i32
    %dma_wait3A_34 = tpu.memref_slice %arg7[%dma_wait3A_32, %dma_wait3A_33] : memref<64x128xf32, #tpu.memory_space<vmem>> -> memref<8x128xf32, #tpu.memory_space<vmem>>
    %dma_wait3A_35 = arith.constant 0 : i32
    %dma_wait3A_36 = arith.constant 0 : i32
    %dma_wait3A_37 = tpu.memref_slice %arg4[%add3A, %dma_wait3A_30, %dma_wait3A_31, %dma_wait3A_35, %dma_wait3A_36] : memref<32x8x8x8x128xf32, #tpu.memory_space<hbm>> -> memref<1x1x1x8x128xf32, #tpu.memory_space<hbm>>
    %dma_wait3A_38 = tpu.memref_squeeze %dma_wait3A_37 : memref<1x1x1x8x128xf32, #tpu.memory_space<hbm>> -> memref<8x128xf32, #tpu.memory_space<hbm>>
    %dma_wait3A_39 = arith.constant 0 : i32
    %dma_wait3A_40 = arith.constant 0 : i32
    %dma_wait3A_41 = tpu.memref_slice %arg4[%add3A, %dma_wait3A_30, %dma_wait3A_31, %dma_wait3A_39, %dma_wait3A_40] : memref<32x8x8x8x128xf32, #tpu.memory_space<hbm>> -> memref<1x1x1x8x128xf32, #tpu.memory_space<hbm>>
    %dma_wait3A_42 = tpu.memref_squeeze %dma_wait3A_41 : memref<1x1x1x8x128xf32, #tpu.memory_space<hbm>> -> memref<8x128xf32, #tpu.memory_space<hbm>>
    %dma_wait3A_43 = arith.constant 8 : i32
    %dma_wait3A_44 = arith.constant 0 : i32
    %dma_wait3A_45 = tpu.memref_slice %arg7[%dma_wait3A_43, %dma_wait3A_44] : memref<64x128xf32, #tpu.memory_space<vmem>> -> memref<8x128xf32, #tpu.memory_space<vmem>>
    tpu.wait_dma2 semaphore(%arg10 : memref<!tpu.dma_semaphore, #tpu.memory_space<semaphore_mem>>) src(%dma_wait3A_45 : memref<8x128xf32, #tpu.memory_space<vmem>>) dst(%dma_wait3A_42 : memref<8x128xf32, #tpu.memory_space<hbm>>)
    %dma_wait3A_46 = arith.constant 2 : i32
    %dma_wait3A_47 = arith.constant 6 : i32
    %dma_wait3A_48 = arith.constant 16 : i32
    %dma_wait3A_49 = arith.constant 0 : i32
    %dma_wait3A_50 = tpu.memref_slice %arg7[%dma_wait3A_48, %dma_wait3A_49] : memref<64x128xf32, #tpu.memory_space<vmem>> -> memref<8x128xf32, #tpu.memory_space<vmem>>
    %dma_wait3A_51 = arith.constant 0 : i32
    %dma_wait3A_52 = arith.constant 0 : i32
    %dma_wait3A_53 = tpu.memref_slice %arg4[%add3A, %dma_wait3A_46, %dma_wait3A_47, %dma_wait3A_51, %dma_wait3A_52] : memref<32x8x8x8x128xf32, #tpu.memory_space<hbm>> -> memref<1x1x1x8x128xf32, #tpu.memory_space<hbm>>
    %dma_wait3A_54 = tpu.memref_squeeze %dma_wait3A_53 : memref<1x1x1x8x128xf32, #tpu.memory_space<hbm>> -> memref<8x128xf32, #tpu.memory_space<hbm>>
    %dma_wait3A_55 = arith.constant 0 : i32
    %dma_wait3A_56 = arith.constant 0 : i32
    %dma_wait3A_57 = tpu.memref_slice %arg4[%add3A, %dma_wait3A_46, %dma_wait3A_47, %dma_wait3A_55, %dma_wait3A_56] : memref<32x8x8x8x128xf32, #tpu.memory_space<hbm>> -> memref<1x1x1x8x128xf32, #tpu.memory_space<hbm>>
    %dma_wait3A_58 = tpu.memref_squeeze %dma_wait3A_57 : memref<1x1x1x8x128xf32, #tpu.memory_space<hbm>> -> memref<8x128xf32, #tpu.memory_space<hbm>>
    %dma_wait3A_59 = arith.constant 16 : i32
    %dma_wait3A_60 = arith.constant 0 : i32
    %dma_wait3A_61 = tpu.memref_slice %arg7[%dma_wait3A_59, %dma_wait3A_60] : memref<64x128xf32, #tpu.memory_space<vmem>> -> memref<8x128xf32, #tpu.memory_space<vmem>>
    tpu.wait_dma2 semaphore(%arg10 : memref<!tpu.dma_semaphore, #tpu.memory_space<semaphore_mem>>) src(%dma_wait3A_61 : memref<8x128xf32, #tpu.memory_space<vmem>>) dst(%dma_wait3A_58 : memref<8x128xf32, #tpu.memory_space<hbm>>)
    %dma_wait3A_62 = arith.constant 3 : i32
    %dma_wait3A_63 = arith.constant 6 : i32
    %dma_wait3A_64 = arith.constant 24 : i32
    %dma_wait3A_65 = arith.constant 0 : i32
    %dma_wait3A_66 = tpu.memref_slice %arg7[%dma_wait3A_64, %dma_wait3A_65] : memref<64x128xf32, #tpu.memory_space<vmem>> -> memref<8x128xf32, #tpu.memory_space<vmem>>
    %dma_wait3A_67 = arith.constant 0 : i32
    %dma_wait3A_68 = arith.constant 0 : i32
    %dma_wait3A_69 = tpu.memref_slice %arg4[%add3A, %dma_wait3A_62, %dma_wait3A_63, %dma_wait3A_67, %dma_wait3A_68] : memref<32x8x8x8x128xf32, #tpu.memory_space<hbm>> -> memref<1x1x1x8x128xf32, #tpu.memory_space<hbm>>
    %dma_wait3A_70 = tpu.memref_squeeze %dma_wait3A_69 : memref<1x1x1x8x128xf32, #tpu.memory_space<hbm>> -> memref<8x128xf32, #tpu.memory_space<hbm>>
    %dma_wait3A_71 = arith.constant 0 : i32
    %dma_wait3A_72 = arith.constant 0 : i32
    %dma_wait3A_73 = tpu.memref_slice %arg4[%add3A, %dma_wait3A_62, %dma_wait3A_63, %dma_wait3A_71, %dma_wait3A_72] : memref<32x8x8x8x128xf32, #tpu.memory_space<hbm>> -> memref<1x1x1x8x128xf32, #tpu.memory_space<hbm>>
    %dma_wait3A_74 = tpu.memref_squeeze %dma_wait3A_73 : memref<1x1x1x8x128xf32, #tpu.memory_space<hbm>> -> memref<8x128xf32, #tpu.memory_space<hbm>>
    %dma_wait3A_75 = arith.constant 24 : i32
    %dma_wait3A_76 = arith.constant 0 : i32
    %dma_wait3A_77 = tpu.memref_slice %arg7[%dma_wait3A_75, %dma_wait3A_76] : memref<64x128xf32, #tpu.memory_space<vmem>> -> memref<8x128xf32, #tpu.memory_space<vmem>>
    tpu.wait_dma2 semaphore(%arg10 : memref<!tpu.dma_semaphore, #tpu.memory_space<semaphore_mem>>) src(%dma_wait3A_77 : memref<8x128xf32, #tpu.memory_space<vmem>>) dst(%dma_wait3A_74 : memref<8x128xf32, #tpu.memory_space<hbm>>)
    %dma_wait3A_78 = arith.constant 4 : i32
    %dma_wait3A_79 = arith.constant 6 : i32
    %dma_wait3A_80 = arith.constant 32 : i32
    %dma_wait3A_81 = arith.constant 0 : i32
    %dma_wait3A_82 = tpu.memref_slice %arg7[%dma_wait3A_80, %dma_wait3A_81] : memref<64x128xf32, #tpu.memory_space<vmem>> -> memref<8x128xf32, #tpu.memory_space<vmem>>
    %dma_wait3A_83 = arith.constant 0 : i32
    %dma_wait3A_84 = arith.constant 0 : i32
    %dma_wait3A_85 = tpu.memref_slice %arg4[%add3A, %dma_wait3A_78, %dma_wait3A_79, %dma_wait3A_83, %dma_wait3A_84] : memref<32x8x8x8x128xf32, #tpu.memory_space<hbm>> -> memref<1x1x1x8x128xf32, #tpu.memory_space<hbm>>
    %dma_wait3A_86 = tpu.memref_squeeze %dma_wait3A_85 : memref<1x1x1x8x128xf32, #tpu.memory_space<hbm>> -> memref<8x128xf32, #tpu.memory_space<hbm>>
    %dma_wait3A_87 = arith.constant 0 : i32
    %dma_wait3A_88 = arith.constant 0 : i32
    %dma_wait3A_89 = tpu.memref_slice %arg4[%add3A, %dma_wait3A_78, %dma_wait3A_79, %dma_wait3A_87, %dma_wait3A_88] : memref<32x8x8x8x128xf32, #tpu.memory_space<hbm>> -> memref<1x1x1x8x128xf32, #tpu.memory_space<hbm>>
    %dma_wait3A_90 = tpu.memref_squeeze %dma_wait3A_89 : memref<1x1x1x8x128xf32, #tpu.memory_space<hbm>> -> memref<8x128xf32, #tpu.memory_space<hbm>>
    %dma_wait3A_91 = arith.constant 32 : i32
    %dma_wait3A_92 = arith.constant 0 : i32
    %dma_wait3A_93 = tpu.memref_slice %arg7[%dma_wait3A_91, %dma_wait3A_92] : memref<64x128xf32, #tpu.memory_space<vmem>> -> memref<8x128xf32, #tpu.memory_space<vmem>>
    tpu.wait_dma2 semaphore(%arg10 : memref<!tpu.dma_semaphore, #tpu.memory_space<semaphore_mem>>) src(%dma_wait3A_93 : memref<8x128xf32, #tpu.memory_space<vmem>>) dst(%dma_wait3A_90 : memref<8x128xf32, #tpu.memory_space<hbm>>)
    %dma_wait3A_94 = arith.constant 5 : i32
    %dma_wait3A_95 = arith.constant 6 : i32
    %dma_wait3A_96 = arith.constant 40 : i32
    %dma_wait3A_97 = arith.constant 0 : i32
    %dma_wait3A_98 = tpu.memref_slice %arg7[%dma_wait3A_96, %dma_wait3A_97] : memref<64x128xf32, #tpu.memory_space<vmem>> -> memref<8x128xf32, #tpu.memory_space<vmem>>
    %dma_wait3A_99 = arith.constant 0 : i32
    %dma_wait3A_100 = arith.constant 0 : i32
    %dma_wait3A_101 = tpu.memref_slice %arg4[%add3A, %dma_wait3A_94, %dma_wait3A_95, %dma_wait3A_99, %dma_wait3A_100] : memref<32x8x8x8x128xf32, #tpu.memory_space<hbm>> -> memref<1x1x1x8x128xf32, #tpu.memory_space<hbm>>
    %dma_wait3A_102 = tpu.memref_squeeze %dma_wait3A_101 : memref<1x1x1x8x128xf32, #tpu.memory_space<hbm>> -> memref<8x128xf32, #tpu.memory_space<hbm>>
    %dma_wait3A_103 = arith.constant 0 : i32
    %dma_wait3A_104 = arith.constant 0 : i32
    %dma_wait3A_105 = tpu.memref_slice %arg4[%add3A, %dma_wait3A_94, %dma_wait3A_95, %dma_wait3A_103, %dma_wait3A_104] : memref<32x8x8x8x128xf32, #tpu.memory_space<hbm>> -> memref<1x1x1x8x128xf32, #tpu.memory_space<hbm>>
    %dma_wait3A_106 = tpu.memref_squeeze %dma_wait3A_105 : memref<1x1x1x8x128xf32, #tpu.memory_space<hbm>> -> memref<8x128xf32, #tpu.memory_space<hbm>>
    %dma_wait3A_107 = arith.constant 40 : i32
    %dma_wait3A_108 = arith.constant 0 : i32
    %dma_wait3A_109 = tpu.memref_slice %arg7[%dma_wait3A_107, %dma_wait3A_108] : memref<64x128xf32, #tpu.memory_space<vmem>> -> memref<8x128xf32, #tpu.memory_space<vmem>>
    tpu.wait_dma2 semaphore(%arg10 : memref<!tpu.dma_semaphore, #tpu.memory_space<semaphore_mem>>) src(%dma_wait3A_109 : memref<8x128xf32, #tpu.memory_space<vmem>>) dst(%dma_wait3A_106 : memref<8x128xf32, #tpu.memory_space<hbm>>)
    %dma_wait3A_110 = arith.constant 6 : i32
    %dma_wait3A_111 = arith.constant 6 : i32
    %dma_wait3A_112 = arith.constant 48 : i32
    %dma_wait3A_113 = arith.constant 0 : i32
    %dma_wait3A_114 = tpu.memref_slice %arg7[%dma_wait3A_112, %dma_wait3A_113] : memref<64x128xf32, #tpu.memory_space<vmem>> -> memref<8x128xf32, #tpu.memory_space<vmem>>
    %dma_wait3A_115 = arith.constant 0 : i32
    %dma_wait3A_116 = arith.constant 0 : i32
    %dma_wait3A_117 = tpu.memref_slice %arg4[%add3A, %dma_wait3A_110, %dma_wait3A_111, %dma_wait3A_115, %dma_wait3A_116] : memref<32x8x8x8x128xf32, #tpu.memory_space<hbm>> -> memref<1x1x1x8x128xf32, #tpu.memory_space<hbm>>
    %dma_wait3A_118 = tpu.memref_squeeze %dma_wait3A_117 : memref<1x1x1x8x128xf32, #tpu.memory_space<hbm>> -> memref<8x128xf32, #tpu.memory_space<hbm>>
    %dma_wait3A_119 = arith.constant 0 : i32
    %dma_wait3A_120 = arith.constant 0 : i32
    %dma_wait3A_121 = tpu.memref_slice %arg4[%add3A, %dma_wait3A_110, %dma_wait3A_111, %dma_wait3A_119, %dma_wait3A_120] : memref<32x8x8x8x128xf32, #tpu.memory_space<hbm>> -> memref<1x1x1x8x128xf32, #tpu.memory_space<hbm>>
    %dma_wait3A_122 = tpu.memref_squeeze %dma_wait3A_121 : memref<1x1x1x8x128xf32, #tpu.memory_space<hbm>> -> memref<8x128xf32, #tpu.memory_space<hbm>>
    %dma_wait3A_123 = arith.constant 48 : i32
    %dma_wait3A_124 = arith.constant 0 : i32
    %dma_wait3A_125 = tpu.memref_slice %arg7[%dma_wait3A_123, %dma_wait3A_124] : memref<64x128xf32, #tpu.memory_space<vmem>> -> memref<8x128xf32, #tpu.memory_space<vmem>>
    tpu.wait_dma2 semaphore(%arg10 : memref<!tpu.dma_semaphore, #tpu.memory_space<semaphore_mem>>) src(%dma_wait3A_125 : memref<8x128xf32, #tpu.memory_space<vmem>>) dst(%dma_wait3A_122 : memref<8x128xf32, #tpu.memory_space<hbm>>)
    %dma_wait3A_126 = arith.constant 7 : i32
    %dma_wait3A_127 = arith.constant 6 : i32
    %dma_wait3A_128 = arith.constant 56 : i32
    %dma_wait3A_129 = arith.constant 0 : i32
    %dma_wait3A_130 = tpu.memref_slice %arg7[%dma_wait3A_128, %dma_wait3A_129] : memref<64x128xf32, #tpu.memory_space<vmem>> -> memref<8x128xf32, #tpu.memory_space<vmem>>
    %dma_wait3A_131 = arith.constant 0 : i32
    %dma_wait3A_132 = arith.constant 0 : i32
    %dma_wait3A_133 = tpu.memref_slice %arg4[%add3A, %dma_wait3A_126, %dma_wait3A_127, %dma_wait3A_131, %dma_wait3A_132] : memref<32x8x8x8x128xf32, #tpu.memory_space<hbm>> -> memref<1x1x1x8x128xf32, #tpu.memory_space<hbm>>
    %dma_wait3A_134 = tpu.memref_squeeze %dma_wait3A_133 : memref<1x1x1x8x128xf32, #tpu.memory_space<hbm>> -> memref<8x128xf32, #tpu.memory_space<hbm>>
    %dma_wait3A_135 = arith.constant 0 : i32
    %dma_wait3A_136 = arith.constant 0 : i32
    %dma_wait3A_137 = tpu.memref_slice %arg4[%add3A, %dma_wait3A_126, %dma_wait3A_127, %dma_wait3A_135, %dma_wait3A_136] : memref<32x8x8x8x128xf32, #tpu.memory_space<hbm>> -> memref<1x1x1x8x128xf32, #tpu.memory_space<hbm>>
    %dma_wait3A_138 = tpu.memref_squeeze %dma_wait3A_137 : memref<1x1x1x8x128xf32, #tpu.memory_space<hbm>> -> memref<8x128xf32, #tpu.memory_space<hbm>>
    %dma_wait3A_139 = arith.constant 56 : i32
    %dma_wait3A_140 = arith.constant 0 : i32
    %dma_wait3A_141 = tpu.memref_slice %arg7[%dma_wait3A_139, %dma_wait3A_140] : memref<64x128xf32, #tpu.memory_space<vmem>> -> memref<8x128xf32, #tpu.memory_space<vmem>>
    tpu.wait_dma2 semaphore(%arg10 : memref<!tpu.dma_semaphore, #tpu.memory_space<semaphore_mem>>) src(%dma_wait3A_141 : memref<8x128xf32, #tpu.memory_space<vmem>>) dst(%dma_wait3A_138 : memref<8x128xf32, #tpu.memory_space<hbm>>)
    %dma_wait3A_142 = arith.constant 0 : i32
    %dma_wait3A_143 = arith.constant 7 : i32
    %dma_wait3A_144 = arith.constant 0 : i32
    %dma_wait3A_145 = arith.constant 0 : i32
    %dma_wait3A_146 = tpu.memref_slice %arg8[%dma_wait3A_144, %dma_wait3A_145] : memref<64x128xf32, #tpu.memory_space<vmem>> -> memref<8x128xf32, #tpu.memory_space<vmem>>
    %dma_wait3A_147 = arith.constant 0 : i32
    %dma_wait3A_148 = arith.constant 0 : i32
    %dma_wait3A_149 = tpu.memref_slice %arg4[%add3A, %dma_wait3A_142, %dma_wait3A_143, %dma_wait3A_147, %dma_wait3A_148] : memref<32x8x8x8x128xf32, #tpu.memory_space<hbm>> -> memref<1x1x1x8x128xf32, #tpu.memory_space<hbm>>
    %dma_wait3A_150 = tpu.memref_squeeze %dma_wait3A_149 : memref<1x1x1x8x128xf32, #tpu.memory_space<hbm>> -> memref<8x128xf32, #tpu.memory_space<hbm>>
    %dma_wait3A_151 = arith.constant 0 : i32
    %dma_wait3A_152 = arith.constant 0 : i32
    %dma_wait3A_153 = tpu.memref_slice %arg4[%add3A, %dma_wait3A_142, %dma_wait3A_143, %dma_wait3A_151, %dma_wait3A_152] : memref<32x8x8x8x128xf32, #tpu.memory_space<hbm>> -> memref<1x1x1x8x128xf32, #tpu.memory_space<hbm>>
    %dma_wait3A_154 = tpu.memref_squeeze %dma_wait3A_153 : memref<1x1x1x8x128xf32, #tpu.memory_space<hbm>> -> memref<8x128xf32, #tpu.memory_space<hbm>>
    %dma_wait3A_155 = arith.constant 0 : i32
    %dma_wait3A_156 = arith.constant 0 : i32
    %dma_wait3A_157 = tpu.memref_slice %arg8[%dma_wait3A_155, %dma_wait3A_156] : memref<64x128xf32, #tpu.memory_space<vmem>> -> memref<8x128xf32, #tpu.memory_space<vmem>>
    tpu.wait_dma2 semaphore(%arg11 : memref<!tpu.dma_semaphore, #tpu.memory_space<semaphore_mem>>) src(%dma_wait3A_157 : memref<8x128xf32, #tpu.memory_space<vmem>>) dst(%dma_wait3A_154 : memref<8x128xf32, #tpu.memory_space<hbm>>)
    %dma_wait3A_158 = arith.constant 1 : i32
    %dma_wait3A_159 = arith.constant 7 : i32
    %dma_wait3A_160 = arith.constant 8 : i32
    %dma_wait3A_161 = arith.constant 0 : i32
    %dma_wait3A_162 = tpu.memref_slice %arg8[%dma_wait3A_160, %dma_wait3A_161] : memref<64x128xf32, #tpu.memory_space<vmem>> -> memref<8x128xf32, #tpu.memory_space<vmem>>
    %dma_wait3A_163 = arith.constant 0 : i32
    %dma_wait3A_164 = arith.constant 0 : i32
    %dma_wait3A_165 = tpu.memref_slice %arg4[%add3A, %dma_wait3A_158, %dma_wait3A_159, %dma_wait3A_163, %dma_wait3A_164] : memref<32x8x8x8x128xf32, #tpu.memory_space<hbm>> -> memref<1x1x1x8x128xf32, #tpu.memory_space<hbm>>
    %dma_wait3A_166 = tpu.memref_squeeze %dma_wait3A_165 : memref<1x1x1x8x128xf32, #tpu.memory_space<hbm>> -> memref<8x128xf32, #tpu.memory_space<hbm>>
    %dma_wait3A_167 = arith.constant 0 : i32
    %dma_wait3A_168 = arith.constant 0 : i32
    %dma_wait3A_169 = tpu.memref_slice %arg4[%add3A, %dma_wait3A_158, %dma_wait3A_159, %dma_wait3A_167, %dma_wait3A_168] : memref<32x8x8x8x128xf32, #tpu.memory_space<hbm>> -> memref<1x1x1x8x128xf32, #tpu.memory_space<hbm>>
    %dma_wait3A_170 = tpu.memref_squeeze %dma_wait3A_169 : memref<1x1x1x8x128xf32, #tpu.memory_space<hbm>> -> memref<8x128xf32, #tpu.memory_space<hbm>>
    %dma_wait3A_171 = arith.constant 8 : i32
    %dma_wait3A_172 = arith.constant 0 : i32
    %dma_wait3A_173 = tpu.memref_slice %arg8[%dma_wait3A_171, %dma_wait3A_172] : memref<64x128xf32, #tpu.memory_space<vmem>> -> memref<8x128xf32, #tpu.memory_space<vmem>>
    tpu.wait_dma2 semaphore(%arg11 : memref<!tpu.dma_semaphore, #tpu.memory_space<semaphore_mem>>) src(%dma_wait3A_173 : memref<8x128xf32, #tpu.memory_space<vmem>>) dst(%dma_wait3A_170 : memref<8x128xf32, #tpu.memory_space<hbm>>)
    %dma_wait3A_174 = arith.constant 2 : i32
    %dma_wait3A_175 = arith.constant 7 : i32
    %dma_wait3A_176 = arith.constant 16 : i32
    %dma_wait3A_177 = arith.constant 0 : i32
    %dma_wait3A_178 = tpu.memref_slice %arg8[%dma_wait3A_176, %dma_wait3A_177] : memref<64x128xf32, #tpu.memory_space<vmem>> -> memref<8x128xf32, #tpu.memory_space<vmem>>
    %dma_wait3A_179 = arith.constant 0 : i32
    %dma_wait3A_180 = arith.constant 0 : i32
    %dma_wait3A_181 = tpu.memref_slice %arg4[%add3A, %dma_wait3A_174, %dma_wait3A_175, %dma_wait3A_179, %dma_wait3A_180] : memref<32x8x8x8x128xf32, #tpu.memory_space<hbm>> -> memref<1x1x1x8x128xf32, #tpu.memory_space<hbm>>
    %dma_wait3A_182 = tpu.memref_squeeze %dma_wait3A_181 : memref<1x1x1x8x128xf32, #tpu.memory_space<hbm>> -> memref<8x128xf32, #tpu.memory_space<hbm>>
    %dma_wait3A_183 = arith.constant 0 : i32
    %dma_wait3A_184 = arith.constant 0 : i32
    %dma_wait3A_185 = tpu.memref_slice %arg4[%add3A, %dma_wait3A_174, %dma_wait3A_175, %dma_wait3A_183, %dma_wait3A_184] : memref<32x8x8x8x128xf32, #tpu.memory_space<hbm>> -> memref<1x1x1x8x128xf32, #tpu.memory_space<hbm>>
    %dma_wait3A_186 = tpu.memref_squeeze %dma_wait3A_185 : memref<1x1x1x8x128xf32, #tpu.memory_space<hbm>> -> memref<8x128xf32, #tpu.memory_space<hbm>>
    %dma_wait3A_187 = arith.constant 16 : i32
    %dma_wait3A_188 = arith.constant 0 : i32
    %dma_wait3A_189 = tpu.memref_slice %arg8[%dma_wait3A_187, %dma_wait3A_188] : memref<64x128xf32, #tpu.memory_space<vmem>> -> memref<8x128xf32, #tpu.memory_space<vmem>>
    tpu.wait_dma2 semaphore(%arg11 : memref<!tpu.dma_semaphore, #tpu.memory_space<semaphore_mem>>) src(%dma_wait3A_189 : memref<8x128xf32, #tpu.memory_space<vmem>>) dst(%dma_wait3A_186 : memref<8x128xf32, #tpu.memory_space<hbm>>)
    %dma_wait3A_190 = arith.constant 3 : i32
    %dma_wait3A_191 = arith.constant 7 : i32
    %dma_wait3A_192 = arith.constant 24 : i32
    %dma_wait3A_193 = arith.constant 0 : i32
    %dma_wait3A_194 = tpu.memref_slice %arg8[%dma_wait3A_192, %dma_wait3A_193] : memref<64x128xf32, #tpu.memory_space<vmem>> -> memref<8x128xf32, #tpu.memory_space<vmem>>
    %dma_wait3A_195 = arith.constant 0 : i32
    %dma_wait3A_196 = arith.constant 0 : i32
    %dma_wait3A_197 = tpu.memref_slice %arg4[%add3A, %dma_wait3A_190, %dma_wait3A_191, %dma_wait3A_195, %dma_wait3A_196] : memref<32x8x8x8x128xf32, #tpu.memory_space<hbm>> -> memref<1x1x1x8x128xf32, #tpu.memory_space<hbm>>
    %dma_wait3A_198 = tpu.memref_squeeze %dma_wait3A_197 : memref<1x1x1x8x128xf32, #tpu.memory_space<hbm>> -> memref<8x128xf32, #tpu.memory_space<hbm>>
    %dma_wait3A_199 = arith.constant 0 : i32
    %dma_wait3A_200 = arith.constant 0 : i32
    %dma_wait3A_201 = tpu.memref_slice %arg4[%add3A, %dma_wait3A_190, %dma_wait3A_191, %dma_wait3A_199, %dma_wait3A_200] : memref<32x8x8x8x128xf32, #tpu.memory_space<hbm>> -> memref<1x1x1x8x128xf32, #tpu.memory_space<hbm>>
    %dma_wait3A_202 = tpu.memref_squeeze %dma_wait3A_201 : memref<1x1x1x8x128xf32, #tpu.memory_space<hbm>> -> memref<8x128xf32, #tpu.memory_space<hbm>>
    %dma_wait3A_203 = arith.constant 24 : i32
    %dma_wait3A_204 = arith.constant 0 : i32
    %dma_wait3A_205 = tpu.memref_slice %arg8[%dma_wait3A_203, %dma_wait3A_204] : memref<64x128xf32, #tpu.memory_space<vmem>> -> memref<8x128xf32, #tpu.memory_space<vmem>>
    tpu.wait_dma2 semaphore(%arg11 : memref<!tpu.dma_semaphore, #tpu.memory_space<semaphore_mem>>) src(%dma_wait3A_205 : memref<8x128xf32, #tpu.memory_space<vmem>>) dst(%dma_wait3A_202 : memref<8x128xf32, #tpu.memory_space<hbm>>)
    %dma_wait3A_206 = arith.constant 4 : i32
    %dma_wait3A_207 = arith.constant 7 : i32
    %dma_wait3A_208 = arith.constant 32 : i32
    %dma_wait3A_209 = arith.constant 0 : i32
    %dma_wait3A_210 = tpu.memref_slice %arg8[%dma_wait3A_208, %dma_wait3A_209] : memref<64x128xf32, #tpu.memory_space<vmem>> -> memref<8x128xf32, #tpu.memory_space<vmem>>
    %dma_wait3A_211 = arith.constant 0 : i32
    %dma_wait3A_212 = arith.constant 0 : i32
    %dma_wait3A_213 = tpu.memref_slice %arg4[%add3A, %dma_wait3A_206, %dma_wait3A_207, %dma_wait3A_211, %dma_wait3A_212] : memref<32x8x8x8x128xf32, #tpu.memory_space<hbm>> -> memref<1x1x1x8x128xf32, #tpu.memory_space<hbm>>
    %dma_wait3A_214 = tpu.memref_squeeze %dma_wait3A_213 : memref<1x1x1x8x128xf32, #tpu.memory_space<hbm>> -> memref<8x128xf32, #tpu.memory_space<hbm>>
    %dma_wait3A_215 = arith.constant 0 : i32
    %dma_wait3A_216 = arith.constant 0 : i32
    %dma_wait3A_217 = tpu.memref_slice %arg4[%add3A, %dma_wait3A_206, %dma_wait3A_207, %dma_wait3A_215, %dma_wait3A_216] : memref<32x8x8x8x128xf32, #tpu.memory_space<hbm>> -> memref<1x1x1x8x128xf32, #tpu.memory_space<hbm>>
    %dma_wait3A_218 = tpu.memref_squeeze %dma_wait3A_217 : memref<1x1x1x8x128xf32, #tpu.memory_space<hbm>> -> memref<8x128xf32, #tpu.memory_space<hbm>>
    %dma_wait3A_219 = arith.constant 32 : i32
    %dma_wait3A_220 = arith.constant 0 : i32
    %dma_wait3A_221 = tpu.memref_slice %arg8[%dma_wait3A_219, %dma_wait3A_220] : memref<64x128xf32, #tpu.memory_space<vmem>> -> memref<8x128xf32, #tpu.memory_space<vmem>>
    tpu.wait_dma2 semaphore(%arg11 : memref<!tpu.dma_semaphore, #tpu.memory_space<semaphore_mem>>) src(%dma_wait3A_221 : memref<8x128xf32, #tpu.memory_space<vmem>>) dst(%dma_wait3A_218 : memref<8x128xf32, #tpu.memory_space<hbm>>)
    %dma_wait3A_222 = arith.constant 5 : i32
    %dma_wait3A_223 = arith.constant 7 : i32
    %dma_wait3A_224 = arith.constant 40 : i32
    %dma_wait3A_225 = arith.constant 0 : i32
    %dma_wait3A_226 = tpu.memref_slice %arg8[%dma_wait3A_224, %dma_wait3A_225] : memref<64x128xf32, #tpu.memory_space<vmem>> -> memref<8x128xf32, #tpu.memory_space<vmem>>
    %dma_wait3A_227 = arith.constant 0 : i32
    %dma_wait3A_228 = arith.constant 0 : i32
    %dma_wait3A_229 = tpu.memref_slice %arg4[%add3A, %dma_wait3A_222, %dma_wait3A_223, %dma_wait3A_227, %dma_wait3A_228] : memref<32x8x8x8x128xf32, #tpu.memory_space<hbm>> -> memref<1x1x1x8x128xf32, #tpu.memory_space<hbm>>
    %dma_wait3A_230 = tpu.memref_squeeze %dma_wait3A_229 : memref<1x1x1x8x128xf32, #tpu.memory_space<hbm>> -> memref<8x128xf32, #tpu.memory_space<hbm>>
    %dma_wait3A_231 = arith.constant 0 : i32
    %dma_wait3A_232 = arith.constant 0 : i32
    %dma_wait3A_233 = tpu.memref_slice %arg4[%add3A, %dma_wait3A_222, %dma_wait3A_223, %dma_wait3A_231, %dma_wait3A_232] : memref<32x8x8x8x128xf32, #tpu.memory_space<hbm>> -> memref<1x1x1x8x128xf32, #tpu.memory_space<hbm>>
    %dma_wait3A_234 = tpu.memref_squeeze %dma_wait3A_233 : memref<1x1x1x8x128xf32, #tpu.memory_space<hbm>> -> memref<8x128xf32, #tpu.memory_space<hbm>>
    %dma_wait3A_235 = arith.constant 40 : i32
    %dma_wait3A_236 = arith.constant 0 : i32
    %dma_wait3A_237 = tpu.memref_slice %arg8[%dma_wait3A_235, %dma_wait3A_236] : memref<64x128xf32, #tpu.memory_space<vmem>> -> memref<8x128xf32, #tpu.memory_space<vmem>>
    tpu.wait_dma2 semaphore(%arg11 : memref<!tpu.dma_semaphore, #tpu.memory_space<semaphore_mem>>) src(%dma_wait3A_237 : memref<8x128xf32, #tpu.memory_space<vmem>>) dst(%dma_wait3A_234 : memref<8x128xf32, #tpu.memory_space<hbm>>)
    %dma_wait3A_238 = arith.constant 6 : i32
    %dma_wait3A_239 = arith.constant 7 : i32
    %dma_wait3A_240 = arith.constant 48 : i32
    %dma_wait3A_241 = arith.constant 0 : i32
    %dma_wait3A_242 = tpu.memref_slice %arg8[%dma_wait3A_240, %dma_wait3A_241] : memref<64x128xf32, #tpu.memory_space<vmem>> -> memref<8x128xf32, #tpu.memory_space<vmem>>
    %dma_wait3A_243 = arith.constant 0 : i32
    %dma_wait3A_244 = arith.constant 0 : i32
    %dma_wait3A_245 = tpu.memref_slice %arg4[%add3A, %dma_wait3A_238, %dma_wait3A_239, %dma_wait3A_243, %dma_wait3A_244] : memref<32x8x8x8x128xf32, #tpu.memory_space<hbm>> -> memref<1x1x1x8x128xf32, #tpu.memory_space<hbm>>
    %dma_wait3A_246 = tpu.memref_squeeze %dma_wait3A_245 : memref<1x1x1x8x128xf32, #tpu.memory_space<hbm>> -> memref<8x128xf32, #tpu.memory_space<hbm>>
    %dma_wait3A_247 = arith.constant 0 : i32
    %dma_wait3A_248 = arith.constant 0 : i32
    %dma_wait3A_249 = tpu.memref_slice %arg4[%add3A, %dma_wait3A_238, %dma_wait3A_239, %dma_wait3A_247, %dma_wait3A_248] : memref<32x8x8x8x128xf32, #tpu.memory_space<hbm>> -> memref<1x1x1x8x128xf32, #tpu.memory_space<hbm>>
    %dma_wait3A_250 = tpu.memref_squeeze %dma_wait3A_249 : memref<1x1x1x8x128xf32, #tpu.memory_space<hbm>> -> memref<8x128xf32, #tpu.memory_space<hbm>>
    %dma_wait3A_251 = arith.constant 48 : i32
    %dma_wait3A_252 = arith.constant 0 : i32
    %dma_wait3A_253 = tpu.memref_slice %arg8[%dma_wait3A_251, %dma_wait3A_252] : memref<64x128xf32, #tpu.memory_space<vmem>> -> memref<8x128xf32, #tpu.memory_space<vmem>>
    tpu.wait_dma2 semaphore(%arg11 : memref<!tpu.dma_semaphore, #tpu.memory_space<semaphore_mem>>) src(%dma_wait3A_253 : memref<8x128xf32, #tpu.memory_space<vmem>>) dst(%dma_wait3A_250 : memref<8x128xf32, #tpu.memory_space<hbm>>)
    %dma_wait3A_254 = arith.constant 7 : i32
    %dma_wait3A_255 = arith.constant 7 : i32
    %dma_wait3A_256 = arith.constant 56 : i32
    %dma_wait3A_257 = arith.constant 0 : i32
    %dma_wait3A_258 = tpu.memref_slice %arg8[%dma_wait3A_256, %dma_wait3A_257] : memref<64x128xf32, #tpu.memory_space<vmem>> -> memref<8x128xf32, #tpu.memory_space<vmem>>
    %dma_wait3A_259 = arith.constant 0 : i32
    %dma_wait3A_260 = arith.constant 0 : i32
    %dma_wait3A_261 = tpu.memref_slice %arg4[%add3A, %dma_wait3A_254, %dma_wait3A_255, %dma_wait3A_259, %dma_wait3A_260] : memref<32x8x8x8x128xf32, #tpu.memory_space<hbm>> -> memref<1x1x1x8x128xf32, #tpu.memory_space<hbm>>
    %dma_wait3A_262 = tpu.memref_squeeze %dma_wait3A_261 : memref<1x1x1x8x128xf32, #tpu.memory_space<hbm>> -> memref<8x128xf32, #tpu.memory_space<hbm>>
    %dma_wait3A_263 = arith.constant 0 : i32
    %dma_wait3A_264 = arith.constant 0 : i32
    %dma_wait3A_265 = tpu.memref_slice %arg4[%add3A, %dma_wait3A_254, %dma_wait3A_255, %dma_wait3A_263, %dma_wait3A_264] : memref<32x8x8x8x128xf32, #tpu.memory_space<hbm>> -> memref<1x1x1x8x128xf32, #tpu.memory_space<hbm>>
    %dma_wait3A_266 = tpu.memref_squeeze %dma_wait3A_265 : memref<1x1x1x8x128xf32, #tpu.memory_space<hbm>> -> memref<8x128xf32, #tpu.memory_space<hbm>>
    %dma_wait3A_267 = arith.constant 56 : i32
    %dma_wait3A_268 = arith.constant 0 : i32
    %dma_wait3A_269 = tpu.memref_slice %arg8[%dma_wait3A_267, %dma_wait3A_268] : memref<64x128xf32, #tpu.memory_space<vmem>> -> memref<8x128xf32, #tpu.memory_space<vmem>>
    tpu.wait_dma2 semaphore(%arg11 : memref<!tpu.dma_semaphore, #tpu.memory_space<semaphore_mem>>) src(%dma_wait3A_269 : memref<8x128xf32, #tpu.memory_space<vmem>>) dst(%dma_wait3A_266 : memref<8x128xf32, #tpu.memory_space<hbm>>)
    return
  }
}

module attributes {stable_mosaic.version = 14 : i64} {
  func.func @_tc_body(%arg0: i32, %arg1: memref<4x64x1024xf32, #tpu.memory_space<vmem>>, %arg2: memref<1024x64xf32, #tpu.memory_space<vmem>>, %arg3: memref<32x128xi32, #tpu.memory_space<vmem>>, %arg4: memref<1x1xf32, #tpu.memory_space<smem>>) attributes {dimension_semantics = [#tpu.dimension_semantics<arbitrary>], iteration_bounds = array<i64: 8>, scalar_prefetch = 0 : i64, scratch_operands = 0 : i64, tpu.core_type = #tpu.core_type<tc>, window_params = [{transform_indices = @transform_0, window_bounds = array<i64: 4, 64, 1024>}, {pipeline_mode = #tpu.pipeline_mode<synchronous>, transform_indices = @transform_1, window_bounds = array<i64: 1024, 64>}, {transform_indices = @transform_2, window_bounds = array<i64: 32, 128>}, {transform_indices = @transform_3, window_bounds = array<i64: 1, 1>}]} {
    %get3A = arith.constant 0 : index
    %get3A_0 = arith.constant 0 : index
    %get3A_1 = vector.load %arg2[%get3A, %get3A_0] : memref<1024x64xf32, #tpu.memory_space<vmem>>, vector<1024x64xf32>
    %mul3A = arith.mulf %get3A_1, %get3A_1 : vector<1024x64xf32>
    %reduce_sum3A = arith.constant dense<0.000000e+00> : vector<1024xf32>
    %reduce_sum3A_2 = vector.multi_reduction <add>, %mul3A, %reduce_sum3A [1] : vector<1024x64xf32> to vector<1024xf32>
    %broadcast_in_dim3A = vector.shape_cast %reduce_sum3A_2 : vector<1024xf32> to vector<1024x1xf32>
    %get3A_3 = arith.constant 0 : index
    %get3A_4 = arith.constant 0 : index
    %get3A_5 = arith.constant 0 : index
    %get3A_6 = vector.load %arg1[%get3A_3, %get3A_4, %get3A_5] : memref<4x64x1024xf32, #tpu.memory_space<vmem>>, vector<1x64x1024xf32>
    %get3A_7 = vector.shape_cast %get3A_6 : vector<1x64x1024xf32> to vector<64x1024xf32>
    %dot_general3A = arith.constant dense<0.000000e+00> : vector<1024x1024xf32>
    %dot_general3A_8 = tpu.matmul %get3A_1, %get3A_7, %dot_general3A {dimension_numbers = #tpu.dot_dimension_numbers<[1], [0], [0], [1], [0, 0, 1, 1], [], []>, transpose_lhs_hint = false} : vector<1024x64xf32>, vector<64x1024xf32>, vector<1024x1024xf32> -> vector<1024x1024xf32>
    %mul3A_9 = arith.mulf %get3A_7, %get3A_7 : vector<64x1024xf32>
    %reduce_sum3A_10 = arith.constant dense<0.000000e+00> : vector<1024xf32>
    %reduce_sum3A_11 = vector.multi_reduction <add>, %mul3A_9, %reduce_sum3A_10 [0] : vector<64x1024xf32> to vector<1024xf32>
    %broadcast_in_dim3A_12 = vector.shape_cast %reduce_sum3A_11 : vector<1024xf32> to vector<1x1024xf32>
    %add3A = vector.broadcast %broadcast_in_dim3A_12 : vector<1x1024xf32> to vector<1024x1024xf32>
    %add3A_13 = vector.broadcast %broadcast_in_dim3A : vector<1024x1xf32> to vector<1024x1024xf32>
    %add3A_14 = arith.addf %add3A, %add3A_13 : vector<1024x1024xf32>
    %mul3A_15 = arith.constant 2.000000e+00 : f32
    %mul3A_16 = vector.broadcast %mul3A_15 : f32 to vector<1024x1024xf32>
    %mul3A_17 = arith.mulf %mul3A_16, %dot_general3A_8 : vector<1024x1024xf32>
    %sub3A = arith.subf %add3A_14, %mul3A_17 : vector<1024x1024xf32>
    %reduce_min3A = arith.constant dense<0x7F800000> : vector<1024xf32>
    %reduce_min3A_18 = vector.multi_reduction <minimumf>, %sub3A, %reduce_min3A [0] : vector<1024x1024xf32> to vector<1024xf32>
    %broadcast_in_dim3A_19 = vector.shape_cast %reduce_min3A_18 : vector<1024xf32> to vector<1x1024xf32>
    %argmin3A = tpu.reduce_index %sub3A {axis = 0 : i32, kind = #tpu.reduction_kind<arg_min>} : vector<1024x1024xf32> -> vector<1024xi32>
    %reshape3A = vector.shape_cast %argmin3A : vector<1024xi32> to vector<8x128xi32>
    %swap3A = arith.constant 0 : index
    %swap3A_20 = arith.constant 0 : index
    %swap3A_21 = vector.load %arg3[%swap3A, %swap3A_20] : memref<32x128xi32, #tpu.memory_space<vmem>>, vector<8x128xi32>
    tpu.vector_store %arg3[%swap3A, %swap3A_20], %reshape3A {strides = array<i32>} : memref<32x128xi32, #tpu.memory_space<vmem>>, vector<8x128xi32>,
    %reduce_sum3A_22 = vector.shape_cast %broadcast_in_dim3A_19 : vector<1x1024xf32> to vector<1x1x1024xf32>
    %reduce_sum3A_23 = arith.constant dense<0.000000e+00> : vector<1xf32>
    %reduce_sum3A_24 = vector.multi_reduction <add>, %reduce_sum3A_22, %reduce_sum3A_23 [1, 2] : vector<1x1x1024xf32> to vector<1xf32>
    %reduce_sum3A_25 = vector.shape_cast %reduce_sum3A_24 : vector<1xf32> to vector<1x1x1xf32>
    %reduce_sum3A_26 = vector.extract %reduce_sum3A_25[0, 0, 0] : f32 from vector<1x1x1xf32>
    %get3A_27 = arith.constant 1 : index
    %get3A_28 = arith.constant 0 : index
    %get3A_29 = arith.constant 0 : index
    %get3A_30 = vector.load %arg1[%get3A_27, %get3A_28, %get3A_29] : memref<4x64x1024xf32, #tpu.memory_space<vmem>>, vector<1x64x1024xf32>
    %get3A_31 = vector.shape_cast %get3A_30 : vector<1x64x1024xf32> to vector<64x1024xf32>
    %dot_general3A_32 = arith.constant dense<0.000000e+00> : vector<1024x1024xf32>
    %dot_general3A_33 = tpu.matmul %get3A_1, %get3A_31, %dot_general3A_32 {dimension_numbers = #tpu.dot_dimension_numbers<[1], [0], [0], [1], [0, 0, 1, 1], [], []>, transpose_lhs_hint = false} : vector<1024x64xf32>, vector<64x1024xf32>, vector<1024x1024xf32> -> vector<1024x1024xf32>
    %mul3A_34 = arith.mulf %get3A_31, %get3A_31 : vector<64x1024xf32>
    %reduce_sum3A_35 = arith.constant dense<0.000000e+00> : vector<1024xf32>
    %reduce_sum3A_36 = vector.multi_reduction <add>, %mul3A_34, %reduce_sum3A_35 [0] : vector<64x1024xf32> to vector<1024xf32>
    %broadcast_in_dim3A_37 = vector.shape_cast %reduce_sum3A_36 : vector<1024xf32> to vector<1x1024xf32>
    %add3A_38 = vector.broadcast %broadcast_in_dim3A_37 : vector<1x1024xf32> to vector<1024x1024xf32>
    %add3A_39 = vector.broadcast %broadcast_in_dim3A : vector<1024x1xf32> to vector<1024x1024xf32>
    %add3A_40 = arith.addf %add3A_38, %add3A_39 : vector<1024x1024xf32>
    %mul3A_41 = arith.constant 2.000000e+00 : f32
    %mul3A_42 = vector.broadcast %mul3A_41 : f32 to vector<1024x1024xf32>
    %mul3A_43 = arith.mulf %mul3A_42, %dot_general3A_33 : vector<1024x1024xf32>
    %sub3A_44 = arith.subf %add3A_40, %mul3A_43 : vector<1024x1024xf32>
    %reduce_min3A_45 = arith.constant dense<0x7F800000> : vector<1024xf32>
    %reduce_min3A_46 = vector.multi_reduction <minimumf>, %sub3A_44, %reduce_min3A_45 [0] : vector<1024x1024xf32> to vector<1024xf32>
    %broadcast_in_dim3A_47 = vector.shape_cast %reduce_min3A_46 : vector<1024xf32> to vector<1x1024xf32>
    %argmin3A_48 = tpu.reduce_index %sub3A_44 {axis = 0 : i32, kind = #tpu.reduction_kind<arg_min>} : vector<1024x1024xf32> -> vector<1024xi32>
    %reshape3A_49 = vector.shape_cast %argmin3A_48 : vector<1024xi32> to vector<8x128xi32>
    %swap3A_50 = arith.constant 8 : index
    %swap3A_51 = arith.constant 0 : index
    %swap3A_52 = vector.load %arg3[%swap3A_50, %swap3A_51] : memref<32x128xi32, #tpu.memory_space<vmem>>, vector<8x128xi32>
    tpu.vector_store %arg3[%swap3A_50, %swap3A_51], %reshape3A_49 {strides = array<i32>} : memref<32x128xi32, #tpu.memory_space<vmem>>, vector<8x128xi32>,
    %reduce_sum3A_53 = vector.shape_cast %broadcast_in_dim3A_47 : vector<1x1024xf32> to vector<1x1x1024xf32>
    %reduce_sum3A_54 = arith.constant dense<0.000000e+00> : vector<1xf32>
    %reduce_sum3A_55 = vector.multi_reduction <add>, %reduce_sum3A_53, %reduce_sum3A_54 [1, 2] : vector<1x1x1024xf32> to vector<1xf32>
    %reduce_sum3A_56 = vector.shape_cast %reduce_sum3A_55 : vector<1xf32> to vector<1x1x1xf32>
    %reduce_sum3A_57 = vector.extract %reduce_sum3A_56[0, 0, 0] : f32 from vector<1x1x1xf32>
    %add3A_58 = arith.addf %reduce_sum3A_26, %reduce_sum3A_57 : f32
    %get3A_59 = arith.constant 2 : index
    %get3A_60 = arith.constant 0 : index
    %get3A_61 = arith.constant 0 : index
    %get3A_62 = vector.load %arg1[%get3A_59, %get3A_60, %get3A_61] : memref<4x64x1024xf32, #tpu.memory_space<vmem>>, vector<1x64x1024xf32>
    %get3A_63 = vector.shape_cast %get3A_62 : vector<1x64x1024xf32> to vector<64x1024xf32>
    %dot_general3A_64 = arith.constant dense<0.000000e+00> : vector<1024x1024xf32>
    %dot_general3A_65 = tpu.matmul %get3A_1, %get3A_63, %dot_general3A_64 {dimension_numbers = #tpu.dot_dimension_numbers<[1], [0], [0], [1], [0, 0, 1, 1], [], []>, transpose_lhs_hint = false} : vector<1024x64xf32>, vector<64x1024xf32>, vector<1024x1024xf32> -> vector<1024x1024xf32>
    %mul3A_66 = arith.mulf %get3A_63, %get3A_63 : vector<64x1024xf32>
    %reduce_sum3A_67 = arith.constant dense<0.000000e+00> : vector<1024xf32>
    %reduce_sum3A_68 = vector.multi_reduction <add>, %mul3A_66, %reduce_sum3A_67 [0] : vector<64x1024xf32> to vector<1024xf32>
    %broadcast_in_dim3A_69 = vector.shape_cast %reduce_sum3A_68 : vector<1024xf32> to vector<1x1024xf32>
    %add3A_70 = vector.broadcast %broadcast_in_dim3A_69 : vector<1x1024xf32> to vector<1024x1024xf32>
    %add3A_71 = vector.broadcast %broadcast_in_dim3A : vector<1024x1xf32> to vector<1024x1024xf32>
    %add3A_72 = arith.addf %add3A_70, %add3A_71 : vector<1024x1024xf32>
    %mul3A_73 = arith.constant 2.000000e+00 : f32
    %mul3A_74 = vector.broadcast %mul3A_73 : f32 to vector<1024x1024xf32>
    %mul3A_75 = arith.mulf %mul3A_74, %dot_general3A_65 : vector<1024x1024xf32>
    %sub3A_76 = arith.subf %add3A_72, %mul3A_75 : vector<1024x1024xf32>
    %reduce_min3A_77 = arith.constant dense<0x7F800000> : vector<1024xf32>
    %reduce_min3A_78 = vector.multi_reduction <minimumf>, %sub3A_76, %reduce_min3A_77 [0] : vector<1024x1024xf32> to vector<1024xf32>
    %broadcast_in_dim3A_79 = vector.shape_cast %reduce_min3A_78 : vector<1024xf32> to vector<1x1024xf32>
    %argmin3A_80 = tpu.reduce_index %sub3A_76 {axis = 0 : i32, kind = #tpu.reduction_kind<arg_min>} : vector<1024x1024xf32> -> vector<1024xi32>
    %reshape3A_81 = vector.shape_cast %argmin3A_80 : vector<1024xi32> to vector<8x128xi32>
    %swap3A_82 = arith.constant 16 : index
    %swap3A_83 = arith.constant 0 : index
    %swap3A_84 = vector.load %arg3[%swap3A_82, %swap3A_83] : memref<32x128xi32, #tpu.memory_space<vmem>>, vector<8x128xi32>
    tpu.vector_store %arg3[%swap3A_82, %swap3A_83], %reshape3A_81 {strides = array<i32>} : memref<32x128xi32, #tpu.memory_space<vmem>>, vector<8x128xi32>,
    %reduce_sum3A_85 = vector.shape_cast %broadcast_in_dim3A_79 : vector<1x1024xf32> to vector<1x1x1024xf32>
    %reduce_sum3A_86 = arith.constant dense<0.000000e+00> : vector<1xf32>
    %reduce_sum3A_87 = vector.multi_reduction <add>, %reduce_sum3A_85, %reduce_sum3A_86 [1, 2] : vector<1x1x1024xf32> to vector<1xf32>
    %reduce_sum3A_88 = vector.shape_cast %reduce_sum3A_87 : vector<1xf32> to vector<1x1x1xf32>
    %reduce_sum3A_89 = vector.extract %reduce_sum3A_88[0, 0, 0] : f32 from vector<1x1x1xf32>
    %add3A_90 = arith.addf %add3A_58, %reduce_sum3A_89 : f32
    %get3A_91 = arith.constant 3 : index
    %get3A_92 = arith.constant 0 : index
    %get3A_93 = arith.constant 0 : index
    %get3A_94 = vector.load %arg1[%get3A_91, %get3A_92, %get3A_93] : memref<4x64x1024xf32, #tpu.memory_space<vmem>>, vector<1x64x1024xf32>
    %get3A_95 = vector.shape_cast %get3A_94 : vector<1x64x1024xf32> to vector<64x1024xf32>
    %dot_general3A_96 = arith.constant dense<0.000000e+00> : vector<1024x1024xf32>
    %dot_general3A_97 = tpu.matmul %get3A_1, %get3A_95, %dot_general3A_96 {dimension_numbers = #tpu.dot_dimension_numbers<[1], [0], [0], [1], [0, 0, 1, 1], [], []>, transpose_lhs_hint = false} : vector<1024x64xf32>, vector<64x1024xf32>, vector<1024x1024xf32> -> vector<1024x1024xf32>
    %mul3A_98 = arith.mulf %get3A_95, %get3A_95 : vector<64x1024xf32>
    %reduce_sum3A_99 = arith.constant dense<0.000000e+00> : vector<1024xf32>
    %reduce_sum3A_100 = vector.multi_reduction <add>, %mul3A_98, %reduce_sum3A_99 [0] : vector<64x1024xf32> to vector<1024xf32>
    %broadcast_in_dim3A_101 = vector.shape_cast %reduce_sum3A_100 : vector<1024xf32> to vector<1x1024xf32>
    %add3A_102 = vector.broadcast %broadcast_in_dim3A_101 : vector<1x1024xf32> to vector<1024x1024xf32>
    %add3A_103 = vector.broadcast %broadcast_in_dim3A : vector<1024x1xf32> to vector<1024x1024xf32>
    %add3A_104 = arith.addf %add3A_102, %add3A_103 : vector<1024x1024xf32>
    %mul3A_105 = arith.constant 2.000000e+00 : f32
    %mul3A_106 = vector.broadcast %mul3A_105 : f32 to vector<1024x1024xf32>
    %mul3A_107 = arith.mulf %mul3A_106, %dot_general3A_97 : vector<1024x1024xf32>
    %sub3A_108 = arith.subf %add3A_104, %mul3A_107 : vector<1024x1024xf32>
    %reduce_min3A_109 = arith.constant dense<0x7F800000> : vector<1024xf32>
    %reduce_min3A_110 = vector.multi_reduction <minimumf>, %sub3A_108, %reduce_min3A_109 [0] : vector<1024x1024xf32> to vector<1024xf32>
    %broadcast_in_dim3A_111 = vector.shape_cast %reduce_min3A_110 : vector<1024xf32> to vector<1x1024xf32>
    %argmin3A_112 = tpu.reduce_index %sub3A_108 {axis = 0 : i32, kind = #tpu.reduction_kind<arg_min>} : vector<1024x1024xf32> -> vector<1024xi32>
    %reshape3A_113 = vector.shape_cast %argmin3A_112 : vector<1024xi32> to vector<8x128xi32>
    %swap3A_114 = arith.constant 24 : index
    %swap3A_115 = arith.constant 0 : index
    %swap3A_116 = vector.load %arg3[%swap3A_114, %swap3A_115] : memref<32x128xi32, #tpu.memory_space<vmem>>, vector<8x128xi32>
    tpu.vector_store %arg3[%swap3A_114, %swap3A_115], %reshape3A_113 {strides = array<i32>} : memref<32x128xi32, #tpu.memory_space<vmem>>, vector<8x128xi32>,
    %reduce_sum3A_117 = vector.shape_cast %broadcast_in_dim3A_111 : vector<1x1024xf32> to vector<1x1x1024xf32>
    %reduce_sum3A_118 = arith.constant dense<0.000000e+00> : vector<1xf32>
    %reduce_sum3A_119 = vector.multi_reduction <add>, %reduce_sum3A_117, %reduce_sum3A_118 [1, 2] : vector<1x1x1024xf32> to vector<1xf32>
    %reduce_sum3A_120 = vector.shape_cast %reduce_sum3A_119 : vector<1xf32> to vector<1x1x1xf32>
    %reduce_sum3A_121 = vector.extract %reduce_sum3A_120[0, 0, 0] : f32 from vector<1x1x1xf32>
    %add3A_122 = arith.addf %add3A_90, %reduce_sum3A_121 : f32
    %eq3A = arith.constant 0 : i32
    %eq3A_123 = arith.cmpi eq, %arg0, %eq3A : i32
    %convert_element_type3A = arith.extui %eq3A_123 : i1 to i32
    %cond3A = arith.constant 0 : i32
    %cond3A_124 = arith.cmpi ne, %convert_element_type3A, %cond3A : i32
    scf.if %cond3A_124 {
      %swap3A_137 = arith.constant 0.000000e+00 : f32
      %swap3A_138 = arith.constant 0 : index
      %swap3A_139 = arith.constant 0 : index
      %swap3A_140 = memref.load %arg4[%swap3A_138, %swap3A_139] : memref<1x1xf32, #tpu.memory_space<smem>>
      memref.store %swap3A_137, %arg4[%swap3A_138, %swap3A_139] : memref<1x1xf32, #tpu.memory_space<smem>>
    } else {
    }
    %get3A_125 = arith.constant 0 : index
    %get3A_126 = arith.constant 0 : index
    %get3A_127 = memref.load %arg4[%get3A_125, %get3A_126] : memref<1x1xf32, #tpu.memory_space<smem>>
    %add3A_128 = arith.addf %get3A_127, %add3A_122 : f32
    %swap3A_129 = arith.constant 0 : index
    %swap3A_130 = arith.constant 0 : index
    %swap3A_131 = memref.load %arg4[%swap3A_129, %swap3A_130] : memref<1x1xf32, #tpu.memory_space<smem>>
    memref.store %add3A_128, %arg4[%swap3A_129, %swap3A_130] : memref<1x1xf32, #tpu.memory_space<smem>>
    %eq3A_132 = arith.constant 7 : i32
    %eq3A_133 = arith.cmpi eq, %arg0, %eq3A_132 : i32
    %convert_element_type3A_134 = arith.extui %eq3A_133 : i1 to i32
    %cond3A_135 = arith.constant 0 : i32
    %cond3A_136 = arith.cmpi ne, %convert_element_type3A_134, %cond3A_135 : i32
    scf.if %cond3A_136 {
      %get3A_137 = arith.constant 0 : index
      %get3A_138 = arith.constant 0 : index
      %get3A_139 = memref.load %arg4[%get3A_137, %get3A_138] : memref<1x1xf32, #tpu.memory_space<smem>>
      %div3A = arith.constant 1.250000e+00 : f32
      %div3A_140 = arith.constant 0x4A000000 : f32
      %div3A_141 = arith.divf %div3A, %div3A_140 : f32
      %mul3A_142 = arith.mulf %get3A_139, %div3A_141 : f32
      %swap3A_143 = arith.constant 0 : index
      %swap3A_144 = arith.constant 0 : index
      %swap3A_145 = memref.load %arg4[%swap3A_143, %swap3A_144] : memref<1x1xf32, #tpu.memory_space<smem>>
      memref.store %mul3A_142, %arg4[%swap3A_143, %swap3A_144] : memref<1x1xf32, #tpu.memory_space<smem>>
    } else {
    }
    return
  }
  func.func @transform_0(%arg0: i32) -> (i32, i32, i32) {
    %c0_i32 = arith.constant 0 : i32
    %c0_i32_0 = arith.constant 0 : i32
    %c0_i32_1 = arith.constant 0 : i32
    return %arg0, %c0_i32, %c0_i32_0 : i32, i32, i32
  }
  func.func @transform_1(%arg0: i32) -> (i32, i32) {
    %c0_i32 = arith.constant 0 : i32
    %c0_i32_0 = arith.constant 0 : i32
    %c0_i32_1 = arith.constant 0 : i32
    return %c0_i32, %c0_i32_0 : i32, i32
  }
  func.func @transform_2(%arg0: i32) -> (i32, i32) {
    %c0_i32 = arith.constant 0 : i32
    %c0_i32_0 = arith.constant 0 : i32
    return %arg0, %c0_i32 : i32, i32
  }
  func.func @transform_3(%arg0: i32) -> (i32, i32) {
    %c0_i32 = arith.constant 0 : i32
    %c0_i32_0 = arith.constant 0 : i32
    %c0_i32_1 = arith.constant 0 : i32
    return %c0_i32, %c0_i32_0 : i32, i32
  }
}

</mosaic_0001>

<sc_bundles>
// kernel: kernel.4.cloned.1.call-start
scs
__scs_entry_jumppad:
0x0: {  	(pc) =	sbr.rel $0x88, $3  }
0x1: {  	(tag) =	ssettag $0x0;
	lr =	simm.s32 $0x1  }
0x2: {  	[smem:$0x3F9F] =	sst lr;
	_ =	strace $0xD0000000  }
0x3: {  	_ = 	snop  }
0x4: {  	_ = 	snop  }
0x5: {  	_ = 	snop  }
0x6: {  	_ = 	snop  }
0x7: {  	_ = 	snop  }
__scs_overlays_trampoline_lowered:
0x8: {  	[smem:$0x3FAE] =	sst s0  }
0x9: {  	[smem:$0x3FAF] =	sst s1  }
0xa: {  	[smem:$0x3FB0] =	sst s2  }
0xb: {  	[smem:$0x3FB1] =	sst s3  }
0xc: {  	[smem:$0x3FB2] =	sst s4  }
0xd: {  	[smem:$0x3FB3] =	sst s5  }
0xe: {  	[smem:$0x3FB4] =	sst s6  }
0xf: {  	[smem:$0x3FB5] =	sst s7  }
0x10: {  	[smem:$0x3FB6] =	sst s8  }
0x11: {  	[smem:$0x3FB7] =	sst s9;
	s0 =	simm.s32 @!p0 $0x0  }
0x12: {  	s1 =	sld [smem:$0x3F9D];
	s0 =	simm.s32 @p0 $0x1  }
0x13: {  	[smem:$0x3FB8] =	sst s0;
	s0 =	simm.s32 @!p1 $0x0  }
0x14: {  	s2 =	sld [smem:$0x3F9C];
	s0 =	simm.s32 @p1 $0x1  }
0x15: {  	[smem:$0x3FB9] =	sst s0;
	s0 =	simm.s32 @!p2 $0x0  }
0x16: {  	s3 =	sld [smem:$0x3FDB];
	s0 =	simm.s32 @p2 $0x1  }
0x17: {  	s4 =	simm.s32 $0x1BF5;
	[smem:$0x3FBB] =	sst s0  }
0x18: {  	s0 =	sld [smem:$0x3F9E];
	_ =	swait.ge [sflag:s4], $0x0  }
0x19: {  	s7 =	sld [smem:$0x3F9F]  }
0x1a: {  	s8 =	sadd.s32 $0xFFFFE003, lr  }
0x1b: {  	s9 =	sadd.s32 $0xFFFFFEF7, lr;
	s5 =	simm.s32 $0xFFFFFFFF;
	p2 =	slt.u32 s8, $0xFFFFF086  }
0x1c: {  	p1 =	slt.u32 s9, $0xF7A;
	s5 =	simm.s32 @!p2 $0x0  }
0x1d: {  	s5 =	simm.s32 @p1 $0x1;
	p0 =	seq.s32 s7, s2  }
0x1e: {  	s7 =	smul.u32 @!p0 $0xF7A, s2;
	p2 =	seq.s32 @!p0 s5, $0x0  }
0x1f: {  	s9 =	smul.u32 $0xF7A, s1;
	s8 =	simm.s32 @!p0 $0x1BF5;
	p2 =	por !p2, p0  }
0x20: {  	[sflag:s8] =	ssyncset.s32 @!p0 $0xFFFFF086;
	s6 =	sadd.s32 @!p0 s3, s7;
	s7 =	simm.s32 @!p0 $0x108  }
0x21: {  	s3 =	sadd.s32 s3, s9;
	s6 =	sadd.s32 @!p0 $0x88, s6;
	s7 =	simm.s32 @p2 $0x1082  }
0x22: {  	[simem:s7], [sflag:s8] =	dma.local @!p0 [hbm:s6], $0xF7A  }
0x23: {  	s9 =	sor.u32 $0xD0000000, s2;
	s6 =	simm.s32 $0x108;
	_ =	swait.ge @!p0 [sflag:s8], $0x0  }
0x24: {  	s3 =	sadd.s32 $0x88, s3;
	s6 =	simm.s32 @!p1 $0x1082;
	[sflag:s4] =	ssyncset.s32 $0xFFFFF086  }
0x25: {  	[simem:s6], [sflag:s4] =	dma.local [hbm:s3], $0xF7A  }
0x26: {  	[smem:$0x3F9F] =	sst s1;
	(tag) =	ssettag s2;
	_ =	strace s9  }
0x27: {  	s1 =	sld [smem:$0x3FAF]  }
0x28: {  	s2 =	sld [smem:$0x3FB0]  }
0x29: {  	s4 =	sld [smem:$0x3FB2]  }
0x2a: {  	p0 =	seq.s32 s5, $0x0;
	s5 =	sld [smem:$0x3FB3]  }
0x2b: {  	s6 =	sld [smem:$0x3FB4]  }
0x2c: {  	s7 =	sld [smem:$0x3FB5]  }
0x2d: {  	s3 =	simm.s32 $0x108;
	s8 =	sld [smem:$0x3FB6]  }
0x2e: {  	s3 =	simm.s32 @!p0 $0x1082;
	s9 =	sld [smem:$0x3FB7]  }
0x2f: {  	lr =	sadd.s32 s0, s3;
	s0 =	sld [smem:$0x3FAE]  }
0x30: {  	s3 =	sld [smem:$0x3FB1]  }
0x31: {  	[smem:$0x3FBA] =	sst s10  }
0x32: {  	s10 =	sld [smem:$0x3FB8];
	_ =	sdelay $0x3  }
0x33: {  	p0 =	seq.s32 s10, $0x1;
	s10 =	sld [smem:$0x3FBA];
	_ =	sdelay $0x3  }
0x34: {  	[smem:$0x3FBA] =	sst s10  }
0x35: {  	s10 =	sld [smem:$0x3FB9];
	_ =	sdelay $0x3  }
0x36: {  	p1 =	seq.s32 s10, $0x1;
	s10 =	sld [smem:$0x3FBA];
	_ =	sdelay $0x3  }
0x37: {  	[smem:$0x3FBA] =	sst s10  }
0x38: {  	s10 =	sld [smem:$0x3FBB]  }
0x39: {  	_ = 	snop;
	(pc) =	sbr.ind lr, $3  }
0x3a: {  	_ = 	snop  }
0x3b: {  	_ = 	snop  }
0x3c: {  	p2 =	seq.s32 s10, $0x1;
	s10 =	sld [smem:$0x3FBA]  }
0x3d: {  	_ =	shalt  }
0x3e: {  	_ =	shalt  }
0x3f: {  	_ =	shalt  }
0x40: {  	_ =	shalt  }
0x41: {  	_ =	shalt  }
0x42: {  	_ =	shalt  }
0x43: {  	_ =	shalt  }
0x44: {  	_ =	shalt  }
0x45: {  	_ =	shalt  }
0x46: {  	_ =	shalt  }
0x47: {  	_ =	shalt  }
0x48: {  	_ =	shalt  }
0x49: {  	_ =	shalt  }
0x4a: {  	_ =	shalt  }
0x4b: {  	_ =	shalt  }
0x4c: {  	_ =	shalt  }
0x4d: {  	_ =	shalt  }
0x4e: {  	_ =	shalt  }
0x4f: {  	_ =	shalt  }
0x50: {  	_ =	shalt  }
0x51: {  	_ =	shalt  }
0x52: {  	_ =	shalt  }
0x53: {  	_ =	shalt  }
0x54: {  	_ =	shalt  }
0x55: {  	_ =	shalt  }
0x56: {  	_ =	shalt  }
0x57: {  	_ =	shalt  }
0x58: {  	_ =	shalt  }
0x59: {  	_ =	shalt  }
0x5a: {  	_ =	shalt  }
0x5b: {  	_ =	shalt  }
0x5c: {  	_ =	shalt  }
0x5d: {  	_ =	shalt  }
0x5e: {  	_ =	shalt  }
0x5f: {  	_ =	shalt  }
0x60: {  	_ =	shalt  }
0x61: {  	_ =	shalt  }
0x62: {  	_ =	shalt  }
0x63: {  	_ =	shalt  }
0x64: {  	_ =	shalt  }
0x65: {  	_ =	shalt  }
0x66: {  	_ =	shalt  }
0x67: {  	_ =	shalt  }
0x68: {  	_ =	shalt  }
0x69: {  	_ =	shalt  }
0x6a: {  	_ =	shalt  }
0x6b: {  	_ =	shalt  }
0x6c: {  	_ =	shalt  }
0x6d: {  	_ =	shalt  }
0x6e: {  	_ =	shalt  }
0x6f: {  	_ =	shalt  }
0x70: {  	_ =	shalt  }
0x71: {  	_ =	shalt  }
0x72: {  	_ =	shalt  }
0x73: {  	_ =	shalt  }
0x74: {  	_ =	shalt  }
0x75: {  	_ =	shalt  }
0x76: {  	_ =	shalt  }
0x77: {  	_ =	shalt  }
0x78: {  	_ =	shalt  }
0x79: {  	_ =	shalt  }
0x7a: {  	_ =	shalt  }
0x7b: {  	_ =	shalt  }
0x7c: {  	_ =	shalt  }
0x7d: {  	_ =	shalt  }
0x7e: {  	_ =	shalt  }
0x7f: {  	_ =	shalt  }
0x80: {  	_ =	shalt  }
0x81: {  	_ =	shalt  }
0x82: {  	_ =	shalt  }
0x83: {  	_ =	shalt  }
0x84: {  	_ =	shalt  }
0x85: {  	_ =	shalt  }
0x86: {  	_ =	shalt  }
0x87: {  	_ =	shalt  }
.Lfunc_end0:
.L_simem_size_0:
called_computation_lowered:
.L_overlay_start_0:
0x88: {  	s2 =	sld [smem:$0x3FD9]  }
0x89: {  	s3 =	sld [smem:$0x3FFE];
	_ =	sdelay $0x1  }
0x8a: {  	s1 =	srdreg.scid  }
0x8b: {  	s0 =	sand.u32 $0x1, s1  }
0x8c: {  	s14 =	sshll.u32 s0, $0xA;
	s2 =	sadd.s32 s3, s2  }
0x8d: {  	s2 =	sadd.s32 s2, s14  }
0x8e: {  	[smem:$0x3FC6] =	sst s2  }
0x8f: {  	_ = 	snop  }
0x90: {  	s2 =	sld [smem:$0x3FD0];
	_ =	sdelay $0x2  }
0x91: {  	s15 =	simm.s32 $0xA;
	s4 =	simm.s32 $0x10  }
0x92: {  	[smem:s4], [sflag:s15] =	dma.local [hbm:s2], $0x1  }
0x93: {  	_ =	swait.eq [sflag:s15], $0x1  }
0x94: {  	[sflag:s15] =	ssyncset.done $0x0  }
0x95: {  	[sflag:s15] =	ssyncadd.s32 $0xFFFFFFFF  }
0x96: {  	s16 =	sld [smem:$0x10];
	(tm) =	ssettm $0x1  }
0x97: {  	s17 =	sld [smem:$0x3FFB];
	_ =	sdelay $0x3  }
0x98: {  	_ =	strace s17  }
0x99: {  	s3 =	sld [smem:$0x3FFC];
	_ =	sdelay $0x3  }
0x9a: {  	_ =	strace s3  }
0x9b: {  	s3 =	sld [smem:$0x3FFD];
	_ =	sdelay $0x3  }
0x9c: {  	_ =	strace s3  }
0x9d: {  	_ =	strace $0x8FFFFFFF  }
0x9e: {  	s18 =	sld [smem:$0x3FDB];
	_ =	sdelay $0x1  }
0x9f: {  	s19 =	simm.s32 $_scs_section_size  }
0xa0: {  	s5 =	simm.s32 $_size__tile_overlayer_lowered;
	s6 =	simm.s32 $_tile_overlayer_lowered  }
0xa1: {  	s22 =	simm.s32 $0x1BFF;
	s21 =	sshll.u32 s6, $0x1;
	s3 =	sadd.s32 s19, s18  }
0xa2: {  	s7 =	simm.s32 $0x0;
	s20 =	sshll.u32 s5, $0x1;
	s5 =	sadd.s32 s21, s3  }
0xa3: {  	[timem:s7], [sflag:s22] =	dma.local [hbm:s5], s20  }
0xa4: {  	_ =	swait.ge [sflag:s22], s20  }
0xa5: {  	s4 =	ssub.s32 $0x0, s20;
	[sflag:s22] =	ssyncset.done $0x0  }
0xa6: {  	[sflag:s22] =	ssyncadd.s32 s4;
	_ =	sdelay $0x1  }
0xa7: {  	s23 =	simm.s32 $0x1B8B  }
0xa8: {  	_ =	swait.ge [sflag:s23], $0x1  }
0xa9: {  	[sflag:s23] =	ssyncset.done $0x0  }
0xaa: {  	s25 =	simm.s32 $0x1B8E;
	s24 =	sld [smem:$0x3FFE];
	[sflag:s23] =	ssyncadd.s32 $0xFFFFFFFF  }
0xab: {  	s26 =	simm.s32 $execute0_lowered;
	[smem:$0x3FD2] =	sst s25  }
0xac: {  	s5 =	sshll.u32 s26, $0x1;
	_ =	strace $0x80000046;
	[dreg:$0x1] =	wrdreg $0xFFFFFFFF  }
0xad: {  	s28 =	simm.s32 $_size_execute0_lowered;
	s3 =	sadd.s32 s3, s5;
	[dreg:$0x0] =	wrdreg $0x0  }
0xae: {  	s5 =	sshll.u32 s28, $0x1;
	[dreg:$0x2] =	wrdreg s3  }
0xaf: {  	[dreg:$0x3] =	wrdreg s5  }
0xb0: {  	[dreg:$0x4] =	wrdreg $0xC0  }
0xb1: {  	_ =	task [dreg:s7], $0x5FFFF  }
0xb2: {  	[dreg:$0x1] =	wrdreg $0xFFFFFFFF  }
0xb3: {  	[dreg:$0x0] =	wrdreg $0x60  }
0xb4: {  	[dreg:$0x2] =	wrdreg s24  }
0xb5: {  	[dreg:$0x3] =	wrdreg s16  }
0xb6: {  	[dreg:$0x4] =	wrdreg $0x9  }
0xb7: {  	_ =	task.clear_ibuf [dreg:s7], $0x5FFFF;
	_ =	strace $0x90000046  }
0xb8: {  	s29 =	simm.s32 $0x9;
	_ =	strace $0x80000048  }
0xb9: {  	_ =	swait.ge [sflag:s29], $0x1  }
0xba: {  	[sflag:s29] =	ssyncadd.s32 $0xFFFFFFFF  }
0xbb: {  	_ =	strace $0x90000048  }
0xbc: {  	_ =	sfence  }
0xbd: {  	s30 =	sld [smem:$0x0];
	_ =	sdelay $0x2  }
0xbe: {  	s31 =	sshll.u32 s1, $0xD;
	s1 =	sshrl.u32 s1, $0x2  }
0xbf: {  	s3 =	sand.u32 $0x4000, s31;
	s1 =	sadd.s32 s1, s30  }
0xc0: {  	s0 =	sor.u32 s3, s0;
	s1 =	sshll.u32 s1, $0x11  }
0xc1: {  	s0 =	sor.u32 s1, s0  }
0xc2: {  	s0 =	sadd.s32 $0x8F2B, s0  }
0xc3: {  	[sflag:s0] =	ssyncadd.remote.s32 $0x1  }
0xc4: {  	_ =	sfence.sel $0xFFFF  }
0xc5: {  	[dreg:$0x0] =	wrdreg $0xFFFFFFFF;
	(pc) =	sbr.abs _section_cstart, $3  }
0xc6: {  	[dreg:$0x1] =	wrdreg $0xFFFFFFFF  }
0xc7: {  	_ =	task.clear_ibuf [dreg:s7], $0x2FFFF;
	_ =	strace $0x9FFFFFFF  }
0xc8: {  	(tm) =	ssettm $0x7FFFFFFF  }
0xc9: {  	_ =	shalt  }
tec
execute0_lowered:
.L_overlay_start_1:
0x0: {  	(tag) =	ssettag $0x1  }
0x1: {  	s0 =	rddreg [dreg:$0x0]  }
0x2: {  	s1 =	srdreg.scid;
	s3 =	stileid.u32  }
0x3: {  	s2 =	rddreg [dreg:$0x1];
	s24 =	simm.s32 $0x14000;
	s28 =	simm.s32 $0x14C00  }
0x4: {  	s29 =	simm.s32 $0x15000;
	s30 =	simm.s32 $0x15400;
	s31 =	simm.s32 $0x15800  }
0x5: {  	s14 =	simm.s32 $0x0;
	s1 =	sand.u32 $0x1, s1;
	s4 =	sshll.u32 s3, $0x1  }
0x6: {  	s3 =	simm.s32 $0x0;
	s7 =	sadd.s32 $0x400, s2;
	s8 =	sadd.s32 $0x800, s2  }
0x7: {  	s9 =	sadd.s32 $0xC00, s2;
	s10 =	sadd.s32 $0x1000, s2;
	s11 =	sadd.s32 $0x1400, s2  }
0x8: {  	s12 =	sadd.s32 $0x1800, s2;
	s13 =	sadd.s32 $0x1C00, s2;
	s4 =	sor.u32 s1, s4  }
0x9: {  	[smem:$0x7FF] =	sst s3;
	s1 =	ssub.s32 $0x2, s1;
	s5 =	sshll.u32 s4, $0x7  }
0xa: {  	_ =	strace $0x80000047;
	s6 =	sshrl.u32 s1, $0x1;
	s5 =	sadd.s32 s5, s0  }
0xb: {  	s0 =	sadd.s32 $0x1A00, s0;
	s25 =	ssub.s32 s1, s6;
	s6 =	sshll.u32 s4, $0x10  }
0xc: {  	s1 =	simm.s32 $0x15C00;
	[dreg:$0x3] =	wrdreg s0;
	s26 =	sadd.s32 $0xA00, s5  }
0xd: {  	v0 =	vimm.s32 $0x0;
	vm0 =	vcmask $0x300;
	s0 =	smax.u32 s25, $0x1;
	s25 =	simm.s32 $0x14400;
	[dreg:$0x4] =	wrdreg s26  }
0xe: {  	v0 =	vsel vm0, $0x3, v0;
	[dreg:$0x5] =	wrdreg s0;
	s26 =	simm.s32 $0x14800;
	s0 =	simm.s32 $0x16000  }
.LBB2_1:
0xf: {  	[dreg:$0x6] =	wrdreg s14  }
0x10: {  	s4 =	rddreg [dreg:$0x4];
	s5 =	simm.s32 $0x12000  }
0x11: {  	[tilespmem:s5], [sflag:$0x1] =	stream.linear.gather [hbm4b:s4+s3], $0x400, $0x38;
	[tilespmem:$0x16400] =	vst v63  }
0x12: {  	s22 =	rddreg [dreg:$0x3];
	s23 =	simm.s32 $0x1  }
0x13: {  	[tilespmem:s3], [sflag:$0x1] =	stream.linear.gather [hbm4b:s22+s3], $0x12000, $0x38;
	[tilespmem:$0x16400] =	vst v63  }
0x14: {  	_ =	swait.ge [sflag:s23], $0x400  }
0x15: {  	[sflag:s23] =	ssyncset.done $0x0  }
0x16: {  	[sflag:s23] =	ssyncadd.s32 $0xFFFFFC00  }
0x17: {  	_ =	swait.ge [sflag:s23], $0x12000  }
0x18: {  	[sflag:s23] =	ssyncset.done $0x0  }
0x19: {  	s14 =	simm.s32 $0x0;
	[sflag:s23] =	ssyncadd.s32 $0xFFFEE000  }
.LBB2_2:
0x1a: {  	p0 =	seq.s32 s14, $0x0  }
0x1b: {  	s4 =	simm.s32 @!p0 $0x2  }
0x1c: {  	_ =	swait.ge @!p0 [sflag:s4], $0x400  }
0x1d: {  	[sflag:s4] =	ssyncset.done @!p0 $0x0  }
0x1e: {  	[sflag:s4] =	ssyncadd.s32 @!p0 $0xFFFFFC00  }
0x1f: {  	_ =	swait.ge @!p0 [sflag:s4], $0x400  }
0x20: {  	[sflag:s4] =	ssyncset.done @!p0 $0x0  }
0x21: {  	[sflag:s4] =	ssyncadd.s32 @!p0 $0xFFFFFC00  }
0x22: {  	_ =	swait.ge @!p0 [sflag:s4], $0x400  }
0x23: {  	[sflag:s4] =	ssyncset.done @!p0 $0x0  }
0x24: {  	[sflag:s4] =	ssyncadd.s32 @!p0 $0xFFFFFC00  }
0x25: {  	_ =	swait.ge @!p0 [sflag:s4], $0x400  }
0x26: {  	[sflag:s4] =	ssyncset.done @!p0 $0x0  }
0x27: {  	[sflag:s4] =	ssyncadd.s32 @!p0 $0xFFFFFC00  }
0x28: {  	_ =	swait.ge @!p0 [sflag:s4], $0x400  }
0x29: {  	[sflag:s4] =	ssyncset.done @!p0 $0x0  }
0x2a: {  	s19 =	simm.s32 $0x1;
	[sflag:s4] =	ssyncadd.s32 @!p0 $0xFFFFFC00  }
0x2b: {  	s15 =	simm.s32 $0x2;
	s16 =	simm.s32 $0x3;
	_ =	swait.ge @!p0 [sflag:s4], $0x400  }
0x2c: {  	s20 =	simm.s32 $0x4;
	s21 =	simm.s32 $0x5;
	[sflag:s4] =	ssyncset.done @!p0 $0x0  }
0x2d: {  	s22 =	simm.s32 $0x7;
	s23 =	simm.s32 $0x8;
	v9 =	vmov s19;
	v10 =	vmov s15;
	v11 =	vmov s16;
	[sflag:s4] =	ssyncadd.s32 @!p0 $0xFFFFFC00  }
0x2e: {  	s17 =	simm.s32 $0xB;
	s18 =	simm.s32 $0xF;
	v12 =	vmov s20;
	v13 =	vmov s21;
	v14 =	vmov s22;
	_ =	swait.ge @!p0 [sflag:s4], $0x400  }
0x2f: {  	v15 =	vmov s23;
	s16 =	simm.s32 $0xA;
	v17 =	vmov s17;
	s19 =	simm.s32 $0xD;
	v20 =	vmov s18;
	[sflag:s4] =	ssyncset.done @!p0 $0x0  }
0x30: {  	s20 =	simm.s32 $0xE;
	s17 =	simm.s32 $0x9;
	v10 =	vshrl.u32 v10, $0x3;
	v16 =	vmov s16;
	v18 =	vmov s19;
	[sflag:s4] =	ssyncadd.s32 @!p0 $0xFFFFFC00  }
0x31: {  	s21 =	simm.s32 $0x6;
	s22 =	simm.s32 $0xC;
	v19 =	vmov s20;
	v14 =	vshrl.u32 v14, $0x3;
	v21 =	vmov s17;
	_ =	swait.ge @!p0 [sflag:s4], $0x400  }
0x32: {  	s5 =	sshll.u32 s14, $0x8;
	s23 =	simm.s32 $0x0;
	v12 =	vshrl.u32 v12, $0x3;
	v22 =	vmov s21;
	v23 =	vmov s22;
	[sflag:s4] =	ssyncset.done @!p0 $0x0  }
0x33: {  	s5 =	sand.u32 $0x3FFFFF00, s5;
	v20 =	vshrl.u32 v20, $0x3;
	v24 =	vmov s23;
	v17 =	vshrl.u32 v17, $0x3;
	[sflag:s4] =	ssyncadd.s32 @!p0 $0xFFFFFC00  }
0x34: {  	v11 =	vshrl.u32 v11, $0x3;
	v13 =	vshrl.u32 v13, $0x3;
	v15 =	vshrl.u32 v15, $0x3;
	v1 =	vld [tilespmem:s5+$0x12000]  }
0x35: {  	v9 =	vshrl.u32 v9, $0x3;
	v19 =	vshrl.u32 v19, $0x3;
	v12 =	vshll.u32 v12, v0  }
0x36: {  	v16 =	vshrl.u32 v16, $0x3;
	v23 =	vshrl.u32 v23, $0x3;
	v24 =	vshrl.u32 v24, $0x3  }
0x37: {  	v21 =	vshrl.u32 v21, $0x3;
	v22 =	vshrl.u32 v22, $0x3;
	v14 =	vshll.u32 v14, v0  }
0x38: {  	v17 =	vshll.u32 v17, v0;
	v18 =	vshrl.u32 v18, $0x3;
	v10 =	vshll.u32 v10, v0  }
0x39: {  	v11 =	vshll.u32 v11, v0;
	v19 =	vshll.u32 v19, v0;
	v3 =	vmul.u32 $0x48, v1  }
0x3a: {  	v25 =	vshll.u32 v13, v0;
	v26 =	vshll.u32 v15, v0;
	v19 =	vbroadcast v19, $0x0  }
0x3b: {  	v12 =	vbroadcast v12, $0x0;
	v16 =	vshll.u32 v16, v0;
	v7 =	vor.u32 $0x6, v3  }
0x3c: {  	v16 =	vbroadcast v16, $0x0;
	v4 =	vor.u32 $0x4, v3;
	v19 =	vadd.s32 v7, v19  }
0x3d: {  	v9 =	vshll.u32 v9, v0;
	v5 =	vor.u32 $0x2, v3;
	v12 =	vadd.s32 v4, v12  }
0x3e: {  	v23 =	vshll.u32 v23, v0;
	v24 =	vshll.u32 v24, v0;
	v16 =	vadd.s32 v5, v16  }
0x3f: {  	v22 =	vshll.u32 v22, v0;
	v14 =	vbroadcast v14, $0x0;
	v24 =	vbroadcast v24, $0x0  }
0x40: {  	v18 =	vshll.u32 v18, v0;
	v10 =	vbroadcast v10, $0x0;
	v11 =	vbroadcast v11, $0x0  }
0x41: {  	v22 =	vbroadcast v22, $0x0;
	v8 =	vor.u32 $0x7, v3;
	v24 =	vadd.s32 v3, v24;
	v19 =	vld.idx.msk [tilespmem:v19+s3+$0x0], $0xffff  }
0x42: {  	v1 =	vor.u32 $0x1, v3;
	v13 =	vadd.s32 v8, v14;
	v14 =	vbroadcast v18, $0x0;
	v18 =	vld.idx.msk [tilespmem:v12+s3+$0x0], $0xffff  }
0x43: {  	v6 =	vor.u32 $0x3, v3;
	v2 =	vor.u32 $0x5, v3;
	v22 =	vadd.s32 v7, v22;
	v15 =	vld.idx.msk [tilespmem:v16+s3+$0x0], $0xffff  }
0x44: {  	v16 =	vadd.s32 v2, v14;
	v12 =	vshll.u32 v20, v0;
	v14 =	vbroadcast v17, $0x0  }
0x45: {  	s15 =	simm.s32 $0x12800;
	v17 =	vadd.s32 v5, v10;
	v10 =	vshll.u32 v21, v0;
	v20 =	vbroadcast v12, $0x0  }
0x46: {  	v11 =	vadd.s32 v6, v11;
	v12 =	vld.idx.msk [tilespmem:v24+s3+$0x0], $0xffff;
	v63 =	vbroadcast v10, $0x0;
	v14 =	vadd.s32 v6, v14;
	[tilespmem:s15+$0x300] =	vst v19  }
0x47: {  	v13 =	vld.idx.msk [tilespmem:v13+s3+$0x0], $0xffff;
	v10 =	vadd.s32 v8, v20;
	v20 =	vbroadcast v23, $0x0;
	[tilespmem:s15+$0xFFFFFE00] =	vst v18;
	v19 =	vbroadcast v25, $0x0  }
0x48: {  	s16 =	sshllo.u32 s14, $0x1;
	s17 =	simm.s32 $0x13000;
	s4 =	simm.s32 $0x10;
	v21 =	vbroadcast v26, $0x0;
	[tilespmem:s15+$0x100] =	vst v15;
	v18 =	vbroadcast v9, $0x0;
	v15 =	vld.idx.msk [tilespmem:v22+s3+$0x0], $0xffff;
	v9 =	vadd.s32 v1, v63  }
.LBB2_3:
0x49: {  	s18 =	sadd.s32 $0x1, s4;
	s19 =	sadd.s32 $0x2, s4;
	s20 =	sadd.s32 $0x3, s4;
	v19 =	vadd.s32 v2, v19;
	v20 =	vadd.s32 v4, v20;
	v16 =	vld.idx.msk [tilespmem:v16+s3+$0x0], $0xffff  }
0x4a: {  	s21 =	sadd.s32 $0x9, s4;
	v22 =	vmov s18;
	v23 =	vmov s19;
	s18 =	sadd.s32 $0x4, s4;
	s19 =	sadd.s32 $0x5, s4;
	v17 =	vld.idx.msk [tilespmem:v17+s3+$0x0], $0xffff;
	v21 =	vadd.s32 v3, v21  }
0x4b: {  	v24 =	vmov s20;
	s20 =	sadd.s32 $0xF, s4;
	v25 =	vmov s18;
	v26 =	vmov s19;
	s18 =	sadd.s32 $0x7, s4;
	s19 =	sadd.s32 $0x8, s4;
	[tilespmem:s15+$0xFFFFFC00] =	vst v12  }
0x4c: {  	s22 =	sadd.s32 $0x6, s4;
	v18 =	vadd.s32 v1, v18;
	v12 =	vmov s18;
	v27 =	vmov s19;
	s18 =	sadd.s32 $0xA, s4;
	s19 =	sadd.s32 $0xB, s4;
	[tilespmem:s15+$0xFFFFFF80] =	vst v13;
	v13 =	vld.idx.msk [tilespmem:v14+s3+$0x0], $0xffff  }
0x4d: {  	s23 =	sadd.s32 $0xE, s4;
	v14 =	vshrl.u32 v23, $0x3;
	v23 =	vmov s18;
	v28 =	vmov s19;
	s18 =	sadd.s32 $0xC, s4;
	s19 =	sadd.s32 $0xD, s4;
	v11 =	vld.idx.msk [tilespmem:v11+s3+$0x0], $0xffff  }
0x4e: {  	p1 =	slt.u32 s4, $0x30;
	v30 =	vmov s23;
	v31 =	vmov s20;
	v29 =	vmov s19;
	[tilespmem:s15+$0xFFFFFF00] =	vst v15;
	s19 =	smov.u32 s4;
	s4 =	sadd.s32 $0x10, s4  }
0x4f: {  	v30 =	vshrl.u32 v30, $0x3;
	v12 =	vshrl.u32 v12, $0x3;
	v15 =	vmov s21;
	[tilespmem:s15+$0x280] =	vst v16;
	v10 =	vld.idx.msk [tilespmem:v10+s3+$0x0], $0xffff  }
0x50: {  	v30 =	vshll.u32 v30, v0;
	v16 =	vshrl.u32 v25, $0x3;
	v25 =	vmov s22;
	[tilespmem:s15+$0xFFFFFD00] =	vst v17;
	v17 =	vld.idx.msk [tilespmem:v21+s3+$0x0], $0xffff  }
0x51: {  	v30 =	vbroadcast v30, $0x0;
	v16 =	vshll.u32 v16, v0;
	v21 =	vmov s18;
	v20 =	vld.idx.msk [tilespmem:v20+s3+$0x0], $0xffff  }
0x52: {  	v31 =	vshrl.u32 v31, $0x3;
	v23 =	vshrl.u32 v23, $0x3;
	v16 =	vbroadcast v16, $0x0;
	v18 =	vld.idx.msk [tilespmem:v18+s3+$0x0], $0xffff;
	[tilespmem:s15+$0x180] =	vst v13  }
0x53: {  	v21 =	vshrl.u32 v21, $0x3;
	v13 =	vshll.u32 v23, v0;
	v23 =	vadd.s32 v7, v30;
	[tilespmem:s15+$0xFFFFFD80] =	vst v11;
	v11 =	vld.idx.msk [tilespmem:v19+s3+$0x0], $0xffff  }
0x54: {  	v21 =	vshll.u32 v21, v0;
	v19 =	vmov s19;
	v16 =	vadd.s32 v4, v16;
	v9 =	vld.idx.msk [tilespmem:v9+s3+$0x0], $0xffff  }
0x55: {  	v15 =	vshrl.u32 v15, $0x3;
	v13 =	vbroadcast v13, $0x0;
	v19 =	vshrl.u32 v19, $0x3;
	[tilespmem:s15+$0x380] =	vst v10  }
0x56: {  	v10 =	vshll.u32 v19, v0;
	v19 =	vshrl.u32 v25, $0x3;
	v25 =	vshrl.u32 v28, $0x3;
	[tilespmem:s15+$0x0] =	vst v17  }
0x57: {  	v13 =	vadd.s32 v5, v13;
	v10 =	vbroadcast v10, $0x0;
	v17 =	vshrl.u32 v24, $0x3;
	[tilespmem:s15+$0x200] =	vst v20  }
0x58: {  	v12 =	vshll.u32 v12, v0;
	v19 =	vshll.u32 v19, v0;
	v20 =	vshrl.u32 v26, $0x3;
	v23 =	vld.idx.msk [tilespmem:v23+s3+$0x0], $0xffff;
	[tilespmem:s15+$0xFFFFFC80] =	vst v18  }
0x59: {  	v12 =	vbroadcast v12, $0x0;
	v10 =	vadd.s32 v3, v10;
	v18 =	vld.idx.msk [tilespmem:v16+s3+$0x0], $0xffff;
	v16 =	vbroadcast v19, $0x0;
	[tilespmem:s15+$0xFFFFFE80] =	vst v11  }
0x5a: {  	v24 =	vshrl.u32 v29, $0x3;
	v11 =	vshrl.u32 v27, $0x3;
	v19 =	vshll.u32 v25, v0;
	[tilespmem:s15+$0x80] =	vst v9;
	s15 =	smov.u32 s17  }
0x5b: {  	v9 =	vshll.u32 v14, v0;
	v14 =	vshll.u32 v17, v0;
	v17 =	vshll.u32 v24, v0  }
0x5c: {  	v20 =	vshll.u32 v20, v0;
	v24 =	vadd.s32 v8, v12;
	v12 =	vbroadcast v17, $0x0;
	v25 =	vld.idx.msk [tilespmem:v13+s3+$0x0], $0xffff  }
0x5d: {  	v27 =	vshll.u32 v11, v0;
	v9 =	vbroadcast v9, $0x0;
	v26 =	vadd.s32 v7, v16  }
0x5e: {  	v11 =	vbroadcast v14, $0x0;
	v13 =	vshll.u32 v31, v0;
	v16 =	vadd.s32 v2, v12;
	[tilespmem:s17+$0x300] =	vst v23  }
.Ltmp0:
0x5f: {  	v22 =	vshrl.u32 v22, $0x3;
	v12 =	vld.idx.msk [tilespmem:v10+s3+$0x0], $0xffff;
	[tilespmem:s17+$0xFFFFFE00] =	vst v18;
	v10 =	vbroadcast v19, $0x0;
	v18 =	vbroadcast v13, $0x0;
	(pc) =	sbr.rel @p1 .LBB2_3-.Ltmp0, $4  }
0x60: {  	v17 =	vadd.s32 v5, v9;
	v11 =	vadd.s32 v6, v11;
	v9 =	vshll.u32 v15, v0  }
0x61: {  	v9 =	vbroadcast v9, $0x0;
	v13 =	vld.idx.msk [tilespmem:v24+s3+$0x0], $0xffff;
	v14 =	vadd.s32 v6, v10;
	v10 =	vadd.s32 v8, v18  }
0x62: {  	v15 =	vshll.u32 v22, v0;
	v19 =	vbroadcast v20, $0x0;
	v20 =	vbroadcast v21, $0x0;
	[tilespmem:s17+$0x100] =	vst v25  }
0x63: {  	v21 =	vbroadcast v27, $0x0;
	v9 =	vadd.s32 v1, v9;
	v18 =	vbroadcast v15, $0x0;
	s17 =	sadd.s32 $0x800, s17;
	v15 =	vld.idx.msk [tilespmem:v26+s3+$0x0], $0xffff  }
0x64: {  	_ =	sdelay $0x3  }
0x65: {  	v5 =	vld.idx.msk [tilespmem:v16+s3+$0x0], $0xffff;
	v4 =	vadd.s32 v4, v20  }
0x66: {  	v6 =	vld.idx.msk [tilespmem:v17+s3+$0x0], $0xffff;
	v2 =	vadd.s32 v2, v19  }
0x67: {  	[tilespmem:s15+$0xFFFFFC00] =	vst v12;
	v7 =	vld.idx.msk [tilespmem:v14+s3+$0x0], $0xffff  }
0x68: {  	v8 =	vld.idx.msk [tilespmem:v11+s3+$0x0], $0xffff;
	v3 =	vadd.s32 v3, v21;
	[tilespmem:s15+$0xFFFFFF80] =	vst v13  }
0x69: {  	v10 =	vld.idx.msk [tilespmem:v10+s3+$0x0], $0xffff;
	v1 =	vadd.s32 v1, v18;
	[tilespmem:s15+$0xFFFFFF00] =	vst v15  }
0x6a: {  	[tilespmem:s15+$0x280] =	vst v5;
	v4 =	vld.idx.msk [tilespmem:v4+s3+$0x0], $0xffff  }
0x6b: {  	s17 =	simm.s32 $0x3;
	s23 =	simm.s32 $0x4;
	[tilespmem:s15+$0xFFFFFD00] =	vst v6;
	v2 =	vld.idx.msk [tilespmem:v2+s3+$0x0], $0xffff  }
0x6c: {  	s19 =	simm.s32 $0x7;
	s21 =	simm.s32 $0xA;
	v11 =	vmov s17;
	v12 =	vmov s23;
	[tilespmem:s15+$0x180] =	vst v7;
	v5 =	vld.idx.msk [tilespmem:v9+s3+$0x0], $0xffff  }
0x6d: {  	s18 =	simm.s32 $0x5;
	v14 =	vmov s19;
	v16 =	vmov s21;
	s19 =	simm.s32 $0xD;
	[tilespmem:s15+$0xFFFFFD80] =	vst v8;
	v3 =	vld.idx.msk [tilespmem:v3+s3+$0x0], $0xffff  }
0x6e: {  	s23 =	simm.s32 $0xF;
	v13 =	vmov s18;
	v18 =	vmov s19;
	[tilespmem:s15+$0x380] =	vst v10;
	v1 =	vld.idx.msk [tilespmem:v1+s3+$0x0], $0xffff  }
0x6f: {  	s21 =	simm.s32 $0x6;
	v20 =	vmov s23;
	v14 =	vshrl.u32 v14, $0x3;
	v12 =	vshrl.u32 v12, $0x3;
	[tilespmem:s15+$0x200] =	vst v4  }
0x70: {  	s18 =	simm.s32 $0x9;
	v22 =	vmov s21;
	v16 =	vshrl.u32 v16, $0x3;
	v11 =	vshrl.u32 v11, $0x3;
	[tilespmem:s15+$0xFFFFFE80] =	vst v2  }
0x71: {  	s23 =	simm.s32 $0x0;
	v21 =	vmov s18;
	v12 =	vshll.u32 v12, v0;
	v20 =	vshrl.u32 v20, $0x3;
	[tilespmem:s15+$0x80] =	vst v5  }
0x72: {  	v16 =	vshll.u32 v16, v0;
	v24 =	vmov s23;
	v22 =	vshrl.u32 v22, $0x3;
	[tilespmem:s15+$0x0] =	vst v3  }
0x73: {  	s20 =	simm.s32 $0x8;
	v13 =	vshrl.u32 v13, $0x3;
	v14 =	vshll.u32 v14, v0;
	v18 =	vshrl.u32 v18, $0x3;
	[tilespmem:s15+$0xFFFFFC80] =	vst v1  }
0x74: {  	v11 =	vshll.u32 v11, v0;
	v15 =	vmov s20;
	v12 =	vbroadcast v12, $0x0;
	v1 =	vld [tilespmem:s5+$0x12010]  }
0x75: {  	v24 =	vshrl.u32 v24, $0x3;
	v21 =	vshrl.u32 v21, $0x3;
	v16 =	vbroadcast v16, $0x0  }
0x76: {  	s20 =	simm.s32 $0xE;
	v22 =	vshll.u32 v22, v0;
	v14 =	vbroadcast v14, $0x0;
	v18 =	vshll.u32 v18, v0  }
0x77: {  	s4 =	simm.s32 $0x1;
	s22 =	simm.s32 $0x2;
	v25 =	vshll.u32 v13, v0;
	v11 =	vbroadcast v11, $0x0;
	v19 =	vmov s20  }
0x78: {  	v9 =	vmov s4;
	v10 =	vmov s22;
	v19 =	vshrl.u32 v19, $0x3  }
0x79: {  	v24 =	vshll.u32 v24, v0;
	v19 =	vshll.u32 v19, v0;
	v3 =	vmul.u32 $0x48, v1  }
0x7a: {  	s22 =	simm.s32 $0xB;
	v22 =	vbroadcast v22, $0x0;
	v15 =	vshrl.u32 v15, $0x3;
	v19 =	vbroadcast v19, $0x0  }
0x7b: {  	v10 =	vshrl.u32 v10, $0x3;
	v17 =	vmov s22;
	v7 =	vor.u32 $0x6, v3  }
0x7c: {  	v24 =	vbroadcast v24, $0x0;
	v4 =	vor.u32 $0x4, v3;
	v19 =	vadd.s32 v7, v19  }
0x7d: {  	s22 =	simm.s32 $0xC;
	v26 =	vshll.u32 v15, v0;
	v5 =	vor.u32 $0x2, v3;
	v12 =	vadd.s32 v4, v12  }
0x7e: {  	v9 =	vshrl.u32 v9, $0x3;
	v23 =	vmov s22;
	v16 =	vadd.s32 v5, v16  }
0x7f: {  	v17 =	vshrl.u32 v17, $0x3;
	v10 =	vshll.u32 v10, v0;
	v9 =	vshll.u32 v9, v0  }
0x80: {  	v23 =	vshrl.u32 v23, $0x3;
	v17 =	vshll.u32 v17, v0;
	v10 =	vbroadcast v10, $0x0  }
0x81: {  	v23 =	vshll.u32 v23, v0;
	v8 =	vor.u32 $0x7, v3;
	v24 =	vadd.s32 v3, v24;
	v19 =	vld.idx.msk [tilespmem:v19+s3+$0x0], $0xffff  }
0x82: {  	v1 =	vor.u32 $0x1, v3;
	v13 =	vadd.s32 v8, v14;
	v14 =	vbroadcast v18, $0x0;
	v18 =	vld.idx.msk [tilespmem:v12+s3+$0x0], $0xffff  }
0x83: {  	v6 =	vor.u32 $0x3, v3;
	v2 =	vor.u32 $0x5, v3;
	v22 =	vadd.s32 v7, v22;
	v15 =	vld.idx.msk [tilespmem:v16+s3+$0x0], $0xffff  }
0x84: {  	v16 =	vadd.s32 v2, v14;
	v12 =	vshll.u32 v20, v0;
	v14 =	vbroadcast v17, $0x0  }
0x85: {  	s15 =	simm.s32 $0x12810;
	v17 =	vadd.s32 v5, v10;
	v10 =	vshll.u32 v21, v0;
	v20 =	vbroadcast v12, $0x0  }
0x86: {  	v11 =	vadd.s32 v6, v11;
	v12 =	vld.idx.msk [tilespmem:v24+s3+$0x0], $0xffff;
	v63 =	vbroadcast v10, $0x0;
	v14 =	vadd.s32 v6, v14;
	[tilespmem:s15+$0x300] =	vst v19  }
0x87: {  	v13 =	vld.idx.msk [tilespmem:v13+s3+$0x0], $0xffff;
	v10 =	vadd.s32 v8, v20;
	v20 =	vbroadcast v23, $0x0;
	[tilespmem:s15+$0xFFFFFE00] =	vst v18;
	v19 =	vbroadcast v25, $0x0  }
0x88: {  	s17 =	simm.s32 $0x13010;
	s4 =	simm.s32 $0x10;
	v21 =	vbroadcast v26, $0x0;
	[tilespmem:s15+$0x100] =	vst v15;
	v18 =	vbroadcast v9, $0x0;
	v15 =	vld.idx.msk [tilespmem:v22+s3+$0x0], $0xffff;
	v9 =	vadd.s32 v1, v63  }
.LBB2_5:
0x89: {  	s18 =	sadd.s32 $0x1, s4;
	s19 =	sadd.s32 $0x2, s4;
	s20 =	sadd.s32 $0x3, s4;
	v19 =	vadd.s32 v2, v19;
	v20 =	vadd.s32 v4, v20;
	v16 =	vld.idx.msk [tilespmem:v16+s3+$0x0], $0xffff  }
0x8a: {  	s21 =	sadd.s32 $0x9, s4;
	v22 =	vmov s18;
	v23 =	vmov s19;
	s18 =	sadd.s32 $0x4, s4;
	s19 =	sadd.s32 $0x5, s4;
	v17 =	vld.idx.msk [tilespmem:v17+s3+$0x0], $0xffff;
	v21 =	vadd.s32 v3, v21  }
0x8b: {  	v24 =	vmov s20;
	s20 =	sadd.s32 $0xF, s4;
	v25 =	vmov s18;
	v26 =	vmov s19;
	s18 =	sadd.s32 $0x7, s4;
	s19 =	sadd.s32 $0x8, s4;
	[tilespmem:s15+$0xFFFFFC00] =	vst v12  }
0x8c: {  	s22 =	sadd.s32 $0x6, s4;
	v18 =	vadd.s32 v1, v18;
	v12 =	vmov s18;
	v27 =	vmov s19;
	s18 =	sadd.s32 $0xA, s4;
	s19 =	sadd.s32 $0xB, s4;
	[tilespmem:s15+$0xFFFFFF80] =	vst v13;
	v13 =	vld.idx.msk [tilespmem:v14+s3+$0x0], $0xffff  }
0x8d: {  	s23 =	sadd.s32 $0xE, s4;
	v14 =	vshrl.u32 v23, $0x3;
	v23 =	vmov s18;
	v28 =	vmov s19;
	s18 =	sadd.s32 $0xC, s4;
	s19 =	sadd.s32 $0xD, s4;
	v11 =	vld.idx.msk [tilespmem:v11+s3+$0x0], $0xffff  }
0x8e: {  	p1 =	slt.u32 s4, $0x30;
	v30 =	vmov s23;
	v31 =	vmov s20;
	v29 =	vmov s19;
	[tilespmem:s15+$0xFFFFFF00] =	vst v15;
	s19 =	smov.u32 s4;
	s4 =	sadd.s32 $0x10, s4  }
0x8f: {  	v30 =	vshrl.u32 v30, $0x3;
	v12 =	vshrl.u32 v12, $0x3;
	v15 =	vmov s21;
	[tilespmem:s15+$0x280] =	vst v16;
	v10 =	vld.idx.msk [tilespmem:v10+s3+$0x0], $0xffff  }
0x90: {  	v30 =	vshll.u32 v30, v0;
	v16 =	vshrl.u32 v25, $0x3;
	v25 =	vmov s22;
	[tilespmem:s15+$0xFFFFFD00] =	vst v17;
	v17 =	vld.idx.msk [tilespmem:v21+s3+$0x0], $0xffff  }
0x91: {  	v30 =	vbroadcast v30, $0x0;
	v16 =	vshll.u32 v16, v0;
	v21 =	vmov s18;
	v20 =	vld.idx.msk [tilespmem:v20+s3+$0x0], $0xffff  }
0x92: {  	v31 =	vshrl.u32 v31, $0x3;
	v23 =	vshrl.u32 v23, $0x3;
	v16 =	vbroadcast v16, $0x0;
	v18 =	vld.idx.msk [tilespmem:v18+s3+$0x0], $0xffff;
	[tilespmem:s15+$0x180] =	vst v13  }
0x93: {  	v21 =	vshrl.u32 v21, $0x3;
	v13 =	vshll.u32 v23, v0;
	v23 =	vadd.s32 v7, v30;
	[tilespmem:s15+$0xFFFFFD80] =	vst v11;
	v11 =	vld.idx.msk [tilespmem:v19+s3+$0x0], $0xffff  }
0x94: {  	v21 =	vshll.u32 v21, v0;
	v19 =	vmov s19;
	v16 =	vadd.s32 v4, v16;
	v9 =	vld.idx.msk [tilespmem:v9+s3+$0x0], $0xffff  }
0x95: {  	v15 =	vshrl.u32 v15, $0x3;
	v13 =	vbroadcast v13, $0x0;
	v19 =	vshrl.u32 v19, $0x3;
	[tilespmem:s15+$0x380] =	vst v10  }
0x96: {  	v10 =	vshll.u32 v19, v0;
	v19 =	vshrl.u32 v25, $0x3;
	v25 =	vshrl.u32 v28, $0x3;
	[tilespmem:s15+$0x0] =	vst v17  }
0x97: {  	v13 =	vadd.s32 v5, v13;
	v10 =	vbroadcast v10, $0x0;
	v17 =	vshrl.u32 v24, $0x3;
	[tilespmem:s15+$0x200] =	vst v20  }
0x98: {  	v12 =	vshll.u32 v12, v0;
	v19 =	vshll.u32 v19, v0;
	v20 =	vshrl.u32 v26, $0x3;
	v23 =	vld.idx.msk [tilespmem:v23+s3+$0x0], $0xffff;
	[tilespmem:s15+$0xFFFFFC80] =	vst v18  }
0x99: {  	v12 =	vbroadcast v12, $0x0;
	v10 =	vadd.s32 v3, v10;
	v18 =	vld.idx.msk [tilespmem:v16+s3+$0x0], $0xffff;
	v16 =	vbroadcast v19, $0x0;
	[tilespmem:s15+$0xFFFFFE80] =	vst v11  }
0x9a: {  	v24 =	vshrl.u32 v29, $0x3;
	v11 =	vshrl.u32 v27, $0x3;
	v19 =	vshll.u32 v25, v0;
	[tilespmem:s15+$0x80] =	vst v9;
	s15 =	smov.u32 s17  }
0x9b: {  	v9 =	vshll.u32 v14, v0;
	v14 =	vshll.u32 v17, v0;
	v17 =	vshll.u32 v24, v0  }
0x9c: {  	v20 =	vshll.u32 v20, v0;
	v24 =	vadd.s32 v8, v12;
	v12 =	vbroadcast v17, $0x0;
	v25 =	vld.idx.msk [tilespmem:v13+s3+$0x0], $0xffff  }
0x9d: {  	v27 =	vshll.u32 v11, v0;
	v9 =	vbroadcast v9, $0x0;
	v26 =	vadd.s32 v7, v16  }
0x9e: {  	v11 =	vbroadcast v14, $0x0;
	v13 =	vshll.u32 v31, v0;
	v16 =	vadd.s32 v2, v12;
	[tilespmem:s17+$0x300] =	vst v23  }
.Ltmp1:
0x9f: {  	v22 =	vshrl.u32 v22, $0x3;
	v12 =	vld.idx.msk [tilespmem:v10+s3+$0x0], $0xffff;
	[tilespmem:s17+$0xFFFFFE00] =	vst v18;
	v10 =	vbroadcast v19, $0x0;
	v18 =	vbroadcast v13, $0x0;
	(pc) =	sbr.rel @p1 .LBB2_5-.Ltmp1, $4  }
0xa0: {  	v17 =	vadd.s32 v5, v9;
	v11 =	vadd.s32 v6, v11;
	v9 =	vshll.u32 v15, v0  }
0xa1: {  	v9 =	vbroadcast v9, $0x0;
	v13 =	vld.idx.msk [tilespmem:v24+s3+$0x0], $0xffff;
	v14 =	vadd.s32 v6, v10;
	v10 =	vadd.s32 v8, v18  }
0xa2: {  	v15 =	vshll.u32 v22, v0;
	v19 =	vbroadcast v20, $0x0;
	v20 =	vbroadcast v21, $0x0;
	[tilespmem:s17+$0x100] =	vst v25  }
0xa3: {  	v21 =	vbroadcast v27, $0x0;
	v9 =	vadd.s32 v1, v9;
	v18 =	vbroadcast v15, $0x0;
	s17 =	sadd.s32 $0x800, s17;
	v15 =	vld.idx.msk [tilespmem:v26+s3+$0x0], $0xffff  }
0xa4: {  	_ =	sdelay $0x3  }
0xa5: {  	v5 =	vld.idx.msk [tilespmem:v16+s3+$0x0], $0xffff;
	v4 =	vadd.s32 v4, v20  }
0xa6: {  	v6 =	vld.idx.msk [tilespmem:v17+s3+$0x0], $0xffff;
	v2 =	vadd.s32 v2, v19  }
0xa7: {  	[tilespmem:s15+$0xFFFFFC00] =	vst v12;
	v7 =	vld.idx.msk [tilespmem:v14+s3+$0x0], $0xffff  }
0xa8: {  	v8 =	vld.idx.msk [tilespmem:v11+s3+$0x0], $0xffff;
	v3 =	vadd.s32 v3, v21;
	[tilespmem:s15+$0xFFFFFF80] =	vst v13  }
0xa9: {  	v10 =	vld.idx.msk [tilespmem:v10+s3+$0x0], $0xffff;
	v1 =	vadd.s32 v1, v18;
	[tilespmem:s15+$0xFFFFFF00] =	vst v15  }
0xaa: {  	[tilespmem:s15+$0x280] =	vst v5;
	v4 =	vld.idx.msk [tilespmem:v4+s3+$0x0], $0xffff  }
0xab: {  	s17 =	simm.s32 $0x3;
	s23 =	simm.s32 $0x4;
	[tilespmem:s15+$0xFFFFFD00] =	vst v6;
	v2 =	vld.idx.msk [tilespmem:v2+s3+$0x0], $0xffff  }
0xac: {  	s19 =	simm.s32 $0x7;
	s21 =	simm.s32 $0xA;
	v11 =	vmov s17;
	v12 =	vmov s23;
	[tilespmem:s15+$0x180] =	vst v7;
	v5 =	vld.idx.msk [tilespmem:v9+s3+$0x0], $0xffff  }
0xad: {  	s18 =	simm.s32 $0x5;
	v14 =	vmov s19;
	v16 =	vmov s21;
	s19 =	simm.s32 $0xD;
	[tilespmem:s15+$0xFFFFFD80] =	vst v8;
	v3 =	vld.idx.msk [tilespmem:v3+s3+$0x0], $0xffff  }
0xae: {  	s23 =	simm.s32 $0xF;
	v13 =	vmov s18;
	v18 =	vmov s19;
	[tilespmem:s15+$0x380] =	vst v10;
	v1 =	vld.idx.msk [tilespmem:v1+s3+$0x0], $0xffff  }
0xaf: {  	s21 =	simm.s32 $0x6;
	v20 =	vmov s23;
	v14 =	vshrl.u32 v14, $0x3;
	v12 =	vshrl.u32 v12, $0x3;
	[tilespmem:s15+$0x200] =	vst v4  }
0xb0: {  	s18 =	simm.s32 $0x9;
	v22 =	vmov s21;
	v16 =	vshrl.u32 v16, $0x3;
	v11 =	vshrl.u32 v11, $0x3;
	[tilespmem:s15+$0xFFFFFE80] =	vst v2  }
0xb1: {  	s23 =	simm.s32 $0x0;
	v21 =	vmov s18;
	v12 =	vshll.u32 v12, v0;
	v20 =	vshrl.u32 v20, $0x3;
	[tilespmem:s15+$0x80] =	vst v5  }
0xb2: {  	v16 =	vshll.u32 v16, v0;
	v24 =	vmov s23;
	v22 =	vshrl.u32 v22, $0x3;
	[tilespmem:s15+$0x0] =	vst v3  }
0xb3: {  	s20 =	simm.s32 $0x8;
	v13 =	vshrl.u32 v13, $0x3;
	v14 =	vshll.u32 v14, v0;
	v18 =	vshrl.u32 v18, $0x3;
	[tilespmem:s15+$0xFFFFFC80] =	vst v1  }
0xb4: {  	v11 =	vshll.u32 v11, v0;
	v15 =	vmov s20;
	v12 =	vbroadcast v12, $0x0;
	v1 =	vld [tilespmem:s5+$0x12020]  }
0xb5: {  	v24 =	vshrl.u32 v24, $0x3;
	v21 =	vshrl.u32 v21, $0x3;
	v16 =	vbroadcast v16, $0x0  }
0xb6: {  	s20 =	simm.s32 $0xE;
	v22 =	vshll.u32 v22, v0;
	v14 =	vbroadcast v14, $0x0;
	v18 =	vshll.u32 v18, v0  }
0xb7: {  	s4 =	simm.s32 $0x1;
	s22 =	simm.s32 $0x2;
	v25 =	vshll.u32 v13, v0;
	v11 =	vbroadcast v11, $0x0;
	v19 =	vmov s20  }
0xb8: {  	v9 =	vmov s4;
	v10 =	vmov s22;
	v19 =	vshrl.u32 v19, $0x3  }
0xb9: {  	v24 =	vshll.u32 v24, v0;
	v19 =	vshll.u32 v19, v0;
	v3 =	vmul.u32 $0x48, v1  }
0xba: {  	s22 =	simm.s32 $0xB;
	v22 =	vbroadcast v22, $0x0;
	v15 =	vshrl.u32 v15, $0x3;
	v19 =	vbroadcast v19, $0x0  }
0xbb: {  	v10 =	vshrl.u32 v10, $0x3;
	v17 =	vmov s22;
	v7 =	vor.u32 $0x6, v3  }
0xbc: {  	v24 =	vbroadcast v24, $0x0;
	v4 =	vor.u32 $0x4, v3;
	v19 =	vadd.s32 v7, v19  }
0xbd: {  	s22 =	simm.s32 $0xC;
	v26 =	vshll.u32 v15, v0;
	v5 =	vor.u32 $0x2, v3;
	v12 =	vadd.s32 v4, v12  }
0xbe: {  	v9 =	vshrl.u32 v9, $0x3;
	v23 =	vmov s22;
	v16 =	vadd.s32 v5, v16  }
0xbf: {  	v17 =	vshrl.u32 v17, $0x3;
	v10 =	vshll.u32 v10, v0;
	v9 =	vshll.u32 v9, v0  }
0xc0: {  	v23 =	vshrl.u32 v23, $0x3;
	v17 =	vshll.u32 v17, v0;
	v10 =	vbroadcast v10, $0x0  }
0xc1: {  	v23 =	vshll.u32 v23, v0;
	v8 =	vor.u32 $0x7, v3;
	v24 =	vadd.s32 v3, v24;
	v19 =	vld.idx.msk [tilespmem:v19+s3+$0x0], $0xffff  }
0xc2: {  	v1 =	vor.u32 $0x1, v3;
	v13 =	vadd.s32 v8, v14;
	v14 =	vbroadcast v18, $0x0;
	v18 =	vld.idx.msk [tilespmem:v12+s3+$0x0], $0xffff  }
0xc3: {  	v6 =	vor.u32 $0x3, v3;
	v2 =	vor.u32 $0x5, v3;
	v22 =	vadd.s32 v7, v22;
	v15 =	vld.idx.msk [tilespmem:v16+s3+$0x0], $0xffff  }
0xc4: {  	v16 =	vadd.s32 v2, v14;
	v12 =	vshll.u32 v20, v0;
	v14 =	vbroadcast v17, $0x0  }
0xc5: {  	s15 =	simm.s32 $0x12820;
	v17 =	vadd.s32 v5, v10;
	v10 =	vshll.u32 v21, v0;
	v20 =	vbroadcast v12, $0x0  }
0xc6: {  	v11 =	vadd.s32 v6, v11;
	v12 =	vld.idx.msk [tilespmem:v24+s3+$0x0], $0xffff;
	v63 =	vbroadcast v10, $0x0;
	v14 =	vadd.s32 v6, v14;
	[tilespmem:s15+$0x300] =	vst v19  }
0xc7: {  	v13 =	vld.idx.msk [tilespmem:v13+s3+$0x0], $0xffff;
	v10 =	vadd.s32 v8, v20;
	v20 =	vbroadcast v23, $0x0;
	[tilespmem:s15+$0xFFFFFE00] =	vst v18;
	v19 =	vbroadcast v25, $0x0  }
0xc8: {  	s17 =	simm.s32 $0x13020;
	s4 =	simm.s32 $0x10;
	v21 =	vbroadcast v26, $0x0;
	[tilespmem:s15+$0x100] =	vst v15;
	v18 =	vbroadcast v9, $0x0;
	v15 =	vld.idx.msk [tilespmem:v22+s3+$0x0], $0xffff;
	v9 =	vadd.s32 v1, v63  }
.LBB2_7:
0xc9: {  	s18 =	sadd.s32 $0x1, s4;
	s19 =	sadd.s32 $0x2, s4;
	s20 =	sadd.s32 $0x3, s4;
	v19 =	vadd.s32 v2, v19;
	v20 =	vadd.s32 v4, v20;
	v16 =	vld.idx.msk [tilespmem:v16+s3+$0x0], $0xffff  }
0xca: {  	s21 =	sadd.s32 $0x9, s4;
	v22 =	vmov s18;
	v23 =	vmov s19;
	s18 =	sadd.s32 $0x4, s4;
	s19 =	sadd.s32 $0x5, s4;
	v17 =	vld.idx.msk [tilespmem:v17+s3+$0x0], $0xffff;
	v21 =	vadd.s32 v3, v21  }
0xcb: {  	v24 =	vmov s20;
	s20 =	sadd.s32 $0xF, s4;
	v25 =	vmov s18;
	v26 =	vmov s19;
	s18 =	sadd.s32 $0x7, s4;
	s19 =	sadd.s32 $0x8, s4;
	[tilespmem:s15+$0xFFFFFC00] =	vst v12  }
0xcc: {  	s22 =	sadd.s32 $0x6, s4;
	v18 =	vadd.s32 v1, v18;
	v12 =	vmov s18;
	v27 =	vmov s19;
	s18 =	sadd.s32 $0xA, s4;
	s19 =	sadd.s32 $0xB, s4;
	[tilespmem:s15+$0xFFFFFF80] =	vst v13;
	v13 =	vld.idx.msk [tilespmem:v14+s3+$0x0], $0xffff  }
0xcd: {  	s23 =	sadd.s32 $0xE, s4;
	v14 =	vshrl.u32 v23, $0x3;
	v23 =	vmov s18;
	v28 =	vmov s19;
	s18 =	sadd.s32 $0xC, s4;
	s19 =	sadd.s32 $0xD, s4;
	v11 =	vld.idx.msk [tilespmem:v11+s3+$0x0], $0xffff  }
0xce: {  	p1 =	slt.u32 s4, $0x30;
	v30 =	vmov s23;
	v31 =	vmov s20;
	v29 =	vmov s19;
	[tilespmem:s15+$0xFFFFFF00] =	vst v15;
	s19 =	smov.u32 s4;
	s4 =	sadd.s32 $0x10, s4  }
0xcf: {  	v30 =	vshrl.u32 v30, $0x3;
	v12 =	vshrl.u32 v12, $0x3;
	v15 =	vmov s21;
	[tilespmem:s15+$0x280] =	vst v16;
	v10 =	vld.idx.msk [tilespmem:v10+s3+$0x0], $0xffff  }
0xd0: {  	v30 =	vshll.u32 v30, v0;
	v16 =	vshrl.u32 v25, $0x3;
	v25 =	vmov s22;
	[tilespmem:s15+$0xFFFFFD00] =	vst v17;
	v17 =	vld.idx.msk [tilespmem:v21+s3+$0x0], $0xffff  }
0xd1: {  	v30 =	vbroadcast v30, $0x0;
	v16 =	vshll.u32 v16, v0;
	v21 =	vmov s18;
	v20 =	vld.idx.msk [tilespmem:v20+s3+$0x0], $0xffff  }
0xd2: {  	v31 =	vshrl.u32 v31, $0x3;
	v23 =	vshrl.u32 v23, $0x3;
	v16 =	vbroadcast v16, $0x0;
	v18 =	vld.idx.msk [tilespmem:v18+s3+$0x0], $0xffff;
	[tilespmem:s15+$0x180] =	vst v13  }
0xd3: {  	v21 =	vshrl.u32 v21, $0x3;
	v13 =	vshll.u32 v23, v0;
	v23 =	vadd.s32 v7, v30;
	[tilespmem:s15+$0xFFFFFD80] =	vst v11;
	v11 =	vld.idx.msk [tilespmem:v19+s3+$0x0], $0xffff  }
0xd4: {  	v21 =	vshll.u32 v21, v0;
	v19 =	vmov s19;
	v16 =	vadd.s32 v4, v16;
	v9 =	vld.idx.msk [tilespmem:v9+s3+$0x0], $0xffff  }
0xd5: {  	v15 =	vshrl.u32 v15, $0x3;
	v13 =	vbroadcast v13, $0x0;
	v19 =	vshrl.u32 v19, $0x3;
	[tilespmem:s15+$0x380] =	vst v10  }
0xd6: {  	v10 =	vshll.u32 v19, v0;
	v19 =	vshrl.u32 v25, $0x3;
	v25 =	vshrl.u32 v28, $0x3;
	[tilespmem:s15+$0x0] =	vst v17  }
0xd7: {  	v13 =	vadd.s32 v5, v13;
	v10 =	vbroadcast v10, $0x0;
	v17 =	vshrl.u32 v24, $0x3;
	[tilespmem:s15+$0x200] =	vst v20  }
0xd8: {  	v12 =	vshll.u32 v12, v0;
	v19 =	vshll.u32 v19, v0;
	v20 =	vshrl.u32 v26, $0x3;
	v23 =	vld.idx.msk [tilespmem:v23+s3+$0x0], $0xffff;
	[tilespmem:s15+$0xFFFFFC80] =	vst v18  }
0xd9: {  	v12 =	vbroadcast v12, $0x0;
	v10 =	vadd.s32 v3, v10;
	v18 =	vld.idx.msk [tilespmem:v16+s3+$0x0], $0xffff;
	v16 =	vbroadcast v19, $0x0;
	[tilespmem:s15+$0xFFFFFE80] =	vst v11  }
0xda: {  	v24 =	vshrl.u32 v29, $0x3;
	v11 =	vshrl.u32 v27, $0x3;
	v19 =	vshll.u32 v25, v0;
	[tilespmem:s15+$0x80] =	vst v9;
	s15 =	smov.u32 s17  }
0xdb: {  	v9 =	vshll.u32 v14, v0;
	v14 =	vshll.u32 v17, v0;
	v17 =	vshll.u32 v24, v0  }
0xdc: {  	v20 =	vshll.u32 v20, v0;
	v24 =	vadd.s32 v8, v12;
	v12 =	vbroadcast v17, $0x0;
	v25 =	vld.idx.msk [tilespmem:v13+s3+$0x0], $0xffff  }
0xdd: {  	v27 =	vshll.u32 v11, v0;
	v9 =	vbroadcast v9, $0x0;
	v26 =	vadd.s32 v7, v16  }
0xde: {  	v11 =	vbroadcast v14, $0x0;
	v13 =	vshll.u32 v31, v0;
	v16 =	vadd.s32 v2, v12;
	[tilespmem:s17+$0x300] =	vst v23  }
.Ltmp2:
0xdf: {  	v22 =	vshrl.u32 v22, $0x3;
	v12 =	vld.idx.msk [tilespmem:v10+s3+$0x0], $0xffff;
	[tilespmem:s17+$0xFFFFFE00] =	vst v18;
	v10 =	vbroadcast v19, $0x0;
	v18 =	vbroadcast v13, $0x0;
	(pc) =	sbr.rel @p1 .LBB2_7-.Ltmp2, $4  }
0xe0: {  	v17 =	vadd.s32 v5, v9;
	v11 =	vadd.s32 v6, v11;
	v9 =	vshll.u32 v15, v0  }
0xe1: {  	v9 =	vbroadcast v9, $0x0;
	v13 =	vld.idx.msk [tilespmem:v24+s3+$0x0], $0xffff;
	v14 =	vadd.s32 v6, v10;
	v10 =	vadd.s32 v8, v18  }
0xe2: {  	v15 =	vshll.u32 v22, v0;
	v19 =	vbroadcast v20, $0x0;
	v20 =	vbroadcast v21, $0x0;
	[tilespmem:s17+$0x100] =	vst v25  }
0xe3: {  	v21 =	vbroadcast v27, $0x0;
	v9 =	vadd.s32 v1, v9;
	v18 =	vbroadcast v15, $0x0;
	s17 =	sadd.s32 $0x800, s17;
	v15 =	vld.idx.msk [tilespmem:v26+s3+$0x0], $0xffff  }
0xe4: {  	_ =	sdelay $0x3  }
0xe5: {  	v5 =	vld.idx.msk [tilespmem:v16+s3+$0x0], $0xffff;
	v4 =	vadd.s32 v4, v20  }
0xe6: {  	v6 =	vld.idx.msk [tilespmem:v17+s3+$0x0], $0xffff;
	v2 =	vadd.s32 v2, v19  }
0xe7: {  	[tilespmem:s15+$0xFFFFFC00] =	vst v12;
	v7 =	vld.idx.msk [tilespmem:v14+s3+$0x0], $0xffff  }
0xe8: {  	v8 =	vld.idx.msk [tilespmem:v11+s3+$0x0], $0xffff;
	v3 =	vadd.s32 v3, v21;
	[tilespmem:s15+$0xFFFFFF80] =	vst v13  }
0xe9: {  	v10 =	vld.idx.msk [tilespmem:v10+s3+$0x0], $0xffff;
	v1 =	vadd.s32 v1, v18;
	[tilespmem:s15+$0xFFFFFF00] =	vst v15  }
0xea: {  	[tilespmem:s15+$0x280] =	vst v5;
	v4 =	vld.idx.msk [tilespmem:v4+s3+$0x0], $0xffff  }
0xeb: {  	s17 =	simm.s32 $0x3;
	s23 =	simm.s32 $0x4;
	[tilespmem:s15+$0xFFFFFD00] =	vst v6;
	v2 =	vld.idx.msk [tilespmem:v2+s3+$0x0], $0xffff  }
0xec: {  	s19 =	simm.s32 $0x7;
	s21 =	simm.s32 $0xA;
	v11 =	vmov s17;
	v12 =	vmov s23;
	[tilespmem:s15+$0x180] =	vst v7;
	v5 =	vld.idx.msk [tilespmem:v9+s3+$0x0], $0xffff  }
0xed: {  	s18 =	simm.s32 $0x5;
	v14 =	vmov s19;
	v16 =	vmov s21;
	s19 =	simm.s32 $0xD;
	[tilespmem:s15+$0xFFFFFD80] =	vst v8;
	v3 =	vld.idx.msk [tilespmem:v3+s3+$0x0], $0xffff  }
0xee: {  	s23 =	simm.s32 $0xF;
	v13 =	vmov s18;
	v18 =	vmov s19;
	[tilespmem:s15+$0x380] =	vst v10;
	v1 =	vld.idx.msk [tilespmem:v1+s3+$0x0], $0xffff  }
0xef: {  	s21 =	simm.s32 $0x6;
	v20 =	vmov s23;
	v14 =	vshrl.u32 v14, $0x3;
	v12 =	vshrl.u32 v12, $0x3;
	[tilespmem:s15+$0x200] =	vst v4  }
0xf0: {  	s18 =	simm.s32 $0x9;
	v22 =	vmov s21;
	v16 =	vshrl.u32 v16, $0x3;
	v11 =	vshrl.u32 v11, $0x3;
	[tilespmem:s15+$0xFFFFFE80] =	vst v2  }
0xf1: {  	s23 =	simm.s32 $0x0;
	v21 =	vmov s18;
	v12 =	vshll.u32 v12, v0;
	v20 =	vshrl.u32 v20, $0x3;
	[tilespmem:s15+$0x80] =	vst v5  }
0xf2: {  	v16 =	vshll.u32 v16, v0;
	v24 =	vmov s23;
	v22 =	vshrl.u32 v22, $0x3;
	[tilespmem:s15+$0x0] =	vst v3  }
0xf3: {  	s20 =	simm.s32 $0x8;
	v13 =	vshrl.u32 v13, $0x3;
	v14 =	vshll.u32 v14, v0;
	v18 =	vshrl.u32 v18, $0x3;
	[tilespmem:s15+$0xFFFFFC80] =	vst v1  }
0xf4: {  	v11 =	vshll.u32 v11, v0;
	v15 =	vmov s20;
	v12 =	vbroadcast v12, $0x0;
	v1 =	vld [tilespmem:s5+$0x12030]  }
0xf5: {  	v24 =	vshrl.u32 v24, $0x3;
	v21 =	vshrl.u32 v21, $0x3;
	v16 =	vbroadcast v16, $0x0  }
0xf6: {  	s20 =	simm.s32 $0xE;
	v22 =	vshll.u32 v22, v0;
	v14 =	vbroadcast v14, $0x0;
	v18 =	vshll.u32 v18, v0  }
0xf7: {  	s4 =	simm.s32 $0x1;
	s22 =	simm.s32 $0x2;
	v25 =	vshll.u32 v13, v0;
	v11 =	vbroadcast v11, $0x0;
	v19 =	vmov s20  }
0xf8: {  	v9 =	vmov s4;
	v10 =	vmov s22;
	v19 =	vshrl.u32 v19, $0x3  }
0xf9: {  	v24 =	vshll.u32 v24, v0;
	v19 =	vshll.u32 v19, v0;
	v3 =	vmul.u32 $0x48, v1  }
0xfa: {  	s22 =	simm.s32 $0xB;
	v22 =	vbroadcast v22, $0x0;
	v15 =	vshrl.u32 v15, $0x3;
	v19 =	vbroadcast v19, $0x0  }
0xfb: {  	v10 =	vshrl.u32 v10, $0x3;
	v17 =	vmov s22;
	v7 =	vor.u32 $0x6, v3  }
0xfc: {  	v24 =	vbroadcast v24, $0x0;
	v4 =	vor.u32 $0x4, v3;
	v19 =	vadd.s32 v7, v19  }
0xfd: {  	s22 =	simm.s32 $0xC;
	v26 =	vshll.u32 v15, v0;
	v5 =	vor.u32 $0x2, v3;
	v12 =	vadd.s32 v4, v12  }
0xfe: {  	v9 =	vshrl.u32 v9, $0x3;
	v23 =	vmov s22;
	v16 =	vadd.s32 v5, v16  }
0xff: {  	v17 =	vshrl.u32 v17, $0x3;
	v10 =	vshll.u32 v10, v0;
	v9 =	vshll.u32 v9, v0  }
0x100: {  	v23 =	vshrl.u32 v23, $0x3;
	v17 =	vshll.u32 v17, v0;
	v10 =	vbroadcast v10, $0x0  }
0x101: {  	v23 =	vshll.u32 v23, v0;
	v8 =	vor.u32 $0x7, v3;
	v24 =	vadd.s32 v3, v24;
	v19 =	vld.idx.msk [tilespmem:v19+s3+$0x0], $0xffff  }
0x102: {  	v1 =	vor.u32 $0x1, v3;
	v13 =	vadd.s32 v8, v14;
	v14 =	vbroadcast v18, $0x0;
	v18 =	vld.idx.msk [tilespmem:v12+s3+$0x0], $0xffff  }
0x103: {  	v6 =	vor.u32 $0x3, v3;
	v2 =	vor.u32 $0x5, v3;
	v22 =	vadd.s32 v7, v22;
	v15 =	vld.idx.msk [tilespmem:v16+s3+$0x0], $0xffff  }
0x104: {  	v16 =	vadd.s32 v2, v14;
	v12 =	vshll.u32 v20, v0;
	v14 =	vbroadcast v17, $0x0  }
0x105: {  	s15 =	simm.s32 $0x12830;
	v17 =	vadd.s32 v5, v10;
	v10 =	vshll.u32 v21, v0;
	v20 =	vbroadcast v12, $0x0  }
0x106: {  	v11 =	vadd.s32 v6, v11;
	v12 =	vld.idx.msk [tilespmem:v24+s3+$0x0], $0xffff;
	v63 =	vbroadcast v10, $0x0;
	v14 =	vadd.s32 v6, v14;
	[tilespmem:s15+$0x300] =	vst v19  }
0x107: {  	v13 =	vld.idx.msk [tilespmem:v13+s3+$0x0], $0xffff;
	v10 =	vadd.s32 v8, v20;
	v20 =	vbroadcast v23, $0x0;
	[tilespmem:s15+$0xFFFFFE00] =	vst v18;
	v19 =	vbroadcast v25, $0x0  }
0x108: {  	s17 =	simm.s32 $0x13030;
	s4 =	simm.s32 $0x10;
	v21 =	vbroadcast v26, $0x0;
	[tilespmem:s15+$0x100] =	vst v15;
	v18 =	vbroadcast v9, $0x0;
	v15 =	vld.idx.msk [tilespmem:v22+s3+$0x0], $0xffff;
	v9 =	vadd.s32 v1, v63  }
.LBB2_9:
0x109: {  	s18 =	sadd.s32 $0x1, s4;
	s19 =	sadd.s32 $0x2, s4;
	s20 =	sadd.s32 $0x3, s4;
	v19 =	vadd.s32 v2, v19;
	v20 =	vadd.s32 v4, v20;
	v16 =	vld.idx.msk [tilespmem:v16+s3+$0x0], $0xffff  }
0x10a: {  	s21 =	sadd.s32 $0x9, s4;
	v22 =	vmov s18;
	v23 =	vmov s19;
	s18 =	sadd.s32 $0x4, s4;
	s19 =	sadd.s32 $0x5, s4;
	v17 =	vld.idx.msk [tilespmem:v17+s3+$0x0], $0xffff;
	v21 =	vadd.s32 v3, v21  }
0x10b: {  	v24 =	vmov s20;
	s20 =	sadd.s32 $0xF, s4;
	v25 =	vmov s18;
	v26 =	vmov s19;
	s18 =	sadd.s32 $0x7, s4;
	s19 =	sadd.s32 $0x8, s4;
	[tilespmem:s15+$0xFFFFFC00] =	vst v12  }
0x10c: {  	s22 =	sadd.s32 $0x6, s4;
	v18 =	vadd.s32 v1, v18;
	v12 =	vmov s18;
	v27 =	vmov s19;
	s18 =	sadd.s32 $0xA, s4;
	s19 =	sadd.s32 $0xB, s4;
	[tilespmem:s15+$0xFFFFFF80] =	vst v13;
	v13 =	vld.idx.msk [tilespmem:v14+s3+$0x0], $0xffff  }
0x10d: {  	s23 =	sadd.s32 $0xE, s4;
	v14 =	vshrl.u32 v23, $0x3;
	v23 =	vmov s18;
	v28 =	vmov s19;
	s18 =	sadd.s32 $0xC, s4;
	s19 =	sadd.s32 $0xD, s4;
	v11 =	vld.idx.msk [tilespmem:v11+s3+$0x0], $0xffff  }
0x10e: {  	p1 =	slt.u32 s4, $0x30;
	v30 =	vmov s23;
	v31 =	vmov s20;
	v29 =	vmov s19;
	[tilespmem:s15+$0xFFFFFF00] =	vst v15;
	s19 =	smov.u32 s4;
	s4 =	sadd.s32 $0x10, s4  }
0x10f: {  	v30 =	vshrl.u32 v30, $0x3;
	v12 =	vshrl.u32 v12, $0x3;
	v15 =	vmov s21;
	[tilespmem:s15+$0x280] =	vst v16;
	v10 =	vld.idx.msk [tilespmem:v10+s3+$0x0], $0xffff  }
0x110: {  	v30 =	vshll.u32 v30, v0;
	v16 =	vshrl.u32 v25, $0x3;
	v25 =	vmov s22;
	[tilespmem:s15+$0xFFFFFD00] =	vst v17;
	v17 =	vld.idx.msk [tilespmem:v21+s3+$0x0], $0xffff  }
0x111: {  	v30 =	vbroadcast v30, $0x0;
	v16 =	vshll.u32 v16, v0;
	v21 =	vmov s18;
	v20 =	vld.idx.msk [tilespmem:v20+s3+$0x0], $0xffff  }
0x112: {  	v31 =	vshrl.u32 v31, $0x3;
	v23 =	vshrl.u32 v23, $0x3;
	v16 =	vbroadcast v16, $0x0;
	v18 =	vld.idx.msk [tilespmem:v18+s3+$0x0], $0xffff;
	[tilespmem:s15+$0x180] =	vst v13  }
0x113: {  	v21 =	vshrl.u32 v21, $0x3;
	v13 =	vshll.u32 v23, v0;
	v23 =	vadd.s32 v7, v30;
	[tilespmem:s15+$0xFFFFFD80] =	vst v11;
	v11 =	vld.idx.msk [tilespmem:v19+s3+$0x0], $0xffff  }
0x114: {  	v21 =	vshll.u32 v21, v0;
	v19 =	vmov s19;
	v16 =	vadd.s32 v4, v16;
	v9 =	vld.idx.msk [tilespmem:v9+s3+$0x0], $0xffff  }
0x115: {  	v15 =	vshrl.u32 v15, $0x3;
	v13 =	vbroadcast v13, $0x0;
	v19 =	vshrl.u32 v19, $0x3;
	[tilespmem:s15+$0x380] =	vst v10  }
0x116: {  	v10 =	vshll.u32 v19, v0;
	v19 =	vshrl.u32 v25, $0x3;
	v25 =	vshrl.u32 v28, $0x3;
	[tilespmem:s15+$0x0] =	vst v17  }
0x117: {  	v13 =	vadd.s32 v5, v13;
	v10 =	vbroadcast v10, $0x0;
	v17 =	vshrl.u32 v24, $0x3;
	[tilespmem:s15+$0x200] =	vst v20  }
0x118: {  	v12 =	vshll.u32 v12, v0;
	v19 =	vshll.u32 v19, v0;
	v20 =	vshrl.u32 v26, $0x3;
	v23 =	vld.idx.msk [tilespmem:v23+s3+$0x0], $0xffff;
	[tilespmem:s15+$0xFFFFFC80] =	vst v18  }
0x119: {  	v12 =	vbroadcast v12, $0x0;
	v10 =	vadd.s32 v3, v10;
	v18 =	vld.idx.msk [tilespmem:v16+s3+$0x0], $0xffff;
	v16 =	vbroadcast v19, $0x0;
	[tilespmem:s15+$0xFFFFFE80] =	vst v11  }
0x11a: {  	v24 =	vshrl.u32 v29, $0x3;
	v11 =	vshrl.u32 v27, $0x3;
	v19 =	vshll.u32 v25, v0;
	[tilespmem:s15+$0x80] =	vst v9;
	s15 =	smov.u32 s17  }
0x11b: {  	v9 =	vshll.u32 v14, v0;
	v14 =	vshll.u32 v17, v0;
	v17 =	vshll.u32 v24, v0  }
0x11c: {  	v20 =	vshll.u32 v20, v0;
	v24 =	vadd.s32 v8, v12;
	v12 =	vbroadcast v17, $0x0;
	v25 =	vld.idx.msk [tilespmem:v13+s3+$0x0], $0xffff  }
0x11d: {  	v27 =	vshll.u32 v11, v0;
	v9 =	vbroadcast v9, $0x0;
	v26 =	vadd.s32 v7, v16  }
0x11e: {  	v11 =	vbroadcast v14, $0x0;
	v13 =	vshll.u32 v31, v0;
	v16 =	vadd.s32 v2, v12;
	[tilespmem:s17+$0x300] =	vst v23  }
.Ltmp3:
0x11f: {  	v22 =	vshrl.u32 v22, $0x3;
	v12 =	vld.idx.msk [tilespmem:v10+s3+$0x0], $0xffff;
	[tilespmem:s17+$0xFFFFFE00] =	vst v18;
	v10 =	vbroadcast v19, $0x0;
	v18 =	vbroadcast v13, $0x0;
	(pc) =	sbr.rel @p1 .LBB2_9-.Ltmp3, $4  }
0x120: {  	v17 =	vadd.s32 v5, v9;
	v11 =	vadd.s32 v6, v11;
	v9 =	vshll.u32 v15, v0  }
0x121: {  	v9 =	vbroadcast v9, $0x0;
	v13 =	vld.idx.msk [tilespmem:v24+s3+$0x0], $0xffff;
	v14 =	vadd.s32 v6, v10;
	v10 =	vadd.s32 v8, v18  }
0x122: {  	v15 =	vshll.u32 v22, v0;
	v19 =	vbroadcast v20, $0x0;
	v20 =	vbroadcast v21, $0x0;
	[tilespmem:s17+$0x100] =	vst v25  }
0x123: {  	v21 =	vbroadcast v27, $0x0;
	v9 =	vadd.s32 v1, v9;
	v18 =	vbroadcast v15, $0x0;
	s17 =	sadd.s32 $0x800, s17;
	v15 =	vld.idx.msk [tilespmem:v26+s3+$0x0], $0xffff  }
0x124: {  	_ =	sdelay $0x3  }
0x125: {  	v5 =	vld.idx.msk [tilespmem:v16+s3+$0x0], $0xffff;
	v4 =	vadd.s32 v4, v20  }
0x126: {  	v6 =	vld.idx.msk [tilespmem:v17+s3+$0x0], $0xffff;
	v2 =	vadd.s32 v2, v19  }
0x127: {  	[tilespmem:s15+$0xFFFFFC00] =	vst v12;
	v7 =	vld.idx.msk [tilespmem:v14+s3+$0x0], $0xffff  }
0x128: {  	v8 =	vld.idx.msk [tilespmem:v11+s3+$0x0], $0xffff;
	v3 =	vadd.s32 v3, v21;
	[tilespmem:s15+$0xFFFFFF80] =	vst v13  }
0x129: {  	v10 =	vld.idx.msk [tilespmem:v10+s3+$0x0], $0xffff;
	v1 =	vadd.s32 v1, v18;
	[tilespmem:s15+$0xFFFFFF00] =	vst v15  }
0x12a: {  	[tilespmem:s15+$0x280] =	vst v5;
	v4 =	vld.idx.msk [tilespmem:v4+s3+$0x0], $0xffff  }
0x12b: {  	s17 =	simm.s32 $0x3;
	s23 =	simm.s32 $0x4;
	[tilespmem:s15+$0xFFFFFD00] =	vst v6;
	v2 =	vld.idx.msk [tilespmem:v2+s3+$0x0], $0xffff  }
0x12c: {  	s19 =	simm.s32 $0x7;
	s21 =	simm.s32 $0xA;
	v11 =	vmov s17;
	v12 =	vmov s23;
	[tilespmem:s15+$0x180] =	vst v7;
	v5 =	vld.idx.msk [tilespmem:v9+s3+$0x0], $0xffff  }
0x12d: {  	s18 =	simm.s32 $0x5;
	v14 =	vmov s19;
	v16 =	vmov s21;
	s19 =	simm.s32 $0xD;
	[tilespmem:s15+$0xFFFFFD80] =	vst v8;
	v3 =	vld.idx.msk [tilespmem:v3+s3+$0x0], $0xffff  }
0x12e: {  	s23 =	simm.s32 $0xF;
	v13 =	vmov s18;
	v18 =	vmov s19;
	[tilespmem:s15+$0x380] =	vst v10;
	v1 =	vld.idx.msk [tilespmem:v1+s3+$0x0], $0xffff  }
0x12f: {  	s21 =	simm.s32 $0x6;
	v20 =	vmov s23;
	v14 =	vshrl.u32 v14, $0x3;
	v12 =	vshrl.u32 v12, $0x3;
	[tilespmem:s15+$0x200] =	vst v4  }
0x130: {  	s18 =	simm.s32 $0x9;
	v22 =	vmov s21;
	v16 =	vshrl.u32 v16, $0x3;
	v11 =	vshrl.u32 v11, $0x3;
	[tilespmem:s15+$0xFFFFFE80] =	vst v2  }
0x131: {  	s23 =	simm.s32 $0x0;
	v21 =	vmov s18;
	v12 =	vshll.u32 v12, v0;
	v20 =	vshrl.u32 v20, $0x3;
	[tilespmem:s15+$0x80] =	vst v5  }
0x132: {  	v16 =	vshll.u32 v16, v0;
	v24 =	vmov s23;
	v22 =	vshrl.u32 v22, $0x3;
	[tilespmem:s15+$0x0] =	vst v3  }
0x133: {  	s20 =	simm.s32 $0x8;
	v13 =	vshrl.u32 v13, $0x3;
	v14 =	vshll.u32 v14, v0;
	v18 =	vshrl.u32 v18, $0x3;
	[tilespmem:s15+$0xFFFFFC80] =	vst v1  }
0x134: {  	v11 =	vshll.u32 v11, v0;
	v15 =	vmov s20;
	v12 =	vbroadcast v12, $0x0;
	v1 =	vld [tilespmem:s5+$0x12040]  }
0x135: {  	v24 =	vshrl.u32 v24, $0x3;
	v21 =	vshrl.u32 v21, $0x3;
	v16 =	vbroadcast v16, $0x0  }
0x136: {  	s20 =	simm.s32 $0xE;
	v22 =	vshll.u32 v22, v0;
	v14 =	vbroadcast v14, $0x0;
	v18 =	vshll.u32 v18, v0  }
0x137: {  	s4 =	simm.s32 $0x1;
	s22 =	simm.s32 $0x2;
	v25 =	vshll.u32 v13, v0;
	v11 =	vbroadcast v11, $0x0;
	v19 =	vmov s20  }
0x138: {  	v9 =	vmov s4;
	v10 =	vmov s22;
	v19 =	vshrl.u32 v19, $0x3  }
0x139: {  	v24 =	vshll.u32 v24, v0;
	v19 =	vshll.u32 v19, v0;
	v3 =	vmul.u32 $0x48, v1  }
0x13a: {  	s22 =	simm.s32 $0xB;
	v22 =	vbroadcast v22, $0x0;
	v15 =	vshrl.u32 v15, $0x3;
	v19 =	vbroadcast v19, $0x0  }
0x13b: {  	v10 =	vshrl.u32 v10, $0x3;
	v17 =	vmov s22;
	v7 =	vor.u32 $0x6, v3  }
0x13c: {  	v24 =	vbroadcast v24, $0x0;
	v4 =	vor.u32 $0x4, v3;
	v19 =	vadd.s32 v7, v19  }
0x13d: {  	s22 =	simm.s32 $0xC;
	v26 =	vshll.u32 v15, v0;
	v5 =	vor.u32 $0x2, v3;
	v12 =	vadd.s32 v4, v12  }
0x13e: {  	v9 =	vshrl.u32 v9, $0x3;
	v23 =	vmov s22;
	v16 =	vadd.s32 v5, v16  }
0x13f: {  	v17 =	vshrl.u32 v17, $0x3;
	v10 =	vshll.u32 v10, v0;
	v9 =	vshll.u32 v9, v0  }
0x140: {  	v23 =	vshrl.u32 v23, $0x3;
	v17 =	vshll.u32 v17, v0;
	v10 =	vbroadcast v10, $0x0  }
0x141: {  	v23 =	vshll.u32 v23, v0;
	v8 =	vor.u32 $0x7, v3;
	v24 =	vadd.s32 v3, v24;
	v19 =	vld.idx.msk [tilespmem:v19+s3+$0x0], $0xffff  }
0x142: {  	v1 =	vor.u32 $0x1, v3;
	v13 =	vadd.s32 v8, v14;
	v14 =	vbroadcast v18, $0x0;
	v18 =	vld.idx.msk [tilespmem:v12+s3+$0x0], $0xffff  }
0x143: {  	v6 =	vor.u32 $0x3, v3;
	v2 =	vor.u32 $0x5, v3;
	v22 =	vadd.s32 v7, v22;
	v15 =	vld.idx.msk [tilespmem:v16+s3+$0x0], $0xffff  }
0x144: {  	v16 =	vadd.s32 v2, v14;
	v12 =	vshll.u32 v20, v0;
	v14 =	vbroadcast v17, $0x0  }
0x145: {  	s15 =	simm.s32 $0x12840;
	v17 =	vadd.s32 v5, v10;
	v10 =	vshll.u32 v21, v0;
	v20 =	vbroadcast v12, $0x0  }
0x146: {  	v11 =	vadd.s32 v6, v11;
	v12 =	vld.idx.msk [tilespmem:v24+s3+$0x0], $0xffff;
	v63 =	vbroadcast v10, $0x0;
	v14 =	vadd.s32 v6, v14;
	[tilespmem:s15+$0x300] =	vst v19  }
0x147: {  	v13 =	vld.idx.msk [tilespmem:v13+s3+$0x0], $0xffff;
	v10 =	vadd.s32 v8, v20;
	v20 =	vbroadcast v23, $0x0;
	[tilespmem:s15+$0xFFFFFE00] =	vst v18;
	v19 =	vbroadcast v25, $0x0  }
0x148: {  	s17 =	simm.s32 $0x13040;
	s4 =	simm.s32 $0x10;
	v21 =	vbroadcast v26, $0x0;
	[tilespmem:s15+$0x100] =	vst v15;
	v18 =	vbroadcast v9, $0x0;
	v15 =	vld.idx.msk [tilespmem:v22+s3+$0x0], $0xffff;
	v9 =	vadd.s32 v1, v63  }
.LBB2_11:
0x149: {  	s18 =	sadd.s32 $0x1, s4;
	s19 =	sadd.s32 $0x2, s4;
	s20 =	sadd.s32 $0x3, s4;
	v19 =	vadd.s32 v2, v19;
	v20 =	vadd.s32 v4, v20;
	v16 =	vld.idx.msk [tilespmem:v16+s3+$0x0], $0xffff  }
0x14a: {  	s21 =	sadd.s32 $0x9, s4;
	v22 =	vmov s18;
	v23 =	vmov s19;
	s18 =	sadd.s32 $0x4, s4;
	s19 =	sadd.s32 $0x5, s4;
	v17 =	vld.idx.msk [tilespmem:v17+s3+$0x0], $0xffff;
	v21 =	vadd.s32 v3, v21  }
0x14b: {  	v24 =	vmov s20;
	s20 =	sadd.s32 $0xF, s4;
	v25 =	vmov s18;
	v26 =	vmov s19;
	s18 =	sadd.s32 $0x7, s4;
	s19 =	sadd.s32 $0x8, s4;
	[tilespmem:s15+$0xFFFFFC00] =	vst v12  }
0x14c: {  	s22 =	sadd.s32 $0x6, s4;
	v18 =	vadd.s32 v1, v18;
	v12 =	vmov s18;
	v27 =	vmov s19;
	s18 =	sadd.s32 $0xA, s4;
	s19 =	sadd.s32 $0xB, s4;
	[tilespmem:s15+$0xFFFFFF80] =	vst v13;
	v13 =	vld.idx.msk [tilespmem:v14+s3+$0x0], $0xffff  }
0x14d: {  	s23 =	sadd.s32 $0xE, s4;
	v14 =	vshrl.u32 v23, $0x3;
	v23 =	vmov s18;
	v28 =	vmov s19;
	s18 =	sadd.s32 $0xC, s4;
	s19 =	sadd.s32 $0xD, s4;
	v11 =	vld.idx.msk [tilespmem:v11+s3+$0x0], $0xffff  }
0x14e: {  	p1 =	slt.u32 s4, $0x30;
	v30 =	vmov s23;
	v31 =	vmov s20;
	v29 =	vmov s19;
	[tilespmem:s15+$0xFFFFFF00] =	vst v15;
	s19 =	smov.u32 s4;
	s4 =	sadd.s32 $0x10, s4  }
0x14f: {  	v30 =	vshrl.u32 v30, $0x3;
	v12 =	vshrl.u32 v12, $0x3;
	v15 =	vmov s21;
	[tilespmem:s15+$0x280] =	vst v16;
	v10 =	vld.idx.msk [tilespmem:v10+s3+$0x0], $0xffff  }
0x150: {  	v30 =	vshll.u32 v30, v0;
	v16 =	vshrl.u32 v25, $0x3;
	v25 =	vmov s22;
	[tilespmem:s15+$0xFFFFFD00] =	vst v17;
	v17 =	vld.idx.msk [tilespmem:v21+s3+$0x0], $0xffff  }
0x151: {  	v30 =	vbroadcast v30, $0x0;
	v16 =	vshll.u32 v16, v0;
	v21 =	vmov s18;
	v20 =	vld.idx.msk [tilespmem:v20+s3+$0x0], $0xffff  }
0x152: {  	v31 =	vshrl.u32 v31, $0x3;
	v23 =	vshrl.u32 v23, $0x3;
	v16 =	vbroadcast v16, $0x0;
	v18 =	vld.idx.msk [tilespmem:v18+s3+$0x0], $0xffff;
	[tilespmem:s15+$0x180] =	vst v13  }
0x153: {  	v21 =	vshrl.u32 v21, $0x3;
	v13 =	vshll.u32 v23, v0;
	v23 =	vadd.s32 v7, v30;
	[tilespmem:s15+$0xFFFFFD80] =	vst v11;
	v11 =	vld.idx.msk [tilespmem:v19+s3+$0x0], $0xffff  }
0x154: {  	v21 =	vshll.u32 v21, v0;
	v19 =	vmov s19;
	v16 =	vadd.s32 v4, v16;
	v9 =	vld.idx.msk [tilespmem:v9+s3+$0x0], $0xffff  }
0x155: {  	v15 =	vshrl.u32 v15, $0x3;
	v13 =	vbroadcast v13, $0x0;
	v19 =	vshrl.u32 v19, $0x3;
	[tilespmem:s15+$0x380] =	vst v10  }
0x156: {  	v10 =	vshll.u32 v19, v0;
	v19 =	vshrl.u32 v25, $0x3;
	v25 =	vshrl.u32 v28, $0x3;
	[tilespmem:s15+$0x0] =	vst v17  }
0x157: {  	v13 =	vadd.s32 v5, v13;
	v10 =	vbroadcast v10, $0x0;
	v17 =	vshrl.u32 v24, $0x3;
	[tilespmem:s15+$0x200] =	vst v20  }
0x158: {  	v12 =	vshll.u32 v12, v0;
	v19 =	vshll.u32 v19, v0;
	v20 =	vshrl.u32 v26, $0x3;
	v23 =	vld.idx.msk [tilespmem:v23+s3+$0x0], $0xffff;
	[tilespmem:s15+$0xFFFFFC80] =	vst v18  }
0x159: {  	v12 =	vbroadcast v12, $0x0;
	v10 =	vadd.s32 v3, v10;
	v18 =	vld.idx.msk [tilespmem:v16+s3+$0x0], $0xffff;
	v16 =	vbroadcast v19, $0x0;
	[tilespmem:s15+$0xFFFFFE80] =	vst v11  }
0x15a: {  	v24 =	vshrl.u32 v29, $0x3;
	v11 =	vshrl.u32 v27, $0x3;
	v19 =	vshll.u32 v25, v0;
	[tilespmem:s15+$0x80] =	vst v9;
	s15 =	smov.u32 s17  }
0x15b: {  	v9 =	vshll.u32 v14, v0;
	v14 =	vshll.u32 v17, v0;
	v17 =	vshll.u32 v24, v0  }
0x15c: {  	v20 =	vshll.u32 v20, v0;
	v24 =	vadd.s32 v8, v12;
	v12 =	vbroadcast v17, $0x0;
	v25 =	vld.idx.msk [tilespmem:v13+s3+$0x0], $0xffff  }
0x15d: {  	v27 =	vshll.u32 v11, v0;
	v9 =	vbroadcast v9, $0x0;
	v26 =	vadd.s32 v7, v16  }
0x15e: {  	v11 =	vbroadcast v14, $0x0;
	v13 =	vshll.u32 v31, v0;
	v16 =	vadd.s32 v2, v12;
	[tilespmem:s17+$0x300] =	vst v23  }
.Ltmp4:
0x15f: {  	v22 =	vshrl.u32 v22, $0x3;
	v12 =	vld.idx.msk [tilespmem:v10+s3+$0x0], $0xffff;
	[tilespmem:s17+$0xFFFFFE00] =	vst v18;
	v10 =	vbroadcast v19, $0x0;
	v18 =	vbroadcast v13, $0x0;
	(pc) =	sbr.rel @p1 .LBB2_11-.Ltmp4, $4  }
0x160: {  	v17 =	vadd.s32 v5, v9;
	v11 =	vadd.s32 v6, v11;
	v9 =	vshll.u32 v15, v0  }
0x161: {  	v9 =	vbroadcast v9, $0x0;
	v13 =	vld.idx.msk [tilespmem:v24+s3+$0x0], $0xffff;
	v14 =	vadd.s32 v6, v10;
	v10 =	vadd.s32 v8, v18  }
0x162: {  	v15 =	vshll.u32 v22, v0;
	v19 =	vbroadcast v20, $0x0;
	v20 =	vbroadcast v21, $0x0;
	[tilespmem:s17+$0x100] =	vst v25  }
0x163: {  	v21 =	vbroadcast v27, $0x0;
	v9 =	vadd.s32 v1, v9;
	v18 =	vbroadcast v15, $0x0;
	s17 =	sadd.s32 $0x800, s17;
	v15 =	vld.idx.msk [tilespmem:v26+s3+$0x0], $0xffff  }
0x164: {  	_ =	sdelay $0x3  }
0x165: {  	v5 =	vld.idx.msk [tilespmem:v16+s3+$0x0], $0xffff;
	v4 =	vadd.s32 v4, v20  }
0x166: {  	v6 =	vld.idx.msk [tilespmem:v17+s3+$0x0], $0xffff;
	v2 =	vadd.s32 v2, v19  }
0x167: {  	[tilespmem:s15+$0xFFFFFC00] =	vst v12;
	v7 =	vld.idx.msk [tilespmem:v14+s3+$0x0], $0xffff  }
0x168: {  	v8 =	vld.idx.msk [tilespmem:v11+s3+$0x0], $0xffff;
	v3 =	vadd.s32 v3, v21;
	[tilespmem:s15+$0xFFFFFF80] =	vst v13  }
0x169: {  	v10 =	vld.idx.msk [tilespmem:v10+s3+$0x0], $0xffff;
	v1 =	vadd.s32 v1, v18;
	[tilespmem:s15+$0xFFFFFF00] =	vst v15  }
0x16a: {  	[tilespmem:s15+$0x280] =	vst v5;
	v4 =	vld.idx.msk [tilespmem:v4+s3+$0x0], $0xffff  }
0x16b: {  	s17 =	simm.s32 $0x3;
	s23 =	simm.s32 $0x4;
	[tilespmem:s15+$0xFFFFFD00] =	vst v6;
	v2 =	vld.idx.msk [tilespmem:v2+s3+$0x0], $0xffff  }
0x16c: {  	s19 =	simm.s32 $0x7;
	s21 =	simm.s32 $0xA;
	v11 =	vmov s17;
	v12 =	vmov s23;
	[tilespmem:s15+$0x180] =	vst v7;
	v5 =	vld.idx.msk [tilespmem:v9+s3+$0x0], $0xffff  }
0x16d: {  	s18 =	simm.s32 $0x5;
	v14 =	vmov s19;
	v16 =	vmov s21;
	s19 =	simm.s32 $0xD;
	[tilespmem:s15+$0xFFFFFD80] =	vst v8;
	v3 =	vld.idx.msk [tilespmem:v3+s3+$0x0], $0xffff  }
0x16e: {  	s23 =	simm.s32 $0xF;
	v13 =	vmov s18;
	v18 =	vmov s19;
	[tilespmem:s15+$0x380] =	vst v10;
	v1 =	vld.idx.msk [tilespmem:v1+s3+$0x0], $0xffff  }
0x16f: {  	s21 =	simm.s32 $0x6;
	v20 =	vmov s23;
	v14 =	vshrl.u32 v14, $0x3;
	v12 =	vshrl.u32 v12, $0x3;
	[tilespmem:s15+$0x200] =	vst v4  }
0x170: {  	s18 =	simm.s32 $0x9;
	v22 =	vmov s21;
	v16 =	vshrl.u32 v16, $0x3;
	v11 =	vshrl.u32 v11, $0x3;
	[tilespmem:s15+$0xFFFFFE80] =	vst v2  }
0x171: {  	s23 =	simm.s32 $0x0;
	v21 =	vmov s18;
	v12 =	vshll.u32 v12, v0;
	v20 =	vshrl.u32 v20, $0x3;
	[tilespmem:s15+$0x80] =	vst v5  }
0x172: {  	v16 =	vshll.u32 v16, v0;
	v24 =	vmov s23;
	v22 =	vshrl.u32 v22, $0x3;
	[tilespmem:s15+$0x0] =	vst v3  }
0x173: {  	s20 =	simm.s32 $0x8;
	v13 =	vshrl.u32 v13, $0x3;
	v14 =	vshll.u32 v14, v0;
	v18 =	vshrl.u32 v18, $0x3;
	[tilespmem:s15+$0xFFFFFC80] =	vst v1  }
0x174: {  	v11 =	vshll.u32 v11, v0;
	v15 =	vmov s20;
	v12 =	vbroadcast v12, $0x0;
	v1 =	vld [tilespmem:s5+$0x12050]  }
0x175: {  	v24 =	vshrl.u32 v24, $0x3;
	v21 =	vshrl.u32 v21, $0x3;
	v16 =	vbroadcast v16, $0x0  }
0x176: {  	s20 =	simm.s32 $0xE;
	v22 =	vshll.u32 v22, v0;
	v14 =	vbroadcast v14, $0x0;
	v18 =	vshll.u32 v18, v0  }
0x177: {  	s4 =	simm.s32 $0x1;
	s22 =	simm.s32 $0x2;
	v25 =	vshll.u32 v13, v0;
	v11 =	vbroadcast v11, $0x0;
	v19 =	vmov s20  }
0x178: {  	v9 =	vmov s4;
	v10 =	vmov s22;
	v19 =	vshrl.u32 v19, $0x3  }
0x179: {  	v24 =	vshll.u32 v24, v0;
	v19 =	vshll.u32 v19, v0;
	v3 =	vmul.u32 $0x48, v1  }
0x17a: {  	s22 =	simm.s32 $0xB;
	v22 =	vbroadcast v22, $0x0;
	v15 =	vshrl.u32 v15, $0x3;
	v19 =	vbroadcast v19, $0x0  }
0x17b: {  	v10 =	vshrl.u32 v10, $0x3;
	v17 =	vmov s22;
	v7 =	vor.u32 $0x6, v3  }
0x17c: {  	v24 =	vbroadcast v24, $0x0;
	v4 =	vor.u32 $0x4, v3;
	v19 =	vadd.s32 v7, v19  }
0x17d: {  	s22 =	simm.s32 $0xC;
	v26 =	vshll.u32 v15, v0;
	v5 =	vor.u32 $0x2, v3;
	v12 =	vadd.s32 v4, v12  }
0x17e: {  	v9 =	vshrl.u32 v9, $0x3;
	v23 =	vmov s22;
	v16 =	vadd.s32 v5, v16  }
0x17f: {  	v17 =	vshrl.u32 v17, $0x3;
	v10 =	vshll.u32 v10, v0;
	v9 =	vshll.u32 v9, v0  }
0x180: {  	v23 =	vshrl.u32 v23, $0x3;
	v17 =	vshll.u32 v17, v0;
	v10 =	vbroadcast v10, $0x0  }
0x181: {  	v23 =	vshll.u32 v23, v0;
	v8 =	vor.u32 $0x7, v3;
	v24 =	vadd.s32 v3, v24;
	v19 =	vld.idx.msk [tilespmem:v19+s3+$0x0], $0xffff  }
0x182: {  	v1 =	vor.u32 $0x1, v3;
	v13 =	vadd.s32 v8, v14;
	v14 =	vbroadcast v18, $0x0;
	v18 =	vld.idx.msk [tilespmem:v12+s3+$0x0], $0xffff  }
0x183: {  	v6 =	vor.u32 $0x3, v3;
	v2 =	vor.u32 $0x5, v3;
	v22 =	vadd.s32 v7, v22;
	v15 =	vld.idx.msk [tilespmem:v16+s3+$0x0], $0xffff  }
0x184: {  	v16 =	vadd.s32 v2, v14;
	v12 =	vshll.u32 v20, v0;
	v14 =	vbroadcast v17, $0x0  }
0x185: {  	s15 =	simm.s32 $0x12850;
	v17 =	vadd.s32 v5, v10;
	v10 =	vshll.u32 v21, v0;
	v20 =	vbroadcast v12, $0x0  }
0x186: {  	v11 =	vadd.s32 v6, v11;
	v12 =	vld.idx.msk [tilespmem:v24+s3+$0x0], $0xffff;
	v63 =	vbroadcast v10, $0x0;
	v14 =	vadd.s32 v6, v14;
	[tilespmem:s15+$0x300] =	vst v19  }
0x187: {  	v13 =	vld.idx.msk [tilespmem:v13+s3+$0x0], $0xffff;
	v10 =	vadd.s32 v8, v20;
	v20 =	vbroadcast v23, $0x0;
	[tilespmem:s15+$0xFFFFFE00] =	vst v18;
	v19 =	vbroadcast v25, $0x0  }
0x188: {  	s17 =	simm.s32 $0x13050;
	s4 =	simm.s32 $0x10;
	v21 =	vbroadcast v26, $0x0;
	[tilespmem:s15+$0x100] =	vst v15;
	v18 =	vbroadcast v9, $0x0;
	v15 =	vld.idx.msk [tilespmem:v22+s3+$0x0], $0xffff;
	v9 =	vadd.s32 v1, v63  }
.LBB2_13:
0x189: {  	s18 =	sadd.s32 $0x1, s4;
	s19 =	sadd.s32 $0x2, s4;
	s20 =	sadd.s32 $0x3, s4;
	v19 =	vadd.s32 v2, v19;
	v20 =	vadd.s32 v4, v20;
	v16 =	vld.idx.msk [tilespmem:v16+s3+$0x0], $0xffff  }
0x18a: {  	s21 =	sadd.s32 $0x9, s4;
	v22 =	vmov s18;
	v23 =	vmov s19;
	s18 =	sadd.s32 $0x4, s4;
	s19 =	sadd.s32 $0x5, s4;
	v17 =	vld.idx.msk [tilespmem:v17+s3+$0x0], $0xffff;
	v21 =	vadd.s32 v3, v21  }
0x18b: {  	v24 =	vmov s20;
	s20 =	sadd.s32 $0xF, s4;
	v25 =	vmov s18;
	v26 =	vmov s19;
	s18 =	sadd.s32 $0x7, s4;
	s19 =	sadd.s32 $0x8, s4;
	[tilespmem:s15+$0xFFFFFC00] =	vst v12  }
0x18c: {  	s22 =	sadd.s32 $0x6, s4;
	v18 =	vadd.s32 v1, v18;
	v12 =	vmov s18;
	v27 =	vmov s19;
	s18 =	sadd.s32 $0xA, s4;
	s19 =	sadd.s32 $0xB, s4;
	[tilespmem:s15+$0xFFFFFF80] =	vst v13;
	v13 =	vld.idx.msk [tilespmem:v14+s3+$0x0], $0xffff  }
0x18d: {  	s23 =	sadd.s32 $0xE, s4;
	v14 =	vshrl.u32 v23, $0x3;
	v23 =	vmov s18;
	v28 =	vmov s19;
	s18 =	sadd.s32 $0xC, s4;
	s19 =	sadd.s32 $0xD, s4;
	v11 =	vld.idx.msk [tilespmem:v11+s3+$0x0], $0xffff  }
0x18e: {  	p1 =	slt.u32 s4, $0x30;
	v30 =	vmov s23;
	v31 =	vmov s20;
	v29 =	vmov s19;
	[tilespmem:s15+$0xFFFFFF00] =	vst v15;
	s19 =	smov.u32 s4;
	s4 =	sadd.s32 $0x10, s4  }
0x18f: {  	v30 =	vshrl.u32 v30, $0x3;
	v12 =	vshrl.u32 v12, $0x3;
	v15 =	vmov s21;
	[tilespmem:s15+$0x280] =	vst v16;
	v10 =	vld.idx.msk [tilespmem:v10+s3+$0x0], $0xffff  }
0x190: {  	v30 =	vshll.u32 v30, v0;
	v16 =	vshrl.u32 v25, $0x3;
	v25 =	vmov s22;
	[tilespmem:s15+$0xFFFFFD00] =	vst v17;
	v17 =	vld.idx.msk [tilespmem:v21+s3+$0x0], $0xffff  }
0x191: {  	v30 =	vbroadcast v30, $0x0;
	v16 =	vshll.u32 v16, v0;
	v21 =	vmov s18;
	v20 =	vld.idx.msk [tilespmem:v20+s3+$0x0], $0xffff  }
0x192: {  	v31 =	vshrl.u32 v31, $0x3;
	v23 =	vshrl.u32 v23, $0x3;
	v16 =	vbroadcast v16, $0x0;
	v18 =	vld.idx.msk [tilespmem:v18+s3+$0x0], $0xffff;
	[tilespmem:s15+$0x180] =	vst v13  }
0x193: {  	v21 =	vshrl.u32 v21, $0x3;
	v13 =	vshll.u32 v23, v0;
	v23 =	vadd.s32 v7, v30;
	[tilespmem:s15+$0xFFFFFD80] =	vst v11;
	v11 =	vld.idx.msk [tilespmem:v19+s3+$0x0], $0xffff  }
0x194: {  	v21 =	vshll.u32 v21, v0;
	v19 =	vmov s19;
	v16 =	vadd.s32 v4, v16;
	v9 =	vld.idx.msk [tilespmem:v9+s3+$0x0], $0xffff  }
0x195: {  	v15 =	vshrl.u32 v15, $0x3;
	v13 =	vbroadcast v13, $0x0;
	v19 =	vshrl.u32 v19, $0x3;
	[tilespmem:s15+$0x380] =	vst v10  }
0x196: {  	v10 =	vshll.u32 v19, v0;
	v19 =	vshrl.u32 v25, $0x3;
	v25 =	vshrl.u32 v28, $0x3;
	[tilespmem:s15+$0x0] =	vst v17  }
0x197: {  	v13 =	vadd.s32 v5, v13;
	v10 =	vbroadcast v10, $0x0;
	v17 =	vshrl.u32 v24, $0x3;
	[tilespmem:s15+$0x200] =	vst v20  }
0x198: {  	v12 =	vshll.u32 v12, v0;
	v19 =	vshll.u32 v19, v0;
	v20 =	vshrl.u32 v26, $0x3;
	v23 =	vld.idx.msk [tilespmem:v23+s3+$0x0], $0xffff;
	[tilespmem:s15+$0xFFFFFC80] =	vst v18  }
0x199: {  	v12 =	vbroadcast v12, $0x0;
	v10 =	vadd.s32 v3, v10;
	v18 =	vld.idx.msk [tilespmem:v16+s3+$0x0], $0xffff;
	v16 =	vbroadcast v19, $0x0;
	[tilespmem:s15+$0xFFFFFE80] =	vst v11  }
0x19a: {  	v24 =	vshrl.u32 v29, $0x3;
	v11 =	vshrl.u32 v27, $0x3;
	v19 =	vshll.u32 v25, v0;
	[tilespmem:s15+$0x80] =	vst v9;
	s15 =	smov.u32 s17  }
0x19b: {  	v9 =	vshll.u32 v14, v0;
	v14 =	vshll.u32 v17, v0;
	v17 =	vshll.u32 v24, v0  }
0x19c: {  	v20 =	vshll.u32 v20, v0;
	v24 =	vadd.s32 v8, v12;
	v12 =	vbroadcast v17, $0x0;
	v25 =	vld.idx.msk [tilespmem:v13+s3+$0x0], $0xffff  }
0x19d: {  	v27 =	vshll.u32 v11, v0;
	v9 =	vbroadcast v9, $0x0;
	v26 =	vadd.s32 v7, v16  }
0x19e: {  	v11 =	vbroadcast v14, $0x0;
	v13 =	vshll.u32 v31, v0;
	v16 =	vadd.s32 v2, v12;
	[tilespmem:s17+$0x300] =	vst v23  }
.Ltmp5:
0x19f: {  	v22 =	vshrl.u32 v22, $0x3;
	v12 =	vld.idx.msk [tilespmem:v10+s3+$0x0], $0xffff;
	[tilespmem:s17+$0xFFFFFE00] =	vst v18;
	v10 =	vbroadcast v19, $0x0;
	v18 =	vbroadcast v13, $0x0;
	(pc) =	sbr.rel @p1 .LBB2_13-.Ltmp5, $4  }
0x1a0: {  	v17 =	vadd.s32 v5, v9;
	v11 =	vadd.s32 v6, v11;
	v9 =	vshll.u32 v15, v0  }
0x1a1: {  	v9 =	vbroadcast v9, $0x0;
	v13 =	vld.idx.msk [tilespmem:v24+s3+$0x0], $0xffff;
	v14 =	vadd.s32 v6, v10;
	v10 =	vadd.s32 v8, v18  }
0x1a2: {  	v15 =	vshll.u32 v22, v0;
	v19 =	vbroadcast v20, $0x0;
	v20 =	vbroadcast v21, $0x0;
	[tilespmem:s17+$0x100] =	vst v25  }
0x1a3: {  	v21 =	vbroadcast v27, $0x0;
	v9 =	vadd.s32 v1, v9;
	v18 =	vbroadcast v15, $0x0;
	s17 =	sadd.s32 $0x800, s17;
	v15 =	vld.idx.msk [tilespmem:v26+s3+$0x0], $0xffff  }
0x1a4: {  	_ =	sdelay $0x3  }
0x1a5: {  	v5 =	vld.idx.msk [tilespmem:v16+s3+$0x0], $0xffff;
	v4 =	vadd.s32 v4, v20  }
0x1a6: {  	v6 =	vld.idx.msk [tilespmem:v17+s3+$0x0], $0xffff;
	v2 =	vadd.s32 v2, v19  }
0x1a7: {  	[tilespmem:s15+$0xFFFFFC00] =	vst v12;
	v7 =	vld.idx.msk [tilespmem:v14+s3+$0x0], $0xffff  }
0x1a8: {  	v8 =	vld.idx.msk [tilespmem:v11+s3+$0x0], $0xffff;
	v3 =	vadd.s32 v3, v21;
	[tilespmem:s15+$0xFFFFFF80] =	vst v13  }
0x1a9: {  	v10 =	vld.idx.msk [tilespmem:v10+s3+$0x0], $0xffff;
	v1 =	vadd.s32 v1, v18;
	[tilespmem:s15+$0xFFFFFF00] =	vst v15  }
0x1aa: {  	[tilespmem:s15+$0x280] =	vst v5;
	v4 =	vld.idx.msk [tilespmem:v4+s3+$0x0], $0xffff  }
0x1ab: {  	s17 =	simm.s32 $0x3;
	s23 =	simm.s32 $0x4;
	[tilespmem:s15+$0xFFFFFD00] =	vst v6;
	v2 =	vld.idx.msk [tilespmem:v2+s3+$0x0], $0xffff  }
0x1ac: {  	s19 =	simm.s32 $0x7;
	s21 =	simm.s32 $0xA;
	v11 =	vmov s17;
	v12 =	vmov s23;
	[tilespmem:s15+$0x180] =	vst v7;
	v5 =	vld.idx.msk [tilespmem:v9+s3+$0x0], $0xffff  }
0x1ad: {  	s18 =	simm.s32 $0x5;
	v14 =	vmov s19;
	v16 =	vmov s21;
	s19 =	simm.s32 $0xD;
	[tilespmem:s15+$0xFFFFFD80] =	vst v8;
	v3 =	vld.idx.msk [tilespmem:v3+s3+$0x0], $0xffff  }
0x1ae: {  	s23 =	simm.s32 $0xF;
	v13 =	vmov s18;
	v18 =	vmov s19;
	[tilespmem:s15+$0x380] =	vst v10;
	v1 =	vld.idx.msk [tilespmem:v1+s3+$0x0], $0xffff  }
0x1af: {  	s21 =	simm.s32 $0x6;
	v20 =	vmov s23;
	v14 =	vshrl.u32 v14, $0x3;
	v12 =	vshrl.u32 v12, $0x3;
	[tilespmem:s15+$0x200] =	vst v4  }
0x1b0: {  	s18 =	simm.s32 $0x9;
	v22 =	vmov s21;
	v16 =	vshrl.u32 v16, $0x3;
	v11 =	vshrl.u32 v11, $0x3;
	[tilespmem:s15+$0xFFFFFE80] =	vst v2  }
0x1b1: {  	s23 =	simm.s32 $0x0;
	v21 =	vmov s18;
	v12 =	vshll.u32 v12, v0;
	v20 =	vshrl.u32 v20, $0x3;
	[tilespmem:s15+$0x80] =	vst v5  }
0x1b2: {  	v16 =	vshll.u32 v16, v0;
	v24 =	vmov s23;
	v22 =	vshrl.u32 v22, $0x3;
	[tilespmem:s15+$0x0] =	vst v3  }
0x1b3: {  	s20 =	simm.s32 $0x8;
	v13 =	vshrl.u32 v13, $0x3;
	v14 =	vshll.u32 v14, v0;
	v18 =	vshrl.u32 v18, $0x3;
	[tilespmem:s15+$0xFFFFFC80] =	vst v1  }
0x1b4: {  	v11 =	vshll.u32 v11, v0;
	v15 =	vmov s20;
	v12 =	vbroadcast v12, $0x0;
	v1 =	vld [tilespmem:s5+$0x12060]  }
0x1b5: {  	v24 =	vshrl.u32 v24, $0x3;
	v21 =	vshrl.u32 v21, $0x3;
	v16 =	vbroadcast v16, $0x0  }
0x1b6: {  	s20 =	simm.s32 $0xE;
	v22 =	vshll.u32 v22, v0;
	v14 =	vbroadcast v14, $0x0;
	v18 =	vshll.u32 v18, v0  }
0x1b7: {  	s4 =	simm.s32 $0x1;
	s22 =	simm.s32 $0x2;
	v25 =	vshll.u32 v13, v0;
	v11 =	vbroadcast v11, $0x0;
	v19 =	vmov s20  }
0x1b8: {  	v9 =	vmov s4;
	v10 =	vmov s22;
	v19 =	vshrl.u32 v19, $0x3  }
0x1b9: {  	v24 =	vshll.u32 v24, v0;
	v19 =	vshll.u32 v19, v0;
	v3 =	vmul.u32 $0x48, v1  }
0x1ba: {  	s22 =	simm.s32 $0xB;
	v22 =	vbroadcast v22, $0x0;
	v15 =	vshrl.u32 v15, $0x3;
	v19 =	vbroadcast v19, $0x0  }
0x1bb: {  	v10 =	vshrl.u32 v10, $0x3;
	v17 =	vmov s22;
	v7 =	vor.u32 $0x6, v3  }
0x1bc: {  	v24 =	vbroadcast v24, $0x0;
	v4 =	vor.u32 $0x4, v3;
	v19 =	vadd.s32 v7, v19  }
0x1bd: {  	s22 =	simm.s32 $0xC;
	v26 =	vshll.u32 v15, v0;
	v5 =	vor.u32 $0x2, v3;
	v12 =	vadd.s32 v4, v12  }
0x1be: {  	v9 =	vshrl.u32 v9, $0x3;
	v23 =	vmov s22;
	v16 =	vadd.s32 v5, v16  }
0x1bf: {  	v17 =	vshrl.u32 v17, $0x3;
	v10 =	vshll.u32 v10, v0;
	v9 =	vshll.u32 v9, v0  }
0x1c0: {  	v23 =	vshrl.u32 v23, $0x3;
	v17 =	vshll.u32 v17, v0;
	v10 =	vbroadcast v10, $0x0  }
0x1c1: {  	v23 =	vshll.u32 v23, v0;
	v8 =	vor.u32 $0x7, v3;
	v24 =	vadd.s32 v3, v24;
	v19 =	vld.idx.msk [tilespmem:v19+s3+$0x0], $0xffff  }
0x1c2: {  	v1 =	vor.u32 $0x1, v3;
	v13 =	vadd.s32 v8, v14;
	v14 =	vbroadcast v18, $0x0;
	v18 =	vld.idx.msk [tilespmem:v12+s3+$0x0], $0xffff  }
0x1c3: {  	v6 =	vor.u32 $0x3, v3;
	v2 =	vor.u32 $0x5, v3;
	v22 =	vadd.s32 v7, v22;
	v15 =	vld.idx.msk [tilespmem:v16+s3+$0x0], $0xffff  }
0x1c4: {  	v16 =	vadd.s32 v2, v14;
	v12 =	vshll.u32 v20, v0;
	v14 =	vbroadcast v17, $0x0  }
0x1c5: {  	s15 =	simm.s32 $0x12860;
	v17 =	vadd.s32 v5, v10;
	v10 =	vshll.u32 v21, v0;
	v20 =	vbroadcast v12, $0x0  }
0x1c6: {  	v11 =	vadd.s32 v6, v11;
	v12 =	vld.idx.msk [tilespmem:v24+s3+$0x0], $0xffff;
	v63 =	vbroadcast v10, $0x0;
	v14 =	vadd.s32 v6, v14;
	[tilespmem:s15+$0x300] =	vst v19  }
0x1c7: {  	v13 =	vld.idx.msk [tilespmem:v13+s3+$0x0], $0xffff;
	v10 =	vadd.s32 v8, v20;
	v20 =	vbroadcast v23, $0x0;
	[tilespmem:s15+$0xFFFFFE00] =	vst v18;
	v19 =	vbroadcast v25, $0x0  }
0x1c8: {  	s17 =	simm.s32 $0x13060;
	s4 =	simm.s32 $0x10;
	v21 =	vbroadcast v26, $0x0;
	[tilespmem:s15+$0x100] =	vst v15;
	v18 =	vbroadcast v9, $0x0;
	v15 =	vld.idx.msk [tilespmem:v22+s3+$0x0], $0xffff;
	v9 =	vadd.s32 v1, v63  }
.LBB2_15:
0x1c9: {  	s18 =	sadd.s32 $0x1, s4;
	s19 =	sadd.s32 $0x2, s4;
	s20 =	sadd.s32 $0x3, s4;
	v19 =	vadd.s32 v2, v19;
	v20 =	vadd.s32 v4, v20;
	v16 =	vld.idx.msk [tilespmem:v16+s3+$0x0], $0xffff  }
0x1ca: {  	s21 =	sadd.s32 $0x9, s4;
	v22 =	vmov s18;
	v23 =	vmov s19;
	s18 =	sadd.s32 $0x4, s4;
	s19 =	sadd.s32 $0x5, s4;
	v17 =	vld.idx.msk [tilespmem:v17+s3+$0x0], $0xffff;
	v21 =	vadd.s32 v3, v21  }
0x1cb: {  	v24 =	vmov s20;
	s20 =	sadd.s32 $0xF, s4;
	v25 =	vmov s18;
	v26 =	vmov s19;
	s18 =	sadd.s32 $0x7, s4;
	s19 =	sadd.s32 $0x8, s4;
	[tilespmem:s15+$0xFFFFFC00] =	vst v12  }
0x1cc: {  	s22 =	sadd.s32 $0x6, s4;
	v18 =	vadd.s32 v1, v18;
	v12 =	vmov s18;
	v27 =	vmov s19;
	s18 =	sadd.s32 $0xA, s4;
	s19 =	sadd.s32 $0xB, s4;
	[tilespmem:s15+$0xFFFFFF80] =	vst v13;
	v13 =	vld.idx.msk [tilespmem:v14+s3+$0x0], $0xffff  }
0x1cd: {  	s23 =	sadd.s32 $0xE, s4;
	v14 =	vshrl.u32 v23, $0x3;
	v23 =	vmov s18;
	v28 =	vmov s19;
	s18 =	sadd.s32 $0xC, s4;
	s19 =	sadd.s32 $0xD, s4;
	v11 =	vld.idx.msk [tilespmem:v11+s3+$0x0], $0xffff  }
0x1ce: {  	p1 =	slt.u32 s4, $0x30;
	v30 =	vmov s23;
	v31 =	vmov s20;
	v29 =	vmov s19;
	[tilespmem:s15+$0xFFFFFF00] =	vst v15;
	s19 =	smov.u32 s4;
	s4 =	sadd.s32 $0x10, s4  }
0x1cf: {  	v30 =	vshrl.u32 v30, $0x3;
	v12 =	vshrl.u32 v12, $0x3;
	v15 =	vmov s21;
	[tilespmem:s15+$0x280] =	vst v16;
	v10 =	vld.idx.msk [tilespmem:v10+s3+$0x0], $0xffff  }
0x1d0: {  	v30 =	vshll.u32 v30, v0;
	v16 =	vshrl.u32 v25, $0x3;
	v25 =	vmov s22;
	[tilespmem:s15+$0xFFFFFD00] =	vst v17;
	v17 =	vld.idx.msk [tilespmem:v21+s3+$0x0], $0xffff  }
0x1d1: {  	v30 =	vbroadcast v30, $0x0;
	v16 =	vshll.u32 v16, v0;
	v21 =	vmov s18;
	v20 =	vld.idx.msk [tilespmem:v20+s3+$0x0], $0xffff  }
0x1d2: {  	v31 =	vshrl.u32 v31, $0x3;
	v23 =	vshrl.u32 v23, $0x3;
	v16 =	vbroadcast v16, $0x0;
	v18 =	vld.idx.msk [tilespmem:v18+s3+$0x0], $0xffff;
	[tilespmem:s15+$0x180] =	vst v13  }
0x1d3: {  	v21 =	vshrl.u32 v21, $0x3;
	v13 =	vshll.u32 v23, v0;
	v23 =	vadd.s32 v7, v30;
	[tilespmem:s15+$0xFFFFFD80] =	vst v11;
	v11 =	vld.idx.msk [tilespmem:v19+s3+$0x0], $0xffff  }
0x1d4: {  	v21 =	vshll.u32 v21, v0;
	v19 =	vmov s19;
	v16 =	vadd.s32 v4, v16;
	v9 =	vld.idx.msk [tilespmem:v9+s3+$0x0], $0xffff  }
0x1d5: {  	v15 =	vshrl.u32 v15, $0x3;
	v13 =	vbroadcast v13, $0x0;
	v19 =	vshrl.u32 v19, $0x3;
	[tilespmem:s15+$0x380] =	vst v10  }
0x1d6: {  	v10 =	vshll.u32 v19, v0;
	v19 =	vshrl.u32 v25, $0x3;
	v25 =	vshrl.u32 v28, $0x3;
	[tilespmem:s15+$0x0] =	vst v17  }
0x1d7: {  	v13 =	vadd.s32 v5, v13;
	v10 =	vbroadcast v10, $0x0;
	v17 =	vshrl.u32 v24, $0x3;
	[tilespmem:s15+$0x200] =	vst v20  }
0x1d8: {  	v12 =	vshll.u32 v12, v0;
	v19 =	vshll.u32 v19, v0;
	v20 =	vshrl.u32 v26, $0x3;
	v23 =	vld.idx.msk [tilespmem:v23+s3+$0x0], $0xffff;
	[tilespmem:s15+$0xFFFFFC80] =	vst v18  }
0x1d9: {  	v12 =	vbroadcast v12, $0x0;
	v10 =	vadd.s32 v3, v10;
	v18 =	vld.idx.msk [tilespmem:v16+s3+$0x0], $0xffff;
	v16 =	vbroadcast v19, $0x0;
	[tilespmem:s15+$0xFFFFFE80] =	vst v11  }
0x1da: {  	v24 =	vshrl.u32 v29, $0x3;
	v11 =	vshrl.u32 v27, $0x3;
	v19 =	vshll.u32 v25, v0;
	[tilespmem:s15+$0x80] =	vst v9;
	s15 =	smov.u32 s17  }
0x1db: {  	v9 =	vshll.u32 v14, v0;
	v14 =	vshll.u32 v17, v0;
	v17 =	vshll.u32 v24, v0  }
0x1dc: {  	v20 =	vshll.u32 v20, v0;
	v24 =	vadd.s32 v8, v12;
	v12 =	vbroadcast v17, $0x0;
	v25 =	vld.idx.msk [tilespmem:v13+s3+$0x0], $0xffff  }
0x1dd: {  	v27 =	vshll.u32 v11, v0;
	v9 =	vbroadcast v9, $0x0;
	v26 =	vadd.s32 v7, v16  }
0x1de: {  	v11 =	vbroadcast v14, $0x0;
	v13 =	vshll.u32 v31, v0;
	v16 =	vadd.s32 v2, v12;
	[tilespmem:s17+$0x300] =	vst v23  }
.Ltmp6:
0x1df: {  	v22 =	vshrl.u32 v22, $0x3;
	v12 =	vld.idx.msk [tilespmem:v10+s3+$0x0], $0xffff;
	[tilespmem:s17+$0xFFFFFE00] =	vst v18;
	v10 =	vbroadcast v19, $0x0;
	v18 =	vbroadcast v13, $0x0;
	(pc) =	sbr.rel @p1 .LBB2_15-.Ltmp6, $4  }
0x1e0: {  	v17 =	vadd.s32 v5, v9;
	v11 =	vadd.s32 v6, v11;
	v9 =	vshll.u32 v15, v0  }
0x1e1: {  	v9 =	vbroadcast v9, $0x0;
	v13 =	vld.idx.msk [tilespmem:v24+s3+$0x0], $0xffff;
	v14 =	vadd.s32 v6, v10;
	v10 =	vadd.s32 v8, v18  }
0x1e2: {  	v15 =	vshll.u32 v22, v0;
	v19 =	vbroadcast v20, $0x0;
	v20 =	vbroadcast v21, $0x0;
	[tilespmem:s17+$0x100] =	vst v25  }
0x1e3: {  	v21 =	vbroadcast v27, $0x0;
	v9 =	vadd.s32 v1, v9;
	v18 =	vbroadcast v15, $0x0;
	s17 =	sadd.s32 $0x800, s17;
	v15 =	vld.idx.msk [tilespmem:v26+s3+$0x0], $0xffff  }
0x1e4: {  	_ =	sdelay $0x3  }
0x1e5: {  	v5 =	vld.idx.msk [tilespmem:v16+s3+$0x0], $0xffff;
	v4 =	vadd.s32 v4, v20  }
0x1e6: {  	v6 =	vld.idx.msk [tilespmem:v17+s3+$0x0], $0xffff;
	v2 =	vadd.s32 v2, v19  }
0x1e7: {  	[tilespmem:s15+$0xFFFFFC00] =	vst v12;
	v7 =	vld.idx.msk [tilespmem:v14+s3+$0x0], $0xffff  }
0x1e8: {  	v8 =	vld.idx.msk [tilespmem:v11+s3+$0x0], $0xffff;
	v3 =	vadd.s32 v3, v21;
	[tilespmem:s15+$0xFFFFFF80] =	vst v13  }
0x1e9: {  	v10 =	vld.idx.msk [tilespmem:v10+s3+$0x0], $0xffff;
	v1 =	vadd.s32 v1, v18;
	[tilespmem:s15+$0xFFFFFF00] =	vst v15  }
0x1ea: {  	[tilespmem:s15+$0x280] =	vst v5;
	v4 =	vld.idx.msk [tilespmem:v4+s3+$0x0], $0xffff  }
0x1eb: {  	s19 =	simm.s32 $0x3;
	s20 =	simm.s32 $0x4;
	[tilespmem:s15+$0xFFFFFD00] =	vst v6;
	v2 =	vld.idx.msk [tilespmem:v2+s3+$0x0], $0xffff  }
0x1ec: {  	s22 =	simm.s32 $0x7;
	s17 =	simm.s32 $0xB;
	v11 =	vmov s19;
	v12 =	vmov s20;
	[tilespmem:s15+$0x180] =	vst v7;
	v5 =	vld.idx.msk [tilespmem:v9+s3+$0x0], $0xffff  }
0x1ed: {  	s21 =	simm.s32 $0x5;
	v14 =	vmov s22;
	v17 =	vmov s17;
	s19 =	simm.s32 $0xD;
	[tilespmem:s15+$0xFFFFFD80] =	vst v8;
	v3 =	vld.idx.msk [tilespmem:v3+s3+$0x0], $0xffff  }
0x1ee: {  	s20 =	simm.s32 $0xE;
	s17 =	simm.s32 $0x9;
	v13 =	vmov s21;
	v18 =	vmov s19;
	[tilespmem:s15+$0x380] =	vst v10;
	v1 =	vld.idx.msk [tilespmem:v1+s3+$0x0], $0xffff  }
0x1ef: {  	s22 =	simm.s32 $0xC;
	v19 =	vmov s20;
	v14 =	vshrl.u32 v14, $0x3;
	v21 =	vmov s17;
	[tilespmem:s15+$0x200] =	vst v4  }
0x1f0: {  	s21 =	simm.s32 $0x6;
	v12 =	vshrl.u32 v12, $0x3;
	v23 =	vmov s22;
	v17 =	vshrl.u32 v17, $0x3;
	[tilespmem:s15+$0xFFFFFE80] =	vst v2  }
0x1f1: {  	v11 =	vshrl.u32 v11, $0x3;
	v19 =	vshrl.u32 v19, $0x3;
	v22 =	vmov s21;
	[tilespmem:s15+$0x80] =	vst v5  }
0x1f2: {  	v12 =	vshll.u32 v12, v0;
	v23 =	vshrl.u32 v23, $0x3;
	v21 =	vshrl.u32 v21, $0x3;
	[tilespmem:s15+$0x0] =	vst v3  }
0x1f3: {  	s23 =	simm.s32 $0x8;
	v13 =	vshrl.u32 v13, $0x3;
	v14 =	vshll.u32 v14, v0;
	v17 =	vshll.u32 v17, v0;
	[tilespmem:s15+$0xFFFFFC80] =	vst v1  }
0x1f4: {  	v18 =	vshrl.u32 v18, $0x3;
	v11 =	vshll.u32 v11, v0;
	v15 =	vmov s23;
	v1 =	vld [tilespmem:s5+$0x12070]  }
0x1f5: {  	v19 =	vshll.u32 v19, v0;
	v12 =	vbroadcast v12, $0x0;
	v23 =	vshll.u32 v23, v0  }
0x1f6: {  	s4 =	simm.s32 $0x1;
	v22 =	vshrl.u32 v22, $0x3;
	v14 =	vbroadcast v14, $0x0;
	v18 =	vshll.u32 v18, v0  }
0x1f7: {  	s18 =	simm.s32 $0x2;
	s23 =	simm.s32 $0x0;
	v25 =	vshll.u32 v13, v0;
	v11 =	vbroadcast v11, $0x0;
	v9 =	vmov s4  }
0x1f8: {  	v10 =	vmov s18;
	v19 =	vbroadcast v19, $0x0;
	v24 =	vmov s23;
	s15 =	simm.s32 $0xA  }
0x1f9: {  	v22 =	vshll.u32 v22, v0;
	v16 =	vmov s15;
	v3 =	vmul.u32 $0x48, v1  }
0x1fa: {  	s18 =	simm.s32 $0xF;
	v15 =	vshrl.u32 v15, $0x3;
	v10 =	vshrl.u32 v10, $0x3;
	v16 =	vshrl.u32 v16, $0x3  }
0x1fb: {  	v20 =	vmov s18;
	v16 =	vshll.u32 v16, v0;
	v7 =	vor.u32 $0x6, v3  }
0x1fc: {  	v16 =	vbroadcast v16, $0x0;
	v4 =	vor.u32 $0x4, v3;
	v19 =	vadd.s32 v7, v19  }
0x1fd: {  	v24 =	vshrl.u32 v24, $0x3;
	v5 =	vor.u32 $0x2, v3;
	v12 =	vadd.s32 v4, v12  }
0x1fe: {  	v22 =	vbroadcast v22, $0x0;
	v24 =	vshll.u32 v24, v0;
	v16 =	vadd.s32 v5, v16  }
0x1ff: {  	v26 =	vshll.u32 v15, v0;
	v9 =	vshrl.u32 v9, $0x3;
	v24 =	vbroadcast v24, $0x0  }
0x200: {  	v20 =	vshrl.u32 v20, $0x3;
	v10 =	vshll.u32 v10, v0;
	v9 =	vshll.u32 v9, v0  }
0x201: {  	v10 =	vbroadcast v10, $0x0;
	v8 =	vor.u32 $0x7, v3;
	v24 =	vadd.s32 v3, v24;
	v19 =	vld.idx.msk [tilespmem:v19+s3+$0x0], $0xffff  }
0x202: {  	v1 =	vor.u32 $0x1, v3;
	v13 =	vadd.s32 v8, v14;
	v14 =	vbroadcast v18, $0x0;
	v18 =	vld.idx.msk [tilespmem:v12+s3+$0x0], $0xffff  }
0x203: {  	v6 =	vor.u32 $0x3, v3;
	v2 =	vor.u32 $0x5, v3;
	v22 =	vadd.s32 v7, v22;
	v15 =	vld.idx.msk [tilespmem:v16+s3+$0x0], $0xffff  }
0x204: {  	v16 =	vadd.s32 v2, v14;
	v12 =	vshll.u32 v20, v0;
	v14 =	vbroadcast v17, $0x0  }
0x205: {  	s5 =	simm.s32 $0x12870;
	v17 =	vadd.s32 v5, v10;
	v10 =	vshll.u32 v21, v0;
	v20 =	vbroadcast v12, $0x0  }
0x206: {  	v11 =	vadd.s32 v6, v11;
	v12 =	vld.idx.msk [tilespmem:v24+s3+$0x0], $0xffff;
	v63 =	vbroadcast v10, $0x0;
	v14 =	vadd.s32 v6, v14;
	[tilespmem:s5+$0x300] =	vst v19  }
0x207: {  	v13 =	vld.idx.msk [tilespmem:v13+s3+$0x0], $0xffff;
	v10 =	vadd.s32 v8, v20;
	v20 =	vbroadcast v23, $0x0;
	[tilespmem:s5+$0xFFFFFE00] =	vst v18;
	v19 =	vbroadcast v25, $0x0  }
0x208: {  	s4 =	simm.s32 $0x10;
	s15 =	simm.s32 $0x13070;
	v21 =	vbroadcast v26, $0x0;
	[tilespmem:s5+$0x100] =	vst v15;
	v18 =	vbroadcast v9, $0x0;
	v15 =	vld.idx.msk [tilespmem:v22+s3+$0x0], $0xffff;
	v9 =	vadd.s32 v1, v63  }
.LBB2_17:
0x209: {  	s17 =	sadd.s32 $0x1, s4;
	s18 =	sadd.s32 $0x2, s4;
	s19 =	sadd.s32 $0x3, s4;
	v19 =	vadd.s32 v2, v19;
	v20 =	vadd.s32 v4, v20;
	v16 =	vld.idx.msk [tilespmem:v16+s3+$0x0], $0xffff  }
0x20a: {  	s20 =	sadd.s32 $0x9, s4;
	v22 =	vmov s17;
	v23 =	vmov s18;
	s17 =	sadd.s32 $0x4, s4;
	s18 =	sadd.s32 $0x5, s4;
	v17 =	vld.idx.msk [tilespmem:v17+s3+$0x0], $0xffff;
	v21 =	vadd.s32 v3, v21  }
0x20b: {  	v24 =	vmov s19;
	s19 =	sadd.s32 $0xF, s4;
	v25 =	vmov s17;
	v26 =	vmov s18;
	s17 =	sadd.s32 $0x7, s4;
	s18 =	sadd.s32 $0x8, s4;
	[tilespmem:s5+$0xFFFFFC00] =	vst v12  }
0x20c: {  	s21 =	sadd.s32 $0x6, s4;
	v18 =	vadd.s32 v1, v18;
	v12 =	vmov s17;
	v27 =	vmov s18;
	s17 =	sadd.s32 $0xA, s4;
	s18 =	sadd.s32 $0xB, s4;
	[tilespmem:s5+$0xFFFFFF80] =	vst v13;
	v13 =	vld.idx.msk [tilespmem:v14+s3+$0x0], $0xffff  }
0x20d: {  	s22 =	sadd.s32 $0xE, s4;
	v14 =	vshrl.u32 v23, $0x3;
	v23 =	vmov s17;
	v28 =	vmov s18;
	s17 =	sadd.s32 $0xC, s4;
	s18 =	sadd.s32 $0xD, s4;
	v11 =	vld.idx.msk [tilespmem:v11+s3+$0x0], $0xffff  }
0x20e: {  	p1 =	slt.u32 s4, $0x30;
	v30 =	vmov s22;
	v31 =	vmov s19;
	v29 =	vmov s18;
	[tilespmem:s5+$0xFFFFFF00] =	vst v15;
	s18 =	smov.u32 s4;
	s4 =	sadd.s32 $0x10, s4  }
0x20f: {  	v30 =	vshrl.u32 v30, $0x3;
	v12 =	vshrl.u32 v12, $0x3;
	v15 =	vmov s20;
	[tilespmem:s5+$0x280] =	vst v16;
	v10 =	vld.idx.msk [tilespmem:v10+s3+$0x0], $0xffff  }
0x210: {  	v30 =	vshll.u32 v30, v0;
	v16 =	vshrl.u32 v25, $0x3;
	v25 =	vmov s21;
	[tilespmem:s5+$0xFFFFFD00] =	vst v17;
	v17 =	vld.idx.msk [tilespmem:v21+s3+$0x0], $0xffff  }
0x211: {  	v30 =	vbroadcast v30, $0x0;
	v16 =	vshll.u32 v16, v0;
	v21 =	vmov s17;
	v20 =	vld.idx.msk [tilespmem:v20+s3+$0x0], $0xffff  }
0x212: {  	v31 =	vshrl.u32 v31, $0x3;
	v23 =	vshrl.u32 v23, $0x3;
	v16 =	vbroadcast v16, $0x0;
	v18 =	vld.idx.msk [tilespmem:v18+s3+$0x0], $0xffff;
	[tilespmem:s5+$0x180] =	vst v13  }
0x213: {  	v21 =	vshrl.u32 v21, $0x3;
	v13 =	vshll.u32 v23, v0;
	v23 =	vadd.s32 v7, v30;
	[tilespmem:s5+$0xFFFFFD80] =	vst v11;
	v11 =	vld.idx.msk [tilespmem:v19+s3+$0x0], $0xffff  }
0x214: {  	v21 =	vshll.u32 v21, v0;
	v19 =	vmov s18;
	v16 =	vadd.s32 v4, v16;
	v9 =	vld.idx.msk [tilespmem:v9+s3+$0x0], $0xffff  }
0x215: {  	v15 =	vshrl.u32 v15, $0x3;
	v13 =	vbroadcast v13, $0x0;
	v19 =	vshrl.u32 v19, $0x3;
	[tilespmem:s5+$0x380] =	vst v10  }
0x216: {  	v10 =	vshll.u32 v19, v0;
	v19 =	vshrl.u32 v25, $0x3;
	v25 =	vshrl.u32 v28, $0x3;
	[tilespmem:s5+$0x0] =	vst v17  }
0x217: {  	v13 =	vadd.s32 v5, v13;
	v10 =	vbroadcast v10, $0x0;
	v17 =	vshrl.u32 v24, $0x3;
	[tilespmem:s5+$0x200] =	vst v20  }
0x218: {  	v12 =	vshll.u32 v12, v0;
	v19 =	vshll.u32 v19, v0;
	v20 =	vshrl.u32 v26, $0x3;
	v23 =	vld.idx.msk [tilespmem:v23+s3+$0x0], $0xffff;
	[tilespmem:s5+$0xFFFFFC80] =	vst v18  }
0x219: {  	v12 =	vbroadcast v12, $0x0;
	v10 =	vadd.s32 v3, v10;
	v18 =	vld.idx.msk [tilespmem:v16+s3+$0x0], $0xffff;
	v16 =	vbroadcast v19, $0x0;
	[tilespmem:s5+$0xFFFFFE80] =	vst v11  }
0x21a: {  	v24 =	vshrl.u32 v29, $0x3;
	v11 =	vshrl.u32 v27, $0x3;
	v19 =	vshll.u32 v25, v0;
	[tilespmem:s5+$0x80] =	vst v9;
	s5 =	smov.u32 s15  }
0x21b: {  	v9 =	vshll.u32 v14, v0;
	v14 =	vshll.u32 v17, v0;
	v17 =	vshll.u32 v24, v0  }
0x21c: {  	v20 =	vshll.u32 v20, v0;
	v24 =	vadd.s32 v8, v12;
	v12 =	vbroadcast v17, $0x0;
	v25 =	vld.idx.msk [tilespmem:v13+s3+$0x0], $0xffff  }
0x21d: {  	v27 =	vshll.u32 v11, v0;
	v9 =	vbroadcast v9, $0x0;
	v26 =	vadd.s32 v7, v16  }
0x21e: {  	v11 =	vbroadcast v14, $0x0;
	v13 =	vshll.u32 v31, v0;
	v16 =	vadd.s32 v2, v12;
	[tilespmem:s15+$0x300] =	vst v23  }
.Ltmp7:
0x21f: {  	v22 =	vshrl.u32 v22, $0x3;
	v12 =	vld.idx.msk [tilespmem:v10+s3+$0x0], $0xffff;
	[tilespmem:s15+$0xFFFFFE00] =	vst v18;
	v10 =	vbroadcast v19, $0x0;
	v18 =	vbroadcast v13, $0x0;
	(pc) =	sbr.rel @p1 .LBB2_17-.Ltmp7, $4  }
0x220: {  	v17 =	vadd.s32 v5, v9;
	v11 =	vadd.s32 v6, v11;
	v9 =	vshll.u32 v15, v0  }
0x221: {  	v9 =	vbroadcast v9, $0x0;
	v13 =	vld.idx.msk [tilespmem:v24+s3+$0x0], $0xffff;
	v14 =	vadd.s32 v6, v10;
	v10 =	vadd.s32 v8, v18  }
0x222: {  	v15 =	vshll.u32 v22, v0;
	v19 =	vbroadcast v20, $0x0;
	v20 =	vbroadcast v21, $0x0;
	[tilespmem:s15+$0x100] =	vst v25  }
0x223: {  	v21 =	vbroadcast v27, $0x0;
	v9 =	vadd.s32 v1, v9;
	v18 =	vbroadcast v15, $0x0;
	s15 =	sadd.s32 $0x800, s15;
	v15 =	vld.idx.msk [tilespmem:v26+s3+$0x0], $0xffff  }
0x224: {  	_ =	sdelay $0x3  }
0x225: {  	v5 =	vld.idx.msk [tilespmem:v16+s3+$0x0], $0xffff;
	v4 =	vadd.s32 v4, v20  }
0x226: {  	v6 =	vld.idx.msk [tilespmem:v17+s3+$0x0], $0xffff;
	v2 =	vadd.s32 v2, v19  }
0x227: {  	[tilespmem:s5+$0xFFFFFC00] =	vst v12;
	v7 =	vld.idx.msk [tilespmem:v14+s3+$0x0], $0xffff  }
0x228: {  	v8 =	vld.idx.msk [tilespmem:v11+s3+$0x0], $0xffff;
	v3 =	vadd.s32 v3, v21;
	[tilespmem:s5+$0xFFFFFF80] =	vst v13  }
0x229: {  	v10 =	vld.idx.msk [tilespmem:v10+s3+$0x0], $0xffff;
	v1 =	vadd.s32 v1, v18;
	[tilespmem:s5+$0xFFFFFF00] =	vst v15  }
0x22a: {  	[tilespmem:s5+$0x280] =	vst v5;
	v4 =	vld.idx.msk [tilespmem:v4+s3+$0x0], $0xffff  }
0x22b: {  	[tilespmem:s5+$0xFFFFFD00] =	vst v6;
	v2 =	vld.idx.msk [tilespmem:v2+s3+$0x0], $0xffff  }
0x22c: {  	[tilespmem:s5+$0x180] =	vst v7;
	v5 =	vld.idx.msk [tilespmem:v9+s3+$0x0], $0xffff  }
0x22d: {  	[tilespmem:s5+$0xFFFFFD80] =	vst v8;
	v3 =	vld.idx.msk [tilespmem:v3+s3+$0x0], $0xffff  }
0x22e: {  	[tilespmem:s5+$0x380] =	vst v10;
	v1 =	vld.idx.msk [tilespmem:v1+s3+$0x0], $0xffff  }
0x22f: {  	[tilespmem:s5+$0x200] =	vst v4  }
0x230: {  	s4 =	sshll.u32 s14, $0xB;
	[tilespmem:s5+$0xFFFFFE80] =	vst v2  }
0x231: {  	s4 =	sadd.s32 s6, s4;
	[tilespmem:s5+$0x80] =	vst v5  }
0x232: {  	s4 =	sshrl.u32 s4, $0x3;
	[tilespmem:s5+$0x0] =	vst v3  }
0x233: {  	s15 =	simm.s32 $0x12400;
	s23 =	sadd.s32 s2, s4;
	[tilespmem:s5+$0xFFFFFC80] =	vst v1  }
0x234: {  	[hbm4b:s23+s3] =	stream.linear.scatter [tilespmem:s15], [sflag:$0x2], $0x400, $0x38;
	[tilespmem:$0x16400] =	vst v63  }
0x235: {  	s17 =	simm.s32 $0x12800;
	s15 =	sadd.s32 s4, s7  }
0x236: {  	[hbm4b:s15+s3] =	stream.linear.scatter [tilespmem:s17], [sflag:$0x2], $0x400, $0x38;
	[tilespmem:$0x16400] =	vst v63  }
0x237: {  	s19 =	simm.s32 $0x12C00;
	s18 =	sadd.s32 s4, s8  }
0x238: {  	[hbm4b:s18+s3] =	stream.linear.scatter [tilespmem:s19], [sflag:$0x2], $0x400, $0x38;
	[tilespmem:$0x16400] =	vst v63  }
0x239: {  	s21 =	simm.s32 $0x13000;
	s20 =	sadd.s32 s4, s9  }
0x23a: {  	[hbm4b:s20+s3] =	stream.linear.scatter [tilespmem:s21], [sflag:$0x2], $0x400, $0x38;
	[tilespmem:$0x16400] =	vst v63  }
0x23b: {  	s22 =	sadd.s32 s4, s10;
	s23 =	simm.s32 $0x13400  }
0x23c: {  	[hbm4b:s22+s3] =	stream.linear.scatter [tilespmem:s23], [sflag:$0x2], $0x400, $0x38;
	[tilespmem:$0x16400] =	vst v63  }
0x23d: {  	s15 =	sadd.s32 s4, s11;
	s17 =	simm.s32 $0x13800  }
0x23e: {  	[hbm4b:s15+s3] =	stream.linear.scatter [tilespmem:s17], [sflag:$0x2], $0x400, $0x38;
	[tilespmem:$0x16400] =	vst v63  }
0x23f: {  	s18 =	sadd.s32 s4, s12;
	s19 =	simm.s32 $0x13C00  }
0x240: {  	[hbm4b:s18+s3] =	stream.linear.scatter [tilespmem:s19], [sflag:$0x2], $0x400, $0x38;
	[tilespmem:$0x16400] =	vst v63  }
0x241: {  	s4 =	sadd.s32 s4, s13  }
0x242: {  	[hbm4b:s4+s3] =	stream.linear.scatter [tilespmem:s24], [sflag:$0x2], $0x400, $0x38;
	[tilespmem:$0x16400] =	vst v63  }
0x243: {  	s4 =	simm.s32 @!p0 $0x3  }
0x244: {  	_ =	swait.ge @!p0 [sflag:s4], $0x400  }
0x245: {  	[sflag:s4] =	ssyncset.done @!p0 $0x0  }
0x246: {  	[sflag:s4] =	ssyncadd.s32 @!p0 $0xFFFFFC00  }
0x247: {  	_ =	swait.ge @!p0 [sflag:s4], $0x400  }
0x248: {  	[sflag:s4] =	ssyncset.done @!p0 $0x0  }
0x249: {  	[sflag:s4] =	ssyncadd.s32 @!p0 $0xFFFFFC00  }
0x24a: {  	_ =	swait.ge @!p0 [sflag:s4], $0x400  }
0x24b: {  	[sflag:s4] =	ssyncset.done @!p0 $0x0  }
0x24c: {  	[sflag:s4] =	ssyncadd.s32 @!p0 $0xFFFFFC00  }
0x24d: {  	_ =	swait.ge @!p0 [sflag:s4], $0x400  }
0x24e: {  	[sflag:s4] =	ssyncset.done @!p0 $0x0  }
0x24f: {  	[sflag:s4] =	ssyncadd.s32 @!p0 $0xFFFFFC00  }
0x250: {  	_ =	swait.ge @!p0 [sflag:s4], $0x400  }
0x251: {  	[sflag:s4] =	ssyncset.done @!p0 $0x0  }
0x252: {  	s20 =	sshll.u32 s16, $0x7;
	[sflag:s4] =	ssyncadd.s32 @!p0 $0xFFFFFC00  }
0x253: {  	s21 =	simm.s32 $0x1;
	s5 =	sand.u32 $0x3FFFFF80, s20;
	_ =	swait.ge @!p0 [sflag:s4], $0x400  }
0x254: {  	v9 =	vmov s21;
	s20 =	simm.s32 $0x8;
	s21 =	simm.s32 $0xA;
	[sflag:s4] =	ssyncset.done @!p0 $0x0  }
0x255: {  	s22 =	simm.s32 $0x2;
	s23 =	simm.s32 $0x4;
	v15 =	vmov s20;
	v16 =	vmov s21;
	[sflag:s4] =	ssyncadd.s32 @!p0 $0xFFFFFC00  }
0x256: {  	s20 =	simm.s32 $0x9;
	s21 =	simm.s32 $0x6;
	v9 =	vshrl.u32 v9, $0x3;
	v10 =	vmov s22;
	v12 =	vmov s23;
	_ =	swait.ge @!p0 [sflag:s4], $0x400  }
0x257: {  	s22 =	simm.s32 $0xB;
	v21 =	vmov s20;
	v22 =	vmov s21;
	v16 =	vshrl.u32 v16, $0x3;
	[sflag:s4] =	ssyncset.done @!p0 $0x0  }
0x258: {  	s23 =	simm.s32 $0xD;
	v15 =	vshrl.u32 v15, $0x3;
	v9 =	vshll.u32 v9, v0;
	v17 =	vmov s22;
	[sflag:s4] =	ssyncadd.s32 @!p0 $0xFFFFFC00  }
0x259: {  	v18 =	vmov s23;
	v10 =	vshrl.u32 v10, $0x3;
	v12 =	vshrl.u32 v12, $0x3;
	_ =	swait.ge @!p0 [sflag:s4], $0x400  }
0x25a: {  	s17 =	simm.s32 $0x3;
	v16 =	vshll.u32 v16, v0;
	v21 =	vshrl.u32 v21, $0x3;
	v22 =	vshrl.u32 v22, $0x3;
	[sflag:s4] =	ssyncset.done @!p0 $0x0  }
0x25b: {  	s22 =	simm.s32 $0xC;
	s23 =	simm.s32 $0x0;
	v26 =	vshll.u32 v15, v0;
	v11 =	vmov s17;
	v12 =	vshll.u32 v12, v0;
	[sflag:s4] =	ssyncadd.s32 @!p0 $0xFFFFFC00  }
0x25c: {  	v23 =	vmov s22;
	v24 =	vmov s23;
	v16 =	vbroadcast v16, $0x0;
	v1 =	vld [tilespmem:s5+$0x12000]  }
0x25d: {  	v17 =	vshrl.u32 v17, $0x3;
	v22 =	vshll.u32 v22, v0;
	v18 =	vshrl.u32 v18, $0x3;
	s19 =	simm.s32 $0x7  }
0x25e: {  	v10 =	vshll.u32 v10, v0;
	v12 =	vbroadcast v12, $0x0;
	v14 =	vmov s19;
	s19 =	simm.s32 $0xE  }
0x25f: {  	v23 =	vshrl.u32 v23, $0x3;
	v24 =	vshrl.u32 v24, $0x3;
	v19 =	vmov s19  }
0x260: {  	v11 =	vshrl.u32 v11, $0x3;
	v22 =	vbroadcast v22, $0x0;
	v19 =	vshrl.u32 v19, $0x3  }
0x261: {  	v17 =	vshll.u32 v17, v0;
	v19 =	vshll.u32 v19, v0;
	v3 =	vmul.u32 $0x48, v1  }
0x262: {  	s18 =	simm.s32 $0x5;
	v18 =	vshll.u32 v18, v0;
	v10 =	vbroadcast v10, $0x0;
	v19 =	vbroadcast v19, $0x0  }
0x263: {  	v13 =	vmov s18;
	v23 =	vshll.u32 v23, v0;
	v7 =	vor.u32 $0x6, v3  }
0x264: {  	v24 =	vshll.u32 v24, v0;
	v4 =	vor.u32 $0x4, v3;
	v19 =	vadd.s32 v7, v19  }
0x265: {  	s18 =	simm.s32 $0xF;
	v11 =	vshll.u32 v11, v0;
	v5 =	vor.u32 $0x2, v3;
	v12 =	vadd.s32 v4, v12  }
0x266: {  	v20 =	vmov s18;
	v14 =	vshrl.u32 v14, $0x3;
	v16 =	vadd.s32 v5, v16  }
0x267: {  	v24 =	vbroadcast v24, $0x0;
	v13 =	vshrl.u32 v13, $0x3;
	v14 =	vshll.u32 v14, v0  }
0x268: {  	v11 =	vbroadcast v11, $0x0;
	v20 =	vshrl.u32 v20, $0x3;
	v14 =	vbroadcast v14, $0x0  }
0x269: {  	v25 =	vshll.u32 v13, v0;
	v8 =	vor.u32 $0x7, v3;
	v24 =	vadd.s32 v3, v24;
	v19 =	vld.idx.msk [tilespmem:v19+s3+$0x0], $0xffff  }
0x26a: {  	v1 =	vor.u32 $0x1, v3;
	v13 =	vadd.s32 v8, v14;
	v14 =	vbroadcast v18, $0x0;
	v18 =	vld.idx.msk [tilespmem:v12+s3+$0x0], $0xffff  }
0x26b: {  	v6 =	vor.u32 $0x3, v3;
	v2 =	vor.u32 $0x5, v3;
	v22 =	vadd.s32 v7, v22;
	v15 =	vld.idx.msk [tilespmem:v16+s3+$0x0], $0xffff  }
0x26c: {  	v16 =	vadd.s32 v2, v14;
	v12 =	vshll.u32 v20, v0;
	v14 =	vbroadcast v17, $0x0  }
0x26d: {  	s15 =	simm.s32 $0x14800;
	v17 =	vadd.s32 v5, v10;
	v10 =	vshll.u32 v21, v0;
	v20 =	vbroadcast v12, $0x0  }
0x26e: {  	v11 =	vadd.s32 v6, v11;
	v12 =	vld.idx.msk [tilespmem:v24+s3+$0x0], $0xffff;
	v63 =	vbroadcast v10, $0x0;
	v14 =	vadd.s32 v6, v14;
	[tilespmem:s15+$0x300] =	vst v19  }
0x26f: {  	v13 =	vld.idx.msk [tilespmem:v13+s3+$0x0], $0xffff;
	v10 =	vadd.s32 v8, v20;
	v20 =	vbroadcast v23, $0x0;
	[tilespmem:s15+$0xFFFFFE00] =	vst v18;
	v19 =	vbroadcast v25, $0x0  }
0x270: {  	s17 =	simm.s32 $0x15000;
	s4 =	simm.s32 $0x10;
	v21 =	vbroadcast v26, $0x0;
	[tilespmem:s15+$0x100] =	vst v15;
	v18 =	vbroadcast v9, $0x0;
	v15 =	vld.idx.msk [tilespmem:v22+s3+$0x0], $0xffff;
	v9 =	vadd.s32 v1, v63  }
.LBB2_19:
0x271: {  	s18 =	sadd.s32 $0x1, s4;
	s19 =	sadd.s32 $0x2, s4;
	s20 =	sadd.s32 $0x3, s4;
	v19 =	vadd.s32 v2, v19;
	v20 =	vadd.s32 v4, v20;
	v16 =	vld.idx.msk [tilespmem:v16+s3+$0x0], $0xffff  }
0x272: {  	s21 =	sadd.s32 $0x9, s4;
	v22 =	vmov s18;
	v23 =	vmov s19;
	s18 =	sadd.s32 $0x4, s4;
	s19 =	sadd.s32 $0x5, s4;
	v17 =	vld.idx.msk [tilespmem:v17+s3+$0x0], $0xffff;
	v21 =	vadd.s32 v3, v21  }
0x273: {  	v24 =	vmov s20;
	s20 =	sadd.s32 $0xF, s4;
	v25 =	vmov s18;
	v26 =	vmov s19;
	s18 =	sadd.s32 $0x7, s4;
	s19 =	sadd.s32 $0x8, s4;
	[tilespmem:s15+$0xFFFFFC00] =	vst v12  }
0x274: {  	s22 =	sadd.s32 $0x6, s4;
	v18 =	vadd.s32 v1, v18;
	v12 =	vmov s18;
	v27 =	vmov s19;
	s18 =	sadd.s32 $0xA, s4;
	s19 =	sadd.s32 $0xB, s4;
	[tilespmem:s15+$0xFFFFFF80] =	vst v13;
	v13 =	vld.idx.msk [tilespmem:v14+s3+$0x0], $0xffff  }
0x275: {  	s23 =	sadd.s32 $0xE, s4;
	v14 =	vshrl.u32 v23, $0x3;
	v23 =	vmov s18;
	v28 =	vmov s19;
	s18 =	sadd.s32 $0xC, s4;
	s19 =	sadd.s32 $0xD, s4;
	v11 =	vld.idx.msk [tilespmem:v11+s3+$0x0], $0xffff  }
0x276: {  	p0 =	slt.u32 s4, $0x30;
	v30 =	vmov s23;
	v31 =	vmov s20;
	v29 =	vmov s19;
	[tilespmem:s15+$0xFFFFFF00] =	vst v15;
	s19 =	smov.u32 s4;
	s4 =	sadd.s32 $0x10, s4  }
0x277: {  	v30 =	vshrl.u32 v30, $0x3;
	v12 =	vshrl.u32 v12, $0x3;
	v15 =	vmov s21;
	[tilespmem:s15+$0x280] =	vst v16;
	v10 =	vld.idx.msk [tilespmem:v10+s3+$0x0], $0xffff  }
0x278: {  	v30 =	vshll.u32 v30, v0;
	v16 =	vshrl.u32 v25, $0x3;
	v25 =	vmov s22;
	[tilespmem:s15+$0xFFFFFD00] =	vst v17;
	v17 =	vld.idx.msk [tilespmem:v21+s3+$0x0], $0xffff  }
0x279: {  	v30 =	vbroadcast v30, $0x0;
	v16 =	vshll.u32 v16, v0;
	v21 =	vmov s18;
	v20 =	vld.idx.msk [tilespmem:v20+s3+$0x0], $0xffff  }
0x27a: {  	v31 =	vshrl.u32 v31, $0x3;
	v23 =	vshrl.u32 v23, $0x3;
	v16 =	vbroadcast v16, $0x0;
	v18 =	vld.idx.msk [tilespmem:v18+s3+$0x0], $0xffff;
	[tilespmem:s15+$0x180] =	vst v13  }
0x27b: {  	v21 =	vshrl.u32 v21, $0x3;
	v13 =	vshll.u32 v23, v0;
	v23 =	vadd.s32 v7, v30;
	[tilespmem:s15+$0xFFFFFD80] =	vst v11;
	v11 =	vld.idx.msk [tilespmem:v19+s3+$0x0], $0xffff  }
0x27c: {  	v21 =	vshll.u32 v21, v0;
	v19 =	vmov s19;
	v16 =	vadd.s32 v4, v16;
	v9 =	vld.idx.msk [tilespmem:v9+s3+$0x0], $0xffff  }
0x27d: {  	v15 =	vshrl.u32 v15, $0x3;
	v13 =	vbroadcast v13, $0x0;
	v19 =	vshrl.u32 v19, $0x3;
	[tilespmem:s15+$0x380] =	vst v10  }
0x27e: {  	v10 =	vshll.u32 v19, v0;
	v19 =	vshrl.u32 v25, $0x3;
	v25 =	vshrl.u32 v28, $0x3;
	[tilespmem:s15+$0x0] =	vst v17  }
0x27f: {  	v13 =	vadd.s32 v5, v13;
	v10 =	vbroadcast v10, $0x0;
	v17 =	vshrl.u32 v24, $0x3;
	[tilespmem:s15+$0x200] =	vst v20  }
0x280: {  	v12 =	vshll.u32 v12, v0;
	v19 =	vshll.u32 v19, v0;
	v20 =	vshrl.u32 v26, $0x3;
	v23 =	vld.idx.msk [tilespmem:v23+s3+$0x0], $0xffff;
	[tilespmem:s15+$0xFFFFFC80] =	vst v18  }
0x281: {  	v12 =	vbroadcast v12, $0x0;
	v10 =	vadd.s32 v3, v10;
	v18 =	vld.idx.msk [tilespmem:v16+s3+$0x0], $0xffff;
	v16 =	vbroadcast v19, $0x0;
	[tilespmem:s15+$0xFFFFFE80] =	vst v11  }
0x282: {  	v24 =	vshrl.u32 v29, $0x3;
	v11 =	vshrl.u32 v27, $0x3;
	v19 =	vshll.u32 v25, v0;
	[tilespmem:s15+$0x80] =	vst v9;
	s15 =	smov.u32 s17  }
0x283: {  	v9 =	vshll.u32 v14, v0;
	v14 =	vshll.u32 v17, v0;
	v17 =	vshll.u32 v24, v0  }
0x284: {  	v20 =	vshll.u32 v20, v0;
	v24 =	vadd.s32 v8, v12;
	v12 =	vbroadcast v17, $0x0;
	v25 =	vld.idx.msk [tilespmem:v13+s3+$0x0], $0xffff  }
0x285: {  	v27 =	vshll.u32 v11, v0;
	v9 =	vbroadcast v9, $0x0;
	v26 =	vadd.s32 v7, v16  }
0x286: {  	v11 =	vbroadcast v14, $0x0;
	v13 =	vshll.u32 v31, v0;
	v16 =	vadd.s32 v2, v12;
	[tilespmem:s17+$0x300] =	vst v23  }
.Ltmp8:
0x287: {  	v22 =	vshrl.u32 v22, $0x3;
	v12 =	vld.idx.msk [tilespmem:v10+s3+$0x0], $0xffff;
	[tilespmem:s17+$0xFFFFFE00] =	vst v18;
	v10 =	vbroadcast v19, $0x0;
	v18 =	vbroadcast v13, $0x0;
	(pc) =	sbr.rel @p0 .LBB2_19-.Ltmp8, $4  }
0x288: {  	v17 =	vadd.s32 v5, v9;
	v11 =	vadd.s32 v6, v11;
	v9 =	vshll.u32 v15, v0  }
0x289: {  	v9 =	vbroadcast v9, $0x0;
	v13 =	vld.idx.msk [tilespmem:v24+s3+$0x0], $0xffff;
	v14 =	vadd.s32 v6, v10;
	v10 =	vadd.s32 v8, v18  }
0x28a: {  	v15 =	vshll.u32 v22, v0;
	v19 =	vbroadcast v20, $0x0;
	v20 =	vbroadcast v21, $0x0;
	[tilespmem:s17+$0x100] =	vst v25  }
0x28b: {  	v21 =	vbroadcast v27, $0x0;
	v9 =	vadd.s32 v1, v9;
	v18 =	vbroadcast v15, $0x0;
	s17 =	sadd.s32 $0x800, s17;
	v15 =	vld.idx.msk [tilespmem:v26+s3+$0x0], $0xffff  }
0x28c: {  	_ =	sdelay $0x3  }
0x28d: {  	v5 =	vld.idx.msk [tilespmem:v16+s3+$0x0], $0xffff;
	v4 =	vadd.s32 v4, v20  }
0x28e: {  	v6 =	vld.idx.msk [tilespmem:v17+s3+$0x0], $0xffff;
	v2 =	vadd.s32 v2, v19  }
0x28f: {  	[tilespmem:s15+$0xFFFFFC00] =	vst v12;
	v7 =	vld.idx.msk [tilespmem:v14+s3+$0x0], $0xffff  }
0x290: {  	v8 =	vld.idx.msk [tilespmem:v11+s3+$0x0], $0xffff;
	v3 =	vadd.s32 v3, v21;
	[tilespmem:s15+$0xFFFFFF80] =	vst v13  }
0x291: {  	v10 =	vld.idx.msk [tilespmem:v10+s3+$0x0], $0xffff;
	v1 =	vadd.s32 v1, v18;
	[tilespmem:s15+$0xFFFFFF00] =	vst v15  }
0x292: {  	[tilespmem:s15+$0x280] =	vst v5;
	v4 =	vld.idx.msk [tilespmem:v4+s3+$0x0], $0xffff  }
0x293: {  	s17 =	simm.s32 $0x3;
	s23 =	simm.s32 $0x4;
	[tilespmem:s15+$0xFFFFFD00] =	vst v6;
	v2 =	vld.idx.msk [tilespmem:v2+s3+$0x0], $0xffff  }
0x294: {  	s19 =	simm.s32 $0x7;
	s21 =	simm.s32 $0xA;
	v11 =	vmov s17;
	v12 =	vmov s23;
	[tilespmem:s15+$0x180] =	vst v7;
	v5 =	vld.idx.msk [tilespmem:v9+s3+$0x0], $0xffff  }
0x295: {  	s18 =	simm.s32 $0x5;
	v14 =	vmov s19;
	v16 =	vmov s21;
	s19 =	simm.s32 $0xD;
	[tilespmem:s15+$0xFFFFFD80] =	vst v8;
	v3 =	vld.idx.msk [tilespmem:v3+s3+$0x0], $0xffff  }
0x296: {  	s23 =	simm.s32 $0xF;
	v13 =	vmov s18;
	v18 =	vmov s19;
	[tilespmem:s15+$0x380] =	vst v10;
	v1 =	vld.idx.msk [tilespmem:v1+s3+$0x0], $0xffff  }
0x297: {  	s21 =	simm.s32 $0x6;
	v20 =	vmov s23;
	v14 =	vshrl.u32 v14, $0x3;
	v12 =	vshrl.u32 v12, $0x3;
	[tilespmem:s15+$0x200] =	vst v4  }
0x298: {  	s18 =	simm.s32 $0x9;
	v22 =	vmov s21;
	v16 =	vshrl.u32 v16, $0x3;
	v11 =	vshrl.u32 v11, $0x3;
	[tilespmem:s15+$0xFFFFFE80] =	vst v2  }
0x299: {  	s23 =	simm.s32 $0x0;
	v21 =	vmov s18;
	v12 =	vshll.u32 v12, v0;
	v20 =	vshrl.u32 v20, $0x3;
	[tilespmem:s15+$0x80] =	vst v5  }
0x29a: {  	v16 =	vshll.u32 v16, v0;
	v24 =	vmov s23;
	v22 =	vshrl.u32 v22, $0x3;
	[tilespmem:s15+$0x0] =	vst v3  }
0x29b: {  	s20 =	simm.s32 $0x8;
	v13 =	vshrl.u32 v13, $0x3;
	v14 =	vshll.u32 v14, v0;
	v18 =	vshrl.u32 v18, $0x3;
	[tilespmem:s15+$0xFFFFFC80] =	vst v1  }
0x29c: {  	v11 =	vshll.u32 v11, v0;
	v15 =	vmov s20;
	v12 =	vbroadcast v12, $0x0;
	v1 =	vld [tilespmem:s5+$0x12010]  }
0x29d: {  	v24 =	vshrl.u32 v24, $0x3;
	v21 =	vshrl.u32 v21, $0x3;
	v16 =	vbroadcast v16, $0x0  }
0x29e: {  	s20 =	simm.s32 $0xE;
	v22 =	vshll.u32 v22, v0;
	v14 =	vbroadcast v14, $0x0;
	v18 =	vshll.u32 v18, v0  }
0x29f: {  	s4 =	simm.s32 $0x1;
	s22 =	simm.s32 $0x2;
	v25 =	vshll.u32 v13, v0;
	v11 =	vbroadcast v11, $0x0;
	v19 =	vmov s20  }
0x2a0: {  	v9 =	vmov s4;
	v10 =	vmov s22;
	v19 =	vshrl.u32 v19, $0x3  }
0x2a1: {  	v24 =	vshll.u32 v24, v0;
	v19 =	vshll.u32 v19, v0;
	v3 =	vmul.u32 $0x48, v1  }
0x2a2: {  	s22 =	simm.s32 $0xB;
	v22 =	vbroadcast v22, $0x0;
	v15 =	vshrl.u32 v15, $0x3;
	v19 =	vbroadcast v19, $0x0  }
0x2a3: {  	v10 =	vshrl.u32 v10, $0x3;
	v17 =	vmov s22;
	v7 =	vor.u32 $0x6, v3  }
0x2a4: {  	v24 =	vbroadcast v24, $0x0;
	v4 =	vor.u32 $0x4, v3;
	v19 =	vadd.s32 v7, v19  }
0x2a5: {  	s22 =	simm.s32 $0xC;
	v26 =	vshll.u32 v15, v0;
	v5 =	vor.u32 $0x2, v3;
	v12 =	vadd.s32 v4, v12  }
0x2a6: {  	v9 =	vshrl.u32 v9, $0x3;
	v23 =	vmov s22;
	v16 =	vadd.s32 v5, v16  }
0x2a7: {  	v17 =	vshrl.u32 v17, $0x3;
	v10 =	vshll.u32 v10, v0;
	v9 =	vshll.u32 v9, v0  }
0x2a8: {  	v23 =	vshrl.u32 v23, $0x3;
	v17 =	vshll.u32 v17, v0;
	v10 =	vbroadcast v10, $0x0  }
0x2a9: {  	v23 =	vshll.u32 v23, v0;
	v8 =	vor.u32 $0x7, v3;
	v24 =	vadd.s32 v3, v24;
	v19 =	vld.idx.msk [tilespmem:v19+s3+$0x0], $0xffff  }
0x2aa: {  	v1 =	vor.u32 $0x1, v3;
	v13 =	vadd.s32 v8, v14;
	v14 =	vbroadcast v18, $0x0;
	v18 =	vld.idx.msk [tilespmem:v12+s3+$0x0], $0xffff  }
0x2ab: {  	v6 =	vor.u32 $0x3, v3;
	v2 =	vor.u32 $0x5, v3;
	v22 =	vadd.s32 v7, v22;
	v15 =	vld.idx.msk [tilespmem:v16+s3+$0x0], $0xffff  }
0x2ac: {  	v16 =	vadd.s32 v2, v14;
	v12 =	vshll.u32 v20, v0;
	v14 =	vbroadcast v17, $0x0  }
0x2ad: {  	s15 =	simm.s32 $0x14810;
	v17 =	vadd.s32 v5, v10;
	v10 =	vshll.u32 v21, v0;
	v20 =	vbroadcast v12, $0x0  }
0x2ae: {  	v11 =	vadd.s32 v6, v11;
	v12 =	vld.idx.msk [tilespmem:v24+s3+$0x0], $0xffff;
	v63 =	vbroadcast v10, $0x0;
	v14 =	vadd.s32 v6, v14;
	[tilespmem:s15+$0x300] =	vst v19  }
0x2af: {  	v13 =	vld.idx.msk [tilespmem:v13+s3+$0x0], $0xffff;
	v10 =	vadd.s32 v8, v20;
	v20 =	vbroadcast v23, $0x0;
	[tilespmem:s15+$0xFFFFFE00] =	vst v18;
	v19 =	vbroadcast v25, $0x0  }
0x2b0: {  	s17 =	simm.s32 $0x15010;
	s4 =	simm.s32 $0x10;
	v21 =	vbroadcast v26, $0x0;
	[tilespmem:s15+$0x100] =	vst v15;
	v18 =	vbroadcast v9, $0x0;
	v15 =	vld.idx.msk [tilespmem:v22+s3+$0x0], $0xffff;
	v9 =	vadd.s32 v1, v63  }
.LBB2_21:
0x2b1: {  	s18 =	sadd.s32 $0x1, s4;
	s19 =	sadd.s32 $0x2, s4;
	s20 =	sadd.s32 $0x3, s4;
	v19 =	vadd.s32 v2, v19;
	v20 =	vadd.s32 v4, v20;
	v16 =	vld.idx.msk [tilespmem:v16+s3+$0x0], $0xffff  }
0x2b2: {  	s21 =	sadd.s32 $0x9, s4;
	v22 =	vmov s18;
	v23 =	vmov s19;
	s18 =	sadd.s32 $0x4, s4;
	s19 =	sadd.s32 $0x5, s4;
	v17 =	vld.idx.msk [tilespmem:v17+s3+$0x0], $0xffff;
	v21 =	vadd.s32 v3, v21  }
0x2b3: {  	v24 =	vmov s20;
	s20 =	sadd.s32 $0xF, s4;
	v25 =	vmov s18;
	v26 =	vmov s19;
	s18 =	sadd.s32 $0x7, s4;
	s19 =	sadd.s32 $0x8, s4;
	[tilespmem:s15+$0xFFFFFC00] =	vst v12  }
0x2b4: {  	s22 =	sadd.s32 $0x6, s4;
	v18 =	vadd.s32 v1, v18;
	v12 =	vmov s18;
	v27 =	vmov s19;
	s18 =	sadd.s32 $0xA, s4;
	s19 =	sadd.s32 $0xB, s4;
	[tilespmem:s15+$0xFFFFFF80] =	vst v13;
	v13 =	vld.idx.msk [tilespmem:v14+s3+$0x0], $0xffff  }
0x2b5: {  	s23 =	sadd.s32 $0xE, s4;
	v14 =	vshrl.u32 v23, $0x3;
	v23 =	vmov s18;
	v28 =	vmov s19;
	s18 =	sadd.s32 $0xC, s4;
	s19 =	sadd.s32 $0xD, s4;
	v11 =	vld.idx.msk [tilespmem:v11+s3+$0x0], $0xffff  }
0x2b6: {  	p0 =	slt.u32 s4, $0x30;
	v30 =	vmov s23;
	v31 =	vmov s20;
	v29 =	vmov s19;
	[tilespmem:s15+$0xFFFFFF00] =	vst v15;
	s19 =	smov.u32 s4;
	s4 =	sadd.s32 $0x10, s4  }
0x2b7: {  	v30 =	vshrl.u32 v30, $0x3;
	v12 =	vshrl.u32 v12, $0x3;
	v15 =	vmov s21;
	[tilespmem:s15+$0x280] =	vst v16;
	v10 =	vld.idx.msk [tilespmem:v10+s3+$0x0], $0xffff  }
0x2b8: {  	v30 =	vshll.u32 v30, v0;
	v16 =	vshrl.u32 v25, $0x3;
	v25 =	vmov s22;
	[tilespmem:s15+$0xFFFFFD00] =	vst v17;
	v17 =	vld.idx.msk [tilespmem:v21+s3+$0x0], $0xffff  }
0x2b9: {  	v30 =	vbroadcast v30, $0x0;
	v16 =	vshll.u32 v16, v0;
	v21 =	vmov s18;
	v20 =	vld.idx.msk [tilespmem:v20+s3+$0x0], $0xffff  }
0x2ba: {  	v31 =	vshrl.u32 v31, $0x3;
	v23 =	vshrl.u32 v23, $0x3;
	v16 =	vbroadcast v16, $0x0;
	v18 =	vld.idx.msk [tilespmem:v18+s3+$0x0], $0xffff;
	[tilespmem:s15+$0x180] =	vst v13  }
0x2bb: {  	v21 =	vshrl.u32 v21, $0x3;
	v13 =	vshll.u32 v23, v0;
	v23 =	vadd.s32 v7, v30;
	[tilespmem:s15+$0xFFFFFD80] =	vst v11;
	v11 =	vld.idx.msk [tilespmem:v19+s3+$0x0], $0xffff  }
0x2bc: {  	v21 =	vshll.u32 v21, v0;
	v19 =	vmov s19;
	v16 =	vadd.s32 v4, v16;
	v9 =	vld.idx.msk [tilespmem:v9+s3+$0x0], $0xffff  }
0x2bd: {  	v15 =	vshrl.u32 v15, $0x3;
	v13 =	vbroadcast v13, $0x0;
	v19 =	vshrl.u32 v19, $0x3;
	[tilespmem:s15+$0x380] =	vst v10  }
0x2be: {  	v10 =	vshll.u32 v19, v0;
	v19 =	vshrl.u32 v25, $0x3;
	v25 =	vshrl.u32 v28, $0x3;
	[tilespmem:s15+$0x0] =	vst v17  }
0x2bf: {  	v13 =	vadd.s32 v5, v13;
	v10 =	vbroadcast v10, $0x0;
	v17 =	vshrl.u32 v24, $0x3;
	[tilespmem:s15+$0x200] =	vst v20  }
0x2c0: {  	v12 =	vshll.u32 v12, v0;
	v19 =	vshll.u32 v19, v0;
	v20 =	vshrl.u32 v26, $0x3;
	v23 =	vld.idx.msk [tilespmem:v23+s3+$0x0], $0xffff;
	[tilespmem:s15+$0xFFFFFC80] =	vst v18  }
0x2c1: {  	v12 =	vbroadcast v12, $0x0;
	v10 =	vadd.s32 v3, v10;
	v18 =	vld.idx.msk [tilespmem:v16+s3+$0x0], $0xffff;
	v16 =	vbroadcast v19, $0x0;
	[tilespmem:s15+$0xFFFFFE80] =	vst v11  }
0x2c2: {  	v24 =	vshrl.u32 v29, $0x3;
	v11 =	vshrl.u32 v27, $0x3;
	v19 =	vshll.u32 v25, v0;
	[tilespmem:s15+$0x80] =	vst v9;
	s15 =	smov.u32 s17  }
0x2c3: {  	v9 =	vshll.u32 v14, v0;
	v14 =	vshll.u32 v17, v0;
	v17 =	vshll.u32 v24, v0  }
0x2c4: {  	v20 =	vshll.u32 v20, v0;
	v24 =	vadd.s32 v8, v12;
	v12 =	vbroadcast v17, $0x0;
	v25 =	vld.idx.msk [tilespmem:v13+s3+$0x0], $0xffff  }
0x2c5: {  	v27 =	vshll.u32 v11, v0;
	v9 =	vbroadcast v9, $0x0;
	v26 =	vadd.s32 v7, v16  }
0x2c6: {  	v11 =	vbroadcast v14, $0x0;
	v13 =	vshll.u32 v31, v0;
	v16 =	vadd.s32 v2, v12;
	[tilespmem:s17+$0x300] =	vst v23  }
.Ltmp9:
0x2c7: {  	v22 =	vshrl.u32 v22, $0x3;
	v12 =	vld.idx.msk [tilespmem:v10+s3+$0x0], $0xffff;
	[tilespmem:s17+$0xFFFFFE00] =	vst v18;
	v10 =	vbroadcast v19, $0x0;
	v18 =	vbroadcast v13, $0x0;
	(pc) =	sbr.rel @p0 .LBB2_21-.Ltmp9, $4  }
0x2c8: {  	v17 =	vadd.s32 v5, v9;
	v11 =	vadd.s32 v6, v11;
	v9 =	vshll.u32 v15, v0  }
0x2c9: {  	v9 =	vbroadcast v9, $0x0;
	v13 =	vld.idx.msk [tilespmem:v24+s3+$0x0], $0xffff;
	v14 =	vadd.s32 v6, v10;
	v10 =	vadd.s32 v8, v18  }
0x2ca: {  	v15 =	vshll.u32 v22, v0;
	v19 =	vbroadcast v20, $0x0;
	v20 =	vbroadcast v21, $0x0;
	[tilespmem:s17+$0x100] =	vst v25  }
0x2cb: {  	v21 =	vbroadcast v27, $0x0;
	v9 =	vadd.s32 v1, v9;
	v18 =	vbroadcast v15, $0x0;
	s17 =	sadd.s32 $0x800, s17;
	v15 =	vld.idx.msk [tilespmem:v26+s3+$0x0], $0xffff  }
0x2cc: {  	_ =	sdelay $0x3  }
0x2cd: {  	v5 =	vld.idx.msk [tilespmem:v16+s3+$0x0], $0xffff;
	v4 =	vadd.s32 v4, v20  }
0x2ce: {  	v6 =	vld.idx.msk [tilespmem:v17+s3+$0x0], $0xffff;
	v2 =	vadd.s32 v2, v19  }
0x2cf: {  	[tilespmem:s15+$0xFFFFFC00] =	vst v12;
	v7 =	vld.idx.msk [tilespmem:v14+s3+$0x0], $0xffff  }
0x2d0: {  	v8 =	vld.idx.msk [tilespmem:v11+s3+$0x0], $0xffff;
	v3 =	vadd.s32 v3, v21;
	[tilespmem:s15+$0xFFFFFF80] =	vst v13  }
0x2d1: {  	v10 =	vld.idx.msk [tilespmem:v10+s3+$0x0], $0xffff;
	v1 =	vadd.s32 v1, v18;
	[tilespmem:s15+$0xFFFFFF00] =	vst v15  }
0x2d2: {  	[tilespmem:s15+$0x280] =	vst v5;
	v4 =	vld.idx.msk [tilespmem:v4+s3+$0x0], $0xffff  }
0x2d3: {  	s17 =	simm.s32 $0x3;
	s23 =	simm.s32 $0x4;
	[tilespmem:s15+$0xFFFFFD00] =	vst v6;
	v2 =	vld.idx.msk [tilespmem:v2+s3+$0x0], $0xffff  }
0x2d4: {  	s19 =	simm.s32 $0x7;
	s21 =	simm.s32 $0xA;
	v11 =	vmov s17;
	v12 =	vmov s23;
	[tilespmem:s15+$0x180] =	vst v7;
	v5 =	vld.idx.msk [tilespmem:v9+s3+$0x0], $0xffff  }
0x2d5: {  	s18 =	simm.s32 $0x5;
	v14 =	vmov s19;
	v16 =	vmov s21;
	s19 =	simm.s32 $0xD;
	[tilespmem:s15+$0xFFFFFD80] =	vst v8;
	v3 =	vld.idx.msk [tilespmem:v3+s3+$0x0], $0xffff  }
0x2d6: {  	s23 =	simm.s32 $0xF;
	v13 =	vmov s18;
	v18 =	vmov s19;
	[tilespmem:s15+$0x380] =	vst v10;
	v1 =	vld.idx.msk [tilespmem:v1+s3+$0x0], $0xffff  }
0x2d7: {  	s21 =	simm.s32 $0x6;
	v20 =	vmov s23;
	v14 =	vshrl.u32 v14, $0x3;
	v12 =	vshrl.u32 v12, $0x3;
	[tilespmem:s15+$0x200] =	vst v4  }
0x2d8: {  	s18 =	simm.s32 $0x9;
	v22 =	vmov s21;
	v16 =	vshrl.u32 v16, $0x3;
	v11 =	vshrl.u32 v11, $0x3;
	[tilespmem:s15+$0xFFFFFE80] =	vst v2  }
0x2d9: {  	s23 =	simm.s32 $0x0;
	v21 =	vmov s18;
	v12 =	vshll.u32 v12, v0;
	v20 =	vshrl.u32 v20, $0x3;
	[tilespmem:s15+$0x80] =	vst v5  }
0x2da: {  	v16 =	vshll.u32 v16, v0;
	v24 =	vmov s23;
	v22 =	vshrl.u32 v22, $0x3;
	[tilespmem:s15+$0x0] =	vst v3  }
0x2db: {  	s20 =	simm.s32 $0x8;
	v13 =	vshrl.u32 v13, $0x3;
	v14 =	vshll.u32 v14, v0;
	v18 =	vshrl.u32 v18, $0x3;
	[tilespmem:s15+$0xFFFFFC80] =	vst v1  }
0x2dc: {  	v11 =	vshll.u32 v11, v0;
	v15 =	vmov s20;
	v12 =	vbroadcast v12, $0x0;
	v1 =	vld [tilespmem:s5+$0x12020]  }
0x2dd: {  	v24 =	vshrl.u32 v24, $0x3;
	v21 =	vshrl.u32 v21, $0x3;
	v16 =	vbroadcast v16, $0x0  }
0x2de: {  	s20 =	simm.s32 $0xE;
	v22 =	vshll.u32 v22, v0;
	v14 =	vbroadcast v14, $0x0;
	v18 =	vshll.u32 v18, v0  }
0x2df: {  	s4 =	simm.s32 $0x1;
	s22 =	simm.s32 $0x2;
	v25 =	vshll.u32 v13, v0;
	v11 =	vbroadcast v11, $0x0;
	v19 =	vmov s20  }
0x2e0: {  	v9 =	vmov s4;
	v10 =	vmov s22;
	v19 =	vshrl.u32 v19, $0x3  }
0x2e1: {  	v24 =	vshll.u32 v24, v0;
	v19 =	vshll.u32 v19, v0;
	v3 =	vmul.u32 $0x48, v1  }
0x2e2: {  	s22 =	simm.s32 $0xB;
	v22 =	vbroadcast v22, $0x0;
	v15 =	vshrl.u32 v15, $0x3;
	v19 =	vbroadcast v19, $0x0  }
0x2e3: {  	v10 =	vshrl.u32 v10, $0x3;
	v17 =	vmov s22;
	v7 =	vor.u32 $0x6, v3  }
0x2e4: {  	v24 =	vbroadcast v24, $0x0;
	v4 =	vor.u32 $0x4, v3;
	v19 =	vadd.s32 v7, v19  }
0x2e5: {  	s22 =	simm.s32 $0xC;
	v26 =	vshll.u32 v15, v0;
	v5 =	vor.u32 $0x2, v3;
	v12 =	vadd.s32 v4, v12  }
0x2e6: {  	v9 =	vshrl.u32 v9, $0x3;
	v23 =	vmov s22;
	v16 =	vadd.s32 v5, v16  }
0x2e7: {  	v17 =	vshrl.u32 v17, $0x3;
	v10 =	vshll.u32 v10, v0;
	v9 =	vshll.u32 v9, v0  }
0x2e8: {  	v23 =	vshrl.u32 v23, $0x3;
	v17 =	vshll.u32 v17, v0;
	v10 =	vbroadcast v10, $0x0  }
0x2e9: {  	v23 =	vshll.u32 v23, v0;
	v8 =	vor.u32 $0x7, v3;
	v24 =	vadd.s32 v3, v24;
	v19 =	vld.idx.msk [tilespmem:v19+s3+$0x0], $0xffff  }
0x2ea: {  	v1 =	vor.u32 $0x1, v3;
	v13 =	vadd.s32 v8, v14;
	v14 =	vbroadcast v18, $0x0;
	v18 =	vld.idx.msk [tilespmem:v12+s3+$0x0], $0xffff  }
0x2eb: {  	v6 =	vor.u32 $0x3, v3;
	v2 =	vor.u32 $0x5, v3;
	v22 =	vadd.s32 v7, v22;
	v15 =	vld.idx.msk [tilespmem:v16+s3+$0x0], $0xffff  }
0x2ec: {  	v16 =	vadd.s32 v2, v14;
	v12 =	vshll.u32 v20, v0;
	v14 =	vbroadcast v17, $0x0  }
0x2ed: {  	s15 =	simm.s32 $0x14820;
	v17 =	vadd.s32 v5, v10;
	v10 =	vshll.u32 v21, v0;
	v20 =	vbroadcast v12, $0x0  }
0x2ee: {  	v11 =	vadd.s32 v6, v11;
	v12 =	vld.idx.msk [tilespmem:v24+s3+$0x0], $0xffff;
	v63 =	vbroadcast v10, $0x0;
	v14 =	vadd.s32 v6, v14;
	[tilespmem:s15+$0x300] =	vst v19  }
0x2ef: {  	v13 =	vld.idx.msk [tilespmem:v13+s3+$0x0], $0xffff;
	v10 =	vadd.s32 v8, v20;
	v20 =	vbroadcast v23, $0x0;
	[tilespmem:s15+$0xFFFFFE00] =	vst v18;
	v19 =	vbroadcast v25, $0x0  }
0x2f0: {  	s17 =	simm.s32 $0x15020;
	s4 =	simm.s32 $0x10;
	v21 =	vbroadcast v26, $0x0;
	[tilespmem:s15+$0x100] =	vst v15;
	v18 =	vbroadcast v9, $0x0;
	v15 =	vld.idx.msk [tilespmem:v22+s3+$0x0], $0xffff;
	v9 =	vadd.s32 v1, v63  }
.LBB2_23:
0x2f1: {  	s18 =	sadd.s32 $0x1, s4;
	s19 =	sadd.s32 $0x2, s4;
	s20 =	sadd.s32 $0x3, s4;
	v19 =	vadd.s32 v2, v19;
	v20 =	vadd.s32 v4, v20;
	v16 =	vld.idx.msk [tilespmem:v16+s3+$0x0], $0xffff  }
0x2f2: {  	s21 =	sadd.s32 $0x9, s4;
	v22 =	vmov s18;
	v23 =	vmov s19;
	s18 =	sadd.s32 $0x4, s4;
	s19 =	sadd.s32 $0x5, s4;
	v17 =	vld.idx.msk [tilespmem:v17+s3+$0x0], $0xffff;
	v21 =	vadd.s32 v3, v21  }
0x2f3: {  	v24 =	vmov s20;
	s20 =	sadd.s32 $0xF, s4;
	v25 =	vmov s18;
	v26 =	vmov s19;
	s18 =	sadd.s32 $0x7, s4;
	s19 =	sadd.s32 $0x8, s4;
	[tilespmem:s15+$0xFFFFFC00] =	vst v12  }
0x2f4: {  	s22 =	sadd.s32 $0x6, s4;
	v18 =	vadd.s32 v1, v18;
	v12 =	vmov s18;
	v27 =	vmov s19;
	s18 =	sadd.s32 $0xA, s4;
	s19 =	sadd.s32 $0xB, s4;
	[tilespmem:s15+$0xFFFFFF80] =	vst v13;
	v13 =	vld.idx.msk [tilespmem:v14+s3+$0x0], $0xffff  }
0x2f5: {  	s23 =	sadd.s32 $0xE, s4;
	v14 =	vshrl.u32 v23, $0x3;
	v23 =	vmov s18;
	v28 =	vmov s19;
	s18 =	sadd.s32 $0xC, s4;
	s19 =	sadd.s32 $0xD, s4;
	v11 =	vld.idx.msk [tilespmem:v11+s3+$0x0], $0xffff  }
0x2f6: {  	p0 =	slt.u32 s4, $0x30;
	v30 =	vmov s23;
	v31 =	vmov s20;
	v29 =	vmov s19;
	[tilespmem:s15+$0xFFFFFF00] =	vst v15;
	s19 =	smov.u32 s4;
	s4 =	sadd.s32 $0x10, s4  }
0x2f7: {  	v30 =	vshrl.u32 v30, $0x3;
	v12 =	vshrl.u32 v12, $0x3;
	v15 =	vmov s21;
	[tilespmem:s15+$0x280] =	vst v16;
	v10 =	vld.idx.msk [tilespmem:v10+s3+$0x0], $0xffff  }
0x2f8: {  	v30 =	vshll.u32 v30, v0;
	v16 =	vshrl.u32 v25, $0x3;
	v25 =	vmov s22;
	[tilespmem:s15+$0xFFFFFD00] =	vst v17;
	v17 =	vld.idx.msk [tilespmem:v21+s3+$0x0], $0xffff  }
0x2f9: {  	v30 =	vbroadcast v30, $0x0;
	v16 =	vshll.u32 v16, v0;
	v21 =	vmov s18;
	v20 =	vld.idx.msk [tilespmem:v20+s3+$0x0], $0xffff  }
0x2fa: {  	v31 =	vshrl.u32 v31, $0x3;
	v23 =	vshrl.u32 v23, $0x3;
	v16 =	vbroadcast v16, $0x0;
	v18 =	vld.idx.msk [tilespmem:v18+s3+$0x0], $0xffff;
	[tilespmem:s15+$0x180] =	vst v13  }
0x2fb: {  	v21 =	vshrl.u32 v21, $0x3;
	v13 =	vshll.u32 v23, v0;
	v23 =	vadd.s32 v7, v30;
	[tilespmem:s15+$0xFFFFFD80] =	vst v11;
	v11 =	vld.idx.msk [tilespmem:v19+s3+$0x0], $0xffff  }
0x2fc: {  	v21 =	vshll.u32 v21, v0;
	v19 =	vmov s19;
	v16 =	vadd.s32 v4, v16;
	v9 =	vld.idx.msk [tilespmem:v9+s3+$0x0], $0xffff  }
0x2fd: {  	v15 =	vshrl.u32 v15, $0x3;
	v13 =	vbroadcast v13, $0x0;
	v19 =	vshrl.u32 v19, $0x3;
	[tilespmem:s15+$0x380] =	vst v10  }
0x2fe: {  	v10 =	vshll.u32 v19, v0;
	v19 =	vshrl.u32 v25, $0x3;
	v25 =	vshrl.u32 v28, $0x3;
	[tilespmem:s15+$0x0] =	vst v17  }
0x2ff: {  	v13 =	vadd.s32 v5, v13;
	v10 =	vbroadcast v10, $0x0;
	v17 =	vshrl.u32 v24, $0x3;
	[tilespmem:s15+$0x200] =	vst v20  }
0x300: {  	v12 =	vshll.u32 v12, v0;
	v19 =	vshll.u32 v19, v0;
	v20 =	vshrl.u32 v26, $0x3;
	v23 =	vld.idx.msk [tilespmem:v23+s3+$0x0], $0xffff;
	[tilespmem:s15+$0xFFFFFC80] =	vst v18  }
0x301: {  	v12 =	vbroadcast v12, $0x0;
	v10 =	vadd.s32 v3, v10;
	v18 =	vld.idx.msk [tilespmem:v16+s3+$0x0], $0xffff;
	v16 =	vbroadcast v19, $0x0;
	[tilespmem:s15+$0xFFFFFE80] =	vst v11  }
0x302: {  	v24 =	vshrl.u32 v29, $0x3;
	v11 =	vshrl.u32 v27, $0x3;
	v19 =	vshll.u32 v25, v0;
	[tilespmem:s15+$0x80] =	vst v9;
	s15 =	smov.u32 s17  }
0x303: {  	v9 =	vshll.u32 v14, v0;
	v14 =	vshll.u32 v17, v0;
	v17 =	vshll.u32 v24, v0  }
0x304: {  	v20 =	vshll.u32 v20, v0;
	v24 =	vadd.s32 v8, v12;
	v12 =	vbroadcast v17, $0x0;
	v25 =	vld.idx.msk [tilespmem:v13+s3+$0x0], $0xffff  }
0x305: {  	v27 =	vshll.u32 v11, v0;
	v9 =	vbroadcast v9, $0x0;
	v26 =	vadd.s32 v7, v16  }
0x306: {  	v11 =	vbroadcast v14, $0x0;
	v13 =	vshll.u32 v31, v0;
	v16 =	vadd.s32 v2, v12;
	[tilespmem:s17+$0x300] =	vst v23  }
.Ltmp10:
0x307: {  	v22 =	vshrl.u32 v22, $0x3;
	v12 =	vld.idx.msk [tilespmem:v10+s3+$0x0], $0xffff;
	[tilespmem:s17+$0xFFFFFE00] =	vst v18;
	v10 =	vbroadcast v19, $0x0;
	v18 =	vbroadcast v13, $0x0;
	(pc) =	sbr.rel @p0 .LBB2_23-.Ltmp10, $4  }
0x308: {  	v17 =	vadd.s32 v5, v9;
	v11 =	vadd.s32 v6, v11;
	v9 =	vshll.u32 v15, v0  }
0x309: {  	v9 =	vbroadcast v9, $0x0;
	v13 =	vld.idx.msk [tilespmem:v24+s3+$0x0], $0xffff;
	v14 =	vadd.s32 v6, v10;
	v10 =	vadd.s32 v8, v18  }
0x30a: {  	v15 =	vshll.u32 v22, v0;
	v19 =	vbroadcast v20, $0x0;
	v20 =	vbroadcast v21, $0x0;
	[tilespmem:s17+$0x100] =	vst v25  }
0x30b: {  	v21 =	vbroadcast v27, $0x0;
	v9 =	vadd.s32 v1, v9;
	v18 =	vbroadcast v15, $0x0;
	s17 =	sadd.s32 $0x800, s17;
	v15 =	vld.idx.msk [tilespmem:v26+s3+$0x0], $0xffff  }
0x30c: {  	_ =	sdelay $0x3  }
0x30d: {  	v5 =	vld.idx.msk [tilespmem:v16+s3+$0x0], $0xffff;
	v4 =	vadd.s32 v4, v20  }
0x30e: {  	v6 =	vld.idx.msk [tilespmem:v17+s3+$0x0], $0xffff;
	v2 =	vadd.s32 v2, v19  }
0x30f: {  	[tilespmem:s15+$0xFFFFFC00] =	vst v12;
	v7 =	vld.idx.msk [tilespmem:v14+s3+$0x0], $0xffff  }
0x310: {  	v8 =	vld.idx.msk [tilespmem:v11+s3+$0x0], $0xffff;
	v3 =	vadd.s32 v3, v21;
	[tilespmem:s15+$0xFFFFFF80] =	vst v13  }
0x311: {  	v10 =	vld.idx.msk [tilespmem:v10+s3+$0x0], $0xffff;
	v1 =	vadd.s32 v1, v18;
	[tilespmem:s15+$0xFFFFFF00] =	vst v15  }
0x312: {  	[tilespmem:s15+$0x280] =	vst v5;
	v4 =	vld.idx.msk [tilespmem:v4+s3+$0x0], $0xffff  }
0x313: {  	s17 =	simm.s32 $0x3;
	s23 =	simm.s32 $0x4;
	[tilespmem:s15+$0xFFFFFD00] =	vst v6;
	v2 =	vld.idx.msk [tilespmem:v2+s3+$0x0], $0xffff  }
0x314: {  	s19 =	simm.s32 $0x7;
	s21 =	simm.s32 $0xA;
	v11 =	vmov s17;
	v12 =	vmov s23;
	[tilespmem:s15+$0x180] =	vst v7;
	v5 =	vld.idx.msk [tilespmem:v9+s3+$0x0], $0xffff  }
0x315: {  	s18 =	simm.s32 $0x5;
	v14 =	vmov s19;
	v16 =	vmov s21;
	s19 =	simm.s32 $0xD;
	[tilespmem:s15+$0xFFFFFD80] =	vst v8;
	v3 =	vld.idx.msk [tilespmem:v3+s3+$0x0], $0xffff  }
0x316: {  	s23 =	simm.s32 $0xF;
	v13 =	vmov s18;
	v18 =	vmov s19;
	[tilespmem:s15+$0x380] =	vst v10;
	v1 =	vld.idx.msk [tilespmem:v1+s3+$0x0], $0xffff  }
0x317: {  	s21 =	simm.s32 $0x6;
	v20 =	vmov s23;
	v14 =	vshrl.u32 v14, $0x3;
	v12 =	vshrl.u32 v12, $0x3;
	[tilespmem:s15+$0x200] =	vst v4  }
0x318: {  	s18 =	simm.s32 $0x9;
	v22 =	vmov s21;
	v16 =	vshrl.u32 v16, $0x3;
	v11 =	vshrl.u32 v11, $0x3;
	[tilespmem:s15+$0xFFFFFE80] =	vst v2  }
0x319: {  	s23 =	simm.s32 $0x0;
	v21 =	vmov s18;
	v12 =	vshll.u32 v12, v0;
	v20 =	vshrl.u32 v20, $0x3;
	[tilespmem:s15+$0x80] =	vst v5  }
0x31a: {  	v16 =	vshll.u32 v16, v0;
	v24 =	vmov s23;
	v22 =	vshrl.u32 v22, $0x3;
	[tilespmem:s15+$0x0] =	vst v3  }
0x31b: {  	s20 =	simm.s32 $0x8;
	v13 =	vshrl.u32 v13, $0x3;
	v14 =	vshll.u32 v14, v0;
	v18 =	vshrl.u32 v18, $0x3;
	[tilespmem:s15+$0xFFFFFC80] =	vst v1  }
0x31c: {  	v11 =	vshll.u32 v11, v0;
	v15 =	vmov s20;
	v12 =	vbroadcast v12, $0x0;
	v1 =	vld [tilespmem:s5+$0x12030]  }
0x31d: {  	v24 =	vshrl.u32 v24, $0x3;
	v21 =	vshrl.u32 v21, $0x3;
	v16 =	vbroadcast v16, $0x0  }
0x31e: {  	s20 =	simm.s32 $0xE;
	v22 =	vshll.u32 v22, v0;
	v14 =	vbroadcast v14, $0x0;
	v18 =	vshll.u32 v18, v0  }
0x31f: {  	s4 =	simm.s32 $0x1;
	s22 =	simm.s32 $0x2;
	v25 =	vshll.u32 v13, v0;
	v11 =	vbroadcast v11, $0x0;
	v19 =	vmov s20  }
0x320: {  	v9 =	vmov s4;
	v10 =	vmov s22;
	v19 =	vshrl.u32 v19, $0x3  }
0x321: {  	v24 =	vshll.u32 v24, v0;
	v19 =	vshll.u32 v19, v0;
	v3 =	vmul.u32 $0x48, v1  }
0x322: {  	s22 =	simm.s32 $0xB;
	v22 =	vbroadcast v22, $0x0;
	v15 =	vshrl.u32 v15, $0x3;
	v19 =	vbroadcast v19, $0x0  }
0x323: {  	v10 =	vshrl.u32 v10, $0x3;
	v17 =	vmov s22;
	v7 =	vor.u32 $0x6, v3  }
0x324: {  	v24 =	vbroadcast v24, $0x0;
	v4 =	vor.u32 $0x4, v3;
	v19 =	vadd.s32 v7, v19  }
0x325: {  	s22 =	simm.s32 $0xC;
	v26 =	vshll.u32 v15, v0;
	v5 =	vor.u32 $0x2, v3;
	v12 =	vadd.s32 v4, v12  }
0x326: {  	v9 =	vshrl.u32 v9, $0x3;
	v23 =	vmov s22;
	v16 =	vadd.s32 v5, v16  }
0x327: {  	v17 =	vshrl.u32 v17, $0x3;
	v10 =	vshll.u32 v10, v0;
	v9 =	vshll.u32 v9, v0  }
0x328: {  	v23 =	vshrl.u32 v23, $0x3;
	v17 =	vshll.u32 v17, v0;
	v10 =	vbroadcast v10, $0x0  }
0x329: {  	v23 =	vshll.u32 v23, v0;
	v8 =	vor.u32 $0x7, v3;
	v24 =	vadd.s32 v3, v24;
	v19 =	vld.idx.msk [tilespmem:v19+s3+$0x0], $0xffff  }
0x32a: {  	v1 =	vor.u32 $0x1, v3;
	v13 =	vadd.s32 v8, v14;
	v14 =	vbroadcast v18, $0x0;
	v18 =	vld.idx.msk [tilespmem:v12+s3+$0x0], $0xffff  }
0x32b: {  	v6 =	vor.u32 $0x3, v3;
	v2 =	vor.u32 $0x5, v3;
	v22 =	vadd.s32 v7, v22;
	v15 =	vld.idx.msk [tilespmem:v16+s3+$0x0], $0xffff  }
0x32c: {  	v16 =	vadd.s32 v2, v14;
	v12 =	vshll.u32 v20, v0;
	v14 =	vbroadcast v17, $0x0  }
0x32d: {  	s15 =	simm.s32 $0x14830;
	v17 =	vadd.s32 v5, v10;
	v10 =	vshll.u32 v21, v0;
	v20 =	vbroadcast v12, $0x0  }
0x32e: {  	v11 =	vadd.s32 v6, v11;
	v12 =	vld.idx.msk [tilespmem:v24+s3+$0x0], $0xffff;
	v63 =	vbroadcast v10, $0x0;
	v14 =	vadd.s32 v6, v14;
	[tilespmem:s15+$0x300] =	vst v19  }
0x32f: {  	v13 =	vld.idx.msk [tilespmem:v13+s3+$0x0], $0xffff;
	v10 =	vadd.s32 v8, v20;
	v20 =	vbroadcast v23, $0x0;
	[tilespmem:s15+$0xFFFFFE00] =	vst v18;
	v19 =	vbroadcast v25, $0x0  }
0x330: {  	s17 =	simm.s32 $0x15030;
	s4 =	simm.s32 $0x10;
	v21 =	vbroadcast v26, $0x0;
	[tilespmem:s15+$0x100] =	vst v15;
	v18 =	vbroadcast v9, $0x0;
	v15 =	vld.idx.msk [tilespmem:v22+s3+$0x0], $0xffff;
	v9 =	vadd.s32 v1, v63  }
.LBB2_25:
0x331: {  	s18 =	sadd.s32 $0x1, s4;
	s19 =	sadd.s32 $0x2, s4;
	s20 =	sadd.s32 $0x3, s4;
	v19 =	vadd.s32 v2, v19;
	v20 =	vadd.s32 v4, v20;
	v16 =	vld.idx.msk [tilespmem:v16+s3+$0x0], $0xffff  }
0x332: {  	s21 =	sadd.s32 $0x9, s4;
	v22 =	vmov s18;
	v23 =	vmov s19;
	s18 =	sadd.s32 $0x4, s4;
	s19 =	sadd.s32 $0x5, s4;
	v17 =	vld.idx.msk [tilespmem:v17+s3+$0x0], $0xffff;
	v21 =	vadd.s32 v3, v21  }
0x333: {  	v24 =	vmov s20;
	s20 =	sadd.s32 $0xF, s4;
	v25 =	vmov s18;
	v26 =	vmov s19;
	s18 =	sadd.s32 $0x7, s4;
	s19 =	sadd.s32 $0x8, s4;
	[tilespmem:s15+$0xFFFFFC00] =	vst v12  }
0x334: {  	s22 =	sadd.s32 $0x6, s4;
	v18 =	vadd.s32 v1, v18;
	v12 =	vmov s18;
	v27 =	vmov s19;
	s18 =	sadd.s32 $0xA, s4;
	s19 =	sadd.s32 $0xB, s4;
	[tilespmem:s15+$0xFFFFFF80] =	vst v13;
	v13 =	vld.idx.msk [tilespmem:v14+s3+$0x0], $0xffff  }
0x335: {  	s23 =	sadd.s32 $0xE, s4;
	v14 =	vshrl.u32 v23, $0x3;
	v23 =	vmov s18;
	v28 =	vmov s19;
	s18 =	sadd.s32 $0xC, s4;
	s19 =	sadd.s32 $0xD, s4;
	v11 =	vld.idx.msk [tilespmem:v11+s3+$0x0], $0xffff  }
0x336: {  	p0 =	slt.u32 s4, $0x30;
	v30 =	vmov s23;
	v31 =	vmov s20;
	v29 =	vmov s19;
	[tilespmem:s15+$0xFFFFFF00] =	vst v15;
	s19 =	smov.u32 s4;
	s4 =	sadd.s32 $0x10, s4  }
0x337: {  	v30 =	vshrl.u32 v30, $0x3;
	v12 =	vshrl.u32 v12, $0x3;
	v15 =	vmov s21;
	[tilespmem:s15+$0x280] =	vst v16;
	v10 =	vld.idx.msk [tilespmem:v10+s3+$0x0], $0xffff  }
0x338: {  	v30 =	vshll.u32 v30, v0;
	v16 =	vshrl.u32 v25, $0x3;
	v25 =	vmov s22;
	[tilespmem:s15+$0xFFFFFD00] =	vst v17;
	v17 =	vld.idx.msk [tilespmem:v21+s3+$0x0], $0xffff  }
0x339: {  	v30 =	vbroadcast v30, $0x0;
	v16 =	vshll.u32 v16, v0;
	v21 =	vmov s18;
	v20 =	vld.idx.msk [tilespmem:v20+s3+$0x0], $0xffff  }
0x33a: {  	v31 =	vshrl.u32 v31, $0x3;
	v23 =	vshrl.u32 v23, $0x3;
	v16 =	vbroadcast v16, $0x0;
	v18 =	vld.idx.msk [tilespmem:v18+s3+$0x0], $0xffff;
	[tilespmem:s15+$0x180] =	vst v13  }
0x33b: {  	v21 =	vshrl.u32 v21, $0x3;
	v13 =	vshll.u32 v23, v0;
	v23 =	vadd.s32 v7, v30;
	[tilespmem:s15+$0xFFFFFD80] =	vst v11;
	v11 =	vld.idx.msk [tilespmem:v19+s3+$0x0], $0xffff  }
0x33c: {  	v21 =	vshll.u32 v21, v0;
	v19 =	vmov s19;
	v16 =	vadd.s32 v4, v16;
	v9 =	vld.idx.msk [tilespmem:v9+s3+$0x0], $0xffff  }
0x33d: {  	v15 =	vshrl.u32 v15, $0x3;
	v13 =	vbroadcast v13, $0x0;
	v19 =	vshrl.u32 v19, $0x3;
	[tilespmem:s15+$0x380] =	vst v10  }
0x33e: {  	v10 =	vshll.u32 v19, v0;
	v19 =	vshrl.u32 v25, $0x3;
	v25 =	vshrl.u32 v28, $0x3;
	[tilespmem:s15+$0x0] =	vst v17  }
0x33f: {  	v13 =	vadd.s32 v5, v13;
	v10 =	vbroadcast v10, $0x0;
	v17 =	vshrl.u32 v24, $0x3;
	[tilespmem:s15+$0x200] =	vst v20  }
0x340: {  	v12 =	vshll.u32 v12, v0;
	v19 =	vshll.u32 v19, v0;
	v20 =	vshrl.u32 v26, $0x3;
	v23 =	vld.idx.msk [tilespmem:v23+s3+$0x0], $0xffff;
	[tilespmem:s15+$0xFFFFFC80] =	vst v18  }
0x341: {  	v12 =	vbroadcast v12, $0x0;
	v10 =	vadd.s32 v3, v10;
	v18 =	vld.idx.msk [tilespmem:v16+s3+$0x0], $0xffff;
	v16 =	vbroadcast v19, $0x0;
	[tilespmem:s15+$0xFFFFFE80] =	vst v11  }
0x342: {  	v24 =	vshrl.u32 v29, $0x3;
	v11 =	vshrl.u32 v27, $0x3;
	v19 =	vshll.u32 v25, v0;
	[tilespmem:s15+$0x80] =	vst v9;
	s15 =	smov.u32 s17  }
0x343: {  	v9 =	vshll.u32 v14, v0;
	v14 =	vshll.u32 v17, v0;
	v17 =	vshll.u32 v24, v0  }
0x344: {  	v20 =	vshll.u32 v20, v0;
	v24 =	vadd.s32 v8, v12;
	v12 =	vbroadcast v17, $0x0;
	v25 =	vld.idx.msk [tilespmem:v13+s3+$0x0], $0xffff  }
0x345: {  	v27 =	vshll.u32 v11, v0;
	v9 =	vbroadcast v9, $0x0;
	v26 =	vadd.s32 v7, v16  }
0x346: {  	v11 =	vbroadcast v14, $0x0;
	v13 =	vshll.u32 v31, v0;
	v16 =	vadd.s32 v2, v12;
	[tilespmem:s17+$0x300] =	vst v23  }
.Ltmp11:
0x347: {  	v22 =	vshrl.u32 v22, $0x3;
	v12 =	vld.idx.msk [tilespmem:v10+s3+$0x0], $0xffff;
	[tilespmem:s17+$0xFFFFFE00] =	vst v18;
	v10 =	vbroadcast v19, $0x0;
	v18 =	vbroadcast v13, $0x0;
	(pc) =	sbr.rel @p0 .LBB2_25-.Ltmp11, $4  }
0x348: {  	v17 =	vadd.s32 v5, v9;
	v11 =	vadd.s32 v6, v11;
	v9 =	vshll.u32 v15, v0  }
0x349: {  	v9 =	vbroadcast v9, $0x0;
	v13 =	vld.idx.msk [tilespmem:v24+s3+$0x0], $0xffff;
	v14 =	vadd.s32 v6, v10;
	v10 =	vadd.s32 v8, v18  }
0x34a: {  	v15 =	vshll.u32 v22, v0;
	v19 =	vbroadcast v20, $0x0;
	v20 =	vbroadcast v21, $0x0;
	[tilespmem:s17+$0x100] =	vst v25  }
0x34b: {  	v21 =	vbroadcast v27, $0x0;
	v9 =	vadd.s32 v1, v9;
	v18 =	vbroadcast v15, $0x0;
	s17 =	sadd.s32 $0x800, s17;
	v15 =	vld.idx.msk [tilespmem:v26+s3+$0x0], $0xffff  }
0x34c: {  	_ =	sdelay $0x3  }
0x34d: {  	v5 =	vld.idx.msk [tilespmem:v16+s3+$0x0], $0xffff;
	v4 =	vadd.s32 v4, v20  }
0x34e: {  	v6 =	vld.idx.msk [tilespmem:v17+s3+$0x0], $0xffff;
	v2 =	vadd.s32 v2, v19  }
0x34f: {  	[tilespmem:s15+$0xFFFFFC00] =	vst v12;
	v7 =	vld.idx.msk [tilespmem:v14+s3+$0x0], $0xffff  }
0x350: {  	v8 =	vld.idx.msk [tilespmem:v11+s3+$0x0], $0xffff;
	v3 =	vadd.s32 v3, v21;
	[tilespmem:s15+$0xFFFFFF80] =	vst v13  }
0x351: {  	v10 =	vld.idx.msk [tilespmem:v10+s3+$0x0], $0xffff;
	v1 =	vadd.s32 v1, v18;
	[tilespmem:s15+$0xFFFFFF00] =	vst v15  }
0x352: {  	[tilespmem:s15+$0x280] =	vst v5;
	v4 =	vld.idx.msk [tilespmem:v4+s3+$0x0], $0xffff  }
0x353: {  	s17 =	simm.s32 $0x3;
	s23 =	simm.s32 $0x4;
	[tilespmem:s15+$0xFFFFFD00] =	vst v6;
	v2 =	vld.idx.msk [tilespmem:v2+s3+$0x0], $0xffff  }
0x354: {  	s19 =	simm.s32 $0x7;
	s21 =	simm.s32 $0xA;
	v11 =	vmov s17;
	v12 =	vmov s23;
	[tilespmem:s15+$0x180] =	vst v7;
	v5 =	vld.idx.msk [tilespmem:v9+s3+$0x0], $0xffff  }
0x355: {  	s18 =	simm.s32 $0x5;
	v14 =	vmov s19;
	v16 =	vmov s21;
	s19 =	simm.s32 $0xD;
	[tilespmem:s15+$0xFFFFFD80] =	vst v8;
	v3 =	vld.idx.msk [tilespmem:v3+s3+$0x0], $0xffff  }
0x356: {  	s23 =	simm.s32 $0xF;
	v13 =	vmov s18;
	v18 =	vmov s19;
	[tilespmem:s15+$0x380] =	vst v10;
	v1 =	vld.idx.msk [tilespmem:v1+s3+$0x0], $0xffff  }
0x357: {  	s21 =	simm.s32 $0x6;
	v20 =	vmov s23;
	v14 =	vshrl.u32 v14, $0x3;
	v12 =	vshrl.u32 v12, $0x3;
	[tilespmem:s15+$0x200] =	vst v4  }
0x358: {  	s18 =	simm.s32 $0x9;
	v22 =	vmov s21;
	v16 =	vshrl.u32 v16, $0x3;
	v11 =	vshrl.u32 v11, $0x3;
	[tilespmem:s15+$0xFFFFFE80] =	vst v2  }
0x359: {  	s23 =	simm.s32 $0x0;
	v21 =	vmov s18;
	v12 =	vshll.u32 v12, v0;
	v20 =	vshrl.u32 v20, $0x3;
	[tilespmem:s15+$0x80] =	vst v5  }
0x35a: {  	v16 =	vshll.u32 v16, v0;
	v24 =	vmov s23;
	v22 =	vshrl.u32 v22, $0x3;
	[tilespmem:s15+$0x0] =	vst v3  }
0x35b: {  	s20 =	simm.s32 $0x8;
	v13 =	vshrl.u32 v13, $0x3;
	v14 =	vshll.u32 v14, v0;
	v18 =	vshrl.u32 v18, $0x3;
	[tilespmem:s15+$0xFFFFFC80] =	vst v1  }
0x35c: {  	v11 =	vshll.u32 v11, v0;
	v15 =	vmov s20;
	v12 =	vbroadcast v12, $0x0;
	v1 =	vld [tilespmem:s5+$0x12040]  }
0x35d: {  	v24 =	vshrl.u32 v24, $0x3;
	v21 =	vshrl.u32 v21, $0x3;
	v16 =	vbroadcast v16, $0x0  }
0x35e: {  	s20 =	simm.s32 $0xE;
	v22 =	vshll.u32 v22, v0;
	v14 =	vbroadcast v14, $0x0;
	v18 =	vshll.u32 v18, v0  }
0x35f: {  	s4 =	simm.s32 $0x1;
	s22 =	simm.s32 $0x2;
	v25 =	vshll.u32 v13, v0;
	v11 =	vbroadcast v11, $0x0;
	v19 =	vmov s20  }
0x360: {  	v9 =	vmov s4;
	v10 =	vmov s22;
	v19 =	vshrl.u32 v19, $0x3  }
0x361: {  	v24 =	vshll.u32 v24, v0;
	v19 =	vshll.u32 v19, v0;
	v3 =	vmul.u32 $0x48, v1  }
0x362: {  	s22 =	simm.s32 $0xB;
	v22 =	vbroadcast v22, $0x0;
	v15 =	vshrl.u32 v15, $0x3;
	v19 =	vbroadcast v19, $0x0  }
0x363: {  	v10 =	vshrl.u32 v10, $0x3;
	v17 =	vmov s22;
	v7 =	vor.u32 $0x6, v3  }
0x364: {  	v24 =	vbroadcast v24, $0x0;
	v4 =	vor.u32 $0x4, v3;
	v19 =	vadd.s32 v7, v19  }
0x365: {  	s22 =	simm.s32 $0xC;
	v26 =	vshll.u32 v15, v0;
	v5 =	vor.u32 $0x2, v3;
	v12 =	vadd.s32 v4, v12  }
0x366: {  	v9 =	vshrl.u32 v9, $0x3;
	v23 =	vmov s22;
	v16 =	vadd.s32 v5, v16  }
0x367: {  	v17 =	vshrl.u32 v17, $0x3;
	v10 =	vshll.u32 v10, v0;
	v9 =	vshll.u32 v9, v0  }
0x368: {  	v23 =	vshrl.u32 v23, $0x3;
	v17 =	vshll.u32 v17, v0;
	v10 =	vbroadcast v10, $0x0  }
0x369: {  	v23 =	vshll.u32 v23, v0;
	v8 =	vor.u32 $0x7, v3;
	v24 =	vadd.s32 v3, v24;
	v19 =	vld.idx.msk [tilespmem:v19+s3+$0x0], $0xffff  }
0x36a: {  	v1 =	vor.u32 $0x1, v3;
	v13 =	vadd.s32 v8, v14;
	v14 =	vbroadcast v18, $0x0;
	v18 =	vld.idx.msk [tilespmem:v12+s3+$0x0], $0xffff  }
0x36b: {  	v6 =	vor.u32 $0x3, v3;
	v2 =	vor.u32 $0x5, v3;
	v22 =	vadd.s32 v7, v22;
	v15 =	vld.idx.msk [tilespmem:v16+s3+$0x0], $0xffff  }
0x36c: {  	v16 =	vadd.s32 v2, v14;
	v12 =	vshll.u32 v20, v0;
	v14 =	vbroadcast v17, $0x0  }
0x36d: {  	s15 =	simm.s32 $0x14840;
	v17 =	vadd.s32 v5, v10;
	v10 =	vshll.u32 v21, v0;
	v20 =	vbroadcast v12, $0x0  }
0x36e: {  	v11 =	vadd.s32 v6, v11;
	v12 =	vld.idx.msk [tilespmem:v24+s3+$0x0], $0xffff;
	v63 =	vbroadcast v10, $0x0;
	v14 =	vadd.s32 v6, v14;
	[tilespmem:s15+$0x300] =	vst v19  }
0x36f: {  	v13 =	vld.idx.msk [tilespmem:v13+s3+$0x0], $0xffff;
	v10 =	vadd.s32 v8, v20;
	v20 =	vbroadcast v23, $0x0;
	[tilespmem:s15+$0xFFFFFE00] =	vst v18;
	v19 =	vbroadcast v25, $0x0  }
0x370: {  	s17 =	simm.s32 $0x15040;
	s4 =	simm.s32 $0x10;
	v21 =	vbroadcast v26, $0x0;
	[tilespmem:s15+$0x100] =	vst v15;
	v18 =	vbroadcast v9, $0x0;
	v15 =	vld.idx.msk [tilespmem:v22+s3+$0x0], $0xffff;
	v9 =	vadd.s32 v1, v63  }
.LBB2_27:
0x371: {  	s18 =	sadd.s32 $0x1, s4;
	s19 =	sadd.s32 $0x2, s4;
	s20 =	sadd.s32 $0x3, s4;
	v19 =	vadd.s32 v2, v19;
	v20 =	vadd.s32 v4, v20;
	v16 =	vld.idx.msk [tilespmem:v16+s3+$0x0], $0xffff  }
0x372: {  	s21 =	sadd.s32 $0x9, s4;
	v22 =	vmov s18;
	v23 =	vmov s19;
	s18 =	sadd.s32 $0x4, s4;
	s19 =	sadd.s32 $0x5, s4;
	v17 =	vld.idx.msk [tilespmem:v17+s3+$0x0], $0xffff;
	v21 =	vadd.s32 v3, v21  }
0x373: {  	v24 =	vmov s20;
	s20 =	sadd.s32 $0xF, s4;
	v25 =	vmov s18;
	v26 =	vmov s19;
	s18 =	sadd.s32 $0x7, s4;
	s19 =	sadd.s32 $0x8, s4;
	[tilespmem:s15+$0xFFFFFC00] =	vst v12  }
0x374: {  	s22 =	sadd.s32 $0x6, s4;
	v18 =	vadd.s32 v1, v18;
	v12 =	vmov s18;
	v27 =	vmov s19;
	s18 =	sadd.s32 $0xA, s4;
	s19 =	sadd.s32 $0xB, s4;
	[tilespmem:s15+$0xFFFFFF80] =	vst v13;
	v13 =	vld.idx.msk [tilespmem:v14+s3+$0x0], $0xffff  }
0x375: {  	s23 =	sadd.s32 $0xE, s4;
	v14 =	vshrl.u32 v23, $0x3;
	v23 =	vmov s18;
	v28 =	vmov s19;
	s18 =	sadd.s32 $0xC, s4;
	s19 =	sadd.s32 $0xD, s4;
	v11 =	vld.idx.msk [tilespmem:v11+s3+$0x0], $0xffff  }
0x376: {  	p0 =	slt.u32 s4, $0x30;
	v30 =	vmov s23;
	v31 =	vmov s20;
	v29 =	vmov s19;
	[tilespmem:s15+$0xFFFFFF00] =	vst v15;
	s19 =	smov.u32 s4;
	s4 =	sadd.s32 $0x10, s4  }
0x377: {  	v30 =	vshrl.u32 v30, $0x3;
	v12 =	vshrl.u32 v12, $0x3;
	v15 =	vmov s21;
	[tilespmem:s15+$0x280] =	vst v16;
	v10 =	vld.idx.msk [tilespmem:v10+s3+$0x0], $0xffff  }
0x378: {  	v30 =	vshll.u32 v30, v0;
	v16 =	vshrl.u32 v25, $0x3;
	v25 =	vmov s22;
	[tilespmem:s15+$0xFFFFFD00] =	vst v17;
	v17 =	vld.idx.msk [tilespmem:v21+s3+$0x0], $0xffff  }
0x379: {  	v30 =	vbroadcast v30, $0x0;
	v16 =	vshll.u32 v16, v0;
	v21 =	vmov s18;
	v20 =	vld.idx.msk [tilespmem:v20+s3+$0x0], $0xffff  }
0x37a: {  	v31 =	vshrl.u32 v31, $0x3;
	v23 =	vshrl.u32 v23, $0x3;
	v16 =	vbroadcast v16, $0x0;
	v18 =	vld.idx.msk [tilespmem:v18+s3+$0x0], $0xffff;
	[tilespmem:s15+$0x180] =	vst v13  }
0x37b: {  	v21 =	vshrl.u32 v21, $0x3;
	v13 =	vshll.u32 v23, v0;
	v23 =	vadd.s32 v7, v30;
	[tilespmem:s15+$0xFFFFFD80] =	vst v11;
	v11 =	vld.idx.msk [tilespmem:v19+s3+$0x0], $0xffff  }
0x37c: {  	v21 =	vshll.u32 v21, v0;
	v19 =	vmov s19;
	v16 =	vadd.s32 v4, v16;
	v9 =	vld.idx.msk [tilespmem:v9+s3+$0x0], $0xffff  }
0x37d: {  	v15 =	vshrl.u32 v15, $0x3;
	v13 =	vbroadcast v13, $0x0;
	v19 =	vshrl.u32 v19, $0x3;
	[tilespmem:s15+$0x380] =	vst v10  }
0x37e: {  	v10 =	vshll.u32 v19, v0;
	v19 =	vshrl.u32 v25, $0x3;
	v25 =	vshrl.u32 v28, $0x3;
	[tilespmem:s15+$0x0] =	vst v17  }
0x37f: {  	v13 =	vadd.s32 v5, v13;
	v10 =	vbroadcast v10, $0x0;
	v17 =	vshrl.u32 v24, $0x3;
	[tilespmem:s15+$0x200] =	vst v20  }
0x380: {  	v12 =	vshll.u32 v12, v0;
	v19 =	vshll.u32 v19, v0;
	v20 =	vshrl.u32 v26, $0x3;
	v23 =	vld.idx.msk [tilespmem:v23+s3+$0x0], $0xffff;
	[tilespmem:s15+$0xFFFFFC80] =	vst v18  }
0x381: {  	v12 =	vbroadcast v12, $0x0;
	v10 =	vadd.s32 v3, v10;
	v18 =	vld.idx.msk [tilespmem:v16+s3+$0x0], $0xffff;
	v16 =	vbroadcast v19, $0x0;
	[tilespmem:s15+$0xFFFFFE80] =	vst v11  }
0x382: {  	v24 =	vshrl.u32 v29, $0x3;
	v11 =	vshrl.u32 v27, $0x3;
	v19 =	vshll.u32 v25, v0;
	[tilespmem:s15+$0x80] =	vst v9;
	s15 =	smov.u32 s17  }
0x383: {  	v9 =	vshll.u32 v14, v0;
	v14 =	vshll.u32 v17, v0;
	v17 =	vshll.u32 v24, v0  }
0x384: {  	v20 =	vshll.u32 v20, v0;
	v24 =	vadd.s32 v8, v12;
	v12 =	vbroadcast v17, $0x0;
	v25 =	vld.idx.msk [tilespmem:v13+s3+$0x0], $0xffff  }
0x385: {  	v27 =	vshll.u32 v11, v0;
	v9 =	vbroadcast v9, $0x0;
	v26 =	vadd.s32 v7, v16  }
0x386: {  	v11 =	vbroadcast v14, $0x0;
	v13 =	vshll.u32 v31, v0;
	v16 =	vadd.s32 v2, v12;
	[tilespmem:s17+$0x300] =	vst v23  }
.Ltmp12:
0x387: {  	v22 =	vshrl.u32 v22, $0x3;
	v12 =	vld.idx.msk [tilespmem:v10+s3+$0x0], $0xffff;
	[tilespmem:s17+$0xFFFFFE00] =	vst v18;
	v10 =	vbroadcast v19, $0x0;
	v18 =	vbroadcast v13, $0x0;
	(pc) =	sbr.rel @p0 .LBB2_27-.Ltmp12, $4  }
0x388: {  	v17 =	vadd.s32 v5, v9;
	v11 =	vadd.s32 v6, v11;
	v9 =	vshll.u32 v15, v0  }
0x389: {  	v9 =	vbroadcast v9, $0x0;
	v13 =	vld.idx.msk [tilespmem:v24+s3+$0x0], $0xffff;
	v14 =	vadd.s32 v6, v10;
	v10 =	vadd.s32 v8, v18  }
0x38a: {  	v15 =	vshll.u32 v22, v0;
	v19 =	vbroadcast v20, $0x0;
	v20 =	vbroadcast v21, $0x0;
	[tilespmem:s17+$0x100] =	vst v25  }
0x38b: {  	v21 =	vbroadcast v27, $0x0;
	v9 =	vadd.s32 v1, v9;
	v18 =	vbroadcast v15, $0x0;
	s17 =	sadd.s32 $0x800, s17;
	v15 =	vld.idx.msk [tilespmem:v26+s3+$0x0], $0xffff  }
0x38c: {  	_ =	sdelay $0x3  }
0x38d: {  	v5 =	vld.idx.msk [tilespmem:v16+s3+$0x0], $0xffff;
	v4 =	vadd.s32 v4, v20  }
0x38e: {  	v6 =	vld.idx.msk [tilespmem:v17+s3+$0x0], $0xffff;
	v2 =	vadd.s32 v2, v19  }
0x38f: {  	[tilespmem:s15+$0xFFFFFC00] =	vst v12;
	v7 =	vld.idx.msk [tilespmem:v14+s3+$0x0], $0xffff  }
0x390: {  	v8 =	vld.idx.msk [tilespmem:v11+s3+$0x0], $0xffff;
	v3 =	vadd.s32 v3, v21;
	[tilespmem:s15+$0xFFFFFF80] =	vst v13  }
0x391: {  	v10 =	vld.idx.msk [tilespmem:v10+s3+$0x0], $0xffff;
	v1 =	vadd.s32 v1, v18;
	[tilespmem:s15+$0xFFFFFF00] =	vst v15  }
0x392: {  	[tilespmem:s15+$0x280] =	vst v5;
	v4 =	vld.idx.msk [tilespmem:v4+s3+$0x0], $0xffff  }
0x393: {  	s17 =	simm.s32 $0x3;
	s23 =	simm.s32 $0x4;
	[tilespmem:s15+$0xFFFFFD00] =	vst v6;
	v2 =	vld.idx.msk [tilespmem:v2+s3+$0x0], $0xffff  }
0x394: {  	s19 =	simm.s32 $0x7;
	s21 =	simm.s32 $0xA;
	v11 =	vmov s17;
	v12 =	vmov s23;
	[tilespmem:s15+$0x180] =	vst v7;
	v5 =	vld.idx.msk [tilespmem:v9+s3+$0x0], $0xffff  }
0x395: {  	s18 =	simm.s32 $0x5;
	v14 =	vmov s19;
	v16 =	vmov s21;
	s19 =	simm.s32 $0xD;
	[tilespmem:s15+$0xFFFFFD80] =	vst v8;
	v3 =	vld.idx.msk [tilespmem:v3+s3+$0x0], $0xffff  }
0x396: {  	s23 =	simm.s32 $0xF;
	v13 =	vmov s18;
	v18 =	vmov s19;
	[tilespmem:s15+$0x380] =	vst v10;
	v1 =	vld.idx.msk [tilespmem:v1+s3+$0x0], $0xffff  }
0x397: {  	s21 =	simm.s32 $0x6;
	v20 =	vmov s23;
	v14 =	vshrl.u32 v14, $0x3;
	v12 =	vshrl.u32 v12, $0x3;
	[tilespmem:s15+$0x200] =	vst v4  }
0x398: {  	s18 =	simm.s32 $0x9;
	v22 =	vmov s21;
	v16 =	vshrl.u32 v16, $0x3;
	v11 =	vshrl.u32 v11, $0x3;
	[tilespmem:s15+$0xFFFFFE80] =	vst v2  }
0x399: {  	s23 =	simm.s32 $0x0;
	v21 =	vmov s18;
	v12 =	vshll.u32 v12, v0;
	v20 =	vshrl.u32 v20, $0x3;
	[tilespmem:s15+$0x80] =	vst v5  }
0x39a: {  	v16 =	vshll.u32 v16, v0;
	v24 =	vmov s23;
	v22 =	vshrl.u32 v22, $0x3;
	[tilespmem:s15+$0x0] =	vst v3  }
0x39b: {  	s20 =	simm.s32 $0x8;
	v13 =	vshrl.u32 v13, $0x3;
	v14 =	vshll.u32 v14, v0;
	v18 =	vshrl.u32 v18, $0x3;
	[tilespmem:s15+$0xFFFFFC80] =	vst v1  }
0x39c: {  	v11 =	vshll.u32 v11, v0;
	v15 =	vmov s20;
	v12 =	vbroadcast v12, $0x0;
	v1 =	vld [tilespmem:s5+$0x12050]  }
0x39d: {  	v24 =	vshrl.u32 v24, $0x3;
	v21 =	vshrl.u32 v21, $0x3;
	v16 =	vbroadcast v16, $0x0  }
0x39e: {  	s20 =	simm.s32 $0xE;
	v22 =	vshll.u32 v22, v0;
	v14 =	vbroadcast v14, $0x0;
	v18 =	vshll.u32 v18, v0  }
0x39f: {  	s4 =	simm.s32 $0x1;
	s22 =	simm.s32 $0x2;
	v25 =	vshll.u32 v13, v0;
	v11 =	vbroadcast v11, $0x0;
	v19 =	vmov s20  }
0x3a0: {  	v9 =	vmov s4;
	v10 =	vmov s22;
	v19 =	vshrl.u32 v19, $0x3  }
0x3a1: {  	v24 =	vshll.u32 v24, v0;
	v19 =	vshll.u32 v19, v0;
	v3 =	vmul.u32 $0x48, v1  }
0x3a2: {  	s22 =	simm.s32 $0xB;
	v22 =	vbroadcast v22, $0x0;
	v15 =	vshrl.u32 v15, $0x3;
	v19 =	vbroadcast v19, $0x0  }
0x3a3: {  	v10 =	vshrl.u32 v10, $0x3;
	v17 =	vmov s22;
	v7 =	vor.u32 $0x6, v3  }
0x3a4: {  	v24 =	vbroadcast v24, $0x0;
	v4 =	vor.u32 $0x4, v3;
	v19 =	vadd.s32 v7, v19  }
0x3a5: {  	s22 =	simm.s32 $0xC;
	v26 =	vshll.u32 v15, v0;
	v5 =	vor.u32 $0x2, v3;
	v12 =	vadd.s32 v4, v12  }
0x3a6: {  	v9 =	vshrl.u32 v9, $0x3;
	v23 =	vmov s22;
	v16 =	vadd.s32 v5, v16  }
0x3a7: {  	v17 =	vshrl.u32 v17, $0x3;
	v10 =	vshll.u32 v10, v0;
	v9 =	vshll.u32 v9, v0  }
0x3a8: {  	v23 =	vshrl.u32 v23, $0x3;
	v17 =	vshll.u32 v17, v0;
	v10 =	vbroadcast v10, $0x0  }
0x3a9: {  	v23 =	vshll.u32 v23, v0;
	v8 =	vor.u32 $0x7, v3;
	v24 =	vadd.s32 v3, v24;
	v19 =	vld.idx.msk [tilespmem:v19+s3+$0x0], $0xffff  }
0x3aa: {  	v1 =	vor.u32 $0x1, v3;
	v13 =	vadd.s32 v8, v14;
	v14 =	vbroadcast v18, $0x0;
	v18 =	vld.idx.msk [tilespmem:v12+s3+$0x0], $0xffff  }
0x3ab: {  	v6 =	vor.u32 $0x3, v3;
	v2 =	vor.u32 $0x5, v3;
	v22 =	vadd.s32 v7, v22;
	v15 =	vld.idx.msk [tilespmem:v16+s3+$0x0], $0xffff  }
0x3ac: {  	v16 =	vadd.s32 v2, v14;
	v12 =	vshll.u32 v20, v0;
	v14 =	vbroadcast v17, $0x0  }
0x3ad: {  	s15 =	simm.s32 $0x14850;
	v17 =	vadd.s32 v5, v10;
	v10 =	vshll.u32 v21, v0;
	v20 =	vbroadcast v12, $0x0  }
0x3ae: {  	v11 =	vadd.s32 v6, v11;
	v12 =	vld.idx.msk [tilespmem:v24+s3+$0x0], $0xffff;
	v63 =	vbroadcast v10, $0x0;
	v14 =	vadd.s32 v6, v14;
	[tilespmem:s15+$0x300] =	vst v19  }
0x3af: {  	v13 =	vld.idx.msk [tilespmem:v13+s3+$0x0], $0xffff;
	v10 =	vadd.s32 v8, v20;
	v20 =	vbroadcast v23, $0x0;
	[tilespmem:s15+$0xFFFFFE00] =	vst v18;
	v19 =	vbroadcast v25, $0x0  }
0x3b0: {  	s17 =	simm.s32 $0x15050;
	s4 =	simm.s32 $0x10;
	v21 =	vbroadcast v26, $0x0;
	[tilespmem:s15+$0x100] =	vst v15;
	v18 =	vbroadcast v9, $0x0;
	v15 =	vld.idx.msk [tilespmem:v22+s3+$0x0], $0xffff;
	v9 =	vadd.s32 v1, v63  }
.LBB2_29:
0x3b1: {  	s18 =	sadd.s32 $0x1, s4;
	s19 =	sadd.s32 $0x2, s4;
	s20 =	sadd.s32 $0x3, s4;
	v19 =	vadd.s32 v2, v19;
	v20 =	vadd.s32 v4, v20;
	v16 =	vld.idx.msk [tilespmem:v16+s3+$0x0], $0xffff  }
0x3b2: {  	s21 =	sadd.s32 $0x9, s4;
	v22 =	vmov s18;
	v23 =	vmov s19;
	s18 =	sadd.s32 $0x4, s4;
	s19 =	sadd.s32 $0x5, s4;
	v17 =	vld.idx.msk [tilespmem:v17+s3+$0x0], $0xffff;
	v21 =	vadd.s32 v3, v21  }
0x3b3: {  	v24 =	vmov s20;
	s20 =	sadd.s32 $0xF, s4;
	v25 =	vmov s18;
	v26 =	vmov s19;
	s18 =	sadd.s32 $0x7, s4;
	s19 =	sadd.s32 $0x8, s4;
	[tilespmem:s15+$0xFFFFFC00] =	vst v12  }
0x3b4: {  	s22 =	sadd.s32 $0x6, s4;
	v18 =	vadd.s32 v1, v18;
	v12 =	vmov s18;
	v27 =	vmov s19;
	s18 =	sadd.s32 $0xA, s4;
	s19 =	sadd.s32 $0xB, s4;
	[tilespmem:s15+$0xFFFFFF80] =	vst v13;
	v13 =	vld.idx.msk [tilespmem:v14+s3+$0x0], $0xffff  }
0x3b5: {  	s23 =	sadd.s32 $0xE, s4;
	v14 =	vshrl.u32 v23, $0x3;
	v23 =	vmov s18;
	v28 =	vmov s19;
	s18 =	sadd.s32 $0xC, s4;
	s19 =	sadd.s32 $0xD, s4;
	v11 =	vld.idx.msk [tilespmem:v11+s3+$0x0], $0xffff  }
0x3b6: {  	p0 =	slt.u32 s4, $0x30;
	v30 =	vmov s23;
	v31 =	vmov s20;
	v29 =	vmov s19;
	[tilespmem:s15+$0xFFFFFF00] =	vst v15;
	s19 =	smov.u32 s4;
	s4 =	sadd.s32 $0x10, s4  }
0x3b7: {  	v30 =	vshrl.u32 v30, $0x3;
	v12 =	vshrl.u32 v12, $0x3;
	v15 =	vmov s21;
	[tilespmem:s15+$0x280] =	vst v16;
	v10 =	vld.idx.msk [tilespmem:v10+s3+$0x0], $0xffff  }
0x3b8: {  	v30 =	vshll.u32 v30, v0;
	v16 =	vshrl.u32 v25, $0x3;
	v25 =	vmov s22;
	[tilespmem:s15+$0xFFFFFD00] =	vst v17;
	v17 =	vld.idx.msk [tilespmem:v21+s3+$0x0], $0xffff  }
0x3b9: {  	v30 =	vbroadcast v30, $0x0;
	v16 =	vshll.u32 v16, v0;
	v21 =	vmov s18;
	v20 =	vld.idx.msk [tilespmem:v20+s3+$0x0], $0xffff  }
0x3ba: {  	v31 =	vshrl.u32 v31, $0x3;
	v23 =	vshrl.u32 v23, $0x3;
	v16 =	vbroadcast v16, $0x0;
	v18 =	vld.idx.msk [tilespmem:v18+s3+$0x0], $0xffff;
	[tilespmem:s15+$0x180] =	vst v13  }
0x3bb: {  	v21 =	vshrl.u32 v21, $0x3;
	v13 =	vshll.u32 v23, v0;
	v23 =	vadd.s32 v7, v30;
	[tilespmem:s15+$0xFFFFFD80] =	vst v11;
	v11 =	vld.idx.msk [tilespmem:v19+s3+$0x0], $0xffff  }
0x3bc: {  	v21 =	vshll.u32 v21, v0;
	v19 =	vmov s19;
	v16 =	vadd.s32 v4, v16;
	v9 =	vld.idx.msk [tilespmem:v9+s3+$0x0], $0xffff  }
0x3bd: {  	v15 =	vshrl.u32 v15, $0x3;
	v13 =	vbroadcast v13, $0x0;
	v19 =	vshrl.u32 v19, $0x3;
	[tilespmem:s15+$0x380] =	vst v10  }
0x3be: {  	v10 =	vshll.u32 v19, v0;
	v19 =	vshrl.u32 v25, $0x3;
	v25 =	vshrl.u32 v28, $0x3;
	[tilespmem:s15+$0x0] =	vst v17  }
0x3bf: {  	v13 =	vadd.s32 v5, v13;
	v10 =	vbroadcast v10, $0x0;
	v17 =	vshrl.u32 v24, $0x3;
	[tilespmem:s15+$0x200] =	vst v20  }
0x3c0: {  	v12 =	vshll.u32 v12, v0;
	v19 =	vshll.u32 v19, v0;
	v20 =	vshrl.u32 v26, $0x3;
	v23 =	vld.idx.msk [tilespmem:v23+s3+$0x0], $0xffff;
	[tilespmem:s15+$0xFFFFFC80] =	vst v18  }
0x3c1: {  	v12 =	vbroadcast v12, $0x0;
	v10 =	vadd.s32 v3, v10;
	v18 =	vld.idx.msk [tilespmem:v16+s3+$0x0], $0xffff;
	v16 =	vbroadcast v19, $0x0;
	[tilespmem:s15+$0xFFFFFE80] =	vst v11  }
0x3c2: {  	v24 =	vshrl.u32 v29, $0x3;
	v11 =	vshrl.u32 v27, $0x3;
	v19 =	vshll.u32 v25, v0;
	[tilespmem:s15+$0x80] =	vst v9;
	s15 =	smov.u32 s17  }
0x3c3: {  	v9 =	vshll.u32 v14, v0;
	v14 =	vshll.u32 v17, v0;
	v17 =	vshll.u32 v24, v0  }
0x3c4: {  	v20 =	vshll.u32 v20, v0;
	v24 =	vadd.s32 v8, v12;
	v12 =	vbroadcast v17, $0x0;
	v25 =	vld.idx.msk [tilespmem:v13+s3+$0x0], $0xffff  }
0x3c5: {  	v27 =	vshll.u32 v11, v0;
	v9 =	vbroadcast v9, $0x0;
	v26 =	vadd.s32 v7, v16  }
0x3c6: {  	v11 =	vbroadcast v14, $0x0;
	v13 =	vshll.u32 v31, v0;
	v16 =	vadd.s32 v2, v12;
	[tilespmem:s17+$0x300] =	vst v23  }
.Ltmp13:
0x3c7: {  	v22 =	vshrl.u32 v22, $0x3;
	v12 =	vld.idx.msk [tilespmem:v10+s3+$0x0], $0xffff;
	[tilespmem:s17+$0xFFFFFE00] =	vst v18;
	v10 =	vbroadcast v19, $0x0;
	v18 =	vbroadcast v13, $0x0;
	(pc) =	sbr.rel @p0 .LBB2_29-.Ltmp13, $4  }
0x3c8: {  	v17 =	vadd.s32 v5, v9;
	v11 =	vadd.s32 v6, v11;
	v9 =	vshll.u32 v15, v0  }
0x3c9: {  	v9 =	vbroadcast v9, $0x0;
	v13 =	vld.idx.msk [tilespmem:v24+s3+$0x0], $0xffff;
	v14 =	vadd.s32 v6, v10;
	v10 =	vadd.s32 v8, v18  }
0x3ca: {  	v15 =	vshll.u32 v22, v0;
	v19 =	vbroadcast v20, $0x0;
	v20 =	vbroadcast v21, $0x0;
	[tilespmem:s17+$0x100] =	vst v25  }
0x3cb: {  	v21 =	vbroadcast v27, $0x0;
	v9 =	vadd.s32 v1, v9;
	v18 =	vbroadcast v15, $0x0;
	s17 =	sadd.s32 $0x800, s17;
	v15 =	vld.idx.msk [tilespmem:v26+s3+$0x0], $0xffff  }
0x3cc: {  	_ =	sdelay $0x3  }
0x3cd: {  	v5 =	vld.idx.msk [tilespmem:v16+s3+$0x0], $0xffff;
	v4 =	vadd.s32 v4, v20  }
0x3ce: {  	v6 =	vld.idx.msk [tilespmem:v17+s3+$0x0], $0xffff;
	v2 =	vadd.s32 v2, v19  }
0x3cf: {  	[tilespmem:s15+$0xFFFFFC00] =	vst v12;
	v7 =	vld.idx.msk [tilespmem:v14+s3+$0x0], $0xffff  }
0x3d0: {  	v8 =	vld.idx.msk [tilespmem:v11+s3+$0x0], $0xffff;
	v3 =	vadd.s32 v3, v21;
	[tilespmem:s15+$0xFFFFFF80] =	vst v13  }
0x3d1: {  	v10 =	vld.idx.msk [tilespmem:v10+s3+$0x0], $0xffff;
	v1 =	vadd.s32 v1, v18;
	[tilespmem:s15+$0xFFFFFF00] =	vst v15  }
0x3d2: {  	[tilespmem:s15+$0x280] =	vst v5;
	v4 =	vld.idx.msk [tilespmem:v4+s3+$0x0], $0xffff  }
0x3d3: {  	s17 =	simm.s32 $0x3;
	s23 =	simm.s32 $0x4;
	[tilespmem:s15+$0xFFFFFD00] =	vst v6;
	v2 =	vld.idx.msk [tilespmem:v2+s3+$0x0], $0xffff  }
0x3d4: {  	s19 =	simm.s32 $0x7;
	s21 =	simm.s32 $0xA;
	v11 =	vmov s17;
	v12 =	vmov s23;
	[tilespmem:s15+$0x180] =	vst v7;
	v5 =	vld.idx.msk [tilespmem:v9+s3+$0x0], $0xffff  }
0x3d5: {  	s18 =	simm.s32 $0x5;
	v14 =	vmov s19;
	v16 =	vmov s21;
	s19 =	simm.s32 $0xD;
	[tilespmem:s15+$0xFFFFFD80] =	vst v8;
	v3 =	vld.idx.msk [tilespmem:v3+s3+$0x0], $0xffff  }
0x3d6: {  	s23 =	simm.s32 $0xF;
	v13 =	vmov s18;
	v18 =	vmov s19;
	[tilespmem:s15+$0x380] =	vst v10;
	v1 =	vld.idx.msk [tilespmem:v1+s3+$0x0], $0xffff  }
0x3d7: {  	s21 =	simm.s32 $0x6;
	v20 =	vmov s23;
	v14 =	vshrl.u32 v14, $0x3;
	v12 =	vshrl.u32 v12, $0x3;
	[tilespmem:s15+$0x200] =	vst v4  }
0x3d8: {  	s18 =	simm.s32 $0x9;
	v22 =	vmov s21;
	v16 =	vshrl.u32 v16, $0x3;
	v11 =	vshrl.u32 v11, $0x3;
	[tilespmem:s15+$0xFFFFFE80] =	vst v2  }
0x3d9: {  	s23 =	simm.s32 $0x0;
	v21 =	vmov s18;
	v12 =	vshll.u32 v12, v0;
	v20 =	vshrl.u32 v20, $0x3;
	[tilespmem:s15+$0x80] =	vst v5  }
0x3da: {  	v16 =	vshll.u32 v16, v0;
	v24 =	vmov s23;
	v22 =	vshrl.u32 v22, $0x3;
	[tilespmem:s15+$0x0] =	vst v3  }
0x3db: {  	s20 =	simm.s32 $0x8;
	v13 =	vshrl.u32 v13, $0x3;
	v14 =	vshll.u32 v14, v0;
	v18 =	vshrl.u32 v18, $0x3;
	[tilespmem:s15+$0xFFFFFC80] =	vst v1  }
0x3dc: {  	v11 =	vshll.u32 v11, v0;
	v15 =	vmov s20;
	v12 =	vbroadcast v12, $0x0;
	v1 =	vld [tilespmem:s5+$0x12060]  }
0x3dd: {  	v24 =	vshrl.u32 v24, $0x3;
	v21 =	vshrl.u32 v21, $0x3;
	v16 =	vbroadcast v16, $0x0  }
0x3de: {  	s20 =	simm.s32 $0xE;
	v22 =	vshll.u32 v22, v0;
	v14 =	vbroadcast v14, $0x0;
	v18 =	vshll.u32 v18, v0  }
0x3df: {  	s4 =	simm.s32 $0x1;
	s22 =	simm.s32 $0x2;
	v25 =	vshll.u32 v13, v0;
	v11 =	vbroadcast v11, $0x0;
	v19 =	vmov s20  }
0x3e0: {  	v9 =	vmov s4;
	v10 =	vmov s22;
	v19 =	vshrl.u32 v19, $0x3  }
0x3e1: {  	v24 =	vshll.u32 v24, v0;
	v19 =	vshll.u32 v19, v0;
	v3 =	vmul.u32 $0x48, v1  }
0x3e2: {  	s22 =	simm.s32 $0xB;
	v22 =	vbroadcast v22, $0x0;
	v15 =	vshrl.u32 v15, $0x3;
	v19 =	vbroadcast v19, $0x0  }
0x3e3: {  	v10 =	vshrl.u32 v10, $0x3;
	v17 =	vmov s22;
	v7 =	vor.u32 $0x6, v3  }
0x3e4: {  	v24 =	vbroadcast v24, $0x0;
	v4 =	vor.u32 $0x4, v3;
	v19 =	vadd.s32 v7, v19  }
0x3e5: {  	s22 =	simm.s32 $0xC;
	v26 =	vshll.u32 v15, v0;
	v5 =	vor.u32 $0x2, v3;
	v12 =	vadd.s32 v4, v12  }
0x3e6: {  	v9 =	vshrl.u32 v9, $0x3;
	v23 =	vmov s22;
	v16 =	vadd.s32 v5, v16  }
0x3e7: {  	v17 =	vshrl.u32 v17, $0x3;
	v10 =	vshll.u32 v10, v0;
	v9 =	vshll.u32 v9, v0  }
0x3e8: {  	v23 =	vshrl.u32 v23, $0x3;
	v17 =	vshll.u32 v17, v0;
	v10 =	vbroadcast v10, $0x0  }
0x3e9: {  	v23 =	vshll.u32 v23, v0;
	v8 =	vor.u32 $0x7, v3;
	v24 =	vadd.s32 v3, v24;
	v19 =	vld.idx.msk [tilespmem:v19+s3+$0x0], $0xffff  }
0x3ea: {  	v1 =	vor.u32 $0x1, v3;
	v13 =	vadd.s32 v8, v14;
	v14 =	vbroadcast v18, $0x0;
	v18 =	vld.idx.msk [tilespmem:v12+s3+$0x0], $0xffff  }
0x3eb: {  	v6 =	vor.u32 $0x3, v3;
	v2 =	vor.u32 $0x5, v3;
	v22 =	vadd.s32 v7, v22;
	v15 =	vld.idx.msk [tilespmem:v16+s3+$0x0], $0xffff  }
0x3ec: {  	v16 =	vadd.s32 v2, v14;
	v12 =	vshll.u32 v20, v0;
	v14 =	vbroadcast v17, $0x0  }
0x3ed: {  	s15 =	simm.s32 $0x14860;
	v17 =	vadd.s32 v5, v10;
	v10 =	vshll.u32 v21, v0;
	v20 =	vbroadcast v12, $0x0  }
0x3ee: {  	v11 =	vadd.s32 v6, v11;
	v12 =	vld.idx.msk [tilespmem:v24+s3+$0x0], $0xffff;
	v63 =	vbroadcast v10, $0x0;
	v14 =	vadd.s32 v6, v14;
	[tilespmem:s15+$0x300] =	vst v19  }
0x3ef: {  	v13 =	vld.idx.msk [tilespmem:v13+s3+$0x0], $0xffff;
	v10 =	vadd.s32 v8, v20;
	v20 =	vbroadcast v23, $0x0;
	[tilespmem:s15+$0xFFFFFE00] =	vst v18;
	v19 =	vbroadcast v25, $0x0  }
0x3f0: {  	s17 =	simm.s32 $0x15060;
	s4 =	simm.s32 $0x10;
	v21 =	vbroadcast v26, $0x0;
	[tilespmem:s15+$0x100] =	vst v15;
	v18 =	vbroadcast v9, $0x0;
	v15 =	vld.idx.msk [tilespmem:v22+s3+$0x0], $0xffff;
	v9 =	vadd.s32 v1, v63  }
.LBB2_31:
0x3f1: {  	s18 =	sadd.s32 $0x1, s4;
	s19 =	sadd.s32 $0x2, s4;
	s20 =	sadd.s32 $0x3, s4;
	v19 =	vadd.s32 v2, v19;
	v20 =	vadd.s32 v4, v20;
	v16 =	vld.idx.msk [tilespmem:v16+s3+$0x0], $0xffff  }
0x3f2: {  	s21 =	sadd.s32 $0x9, s4;
	v22 =	vmov s18;
	v23 =	vmov s19;
	s18 =	sadd.s32 $0x4, s4;
	s19 =	sadd.s32 $0x5, s4;
	v17 =	vld.idx.msk [tilespmem:v17+s3+$0x0], $0xffff;
	v21 =	vadd.s32 v3, v21  }
0x3f3: {  	v24 =	vmov s20;
	s20 =	sadd.s32 $0xF, s4;
	v25 =	vmov s18;
	v26 =	vmov s19;
	s18 =	sadd.s32 $0x7, s4;
	s19 =	sadd.s32 $0x8, s4;
	[tilespmem:s15+$0xFFFFFC00] =	vst v12  }
0x3f4: {  	s22 =	sadd.s32 $0x6, s4;
	v18 =	vadd.s32 v1, v18;
	v12 =	vmov s18;
	v27 =	vmov s19;
	s18 =	sadd.s32 $0xA, s4;
	s19 =	sadd.s32 $0xB, s4;
	[tilespmem:s15+$0xFFFFFF80] =	vst v13;
	v13 =	vld.idx.msk [tilespmem:v14+s3+$0x0], $0xffff  }
0x3f5: {  	s23 =	sadd.s32 $0xE, s4;
	v14 =	vshrl.u32 v23, $0x3;
	v23 =	vmov s18;
	v28 =	vmov s19;
	s18 =	sadd.s32 $0xC, s4;
	s19 =	sadd.s32 $0xD, s4;
	v11 =	vld.idx.msk [tilespmem:v11+s3+$0x0], $0xffff  }
0x3f6: {  	p0 =	slt.u32 s4, $0x30;
	v30 =	vmov s23;
	v31 =	vmov s20;
	v29 =	vmov s19;
	[tilespmem:s15+$0xFFFFFF00] =	vst v15;
	s19 =	smov.u32 s4;
	s4 =	sadd.s32 $0x10, s4  }
0x3f7: {  	v30 =	vshrl.u32 v30, $0x3;
	v12 =	vshrl.u32 v12, $0x3;
	v15 =	vmov s21;
	[tilespmem:s15+$0x280] =	vst v16;
	v10 =	vld.idx.msk [tilespmem:v10+s3+$0x0], $0xffff  }
0x3f8: {  	v30 =	vshll.u32 v30, v0;
	v16 =	vshrl.u32 v25, $0x3;
	v25 =	vmov s22;
	[tilespmem:s15+$0xFFFFFD00] =	vst v17;
	v17 =	vld.idx.msk [tilespmem:v21+s3+$0x0], $0xffff  }
0x3f9: {  	v30 =	vbroadcast v30, $0x0;
	v16 =	vshll.u32 v16, v0;
	v21 =	vmov s18;
	v20 =	vld.idx.msk [tilespmem:v20+s3+$0x0], $0xffff  }
0x3fa: {  	v31 =	vshrl.u32 v31, $0x3;
	v23 =	vshrl.u32 v23, $0x3;
	v16 =	vbroadcast v16, $0x0;
	v18 =	vld.idx.msk [tilespmem:v18+s3+$0x0], $0xffff;
	[tilespmem:s15+$0x180] =	vst v13  }
0x3fb: {  	v21 =	vshrl.u32 v21, $0x3;
	v13 =	vshll.u32 v23, v0;
	v23 =	vadd.s32 v7, v30;
	[tilespmem:s15+$0xFFFFFD80] =	vst v11;
	v11 =	vld.idx.msk [tilespmem:v19+s3+$0x0], $0xffff  }
0x3fc: {  	v21 =	vshll.u32 v21, v0;
	v19 =	vmov s19;
	v16 =	vadd.s32 v4, v16;
	v9 =	vld.idx.msk [tilespmem:v9+s3+$0x0], $0xffff  }
0x3fd: {  	v15 =	vshrl.u32 v15, $0x3;
	v13 =	vbroadcast v13, $0x0;
	v19 =	vshrl.u32 v19, $0x3;
	[tilespmem:s15+$0x380] =	vst v10  }
0x3fe: {  	v10 =	vshll.u32 v19, v0;
	v19 =	vshrl.u32 v25, $0x3;
	v25 =	vshrl.u32 v28, $0x3;
	[tilespmem:s15+$0x0] =	vst v17  }
0x3ff: {  	v13 =	vadd.s32 v5, v13;
	v10 =	vbroadcast v10, $0x0;
	v17 =	vshrl.u32 v24, $0x3;
	[tilespmem:s15+$0x200] =	vst v20  }
0x400: {  	v12 =	vshll.u32 v12, v0;
	v19 =	vshll.u32 v19, v0;
	v20 =	vshrl.u32 v26, $0x3;
	v23 =	vld.idx.msk [tilespmem:v23+s3+$0x0], $0xffff;
	[tilespmem:s15+$0xFFFFFC80] =	vst v18  }
0x401: {  	v12 =	vbroadcast v12, $0x0;
	v10 =	vadd.s32 v3, v10;
	v18 =	vld.idx.msk [tilespmem:v16+s3+$0x0], $0xffff;
	v16 =	vbroadcast v19, $0x0;
	[tilespmem:s15+$0xFFFFFE80] =	vst v11  }
0x402: {  	v24 =	vshrl.u32 v29, $0x3;
	v11 =	vshrl.u32 v27, $0x3;
	v19 =	vshll.u32 v25, v0;
	[tilespmem:s15+$0x80] =	vst v9;
	s15 =	smov.u32 s17  }
0x403: {  	v9 =	vshll.u32 v14, v0;
	v14 =	vshll.u32 v17, v0;
	v17 =	vshll.u32 v24, v0  }
0x404: {  	v20 =	vshll.u32 v20, v0;
	v24 =	vadd.s32 v8, v12;
	v12 =	vbroadcast v17, $0x0;
	v25 =	vld.idx.msk [tilespmem:v13+s3+$0x0], $0xffff  }
0x405: {  	v27 =	vshll.u32 v11, v0;
	v9 =	vbroadcast v9, $0x0;
	v26 =	vadd.s32 v7, v16  }
0x406: {  	v11 =	vbroadcast v14, $0x0;
	v13 =	vshll.u32 v31, v0;
	v16 =	vadd.s32 v2, v12;
	[tilespmem:s17+$0x300] =	vst v23  }
.Ltmp14:
0x407: {  	v22 =	vshrl.u32 v22, $0x3;
	v12 =	vld.idx.msk [tilespmem:v10+s3+$0x0], $0xffff;
	[tilespmem:s17+$0xFFFFFE00] =	vst v18;
	v10 =	vbroadcast v19, $0x0;
	v18 =	vbroadcast v13, $0x0;
	(pc) =	sbr.rel @p0 .LBB2_31-.Ltmp14, $4  }
0x408: {  	v17 =	vadd.s32 v5, v9;
	v11 =	vadd.s32 v6, v11;
	v9 =	vshll.u32 v15, v0  }
0x409: {  	v9 =	vbroadcast v9, $0x0;
	v13 =	vld.idx.msk [tilespmem:v24+s3+$0x0], $0xffff;
	v14 =	vadd.s32 v6, v10;
	v10 =	vadd.s32 v8, v18  }
0x40a: {  	v15 =	vshll.u32 v22, v0;
	v19 =	vbroadcast v20, $0x0;
	v20 =	vbroadcast v21, $0x0;
	[tilespmem:s17+$0x100] =	vst v25  }
0x40b: {  	v21 =	vbroadcast v27, $0x0;
	v9 =	vadd.s32 v1, v9;
	v18 =	vbroadcast v15, $0x0;
	s17 =	sadd.s32 $0x800, s17;
	v15 =	vld.idx.msk [tilespmem:v26+s3+$0x0], $0xffff  }
0x40c: {  	_ =	sdelay $0x3  }
0x40d: {  	v5 =	vld.idx.msk [tilespmem:v16+s3+$0x0], $0xffff;
	v4 =	vadd.s32 v4, v20  }
0x40e: {  	v6 =	vld.idx.msk [tilespmem:v17+s3+$0x0], $0xffff;
	v2 =	vadd.s32 v2, v19  }
0x40f: {  	[tilespmem:s15+$0xFFFFFC00] =	vst v12;
	v7 =	vld.idx.msk [tilespmem:v14+s3+$0x0], $0xffff  }
0x410: {  	v8 =	vld.idx.msk [tilespmem:v11+s3+$0x0], $0xffff;
	v3 =	vadd.s32 v3, v21;
	[tilespmem:s15+$0xFFFFFF80] =	vst v13  }
0x411: {  	v10 =	vld.idx.msk [tilespmem:v10+s3+$0x0], $0xffff;
	v1 =	vadd.s32 v1, v18;
	[tilespmem:s15+$0xFFFFFF00] =	vst v15  }
0x412: {  	[tilespmem:s15+$0x280] =	vst v5;
	v4 =	vld.idx.msk [tilespmem:v4+s3+$0x0], $0xffff  }
0x413: {  	s19 =	simm.s32 $0x3;
	s20 =	simm.s32 $0x4;
	[tilespmem:s15+$0xFFFFFD00] =	vst v6;
	v2 =	vld.idx.msk [tilespmem:v2+s3+$0x0], $0xffff  }
0x414: {  	s22 =	simm.s32 $0x7;
	s17 =	simm.s32 $0xB;
	v11 =	vmov s19;
	v12 =	vmov s20;
	[tilespmem:s15+$0x180] =	vst v7;
	v5 =	vld.idx.msk [tilespmem:v9+s3+$0x0], $0xffff  }
0x415: {  	s21 =	simm.s32 $0x5;
	v14 =	vmov s22;
	v17 =	vmov s17;
	s19 =	simm.s32 $0xD;
	[tilespmem:s15+$0xFFFFFD80] =	vst v8;
	v3 =	vld.idx.msk [tilespmem:v3+s3+$0x0], $0xffff  }
0x416: {  	s20 =	simm.s32 $0xE;
	s17 =	simm.s32 $0x9;
	v13 =	vmov s21;
	v18 =	vmov s19;
	[tilespmem:s15+$0x380] =	vst v10;
	v1 =	vld.idx.msk [tilespmem:v1+s3+$0x0], $0xffff  }
0x417: {  	s22 =	simm.s32 $0xC;
	v19 =	vmov s20;
	v14 =	vshrl.u32 v14, $0x3;
	v21 =	vmov s17;
	[tilespmem:s15+$0x200] =	vst v4  }
0x418: {  	s21 =	simm.s32 $0x6;
	v12 =	vshrl.u32 v12, $0x3;
	v23 =	vmov s22;
	v17 =	vshrl.u32 v17, $0x3;
	[tilespmem:s15+$0xFFFFFE80] =	vst v2  }
0x419: {  	v11 =	vshrl.u32 v11, $0x3;
	v19 =	vshrl.u32 v19, $0x3;
	v22 =	vmov s21;
	[tilespmem:s15+$0x80] =	vst v5  }
0x41a: {  	v12 =	vshll.u32 v12, v0;
	v23 =	vshrl.u32 v23, $0x3;
	v21 =	vshrl.u32 v21, $0x3;
	[tilespmem:s15+$0x0] =	vst v3  }
0x41b: {  	s23 =	simm.s32 $0x8;
	v13 =	vshrl.u32 v13, $0x3;
	v14 =	vshll.u32 v14, v0;
	v17 =	vshll.u32 v17, v0;
	[tilespmem:s15+$0xFFFFFC80] =	vst v1  }
0x41c: {  	v18 =	vshrl.u32 v18, $0x3;
	v11 =	vshll.u32 v11, v0;
	v15 =	vmov s23;
	v1 =	vld [tilespmem:s5+$0x12070]  }
0x41d: {  	v19 =	vshll.u32 v19, v0;
	v12 =	vbroadcast v12, $0x0;
	v23 =	vshll.u32 v23, v0  }
0x41e: {  	s4 =	simm.s32 $0x1;
	v22 =	vshrl.u32 v22, $0x3;
	v14 =	vbroadcast v14, $0x0;
	v18 =	vshll.u32 v18, v0  }
0x41f: {  	s18 =	simm.s32 $0x2;
	s23 =	simm.s32 $0x0;
	v25 =	vshll.u32 v13, v0;
	v11 =	vbroadcast v11, $0x0;
	v9 =	vmov s4  }
0x420: {  	v10 =	vmov s18;
	v19 =	vbroadcast v19, $0x0;
	v24 =	vmov s23;
	s15 =	simm.s32 $0xA  }
0x421: {  	v22 =	vshll.u32 v22, v0;
	v16 =	vmov s15;
	v3 =	vmul.u32 $0x48, v1  }
0x422: {  	s18 =	simm.s32 $0xF;
	v15 =	vshrl.u32 v15, $0x3;
	v10 =	vshrl.u32 v10, $0x3;
	v16 =	vshrl.u32 v16, $0x3  }
0x423: {  	v20 =	vmov s18;
	v16 =	vshll.u32 v16, v0;
	v7 =	vor.u32 $0x6, v3  }
0x424: {  	v16 =	vbroadcast v16, $0x0;
	v4 =	vor.u32 $0x4, v3;
	v19 =	vadd.s32 v7, v19  }
0x425: {  	v24 =	vshrl.u32 v24, $0x3;
	v5 =	vor.u32 $0x2, v3;
	v12 =	vadd.s32 v4, v12  }
0x426: {  	v22 =	vbroadcast v22, $0x0;
	v24 =	vshll.u32 v24, v0;
	v16 =	vadd.s32 v5, v16  }
0x427: {  	v26 =	vshll.u32 v15, v0;
	v9 =	vshrl.u32 v9, $0x3;
	v24 =	vbroadcast v24, $0x0  }
0x428: {  	v20 =	vshrl.u32 v20, $0x3;
	v10 =	vshll.u32 v10, v0;
	v9 =	vshll.u32 v9, v0  }
0x429: {  	v10 =	vbroadcast v10, $0x0;
	v8 =	vor.u32 $0x7, v3;
	v24 =	vadd.s32 v3, v24;
	v19 =	vld.idx.msk [tilespmem:v19+s3+$0x0], $0xffff  }
0x42a: {  	v1 =	vor.u32 $0x1, v3;
	v13 =	vadd.s32 v8, v14;
	v14 =	vbroadcast v18, $0x0;
	v18 =	vld.idx.msk [tilespmem:v12+s3+$0x0], $0xffff  }
0x42b: {  	v6 =	vor.u32 $0x3, v3;
	v2 =	vor.u32 $0x5, v3;
	v22 =	vadd.s32 v7, v22;
	v15 =	vld.idx.msk [tilespmem:v16+s3+$0x0], $0xffff  }
0x42c: {  	v16 =	vadd.s32 v2, v14;
	v12 =	vshll.u32 v20, v0;
	v14 =	vbroadcast v17, $0x0  }
0x42d: {  	s5 =	simm.s32 $0x14870;
	v17 =	vadd.s32 v5, v10;
	v10 =	vshll.u32 v21, v0;
	v20 =	vbroadcast v12, $0x0  }
0x42e: {  	v11 =	vadd.s32 v6, v11;
	v12 =	vld.idx.msk [tilespmem:v24+s3+$0x0], $0xffff;
	v63 =	vbroadcast v10, $0x0;
	v14 =	vadd.s32 v6, v14;
	[tilespmem:s5+$0x300] =	vst v19  }
0x42f: {  	v13 =	vld.idx.msk [tilespmem:v13+s3+$0x0], $0xffff;
	v10 =	vadd.s32 v8, v20;
	v20 =	vbroadcast v23, $0x0;
	[tilespmem:s5+$0xFFFFFE00] =	vst v18;
	v19 =	vbroadcast v25, $0x0  }
0x430: {  	s4 =	simm.s32 $0x10;
	s15 =	simm.s32 $0x15070;
	v21 =	vbroadcast v26, $0x0;
	[tilespmem:s5+$0x100] =	vst v15;
	v18 =	vbroadcast v9, $0x0;
	v15 =	vld.idx.msk [tilespmem:v22+s3+$0x0], $0xffff;
	v9 =	vadd.s32 v1, v63  }
.LBB2_33:
0x431: {  	s17 =	sadd.s32 $0x1, s4;
	s18 =	sadd.s32 $0x2, s4;
	s19 =	sadd.s32 $0x3, s4;
	v19 =	vadd.s32 v2, v19;
	v20 =	vadd.s32 v4, v20;
	v16 =	vld.idx.msk [tilespmem:v16+s3+$0x0], $0xffff  }
0x432: {  	s20 =	sadd.s32 $0x9, s4;
	v22 =	vmov s17;
	v23 =	vmov s18;
	s17 =	sadd.s32 $0x4, s4;
	s18 =	sadd.s32 $0x5, s4;
	v17 =	vld.idx.msk [tilespmem:v17+s3+$0x0], $0xffff;
	v21 =	vadd.s32 v3, v21  }
0x433: {  	v24 =	vmov s19;
	s19 =	sadd.s32 $0xF, s4;
	v25 =	vmov s17;
	v26 =	vmov s18;
	s17 =	sadd.s32 $0x7, s4;
	s18 =	sadd.s32 $0x8, s4;
	[tilespmem:s5+$0xFFFFFC00] =	vst v12  }
0x434: {  	s21 =	sadd.s32 $0x6, s4;
	v18 =	vadd.s32 v1, v18;
	v12 =	vmov s17;
	v27 =	vmov s18;
	s17 =	sadd.s32 $0xA, s4;
	s18 =	sadd.s32 $0xB, s4;
	[tilespmem:s5+$0xFFFFFF80] =	vst v13;
	v13 =	vld.idx.msk [tilespmem:v14+s3+$0x0], $0xffff  }
0x435: {  	s22 =	sadd.s32 $0xE, s4;
	v14 =	vshrl.u32 v23, $0x3;
	v23 =	vmov s17;
	v28 =	vmov s18;
	s17 =	sadd.s32 $0xC, s4;
	s18 =	sadd.s32 $0xD, s4;
	v11 =	vld.idx.msk [tilespmem:v11+s3+$0x0], $0xffff  }
0x436: {  	p0 =	slt.u32 s4, $0x30;
	v30 =	vmov s22;
	v31 =	vmov s19;
	v29 =	vmov s18;
	[tilespmem:s5+$0xFFFFFF00] =	vst v15;
	s18 =	smov.u32 s4;
	s4 =	sadd.s32 $0x10, s4  }
0x437: {  	v30 =	vshrl.u32 v30, $0x3;
	v12 =	vshrl.u32 v12, $0x3;
	v15 =	vmov s20;
	[tilespmem:s5+$0x280] =	vst v16;
	v10 =	vld.idx.msk [tilespmem:v10+s3+$0x0], $0xffff  }
0x438: {  	v30 =	vshll.u32 v30, v0;
	v16 =	vshrl.u32 v25, $0x3;
	v25 =	vmov s21;
	[tilespmem:s5+$0xFFFFFD00] =	vst v17;
	v17 =	vld.idx.msk [tilespmem:v21+s3+$0x0], $0xffff  }
0x439: {  	v30 =	vbroadcast v30, $0x0;
	v16 =	vshll.u32 v16, v0;
	v21 =	vmov s17;
	v20 =	vld.idx.msk [tilespmem:v20+s3+$0x0], $0xffff  }
0x43a: {  	v31 =	vshrl.u32 v31, $0x3;
	v23 =	vshrl.u32 v23, $0x3;
	v16 =	vbroadcast v16, $0x0;
	v18 =	vld.idx.msk [tilespmem:v18+s3+$0x0], $0xffff;
	[tilespmem:s5+$0x180] =	vst v13  }
0x43b: {  	v21 =	vshrl.u32 v21, $0x3;
	v13 =	vshll.u32 v23, v0;
	v23 =	vadd.s32 v7, v30;
	[tilespmem:s5+$0xFFFFFD80] =	vst v11;
	v11 =	vld.idx.msk [tilespmem:v19+s3+$0x0], $0xffff  }
0x43c: {  	v21 =	vshll.u32 v21, v0;
	v19 =	vmov s18;
	v16 =	vadd.s32 v4, v16;
	v9 =	vld.idx.msk [tilespmem:v9+s3+$0x0], $0xffff  }
0x43d: {  	v15 =	vshrl.u32 v15, $0x3;
	v13 =	vbroadcast v13, $0x0;
	v19 =	vshrl.u32 v19, $0x3;
	[tilespmem:s5+$0x380] =	vst v10  }
0x43e: {  	v10 =	vshll.u32 v19, v0;
	v19 =	vshrl.u32 v25, $0x3;
	v25 =	vshrl.u32 v28, $0x3;
	[tilespmem:s5+$0x0] =	vst v17  }
0x43f: {  	v13 =	vadd.s32 v5, v13;
	v10 =	vbroadcast v10, $0x0;
	v17 =	vshrl.u32 v24, $0x3;
	[tilespmem:s5+$0x200] =	vst v20  }
0x440: {  	v12 =	vshll.u32 v12, v0;
	v19 =	vshll.u32 v19, v0;
	v20 =	vshrl.u32 v26, $0x3;
	v23 =	vld.idx.msk [tilespmem:v23+s3+$0x0], $0xffff;
	[tilespmem:s5+$0xFFFFFC80] =	vst v18  }
0x441: {  	v12 =	vbroadcast v12, $0x0;
	v10 =	vadd.s32 v3, v10;
	v18 =	vld.idx.msk [tilespmem:v16+s3+$0x0], $0xffff;
	v16 =	vbroadcast v19, $0x0;
	[tilespmem:s5+$0xFFFFFE80] =	vst v11  }
0x442: {  	v24 =	vshrl.u32 v29, $0x3;
	v11 =	vshrl.u32 v27, $0x3;
	v19 =	vshll.u32 v25, v0;
	[tilespmem:s5+$0x80] =	vst v9;
	s5 =	smov.u32 s15  }
0x443: {  	v9 =	vshll.u32 v14, v0;
	v14 =	vshll.u32 v17, v0;
	v17 =	vshll.u32 v24, v0  }
0x444: {  	v20 =	vshll.u32 v20, v0;
	v24 =	vadd.s32 v8, v12;
	v12 =	vbroadcast v17, $0x0;
	v25 =	vld.idx.msk [tilespmem:v13+s3+$0x0], $0xffff  }
0x445: {  	v27 =	vshll.u32 v11, v0;
	v9 =	vbroadcast v9, $0x0;
	v26 =	vadd.s32 v7, v16  }
0x446: {  	v11 =	vbroadcast v14, $0x0;
	v13 =	vshll.u32 v31, v0;
	v16 =	vadd.s32 v2, v12;
	[tilespmem:s15+$0x300] =	vst v23  }
.Ltmp15:
0x447: {  	v22 =	vshrl.u32 v22, $0x3;
	v12 =	vld.idx.msk [tilespmem:v10+s3+$0x0], $0xffff;
	[tilespmem:s15+$0xFFFFFE00] =	vst v18;
	v10 =	vbroadcast v19, $0x0;
	v18 =	vbroadcast v13, $0x0;
	(pc) =	sbr.rel @p0 .LBB2_33-.Ltmp15, $4  }
0x448: {  	v17 =	vadd.s32 v5, v9;
	v11 =	vadd.s32 v6, v11;
	v9 =	vshll.u32 v15, v0  }
0x449: {  	v9 =	vbroadcast v9, $0x0;
	v13 =	vld.idx.msk [tilespmem:v24+s3+$0x0], $0xffff;
	v14 =	vadd.s32 v6, v10;
	v10 =	vadd.s32 v8, v18  }
0x44a: {  	v15 =	vshll.u32 v22, v0;
	v19 =	vbroadcast v20, $0x0;
	v20 =	vbroadcast v21, $0x0;
	[tilespmem:s15+$0x100] =	vst v25  }
0x44b: {  	v21 =	vbroadcast v27, $0x0;
	v9 =	vadd.s32 v1, v9;
	v18 =	vbroadcast v15, $0x0;
	s15 =	sadd.s32 $0x800, s15;
	v15 =	vld.idx.msk [tilespmem:v26+s3+$0x0], $0xffff  }
0x44c: {  	_ =	sdelay $0x3  }
0x44d: {  	v5 =	vld.idx.msk [tilespmem:v16+s3+$0x0], $0xffff  }
0x44e: {  	v4 =	vadd.s32 v4, v20;
	v6 =	vld.idx.msk [tilespmem:v17+s3+$0x0], $0xffff  }
0x44f: {  	[tilespmem:s5+$0xFFFFFC00] =	vst v12;
	v7 =	vld.idx.msk [tilespmem:v14+s3+$0x0], $0xffff;
	v2 =	vadd.s32 v2, v19  }
0x450: {  	v8 =	vld.idx.msk [tilespmem:v11+s3+$0x0], $0xffff;
	v3 =	vadd.s32 v3, v21;
	[tilespmem:s5+$0xFFFFFF80] =	vst v13  }
0x451: {  	v10 =	vld.idx.msk [tilespmem:v10+s3+$0x0], $0xffff;
	v1 =	vadd.s32 v1, v18;
	[tilespmem:s5+$0xFFFFFF00] =	vst v15  }
0x452: {  	v63 =	vld.idx.msk [tilespmem:v9+s3+$0x0], $0xffff;
	[tilespmem:s5+$0x280] =	vst v5  }
0x453: {  	[tilespmem:s5+$0xFFFFFD00] =	vst v6;
	v4 =	vld.idx.msk [tilespmem:v4+s3+$0x0], $0xffff  }
0x454: {  	[tilespmem:s5+$0x180] =	vst v7;
	v2 =	vld.idx.msk [tilespmem:v2+s3+$0x0], $0xffff  }
0x455: {  	[tilespmem:s5+$0xFFFFFD80] =	vst v8;
	v3 =	vld.idx.msk [tilespmem:v3+s3+$0x0], $0xffff  }
0x456: {  	[tilespmem:s5+$0x380] =	vst v10;
	v1 =	vld.idx.msk [tilespmem:v1+s3+$0x0], $0xffff  }
0x457: {  	[tilespmem:s5+$0x80] =	vst v63  }
0x458: {  	s4 =	sshll.u32 s16, $0xA;
	[tilespmem:s5+$0x200] =	vst v4  }
0x459: {  	s4 =	sadd.s32 s6, s4;
	[tilespmem:s5+$0xFFFFFE80] =	vst v2  }
0x45a: {  	s4 =	sshrl.u32 s4, $0x3;
	[tilespmem:s5+$0x0] =	vst v3  }
0x45b: {  	s17 =	sadd.s32 s2, s4;
	s18 =	sor.u32 $0x400, s4;
	[tilespmem:s5+$0xFFFFFC80] =	vst v1  }
0x45c: {  	[hbm4b:s17+s3] =	stream.linear.scatter [tilespmem:s25], [sflag:$0x3], $0x400, $0x38;
	[tilespmem:$0x16400] =	vst v63  }
0x45d: {  	s19 =	sor.u32 $0x800, s4;
	s5 =	sadd.s32 s2, s18  }
0x45e: {  	[hbm4b:s5+s3] =	stream.linear.scatter [tilespmem:s26], [sflag:$0x3], $0x400, $0x38;
	[tilespmem:$0x16400] =	vst v63  }
0x45f: {  	s20 =	sor.u32 $0xC00, s4;
	s5 =	sadd.s32 s2, s19  }
0x460: {  	[hbm4b:s5+s3] =	stream.linear.scatter [tilespmem:s28], [sflag:$0x3], $0x400, $0x38;
	[tilespmem:$0x16400] =	vst v63  }
0x461: {  	s21 =	sor.u32 $0x1000, s4;
	s5 =	sadd.s32 s2, s20  }
0x462: {  	[hbm4b:s5+s3] =	stream.linear.scatter [tilespmem:s29], [sflag:$0x3], $0x400, $0x38;
	[tilespmem:$0x16400] =	vst v63  }
0x463: {  	s14 =	sadd.s32 $0x1, s14;
	s22 =	sor.u32 $0x1400, s4;
	s5 =	sadd.s32 s2, s21  }
0x464: {  	[hbm4b:s5+s3] =	stream.linear.scatter [tilespmem:s30], [sflag:$0x3], $0x400, $0x38;
	[tilespmem:$0x16400] =	vst v63  }
0x465: {  	p0 =	sne.s32 s14, $0x4;
	s5 =	sadd.s32 s2, s22  }
0x466: {  	[hbm4b:s5+s3] =	stream.linear.scatter [tilespmem:s31], [sflag:$0x3], $0x400, $0x38;
	[tilespmem:$0x16400] =	vst v63  }
.Ltmp16:
0x467: {  	s23 =	sor.u32 $0x1800, s4;
	(pc) =	sbr.rel @p0 .LBB2_2-.Ltmp16, $4  }
0x468: {  	s4 =	sor.u32 $0x1C00, s4;
	s5 =	sadd.s32 s2, s23  }
0x469: {  	[hbm4b:s5+s3] =	stream.linear.scatter [tilespmem:s1], [sflag:$0x3], $0x400, $0x38;
	[tilespmem:$0x16400] =	vst v63  }
0x46a: {  	s4 =	sadd.s32 s2, s4  }
0x46b: {  	[hbm4b:s4+s3] =	stream.linear.scatter [tilespmem:s0], [sflag:$0x3], $0x400, $0x38;
	[tilespmem:$0x16400] =	vst v63  }
0x46c: {  	s4 =	simm.s32 $0x2  }
0x46d: {  	_ =	swait.ge [sflag:s4], $0x400  }
0x46e: {  	[sflag:s4] =	ssyncset.done $0x0  }
0x46f: {  	[sflag:s4] =	ssyncadd.s32 $0xFFFFFC00  }
0x470: {  	_ =	swait.ge [sflag:s4], $0x400  }
0x471: {  	[sflag:s4] =	ssyncset.done $0x0  }
0x472: {  	[sflag:s4] =	ssyncadd.s32 $0xFFFFFC00  }
0x473: {  	_ =	swait.ge [sflag:s4], $0x400  }
0x474: {  	[sflag:s4] =	ssyncset.done $0x0  }
0x475: {  	[sflag:s4] =	ssyncadd.s32 $0xFFFFFC00  }
0x476: {  	_ =	swait.ge [sflag:s4], $0x400  }
0x477: {  	[sflag:s4] =	ssyncset.done $0x0  }
0x478: {  	[sflag:s4] =	ssyncadd.s32 $0xFFFFFC00  }
0x479: {  	_ =	swait.ge [sflag:s4], $0x400  }
0x47a: {  	[sflag:s4] =	ssyncset.done $0x0  }
0x47b: {  	[sflag:s4] =	ssyncadd.s32 $0xFFFFFC00  }
0x47c: {  	_ =	swait.ge [sflag:s4], $0x400  }
0x47d: {  	[sflag:s4] =	ssyncset.done $0x0  }
0x47e: {  	[sflag:s4] =	ssyncadd.s32 $0xFFFFFC00  }
0x47f: {  	_ =	swait.ge [sflag:s4], $0x400  }
0x480: {  	[sflag:s4] =	ssyncset.done $0x0  }
0x481: {  	[sflag:s4] =	ssyncadd.s32 $0xFFFFFC00  }
0x482: {  	_ =	swait.ge [sflag:s4], $0x400  }
0x483: {  	[sflag:s4] =	ssyncset.done $0x0  }
0x484: {  	s5 =	simm.s32 $0x3;
	[sflag:s4] =	ssyncadd.s32 $0xFFFFFC00  }
0x485: {  	_ =	swait.ge [sflag:s5], $0x400  }
0x486: {  	[sflag:s5] =	ssyncset.done $0x0  }
0x487: {  	[sflag:s5] =	ssyncadd.s32 $0xFFFFFC00  }
0x488: {  	_ =	swait.ge [sflag:s5], $0x400  }
0x489: {  	[sflag:s5] =	ssyncset.done $0x0  }
0x48a: {  	[sflag:s5] =	ssyncadd.s32 $0xFFFFFC00  }
0x48b: {  	_ =	swait.ge [sflag:s5], $0x400  }
0x48c: {  	[sflag:s5] =	ssyncset.done $0x0  }
0x48d: {  	[sflag:s5] =	ssyncadd.s32 $0xFFFFFC00  }
0x48e: {  	_ =	swait.ge [sflag:s5], $0x400  }
0x48f: {  	[sflag:s5] =	ssyncset.done $0x0  }
0x490: {  	[sflag:s5] =	ssyncadd.s32 $0xFFFFFC00  }
0x491: {  	_ =	swait.ge [sflag:s5], $0x400  }
0x492: {  	[sflag:s5] =	ssyncset.done $0x0  }
0x493: {  	[sflag:s5] =	ssyncadd.s32 $0xFFFFFC00  }
0x494: {  	_ =	swait.ge [sflag:s5], $0x400  }
0x495: {  	[sflag:s5] =	ssyncset.done $0x0  }
0x496: {  	[sflag:s5] =	ssyncadd.s32 $0xFFFFFC00  }
0x497: {  	_ =	swait.ge [sflag:s5], $0x400  }
0x498: {  	[sflag:s5] =	ssyncset.done $0x0  }
0x499: {  	[sflag:s5] =	ssyncadd.s32 $0xFFFFFC00  }
0x49a: {  	_ =	swait.ge [sflag:s5], $0x400  }
0x49b: {  	s14 =	rddreg [dreg:$0x6]  }
0x49c: {  	s23 =	rddreg [dreg:$0x5];
	s14 =	sadd.s32 $0x1, s14  }
0x49d: {  	p0 =	sne.s32 s14, s23  }
.Ltmp17:
0x49e: {  	_ = 	snop;
	(pc) =	sbr.rel @p0 .LBB2_1-.Ltmp17, $3  }
0x49f: {  	_ =	sdelay $0x1  }
0x4a0: {  	[sflag:s5] =	ssyncset.done $0x0  }
0x4a1: {  	[sflag:s5] =	ssyncadd.s32 $0xFFFFFC00  }
0x4a2: {  	_ =	sfence.sel $0x180000  }
0x4a3: {  	[bflag:$0x0] =	sbarrier.arrive $0xFFFF  }
0x4a4: {  	_ =	strace $0x90000047  }
0x4a5: {  	s0 =	stileid.u32;
	[bflag:$0x2] =	sbarrier.arrive $0xFFFF  }
0x4a6: {  	p0 =	sne.s32 s0, $0x0;
	s0 =	rddreg [dreg:$0x2]  }
0x4a7: {  	s0 =	sadd.s32 @!p0 $0x100000, s0  }
0x4a8: {  	[sflag:s0] =	ssyncadd.tile.s32 @!p0 $0x1;
	_ =	shalt  }
.Lfunc_end2:
_tile_overlayer_lowered:
.L_overlay_start_2:
0x4a9: {  	(tag) =	ssettag $0x2  }
0x4aa: {  	s0 =	rddreg [dreg:$0x0];
	s2 =	stileid.u32  }
0x4ab: {  	s1 =	rddreg [dreg:$0x1];
	p0 =	sne.s32 s2, $0x0  }
0x4ac: {  	s3 =	rddreg [dreg:$0x2];
	[bflag:$0x3] =	sbarrier.arrive $0xFFFF;
	s2 =	simm.s32 @!p0 $0x1C04  }
0x4ad: {  	[timem:s3], [sflag:s2] =	dma.local @!p0 [hbm:s0], s1  }
0x4ae: {  	s0 =	simm.s32 @!p0 $0x4  }
0x4af: {  	_ =	swait.ge @!p0 [sflag:s0], s1  }
0x4b0: {  	s1 =	ssub.s32 @!p0 $0x0, s1;
	[sflag:s0] =	ssyncset.done @!p0 $0x0  }
0x4b1: {  	[sflag:s0] =	ssyncadd.s32 @!p0 s1  }
0x4b2: {  	[bflag:$0x3] =	sbarrier.arrive $0xFFFF  }
0x4b3: {  	_ =	shalt  }

</sc_bundles>
